<compile_context>
chip_gen: v7x
topology: tpu7x:2x2x1
jax: 0.10.2.dev20260603
libtpu: 0.0.44.dev20260713+nightly
codegen_flags: <defaults>
</compile_context>

<pallas_src>
import functools

import jax
import jax.numpy as jnp
from jax import lax
from jax.experimental import pallas as pl
from jax.experimental.pallas import tpu as pltpu
from jax.experimental.pallas import tpu_sc as plsc

E = 320000
D = 128
NCH = 4
C5, S5 = 20000, 5
C6, S6 = 20000, 6
N5 = C5 * S5
N6 = C6 * S6

WG = 512
P5 = 114688
P6 = 131072

RW = 12160
NRANGE = 27
EPAD = NRANGE * RW
ACC_ROWS = 12288
WT = 128
WIN = 16 * WT
NSTREAM = 80
NTOT = N5 + N6
NS_PAD = 223232

BC5, BR5 = 128, 128 * S5
BC6, BR6 = 128, 128 * S6
BE = 1024


def _gather_sc(table, idx0, idx1, P):
    per_w = P // 32
    nwin = per_w // WG
    mesh = plsc.VectorSubcoreMesh(core_axis_name="c", subcore_axis_name="s")

    @functools.partial(
        pl.kernel, mesh=mesh,
        out_type=(jax.ShapeDtypeStruct((P, D), jnp.float32),
                  jax.ShapeDtypeStruct((P, D), jnp.float32)),
        scratch_types=[
            pltpu.VMEM((WG,), jnp.int32),
            pltpu.VMEM((WG, D), jnp.float32),
            pltpu.SemaphoreType.DMA,
        ],
    )
    def k(tab, i0, i1, g0, g1, idx_v, rows_v, sem):
        cid = lax.axis_index("c")
        sid = lax.axis_index("s")
        wid = sid * 2 + cid
        base = wid * per_w
        for src, dst in ((i0, g0), (i1, g1)):
            for j in range(nwin):
                off = base + j * WG
                pltpu.sync_copy(src.at[pl.ds(off, WG)], idx_v)
                pltpu.async_copy(tab.at[idx_v], rows_v, sem).wait()
                pltpu.sync_copy(rows_v, dst.at[pl.ds(off, WG)])

    return k(table, idx0, idx1)


def _scatter_sc(o5, o6, pks, lo_t, hi_t, nwin_t, zz):
    mesh = plsc.VectorSubcoreMesh(core_axis_name="c", subcore_axis_name="s")

    @functools.partial(
        pl.kernel, mesh=mesh,
        out_type=jax.ShapeDtypeStruct((EPAD, D), jnp.float32),
        scratch_types=[
            pltpu.VMEM_SHARED((ACC_ROWS, D), jnp.float32),
            pltpu.VMEM((64, D), jnp.float32),
            pltpu.VMEM((WT,), jnp.int32),
            pltpu.VMEM((WT,), jnp.int32),
            pltpu.VMEM((WT,), jnp.int32),
            pltpu.VMEM((WT, D), jnp.float32),
            pltpu.VMEM((NSTREAM,), jnp.int32),
            pltpu.VMEM((NSTREAM,), jnp.int32),
            pltpu.VMEM((NSTREAM,), jnp.int32),
            pltpu.SemaphoreType.DMA,
        ],
    )
    def k(out5_h, out6_h, pk_h, lo_h, hi_h, nwin_h, zz_h,
          out, acc, zbuf, pk_v, gidx_v, lidx_v, rows_v, lo_v, hi_v, nwin_v,
          sem):
        cid = lax.axis_index("c")
        tid = lax.axis_index("s")
        pltpu.sync_copy(zz_h, zbuf)
        pltpu.sync_copy(lo_h, lo_v)
        pltpu.sync_copy(hi_h, hi_v)
        pltpu.sync_copy(nwin_h, nwin_v)

        def body(rr, carry):
            r = 2 * rr + cid

            @pl.when(r < NRANGE)
            def _():
                zc = [pltpu.make_async_copy(
                    zbuf, acc.at[pl.ds((tid * 12 + kk) * 64, 64)], sem)
                    for kk in range(12)]
                for c in zc:
                    c.start()
                for c in zc:
                    c.wait()
                plsc.subcore_barrier()
                for s, src in ((0, out5_h), (1, out6_h)):
                    sid_ = 2 * r + s
                    nw = nwin_v[pl.ds(sid_, 16)][0]
                    lo = lo_v[pl.ds(sid_, 16)][0]
                    hi = hi_v[pl.ds(sid_, 16)][0]
                    base0 = (lo // WT) * WT

                    def wbody(w, c2):
                        base = base0 + w * WIN + tid * WT
                        pltpu.sync_copy(pk_h.at[pl.ds(base, WT)], pk_v)
                        for v in range(WT // 16):
                            pos = (base + v * 16
                                   + lax.iota(jnp.int32, 16))
                            ok = (pos >= lo) & (pos < hi)
                            lane = lax.iota(jnp.int32, 16) + v * 16
                            pk = pk_v[pl.ds(v * 16, 16)]
                            lidx_v[pl.ds(v * 16, 16)] = jnp.where(
                                ok, pk & 16383, RW + lane)
                            gidx_v[pl.ds(v * 16, 16)] = jnp.where(
                                ok, pk >> 14, lane)
                        pltpu.async_copy(src.at[gidx_v], rows_v, sem).wait()
                        pltpu.sync_copy(rows_v, acc.at[lidx_v], add=True)
                        return c2

                    lax.fori_loop(0, nw, wbody, 0)
                plsc.subcore_barrier()
                pltpu.sync_copy(acc.at[pl.ds(tid * 760, 760)],
                                out.at[pl.ds(r * RW + tid * 760, 760)])
                plsc.subcore_barrier()

            return carry

        lax.fori_loop(0, 14, body, 0)

    return k(o5, o6, pks, lo_t, hi_t, nwin_t, zz)


def _branch_body(n_rows, br, cyc_r, g0_r, g1_r, w1a, w1b, b1, w2, b2, wx, wp,
                 b1p, cw2, cb2, cw3, cb3, amat, out_r):
    e2c = g0_r[...] + g1_r[...]
    f32 = jnp.float32
    h = jnp.maximum(
        jnp.dot(cyc_r[...], w1a[...], preferred_element_type=f32)
        + jnp.dot(e2c, w1b[...], preferred_element_type=f32) + b1[...], 0.0)
    new = jnp.maximum(
        jnp.dot(h, w2[...], preferred_element_type=f32) + b2[...], 0.0)
    row = pl.program_id(0) * br + lax.broadcasted_iota(jnp.int32, (br, 1), 0)
    new = jnp.where(row < n_rows, new, 0.0)
    sums = jnp.dot(amat[...], new, preferred_element_type=f32)
    t = jnp.dot(sums, wp[...], preferred_element_type=f32)
    u = lax.dot_general(amat[...], t, (((0,), (0,)), ((), ())),
                        preferred_element_type=f32)
    h1 = jnp.maximum(
        jnp.dot(new, wx[...], preferred_element_type=f32) + u + b1p[...], 0.0)
    h2 = jnp.maximum(
        jnp.dot(h1, cw2[...], preferred_element_type=f32) + cb2[...], 0.0)
    out_r[...] = jnp.maximum(
        jnp.dot(h2, cw3[...], preferred_element_type=f32) + cb3[...], 0.0)


def _branch_call(cyc, g0, g1, n_rows, br, weights):
    nblk = (n_rows + br - 1) // br
    row_spec = pl.BlockSpec((br, D), lambda i: (i, 0))

    def wspec(a):
        return pl.BlockSpec(a.shape, lambda i: tuple(0 for _ in a.shape))

    in_specs = [row_spec, row_spec, row_spec] + [wspec(a) for a in weights]
    return pl.pallas_call(
        functools.partial(_branch_body, n_rows, br),
        grid=(nblk,),
        in_specs=in_specs,
        out_specs=pl.BlockSpec((br, D), lambda i: (i, 0)),
        out_shape=jax.ShapeDtypeStruct((n_rows, D), jnp.float32),
    )(cyc, g0, g1, *weights)


def _edge_body(e_r, c_r, w1a, w1b, b1, w2, b2, out_r):
    f32 = jnp.float32
    h = jnp.maximum(
        jnp.dot(e_r[...], w1a[...], preferred_element_type=f32)
        + jnp.dot(c_r[...], w1b[...], preferred_element_type=f32) + b1[...],
        0.0)
    out_r[...] = jnp.maximum(
        jnp.dot(h, w2[...], preferred_element_type=f32) + b2[...], 0.0)


def _edge_call(edge_rep, c2e_pad, weights):
    nblk = (E + BE - 1) // BE
    row_spec = pl.BlockSpec((BE, D), lambda i: (i, 0))

    def wspec(a):
        return pl.BlockSpec(a.shape, lambda i: tuple(0 for _ in a.shape))

    in_specs = [row_spec, row_spec] + [wspec(a) for a in weights]
    return pl.pallas_call(
        _edge_body,
        grid=(nblk,),
        in_specs=in_specs,
        out_specs=pl.BlockSpec((BE, D), lambda i: (i, 0)),
        out_shape=jax.ShapeDtypeStruct((E, D), jnp.float32),
    )(edge_rep, c2e_pad, *weights)


def _pad_idx(col, P):
    n = col.shape[0]
    filler = (jnp.arange(P - n, dtype=jnp.int32) % 997)
    return jnp.concatenate([col.astype(jnp.int32), filler])


def _pool_mat(bc, s):
    rows = jnp.arange(bc * s, dtype=jnp.int32) // s
    return (rows[None, :] == jnp.arange(bc, dtype=jnp.int32)[:, None]).astype(
        jnp.float32)


def kernel(edge_rep, cycle5_rep, cycle6_rep, e2c5_idx, e2c6_idx, c2e5_idx,
           c2e6_idx, mlp2_w1, mlp2_b1, mlp2_w2, mlp2_b2, cmlp_w1, cmlp_b1,
           cmlp_w2, cmlp_b2, cmlp_w3, cmlp_b3, emlp_w1, emlp_b1, emlp_w2,
           emlp_b2, aut5_w1, aut5_w2, aut5_b, aut6_w1, aut6_w2, aut6_b):
    i32 = jnp.int32

    gi5a = _pad_idx(e2c5_idx[:, 0], P5)
    gi5b = _pad_idx(e2c5_idx[:, 1], P5)
    gi6a = _pad_idx(e2c6_idx[:, 0], P6)
    gi6b = _pad_idx(e2c6_idx[:, 1], P6)

    c2e = jnp.concatenate([c2e5_idx, c2e6_idx]).astype(i32)
    pos = jnp.arange(NTOT, dtype=i32)
    rg = c2e // RW
    stream = rg * 2 + (pos >= N5).astype(i32)
    key = stream * 262144 + pos
    skey = jnp.sort(key)
    sstream = skey // 262144
    ordv = skey - sstream * 262144
    rowsrc = jnp.concatenate([jnp.arange(N5, dtype=i32),
                              jnp.arange(N6, dtype=i32)])
    lml = c2e - rg * RW
    packed = rowsrc * 16384 + lml
    pks = jnp.concatenate([jnp.take(packed, ordv, mode="clip"),
                           jnp.zeros((NS_PAD - NTOT,), i32)])
    onehot = sstream[:, None] == jnp.arange(NSTREAM, dtype=i32)[None, :]
    cnt = jnp.sum(onehot, axis=0, dtype=i32)
    hi = jnp.cumsum(cnt).astype(i32)
    lo = hi - cnt
    base0 = (lo // WT) * WT
    nwin = jnp.where(cnt > 0, (hi - base0 + WIN - 1) // WIN, 0)
    zz = jnp.zeros((64, D), jnp.float32)

    w1x = cmlp_w1[:D]
    w1s = cmlp_w1[D:2 * D]
    w1a = cmlp_w1[2 * D:]
    wx5 = w1x + aut5_w1 @ w1a
    wp5 = w1s + (aut5_w2 @ w1a) / S5
    b1p5 = (cmlp_b1 + aut5_b @ w1a).reshape(1, -1)
    wx6 = w1x + aut6_w1 @ w1a
    wp6 = w1s + (aut6_w2 @ w1a) / S6
    b1p6 = (cmlp_b1 + aut6_b @ w1a).reshape(1, -1)

    m2w1a = mlp2_w1[:D]
    m2w1b = mlp2_w1[D:]
    m2b1 = mlp2_b1.reshape(1, -1)
    m2b2 = mlp2_b2.reshape(1, -1)
    cb2 = cmlp_b2.reshape(1, -1)
    cb3 = cmlp_b3.reshape(1, -1)
    ew1a = emlp_w1[:D]
    ew1b = emlp_w1[D:]
    eb1 = emlp_b1.reshape(1, -1)
    eb2 = emlp_b2.reshape(1, -1)

    g5a, g5b = _gather_sc(edge_rep, gi5a, gi5b, P5)
    g6a, g6b = _gather_sc(edge_rep, gi6a, gi6b, P6)

    w5 = (m2w1a, m2w1b, m2b1, mlp2_w2, m2b2, wx5, wp5, b1p5,
          cmlp_w2, cb2, cmlp_w3, cb3, _pool_mat(BC5, S5))
    w6 = (m2w1a, m2w1b, m2b1, mlp2_w2, m2b2, wx6, wp6, b1p6,
          cmlp_w2, cb2, cmlp_w3, cb3, _pool_mat(BC6, S6))
    out5 = _branch_call(cycle5_rep, g5a, g5b, N5, BR5, w5)
    out6 = _branch_call(cycle6_rep, g6a, g6b, N6, BR6, w6)

    c2e_pad = _scatter_sc(out5, out6, pks, lo, hi, nwin, zz)

    edge_out = _edge_call(edge_rep, c2e_pad, (ew1a, ew1b, eb1, emlp_w2, eb2))
    return (edge_out, out5, out6)

# --- scband reference (transcript-rebuilt; emitter-appended) ---
"""Pipeline reference for scband-edge-cycle-50869592655484 (READ-ONLY COPY).

The authoritative reference and input builder live on the scoring server;
editing this copy changes nothing except your own understanding.
"""

import jax, jax.numpy as jnp
import numpy as np

E = 320000
D = 128
NC = 4
C5, S5 = 20000, 5
C6, S6 = 20000, 6

def setup_inputs(seed: int = 0):
    key = jax.random.key(seed)
    ks = jax.random.split(key, 32)
    sc = 0.05
    inp = {}
    inp["edge_rep"] = jax.random.normal(ks[0], (E, D), jnp.float32)
    inp["cycle5_rep"] = jax.random.normal(ks[1], (C5 * S5, D), jnp.float32)
    inp["cycle6_rep"] = jax.random.normal(ks[2], (C6 * S6, D), jnp.float32)
    inp["e2c5_idx"] = jax.random.randint(ks[3], (C5 * S5, 2), 0, E)
    inp["e2c6_idx"] = jax.random.randint(ks[4], (C6 * S6, 2), 0, E)
    inp["c2e5_idx"] = jax.random.randint(ks[5], (C5 * S5,), 0, E)
    inp["c2e6_idx"] = jax.random.randint(ks[6], (C6 * S6,), 0, E)
    inp["mlp2_w1"] = jax.random.normal(ks[7], (2 * D, 2 * D), jnp.float32) * sc
    inp["mlp2_b1"] = jnp.zeros((2 * D,), jnp.float32)
    inp["mlp2_w2"] = jax.random.normal(ks[8], (2 * D, D), jnp.float32) * sc
    inp["mlp2_b2"] = jnp.zeros((D,), jnp.float32)
    inp["cmlp_w1"] = jax.random.normal(ks[9], ((NC + 2) * D, 2 * D), jnp.float32) * sc
    inp["cmlp_b1"] = jnp.zeros((2 * D,), jnp.float32)
    inp["cmlp_w2"] = jax.random.normal(ks[10], (2 * D, 2 * D), jnp.float32) * sc
    inp["cmlp_b2"] = jnp.zeros((2 * D,), jnp.float32)
    inp["cmlp_w3"] = jax.random.normal(ks[11], (2 * D, D), jnp.float32) * sc
    inp["cmlp_b3"] = jnp.zeros((D,), jnp.float32)
    inp["emlp_w1"] = jax.random.normal(ks[12], (2 * D, 2 * D), jnp.float32) * sc
    inp["emlp_b1"] = jnp.zeros((2 * D,), jnp.float32)
    inp["emlp_w2"] = jax.random.normal(ks[13], (2 * D, D), jnp.float32) * sc
    inp["emlp_b2"] = jnp.zeros((D,), jnp.float32)
    inp["aut5_w1"] = jax.random.normal(ks[14], (D, D * NC), jnp.float32) * sc
    inp["aut5_w2"] = jax.random.normal(ks[15], (D, D * NC), jnp.float32) * sc
    inp["aut5_b"] = jnp.zeros((D * NC,), jnp.float32)
    inp["aut6_w1"] = jax.random.normal(ks[16], (D, D * NC), jnp.float32) * sc
    inp["aut6_w2"] = jax.random.normal(ks[17], (D, D * NC), jnp.float32) * sc
    inp["aut6_b"] = jnp.zeros((D * NC,), jnp.float32)
    return inp

def _cycle_branch(cycle_rep, e2c_idx, edge_rep, C, S, mlp2, cmlp, aw1, aw2, ab):
    # gather_from_ptensors(edge_rep, G, cycle): each cycle-node row sums its 2 incident cycle edges
    e2c = jnp.take(edge_rep, e2c_idx, axis=0).sum(axis=1)
    # cat_channels + cycle_mlp_2
    new = mlp2(jnp.concatenate([cycle_rep, e2c], axis=-1))
    x = new.reshape(C, S, D)
    # Autobahn: cycle-equivariant map D -> D*NC (pointwise + cycle-pooled filters)
    aut = x @ aw1 + jnp.broadcast_to(x.mean(axis=1, keepdims=True) @ aw2, (C, S, D * NC)) + ab
    aut = aut.reshape(C * S, D * NC)
    # gather_from_ptensors with min_overlaps=size: order-1 linmaps (identity, broadcast-of-sum) -> 2D channels
    lin = jnp.concatenate([x, jnp.broadcast_to(x.sum(axis=1, keepdims=True), (C, S, D))], axis=-1).reshape(C * S, 2 * D)
    return cmlp(jnp.concatenate([lin, aut], axis=-1))

def reference(edge_rep, cycle5_rep, cycle6_rep, e2c5_idx, e2c6_idx, c2e5_idx, c2e6_idx, mlp2_w1, mlp2_b1, mlp2_w2, mlp2_b2, cmlp_w1, cmlp_b1, cmlp_w2, cmlp_b2, cmlp_w3, cmlp_b3, emlp_w1, emlp_b1, emlp_w2, emlp_b2, aut5_w1, aut5_w2, aut5_b, aut6_w1, aut6_w2, aut6_b):
    def mlp2(x):
        return jax.nn.relu(jax.nn.relu(x @ mlp2_w1 + mlp2_b1) @ mlp2_w2 + mlp2_b2)
    def cmlp(x):
        h = jax.nn.relu(x @ cmlp_w1 + cmlp_b1)
        h = jax.nn.relu(h @ cmlp_w2 + cmlp_b2)
        return jax.nn.relu(h @ cmlp_w3 + cmlp_b3)
    def emlp(x):
        h = jax.nn.relu(x @ emlp_w1 + emlp_b1)
        return jax.nn.relu(h @ emlp_w2 + emlp_b2)
    out5 = _cycle_branch(cycle5_rep, e2c5_idx, edge_rep, C5, S5, mlp2, cmlp, aut5_w1, aut5_w2, aut5_b)
    out6 = _cycle_branch(cycle6_rep, e2c6_idx, edge_rep, C6, S6, mlp2, cmlp, aut6_w1, aut6_w2, aut6_b)
    # cat cycles, then gather cycle ptensors down to order-0 edges (scatter-add by incident edge)
    cycle_out = jnp.concatenate([out5, out6], axis=0)
    c2e_idx = jnp.concatenate([c2e5_idx, c2e6_idx], axis=0)
    cycle2edge = jnp.zeros((E, D), jnp.float32).at[c2e_idx].add(cycle_out)
    edge_out = emlp(jnp.concatenate([edge_rep, cycle2edge], axis=-1))
    return (edge_out, out5, out6)

if __name__ == "__main__":
    import jax
    _d = setup_inputs()
    print(jax.jit(kernel)(*tuple(_d.values())))

</pallas_src>

<mosaic_0001>
#map = affine_map<(d0, d1) -> (0, 0)>
#map1 = affine_map<(d0, d1) -> (0)>
module attributes {stable_mosaic.version = 14 : i64} {
  func.func @k(%arg0: i32, %arg1: i32, %arg2: memref<100000x128xf32, #tpu.memory_space<hbm>>, %arg3: memref<120000x128xf32, #tpu.memory_space<hbm>>, %arg4: memref<223232xi32, #tpu.memory_space<hbm>>, %arg5: memref<80xi32, #tpu.memory_space<hbm>>, %arg6: memref<80xi32, #tpu.memory_space<hbm>>, %arg7: memref<80xi32, #tpu.memory_space<hbm>>, %arg8: memref<64x128xf32, #tpu.memory_space<hbm>>, %arg9: memref<328320x128xf32, #tpu.memory_space<hbm>>, %arg10: memref<12288x128xf32, #tpu.memory_space<vmem_shared>>, %arg11: memref<64x128xf32, #tpu.memory_space<vmem>>, %arg12: memref<128xi32, #tpu.memory_space<vmem>>, %arg13: memref<128xi32, #tpu.memory_space<vmem>>, %arg14: memref<128xi32, #tpu.memory_space<vmem>>, %arg15: memref<128x128xf32, #tpu.memory_space<vmem>>, %arg16: memref<80xi32, #tpu.memory_space<vmem>>, %arg17: memref<80xi32, #tpu.memory_space<vmem>>, %arg18: memref<80xi32, #tpu.memory_space<vmem>>, %arg19: memref<!tpu.dma_semaphore, #tpu.memory_space<semaphore_mem>>) attributes {dimension_semantics = [#tpu.dimension_semantics<core_parallel>, #tpu.dimension_semantics<subcore_parallel>], iteration_bounds = array<i64: 2, 16>, scalar_prefetch = 0 : i64, scratch_operands = 10 : i64, tpu.core_type = #tpu.core_type<sc_vector_subcore>, window_params = [{transform_indices = #map}, {transform_indices = #map}, {transform_indices = #map1}, {transform_indices = #map1}, {transform_indices = #map1}, {transform_indices = #map1}, {transform_indices = #map}, {transform_indices = #map}]} {
    "tpu.region"() ({
      %run_scoped3A = tpu.sem_alloc : memref<!tpu.dma_semaphore, #tpu.memory_space<semaphore_mem>>
      tpu.enqueue_dma source(%arg8 : memref<64x128xf32, #tpu.memory_space<hbm>>) target(%arg11 : memref<64x128xf32, #tpu.memory_space<vmem>>) target_semaphore(%run_scoped3A : memref<!tpu.dma_semaphore, #tpu.memory_space<semaphore_mem>>)
      tpu.wait_dma2 semaphore(%run_scoped3A : memref<!tpu.dma_semaphore, #tpu.memory_space<semaphore_mem>>) src(%arg8 : memref<64x128xf32, #tpu.memory_space<hbm>>) dst(%arg11 : memref<64x128xf32, #tpu.memory_space<vmem>>)
      tpu.yield
    }) : () -> ()
    "tpu.region"() ({
      %run_scoped3A = tpu.sem_alloc : memref<!tpu.dma_semaphore, #tpu.memory_space<semaphore_mem>>
      tpu.enqueue_dma source(%arg5 : memref<80xi32, #tpu.memory_space<hbm>>) target(%arg16 : memref<80xi32, #tpu.memory_space<vmem>>) target_semaphore(%run_scoped3A : memref<!tpu.dma_semaphore, #tpu.memory_space<semaphore_mem>>)
      tpu.wait_dma2 semaphore(%run_scoped3A : memref<!tpu.dma_semaphore, #tpu.memory_space<semaphore_mem>>) src(%arg5 : memref<80xi32, #tpu.memory_space<hbm>>) dst(%arg16 : memref<80xi32, #tpu.memory_space<vmem>>)
      tpu.yield
    }) : () -> ()
    "tpu.region"() ({
      %run_scoped3A = tpu.sem_alloc : memref<!tpu.dma_semaphore, #tpu.memory_space<semaphore_mem>>
      tpu.enqueue_dma source(%arg6 : memref<80xi32, #tpu.memory_space<hbm>>) target(%arg17 : memref<80xi32, #tpu.memory_space<vmem>>) target_semaphore(%run_scoped3A : memref<!tpu.dma_semaphore, #tpu.memory_space<semaphore_mem>>)
      tpu.wait_dma2 semaphore(%run_scoped3A : memref<!tpu.dma_semaphore, #tpu.memory_space<semaphore_mem>>) src(%arg6 : memref<80xi32, #tpu.memory_space<hbm>>) dst(%arg17 : memref<80xi32, #tpu.memory_space<vmem>>)
      tpu.yield
    }) : () -> ()
    "tpu.region"() ({
      %run_scoped3A = tpu.sem_alloc : memref<!tpu.dma_semaphore, #tpu.memory_space<semaphore_mem>>
      tpu.enqueue_dma source(%arg7 : memref<80xi32, #tpu.memory_space<hbm>>) target(%arg18 : memref<80xi32, #tpu.memory_space<vmem>>) target_semaphore(%run_scoped3A : memref<!tpu.dma_semaphore, #tpu.memory_space<semaphore_mem>>)
      tpu.wait_dma2 semaphore(%run_scoped3A : memref<!tpu.dma_semaphore, #tpu.memory_space<semaphore_mem>>) src(%arg7 : memref<80xi32, #tpu.memory_space<hbm>>) dst(%arg18 : memref<80xi32, #tpu.memory_space<vmem>>)
      tpu.yield
    }) : () -> ()
    %scan3A = arith.constant 0 : i32
    %scan3A_0 = arith.constant 0 : i32
    %scan3A_1 = arith.constant 14 : i32
    %scan3A_2 = arith.addi %scan3A_0, %scan3A_1 : i32
    %scan3A_3 = arith.constant 1 : i32
    scf.for %scan3A_5 = %scan3A_0 to %scan3A_2 step %scan3A_3  : i32 {
      %mul3A = arith.constant 2 : i32
      %mul3A_6 = arith.muli %mul3A, %scan3A_5 : i32
      %add3A = arith.addi %mul3A_6, %arg0 : i32
      %lt3A = arith.constant 27 : i32
      %lt3A_7 = arith.cmpi slt, %add3A, %lt3A : i32
      %convert_element_type3A = arith.extui %lt3A_7 : i1 to i32
      %cond3A = arith.constant 0 : i32
      %cond3A_8 = arith.cmpi ne, %convert_element_type3A, %cond3A : i32
      scf.if %cond3A_8 {
        %mul3A_9 = arith.constant 12 : i32
        %mul3A_10 = arith.muli %arg1, %mul3A_9 : i32
        %add3A_11 = arith.constant 0 : i32
        %add3A_12 = arith.addi %mul3A_10, %add3A_11 : i32
        %mul3A_13 = arith.constant 64 : i32
        %mul3A_14 = arith.muli %add3A_12, %mul3A_13 : i32
        %mul3A_15 = arith.constant 12 : i32
        %mul3A_16 = arith.muli %arg1, %mul3A_15 : i32
        %add3A_17 = arith.constant 1 : i32
        %add3A_18 = arith.addi %mul3A_16, %add3A_17 : i32
        %mul3A_19 = arith.constant 64 : i32
        %mul3A_20 = arith.muli %add3A_18, %mul3A_19 : i32
        %mul3A_21 = arith.constant 12 : i32
        %mul3A_22 = arith.muli %arg1, %mul3A_21 : i32
        %add3A_23 = arith.constant 2 : i32
        %add3A_24 = arith.addi %mul3A_22, %add3A_23 : i32
        %mul3A_25 = arith.constant 64 : i32
        %mul3A_26 = arith.muli %add3A_24, %mul3A_25 : i32
        %mul3A_27 = arith.constant 12 : i32
        %mul3A_28 = arith.muli %arg1, %mul3A_27 : i32
        %add3A_29 = arith.constant 3 : i32
        %add3A_30 = arith.addi %mul3A_28, %add3A_29 : i32
        %mul3A_31 = arith.constant 64 : i32
        %mul3A_32 = arith.muli %add3A_30, %mul3A_31 : i32
        %mul3A_33 = arith.constant 12 : i32
        %mul3A_34 = arith.muli %arg1, %mul3A_33 : i32
        %add3A_35 = arith.constant 4 : i32
        %add3A_36 = arith.addi %mul3A_34, %add3A_35 : i32
        %mul3A_37 = arith.constant 64 : i32
        %mul3A_38 = arith.muli %add3A_36, %mul3A_37 : i32
        %mul3A_39 = arith.constant 12 : i32
        %mul3A_40 = arith.muli %arg1, %mul3A_39 : i32
        %add3A_41 = arith.constant 5 : i32
        %add3A_42 = arith.addi %mul3A_40, %add3A_41 : i32
        %mul3A_43 = arith.constant 64 : i32
        %mul3A_44 = arith.muli %add3A_42, %mul3A_43 : i32
        %mul3A_45 = arith.constant 12 : i32
        %mul3A_46 = arith.muli %arg1, %mul3A_45 : i32
        %add3A_47 = arith.constant 6 : i32
        %add3A_48 = arith.addi %mul3A_46, %add3A_47 : i32
        %mul3A_49 = arith.constant 64 : i32
        %mul3A_50 = arith.muli %add3A_48, %mul3A_49 : i32
        %mul3A_51 = arith.constant 12 : i32
        %mul3A_52 = arith.muli %arg1, %mul3A_51 : i32
        %add3A_53 = arith.constant 7 : i32
        %add3A_54 = arith.addi %mul3A_52, %add3A_53 : i32
        %mul3A_55 = arith.constant 64 : i32
        %mul3A_56 = arith.muli %add3A_54, %mul3A_55 : i32
        %mul3A_57 = arith.constant 12 : i32
        %mul3A_58 = arith.muli %arg1, %mul3A_57 : i32
        %add3A_59 = arith.constant 8 : i32
        %add3A_60 = arith.addi %mul3A_58, %add3A_59 : i32
        %mul3A_61 = arith.constant 64 : i32
        %mul3A_62 = arith.muli %add3A_60, %mul3A_61 : i32
        %mul3A_63 = arith.constant 12 : i32
        %mul3A_64 = arith.muli %arg1, %mul3A_63 : i32
        %add3A_65 = arith.constant 9 : i32
        %add3A_66 = arith.addi %mul3A_64, %add3A_65 : i32
        %mul3A_67 = arith.constant 64 : i32
        %mul3A_68 = arith.muli %add3A_66, %mul3A_67 : i32
        %mul3A_69 = arith.constant 12 : i32
        %mul3A_70 = arith.muli %arg1, %mul3A_69 : i32
        %add3A_71 = arith.constant 10 : i32
        %add3A_72 = arith.addi %mul3A_70, %add3A_71 : i32
        %mul3A_73 = arith.constant 64 : i32
        %mul3A_74 = arith.muli %add3A_72, %mul3A_73 : i32
        %mul3A_75 = arith.constant 12 : i32
        %mul3A_76 = arith.muli %arg1, %mul3A_75 : i32
        %add3A_77 = arith.constant 11 : i32
        %add3A_78 = arith.addi %mul3A_76, %add3A_77 : i32
        %mul3A_79 = arith.constant 64 : i32
        %mul3A_80 = arith.muli %add3A_78, %mul3A_79 : i32
        %dma_start3A = arith.constant 0 : i32
        %dma_start3A_81 = tpu.memref_slice %arg10[%mul3A_14, %dma_start3A] : memref<12288x128xf32, #tpu.memory_space<vmem_shared>> -> memref<64x128xf32, #tpu.memory_space<vmem_shared>>
        %dma_start3A_82 = arith.constant 0 : i32
        %dma_start3A_83 = tpu.memref_slice %arg10[%mul3A_14, %dma_start3A_82] : memref<12288x128xf32, #tpu.memory_space<vmem_shared>> -> memref<64x128xf32, #tpu.memory_space<vmem_shared>>
        tpu.enqueue_dma source(%arg11 : memref<64x128xf32, #tpu.memory_space<vmem>>) target(%dma_start3A_83 : memref<64x128xf32, #tpu.memory_space<vmem_shared>>) target_semaphore(%arg19 : memref<!tpu.dma_semaphore, #tpu.memory_space<semaphore_mem>>)
        %dma_start3A_84 = arith.constant 0 : i32
        %dma_start3A_85 = tpu.memref_slice %arg10[%mul3A_20, %dma_start3A_84] : memref<12288x128xf32, #tpu.memory_space<vmem_shared>> -> memref<64x128xf32, #tpu.memory_space<vmem_shared>>
        %dma_start3A_86 = arith.constant 0 : i32
        %dma_start3A_87 = tpu.memref_slice %arg10[%mul3A_20, %dma_start3A_86] : memref<12288x128xf32, #tpu.memory_space<vmem_shared>> -> memref<64x128xf32, #tpu.memory_space<vmem_shared>>
        tpu.enqueue_dma source(%arg11 : memref<64x128xf32, #tpu.memory_space<vmem>>) target(%dma_start3A_87 : memref<64x128xf32, #tpu.memory_space<vmem_shared>>) target_semaphore(%arg19 : memref<!tpu.dma_semaphore, #tpu.memory_space<semaphore_mem>>)
        %dma_start3A_88 = arith.constant 0 : i32
        %dma_start3A_89 = tpu.memref_slice %arg10[%mul3A_26, %dma_start3A_88] : memref<12288x128xf32, #tpu.memory_space<vmem_shared>> -> memref<64x128xf32, #tpu.memory_space<vmem_shared>>
        %dma_start3A_90 = arith.constant 0 : i32
        %dma_start3A_91 = tpu.memref_slice %arg10[%mul3A_26, %dma_start3A_90] : memref<12288x128xf32, #tpu.memory_space<vmem_shared>> -> memref<64x128xf32, #tpu.memory_space<vmem_shared>>
        tpu.enqueue_dma source(%arg11 : memref<64x128xf32, #tpu.memory_space<vmem>>) target(%dma_start3A_91 : memref<64x128xf32, #tpu.memory_space<vmem_shared>>) target_semaphore(%arg19 : memref<!tpu.dma_semaphore, #tpu.memory_space<semaphore_mem>>)
        %dma_start3A_92 = arith.constant 0 : i32
        %dma_start3A_93 = tpu.memref_slice %arg10[%mul3A_32, %dma_start3A_92] : memref<12288x128xf32, #tpu.memory_space<vmem_shared>> -> memref<64x128xf32, #tpu.memory_space<vmem_shared>>
        %dma_start3A_94 = arith.constant 0 : i32
        %dma_start3A_95 = tpu.memref_slice %arg10[%mul3A_32, %dma_start3A_94] : memref<12288x128xf32, #tpu.memory_space<vmem_shared>> -> memref<64x128xf32, #tpu.memory_space<vmem_shared>>
        tpu.enqueue_dma source(%arg11 : memref<64x128xf32, #tpu.memory_space<vmem>>) target(%dma_start3A_95 : memref<64x128xf32, #tpu.memory_space<vmem_shared>>) target_semaphore(%arg19 : memref<!tpu.dma_semaphore, #tpu.memory_space<semaphore_mem>>)
        %dma_start3A_96 = arith.constant 0 : i32
        %dma_start3A_97 = tpu.memref_slice %arg10[%mul3A_38, %dma_start3A_96] : memref<12288x128xf32, #tpu.memory_space<vmem_shared>> -> memref<64x128xf32, #tpu.memory_space<vmem_shared>>
        %dma_start3A_98 = arith.constant 0 : i32
        %dma_start3A_99 = tpu.memref_slice %arg10[%mul3A_38, %dma_start3A_98] : memref<12288x128xf32, #tpu.memory_space<vmem_shared>> -> memref<64x128xf32, #tpu.memory_space<vmem_shared>>
        tpu.enqueue_dma source(%arg11 : memref<64x128xf32, #tpu.memory_space<vmem>>) target(%dma_start3A_99 : memref<64x128xf32, #tpu.memory_space<vmem_shared>>) target_semaphore(%arg19 : memref<!tpu.dma_semaphore, #tpu.memory_space<semaphore_mem>>)
        %dma_start3A_100 = arith.constant 0 : i32
        %dma_start3A_101 = tpu.memref_slice %arg10[%mul3A_44, %dma_start3A_100] : memref<12288x128xf32, #tpu.memory_space<vmem_shared>> -> memref<64x128xf32, #tpu.memory_space<vmem_shared>>
        %dma_start3A_102 = arith.constant 0 : i32
        %dma_start3A_103 = tpu.memref_slice %arg10[%mul3A_44, %dma_start3A_102] : memref<12288x128xf32, #tpu.memory_space<vmem_shared>> -> memref<64x128xf32, #tpu.memory_space<vmem_shared>>
        tpu.enqueue_dma source(%arg11 : memref<64x128xf32, #tpu.memory_space<vmem>>) target(%dma_start3A_103 : memref<64x128xf32, #tpu.memory_space<vmem_shared>>) target_semaphore(%arg19 : memref<!tpu.dma_semaphore, #tpu.memory_space<semaphore_mem>>)
        %dma_start3A_104 = arith.constant 0 : i32
        %dma_start3A_105 = tpu.memref_slice %arg10[%mul3A_50, %dma_start3A_104] : memref<12288x128xf32, #tpu.memory_space<vmem_shared>> -> memref<64x128xf32, #tpu.memory_space<vmem_shared>>
        %dma_start3A_106 = arith.constant 0 : i32
        %dma_start3A_107 = tpu.memref_slice %arg10[%mul3A_50, %dma_start3A_106] : memref<12288x128xf32, #tpu.memory_space<vmem_shared>> -> memref<64x128xf32, #tpu.memory_space<vmem_shared>>
        tpu.enqueue_dma source(%arg11 : memref<64x128xf32, #tpu.memory_space<vmem>>) target(%dma_start3A_107 : memref<64x128xf32, #tpu.memory_space<vmem_shared>>) target_semaphore(%arg19 : memref<!tpu.dma_semaphore, #tpu.memory_space<semaphore_mem>>)
        %dma_start3A_108 = arith.constant 0 : i32
        %dma_start3A_109 = tpu.memref_slice %arg10[%mul3A_56, %dma_start3A_108] : memref<12288x128xf32, #tpu.memory_space<vmem_shared>> -> memref<64x128xf32, #tpu.memory_space<vmem_shared>>
        %dma_start3A_110 = arith.constant 0 : i32
        %dma_start3A_111 = tpu.memref_slice %arg10[%mul3A_56, %dma_start3A_110] : memref<12288x128xf32, #tpu.memory_space<vmem_shared>> -> memref<64x128xf32, #tpu.memory_space<vmem_shared>>
        tpu.enqueue_dma source(%arg11 : memref<64x128xf32, #tpu.memory_space<vmem>>) target(%dma_start3A_111 : memref<64x128xf32, #tpu.memory_space<vmem_shared>>) target_semaphore(%arg19 : memref<!tpu.dma_semaphore, #tpu.memory_space<semaphore_mem>>)
        %dma_start3A_112 = arith.constant 0 : i32
        %dma_start3A_113 = tpu.memref_slice %arg10[%mul3A_62, %dma_start3A_112] : memref<12288x128xf32, #tpu.memory_space<vmem_shared>> -> memref<64x128xf32, #tpu.memory_space<vmem_shared>>
        %dma_start3A_114 = arith.constant 0 : i32
        %dma_start3A_115 = tpu.memref_slice %arg10[%mul3A_62, %dma_start3A_114] : memref<12288x128xf32, #tpu.memory_space<vmem_shared>> -> memref<64x128xf32, #tpu.memory_space<vmem_shared>>
        tpu.enqueue_dma source(%arg11 : memref<64x128xf32, #tpu.memory_space<vmem>>) target(%dma_start3A_115 : memref<64x128xf32, #tpu.memory_space<vmem_shared>>) target_semaphore(%arg19 : memref<!tpu.dma_semaphore, #tpu.memory_space<semaphore_mem>>)
        %dma_start3A_116 = arith.constant 0 : i32
        %dma_start3A_117 = tpu.memref_slice %arg10[%mul3A_68, %dma_start3A_116] : memref<12288x128xf32, #tpu.memory_space<vmem_shared>> -> memref<64x128xf32, #tpu.memory_space<vmem_shared>>
        %dma_start3A_118 = arith.constant 0 : i32
        %dma_start3A_119 = tpu.memref_slice %arg10[%mul3A_68, %dma_start3A_118] : memref<12288x128xf32, #tpu.memory_space<vmem_shared>> -> memref<64x128xf32, #tpu.memory_space<vmem_shared>>
        tpu.enqueue_dma source(%arg11 : memref<64x128xf32, #tpu.memory_space<vmem>>) target(%dma_start3A_119 : memref<64x128xf32, #tpu.memory_space<vmem_shared>>) target_semaphore(%arg19 : memref<!tpu.dma_semaphore, #tpu.memory_space<semaphore_mem>>)
        %dma_start3A_120 = arith.constant 0 : i32
        %dma_start3A_121 = tpu.memref_slice %arg10[%mul3A_74, %dma_start3A_120] : memref<12288x128xf32, #tpu.memory_space<vmem_shared>> -> memref<64x128xf32, #tpu.memory_space<vmem_shared>>
        %dma_start3A_122 = arith.constant 0 : i32
        %dma_start3A_123 = tpu.memref_slice %arg10[%mul3A_74, %dma_start3A_122] : memref<12288x128xf32, #tpu.memory_space<vmem_shared>> -> memref<64x128xf32, #tpu.memory_space<vmem_shared>>
        tpu.enqueue_dma source(%arg11 : memref<64x128xf32, #tpu.memory_space<vmem>>) target(%dma_start3A_123 : memref<64x128xf32, #tpu.memory_space<vmem_shared>>) target_semaphore(%arg19 : memref<!tpu.dma_semaphore, #tpu.memory_space<semaphore_mem>>)
        %dma_start3A_124 = arith.constant 0 : i32
        %dma_start3A_125 = tpu.memref_slice %arg10[%mul3A_80, %dma_start3A_124] : memref<12288x128xf32, #tpu.memory_space<vmem_shared>> -> memref<64x128xf32, #tpu.memory_space<vmem_shared>>
        %dma_start3A_126 = arith.constant 0 : i32
        %dma_start3A_127 = tpu.memref_slice %arg10[%mul3A_80, %dma_start3A_126] : memref<12288x128xf32, #tpu.memory_space<vmem_shared>> -> memref<64x128xf32, #tpu.memory_space<vmem_shared>>
        tpu.enqueue_dma source(%arg11 : memref<64x128xf32, #tpu.memory_space<vmem>>) target(%dma_start3A_127 : memref<64x128xf32, #tpu.memory_space<vmem_shared>>) target_semaphore(%arg19 : memref<!tpu.dma_semaphore, #tpu.memory_space<semaphore_mem>>)
        %dma_wait3A = arith.constant 0 : i32
        %dma_wait3A_128 = tpu.memref_slice %arg10[%mul3A_14, %dma_wait3A] : memref<12288x128xf32, #tpu.memory_space<vmem_shared>> -> memref<64x128xf32, #tpu.memory_space<vmem_shared>>
        %dma_wait3A_129 = arith.constant 0 : i32
        %dma_wait3A_130 = tpu.memref_slice %arg10[%mul3A_14, %dma_wait3A_129] : memref<12288x128xf32, #tpu.memory_space<vmem_shared>> -> memref<64x128xf32, #tpu.memory_space<vmem_shared>>
        tpu.wait_dma2 semaphore(%arg19 : memref<!tpu.dma_semaphore, #tpu.memory_space<semaphore_mem>>) src(%arg11 : memref<64x128xf32, #tpu.memory_space<vmem>>) dst(%dma_wait3A_130 : memref<64x128xf32, #tpu.memory_space<vmem_shared>>)
        %dma_wait3A_131 = arith.constant 0 : i32
        %dma_wait3A_132 = tpu.memref_slice %arg10[%mul3A_20, %dma_wait3A_131] : memref<12288x128xf32, #tpu.memory_space<vmem_shared>> -> memref<64x128xf32, #tpu.memory_space<vmem_shared>>
        %dma_wait3A_133 = arith.constant 0 : i32
        %dma_wait3A_134 = tpu.memref_slice %arg10[%mul3A_20, %dma_wait3A_133] : memref<12288x128xf32, #tpu.memory_space<vmem_shared>> -> memref<64x128xf32, #tpu.memory_space<vmem_shared>>
        tpu.wait_dma2 semaphore(%arg19 : memref<!tpu.dma_semaphore, #tpu.memory_space<semaphore_mem>>) src(%arg11 : memref<64x128xf32, #tpu.memory_space<vmem>>) dst(%dma_wait3A_134 : memref<64x128xf32, #tpu.memory_space<vmem_shared>>)
        %dma_wait3A_135 = arith.constant 0 : i32
        %dma_wait3A_136 = tpu.memref_slice %arg10[%mul3A_26, %dma_wait3A_135] : memref<12288x128xf32, #tpu.memory_space<vmem_shared>> -> memref<64x128xf32, #tpu.memory_space<vmem_shared>>
        %dma_wait3A_137 = arith.constant 0 : i32
        %dma_wait3A_138 = tpu.memref_slice %arg10[%mul3A_26, %dma_wait3A_137] : memref<12288x128xf32, #tpu.memory_space<vmem_shared>> -> memref<64x128xf32, #tpu.memory_space<vmem_shared>>
        tpu.wait_dma2 semaphore(%arg19 : memref<!tpu.dma_semaphore, #tpu.memory_space<semaphore_mem>>) src(%arg11 : memref<64x128xf32, #tpu.memory_space<vmem>>) dst(%dma_wait3A_138 : memref<64x128xf32, #tpu.memory_space<vmem_shared>>)
        %dma_wait3A_139 = arith.constant 0 : i32
        %dma_wait3A_140 = tpu.memref_slice %arg10[%mul3A_32, %dma_wait3A_139] : memref<12288x128xf32, #tpu.memory_space<vmem_shared>> -> memref<64x128xf32, #tpu.memory_space<vmem_shared>>
        %dma_wait3A_141 = arith.constant 0 : i32
        %dma_wait3A_142 = tpu.memref_slice %arg10[%mul3A_32, %dma_wait3A_141] : memref<12288x128xf32, #tpu.memory_space<vmem_shared>> -> memref<64x128xf32, #tpu.memory_space<vmem_shared>>
        tpu.wait_dma2 semaphore(%arg19 : memref<!tpu.dma_semaphore, #tpu.memory_space<semaphore_mem>>) src(%arg11 : memref<64x128xf32, #tpu.memory_space<vmem>>) dst(%dma_wait3A_142 : memref<64x128xf32, #tpu.memory_space<vmem_shared>>)
        %dma_wait3A_143 = arith.constant 0 : i32
        %dma_wait3A_144 = tpu.memref_slice %arg10[%mul3A_38, %dma_wait3A_143] : memref<12288x128xf32, #tpu.memory_space<vmem_shared>> -> memref<64x128xf32, #tpu.memory_space<vmem_shared>>
        %dma_wait3A_145 = arith.constant 0 : i32
        %dma_wait3A_146 = tpu.memref_slice %arg10[%mul3A_38, %dma_wait3A_145] : memref<12288x128xf32, #tpu.memory_space<vmem_shared>> -> memref<64x128xf32, #tpu.memory_space<vmem_shared>>
        tpu.wait_dma2 semaphore(%arg19 : memref<!tpu.dma_semaphore, #tpu.memory_space<semaphore_mem>>) src(%arg11 : memref<64x128xf32, #tpu.memory_space<vmem>>) dst(%dma_wait3A_146 : memref<64x128xf32, #tpu.memory_space<vmem_shared>>)
        %dma_wait3A_147 = arith.constant 0 : i32
        %dma_wait3A_148 = tpu.memref_slice %arg10[%mul3A_44, %dma_wait3A_147] : memref<12288x128xf32, #tpu.memory_space<vmem_shared>> -> memref<64x128xf32, #tpu.memory_space<vmem_shared>>
        %dma_wait3A_149 = arith.constant 0 : i32
        %dma_wait3A_150 = tpu.memref_slice %arg10[%mul3A_44, %dma_wait3A_149] : memref<12288x128xf32, #tpu.memory_space<vmem_shared>> -> memref<64x128xf32, #tpu.memory_space<vmem_shared>>
        tpu.wait_dma2 semaphore(%arg19 : memref<!tpu.dma_semaphore, #tpu.memory_space<semaphore_mem>>) src(%arg11 : memref<64x128xf32, #tpu.memory_space<vmem>>) dst(%dma_wait3A_150 : memref<64x128xf32, #tpu.memory_space<vmem_shared>>)
        %dma_wait3A_151 = arith.constant 0 : i32
        %dma_wait3A_152 = tpu.memref_slice %arg10[%mul3A_50, %dma_wait3A_151] : memref<12288x128xf32, #tpu.memory_space<vmem_shared>> -> memref<64x128xf32, #tpu.memory_space<vmem_shared>>
        %dma_wait3A_153 = arith.constant 0 : i32
        %dma_wait3A_154 = tpu.memref_slice %arg10[%mul3A_50, %dma_wait3A_153] : memref<12288x128xf32, #tpu.memory_space<vmem_shared>> -> memref<64x128xf32, #tpu.memory_space<vmem_shared>>
        tpu.wait_dma2 semaphore(%arg19 : memref<!tpu.dma_semaphore, #tpu.memory_space<semaphore_mem>>) src(%arg11 : memref<64x128xf32, #tpu.memory_space<vmem>>) dst(%dma_wait3A_154 : memref<64x128xf32, #tpu.memory_space<vmem_shared>>)
        %dma_wait3A_155 = arith.constant 0 : i32
        %dma_wait3A_156 = tpu.memref_slice %arg10[%mul3A_56, %dma_wait3A_155] : memref<12288x128xf32, #tpu.memory_space<vmem_shared>> -> memref<64x128xf32, #tpu.memory_space<vmem_shared>>
        %dma_wait3A_157 = arith.constant 0 : i32
        %dma_wait3A_158 = tpu.memref_slice %arg10[%mul3A_56, %dma_wait3A_157] : memref<12288x128xf32, #tpu.memory_space<vmem_shared>> -> memref<64x128xf32, #tpu.memory_space<vmem_shared>>
        tpu.wait_dma2 semaphore(%arg19 : memref<!tpu.dma_semaphore, #tpu.memory_space<semaphore_mem>>) src(%arg11 : memref<64x128xf32, #tpu.memory_space<vmem>>) dst(%dma_wait3A_158 : memref<64x128xf32, #tpu.memory_space<vmem_shared>>)
        %dma_wait3A_159 = arith.constant 0 : i32
        %dma_wait3A_160 = tpu.memref_slice %arg10[%mul3A_62, %dma_wait3A_159] : memref<12288x128xf32, #tpu.memory_space<vmem_shared>> -> memref<64x128xf32, #tpu.memory_space<vmem_shared>>
        %dma_wait3A_161 = arith.constant 0 : i32
        %dma_wait3A_162 = tpu.memref_slice %arg10[%mul3A_62, %dma_wait3A_161] : memref<12288x128xf32, #tpu.memory_space<vmem_shared>> -> memref<64x128xf32, #tpu.memory_space<vmem_shared>>
        tpu.wait_dma2 semaphore(%arg19 : memref<!tpu.dma_semaphore, #tpu.memory_space<semaphore_mem>>) src(%arg11 : memref<64x128xf32, #tpu.memory_space<vmem>>) dst(%dma_wait3A_162 : memref<64x128xf32, #tpu.memory_space<vmem_shared>>)
        %dma_wait3A_163 = arith.constant 0 : i32
        %dma_wait3A_164 = tpu.memref_slice %arg10[%mul3A_68, %dma_wait3A_163] : memref<12288x128xf32, #tpu.memory_space<vmem_shared>> -> memref<64x128xf32, #tpu.memory_space<vmem_shared>>
        %dma_wait3A_165 = arith.constant 0 : i32
        %dma_wait3A_166 = tpu.memref_slice %arg10[%mul3A_68, %dma_wait3A_165] : memref<12288x128xf32, #tpu.memory_space<vmem_shared>> -> memref<64x128xf32, #tpu.memory_space<vmem_shared>>
        tpu.wait_dma2 semaphore(%arg19 : memref<!tpu.dma_semaphore, #tpu.memory_space<semaphore_mem>>) src(%arg11 : memref<64x128xf32, #tpu.memory_space<vmem>>) dst(%dma_wait3A_166 : memref<64x128xf32, #tpu.memory_space<vmem_shared>>)
        %dma_wait3A_167 = arith.constant 0 : i32
        %dma_wait3A_168 = tpu.memref_slice %arg10[%mul3A_74, %dma_wait3A_167] : memref<12288x128xf32, #tpu.memory_space<vmem_shared>> -> memref<64x128xf32, #tpu.memory_space<vmem_shared>>
        %dma_wait3A_169 = arith.constant 0 : i32
        %dma_wait3A_170 = tpu.memref_slice %arg10[%mul3A_74, %dma_wait3A_169] : memref<12288x128xf32, #tpu.memory_space<vmem_shared>> -> memref<64x128xf32, #tpu.memory_space<vmem_shared>>
        tpu.wait_dma2 semaphore(%arg19 : memref<!tpu.dma_semaphore, #tpu.memory_space<semaphore_mem>>) src(%arg11 : memref<64x128xf32, #tpu.memory_space<vmem>>) dst(%dma_wait3A_170 : memref<64x128xf32, #tpu.memory_space<vmem_shared>>)
        %dma_wait3A_171 = arith.constant 0 : i32
        %dma_wait3A_172 = tpu.memref_slice %arg10[%mul3A_80, %dma_wait3A_171] : memref<12288x128xf32, #tpu.memory_space<vmem_shared>> -> memref<64x128xf32, #tpu.memory_space<vmem_shared>>
        %dma_wait3A_173 = arith.constant 0 : i32
        %dma_wait3A_174 = tpu.memref_slice %arg10[%mul3A_80, %dma_wait3A_173] : memref<12288x128xf32, #tpu.memory_space<vmem_shared>> -> memref<64x128xf32, #tpu.memory_space<vmem_shared>>
        tpu.wait_dma2 semaphore(%arg19 : memref<!tpu.dma_semaphore, #tpu.memory_space<semaphore_mem>>) src(%arg11 : memref<64x128xf32, #tpu.memory_space<vmem>>) dst(%dma_wait3A_174 : memref<64x128xf32, #tpu.memory_space<vmem_shared>>)
        %barrier3A = arith.constant 0 : index
        tpu.barrier barrier_id(%barrier3A)
        %mul3A_175 = arith.constant 2 : i32
        %mul3A_176 = arith.muli %mul3A_175, %add3A : i32
        %add3A_177 = arith.constant 0 : i32
        %add3A_178 = arith.addi %mul3A_176, %add3A_177 : i32
        %get3A = arith.index_cast %add3A_178 : i32 to index
        %get3A_179 = tpu.vector_load %arg18[%get3A] {strides = array<i32>} : memref<80xi32, #tpu.memory_space<vmem>>, vector<16xi32>,
        %get3A_180 = vector.shape_cast %get3A_179 : vector<16xi32> to vector<16xi32>
        %slice3A = vector.extract_strided_slice %get3A_180 {offsets = [0], sizes = [1], strides = [1]} : vector<16xi32> to vector<1xi32>
        %squeeze3A = vector.extract %slice3A[0] : i32 from vector<1xi32>
        %get3A_181 = arith.index_cast %add3A_178 : i32 to index
        %get3A_182 = tpu.vector_load %arg16[%get3A_181] {strides = array<i32>} : memref<80xi32, #tpu.memory_space<vmem>>, vector<16xi32>,
        %get3A_183 = vector.shape_cast %get3A_182 : vector<16xi32> to vector<16xi32>
        %slice3A_184 = vector.extract_strided_slice %get3A_183 {offsets = [0], sizes = [1], strides = [1]} : vector<16xi32> to vector<1xi32>
        %squeeze3A_185 = vector.extract %slice3A_184[0] : i32 from vector<1xi32>
        %get3A_186 = arith.index_cast %add3A_178 : i32 to index
        %get3A_187 = tpu.vector_load %arg17[%get3A_186] {strides = array<i32>} : memref<80xi32, #tpu.memory_space<vmem>>, vector<16xi32>,
        %get3A_188 = vector.shape_cast %get3A_187 : vector<16xi32> to vector<16xi32>
        %slice3A_189 = vector.extract_strided_slice %get3A_188 {offsets = [0], sizes = [1], strides = [1]} : vector<16xi32> to vector<1xi32>
        %squeeze3A_190 = vector.extract %slice3A_189[0] : i32 from vector<1xi32>
        %jit3A = arith.constant 128 : i32
        %div3A = arith.divsi %squeeze3A_185, %jit3A : i32
        %sign3A = arith.constant 0 : i32
        %sign3A_191 = arith.cmpi sgt, %squeeze3A_185, %sign3A : i32
        %sign3A_192 = arith.extui %sign3A_191 : i1 to i32
        %sign3A_193 = arith.constant 0 : i32
        %sign3A_194 = arith.cmpi slt, %squeeze3A_185, %sign3A_193 : i32
        %sign3A_195 = arith.extui %sign3A_194 : i1 to i32
        %sign3A_196 = arith.subi %sign3A_192, %sign3A_195 : i32
        %sign3A_197 = arith.constant 0 : i32
        %sign3A_198 = arith.cmpi sgt, %jit3A, %sign3A_197 : i32
        %sign3A_199 = arith.extui %sign3A_198 : i1 to i32
        %sign3A_200 = arith.constant 0 : i32
        %sign3A_201 = arith.cmpi slt, %jit3A, %sign3A_200 : i32
        %sign3A_202 = arith.extui %sign3A_201 : i1 to i32
        %sign3A_203 = arith.subi %sign3A_199, %sign3A_202 : i32
        %ne3A = arith.cmpi ne, %sign3A_196, %sign3A_203 : i32
        %rem3A = arith.remsi %squeeze3A_185, %jit3A : i32
        %ne3A_204 = arith.constant 0 : i32
        %ne3A_205 = arith.cmpi ne, %rem3A, %ne3A_204 : i32
        %and3A = arith.andi %ne3A, %ne3A_205 : i1
        %sub3A = arith.constant 1 : i32
        %sub3A_206 = arith.subi %div3A, %sub3A : i32
        %select_n3A = arith.select %and3A, %sub3A_206, %div3A : i32
        %mul3A_207 = arith.constant 128 : i32
        %mul3A_208 = arith.muli %select_n3A, %mul3A_207 : i32
        %while3A = arith.constant 0 : i32
        %while3A_209 = arith.constant 0 : i32
        %while3A_210 = arith.subi %squeeze3A, %while3A_209 : i32
        %while3A_211 = arith.addi %while3A_209, %while3A_210 : i32
        %while3A_212 = arith.constant 1 : i32
        %while3A_213 = arith.divsi %while3A_210, %while3A_212 : i32
        %while3A_214 = arith.muli %while3A_213, %while3A_212 : i32
        %while3A_215 = arith.addi %while3A_209, %while3A_214 : i32
        %while3A_216 = arith.constant 1 : i32
        scf.for %while3A_282 = %while3A_209 to %while3A_215 step %while3A_216  : i32 {
          %mul3A_283 = arith.constant 2048 : i32
          %mul3A_284 = arith.muli %while3A_282, %mul3A_283 : i32
          %add3A_285 = arith.addi %mul3A_208, %mul3A_284 : i32
          %mul3A_286 = arith.constant 128 : i32
          %mul3A_287 = arith.muli %arg1, %mul3A_286 : i32
          %add3A_288 = arith.addi %add3A_285, %mul3A_287 : i32
          "tpu.region"() ({
            %run_scoped3A = tpu.sem_alloc : memref<!tpu.dma_semaphore, #tpu.memory_space<semaphore_mem>>
            %dma_start3A_579 = tpu.memref_slice %arg4[%add3A_288] : memref<223232xi32, #tpu.memory_space<hbm>> -> memref<128xi32, #tpu.memory_space<hbm>>
            %dma_start3A_580 = tpu.memref_slice %arg4[%add3A_288] : memref<223232xi32, #tpu.memory_space<hbm>> -> memref<128xi32, #tpu.memory_space<hbm>>
            tpu.enqueue_dma source(%dma_start3A_580 : memref<128xi32, #tpu.memory_space<hbm>>) target(%arg12 : memref<128xi32, #tpu.memory_space<vmem>>) target_semaphore(%run_scoped3A : memref<!tpu.dma_semaphore, #tpu.memory_space<semaphore_mem>>)
            %dma_wait3A_581 = tpu.memref_slice %arg4[%add3A_288] : memref<223232xi32, #tpu.memory_space<hbm>> -> memref<128xi32, #tpu.memory_space<hbm>>
            %dma_wait3A_582 = tpu.memref_slice %arg4[%add3A_288] : memref<223232xi32, #tpu.memory_space<hbm>> -> memref<128xi32, #tpu.memory_space<hbm>>
            tpu.wait_dma2 semaphore(%run_scoped3A : memref<!tpu.dma_semaphore, #tpu.memory_space<semaphore_mem>>) src(%dma_wait3A_582 : memref<128xi32, #tpu.memory_space<hbm>>) dst(%arg12 : memref<128xi32, #tpu.memory_space<vmem>>)
            tpu.yield
          }) : () -> ()
          %add3A_289 = arith.constant 0 : i32
          %add3A_290 = arith.addi %add3A_288, %add3A_289 : i32
          %iota3A = tpu.iota {dimensions = array<i32: 0>} : vector<16xi32>
          %add3A_291 = vector.broadcast %add3A_290 : i32 to vector<16xi32>
          %add3A_292 = arith.addi %add3A_291, %iota3A : vector<16xi32>
          %ge3A = vector.broadcast %squeeze3A_185 : i32 to vector<16xi32>
          %ge3A_293 = arith.cmpi sge, %add3A_292, %ge3A : vector<16xi32>
          %lt3A_294 = vector.broadcast %squeeze3A_190 : i32 to vector<16xi32>
          %lt3A_295 = arith.cmpi slt, %add3A_292, %lt3A_294 : vector<16xi32>
          %and3A_296 = arith.andi %ge3A_293, %lt3A_295 : vector<16xi1>
          %iota3A_297 = tpu.iota {dimensions = array<i32: 0>} : vector<16xi32>
          %add3A_298 = arith.constant 0 : i32
          %add3A_299 = vector.broadcast %add3A_298 : i32 to vector<16xi32>
          %add3A_300 = arith.addi %iota3A_297, %add3A_299 : vector<16xi32>
          %get3A_301 = arith.constant 0 : index
          %get3A_302 = tpu.vector_load %arg12[%get3A_301] {strides = array<i32>} : memref<128xi32, #tpu.memory_space<vmem>>, vector<16xi32>,
          %get3A_303 = vector.shape_cast %get3A_302 : vector<16xi32> to vector<16xi32>
          %and3A_304 = arith.constant 16383 : i32
          %and3A_305 = vector.broadcast %and3A_304 : i32 to vector<16xi32>
          %and3A_306 = arith.andi %get3A_303, %and3A_305 : vector<16xi32>
          %add3A_307 = arith.constant 12160 : i32
          %add3A_308 = vector.broadcast %add3A_307 : i32 to vector<16xi32>
          %add3A_309 = arith.addi %add3A_308, %add3A_300 : vector<16xi32>
          %select_n3A_310 = arith.select %and3A_296, %and3A_306, %add3A_309 : vector<16xi1>, vector<16xi32>
          %swap3A = arith.constant 0 : index
          %swap3A_311 = tpu.vector_load %arg14[%swap3A] {strides = array<i32>} : memref<128xi32, #tpu.memory_space<vmem>>, vector<16xi32>,
          %swap3A_312 = vector.shape_cast %swap3A_311 : vector<16xi32> to vector<16xi32>
          %swap3A_313 = vector.shape_cast %select_n3A_310 : vector<16xi32> to vector<16xi32>
          tpu.vector_store %arg14[%swap3A], %swap3A_313 {strides = array<i32>} : memref<128xi32, #tpu.memory_space<vmem>>, vector<16xi32>,
          %shift_right_arithmetic3A = arith.constant 14 : i32
          %shift_right_arithmetic3A_314 = vector.broadcast %shift_right_arithmetic3A : i32 to vector<16xi32>
          %shift_right_arithmetic3A_315 = arith.shrsi %get3A_303, %shift_right_arithmetic3A_314 : vector<16xi32>
          %select_n3A_316 = arith.select %and3A_296, %shift_right_arithmetic3A_315, %add3A_300 : vector<16xi1>, vector<16xi32>
          %swap3A_317 = arith.constant 0 : index
          %swap3A_318 = tpu.vector_load %arg13[%swap3A_317] {strides = array<i32>} : memref<128xi32, #tpu.memory_space<vmem>>, vector<16xi32>,
          %swap3A_319 = vector.shape_cast %swap3A_318 : vector<16xi32> to vector<16xi32>
          %swap3A_320 = vector.shape_cast %select_n3A_316 : vector<16xi32> to vector<16xi32>
          tpu.vector_store %arg13[%swap3A_317], %swap3A_320 {strides = array<i32>} : memref<128xi32, #tpu.memory_space<vmem>>, vector<16xi32>,
          %add3A_321 = arith.constant 16 : i32
          %add3A_322 = arith.addi %add3A_288, %add3A_321 : i32
          %iota3A_323 = tpu.iota {dimensions = array<i32: 0>} : vector<16xi32>
          %add3A_324 = vector.broadcast %add3A_322 : i32 to vector<16xi32>
          %add3A_325 = arith.addi %add3A_324, %iota3A_323 : vector<16xi32>
          %ge3A_326 = vector.broadcast %squeeze3A_185 : i32 to vector<16xi32>
          %ge3A_327 = arith.cmpi sge, %add3A_325, %ge3A_326 : vector<16xi32>
          %lt3A_328 = vector.broadcast %squeeze3A_190 : i32 to vector<16xi32>
          %lt3A_329 = arith.cmpi slt, %add3A_325, %lt3A_328 : vector<16xi32>
          %and3A_330 = arith.andi %ge3A_327, %lt3A_329 : vector<16xi1>
          %iota3A_331 = tpu.iota {dimensions = array<i32: 0>} : vector<16xi32>
          %add3A_332 = arith.constant 16 : i32
          %add3A_333 = vector.broadcast %add3A_332 : i32 to vector<16xi32>
          %add3A_334 = arith.addi %iota3A_331, %add3A_333 : vector<16xi32>
          %get3A_335 = arith.constant 16 : index
          %get3A_336 = tpu.vector_load %arg12[%get3A_335] {strides = array<i32>} : memref<128xi32, #tpu.memory_space<vmem>>, vector<16xi32>,
          %get3A_337 = vector.shape_cast %get3A_336 : vector<16xi32> to vector<16xi32>
          %and3A_338 = arith.constant 16383 : i32
          %and3A_339 = vector.broadcast %and3A_338 : i32 to vector<16xi32>
          %and3A_340 = arith.andi %get3A_337, %and3A_339 : vector<16xi32>
          %add3A_341 = arith.constant 12160 : i32
          %add3A_342 = vector.broadcast %add3A_341 : i32 to vector<16xi32>
          %add3A_343 = arith.addi %add3A_342, %add3A_334 : vector<16xi32>
          %select_n3A_344 = arith.select %and3A_330, %and3A_340, %add3A_343 : vector<16xi1>, vector<16xi32>
          %swap3A_345 = arith.constant 16 : index
          %swap3A_346 = tpu.vector_load %arg14[%swap3A_345] {strides = array<i32>} : memref<128xi32, #tpu.memory_space<vmem>>, vector<16xi32>,
          %swap3A_347 = vector.shape_cast %swap3A_346 : vector<16xi32> to vector<16xi32>
          %swap3A_348 = vector.shape_cast %select_n3A_344 : vector<16xi32> to vector<16xi32>
          tpu.vector_store %arg14[%swap3A_345], %swap3A_348 {strides = array<i32>} : memref<128xi32, #tpu.memory_space<vmem>>, vector<16xi32>,
          %shift_right_arithmetic3A_349 = arith.constant 14 : i32
          %shift_right_arithmetic3A_350 = vector.broadcast %shift_right_arithmetic3A_349 : i32 to vector<16xi32>
          %shift_right_arithmetic3A_351 = arith.shrsi %get3A_337, %shift_right_arithmetic3A_350 : vector<16xi32>
          %select_n3A_352 = arith.select %and3A_330, %shift_right_arithmetic3A_351, %add3A_334 : vector<16xi1>, vector<16xi32>
          %swap3A_353 = arith.constant 16 : index
          %swap3A_354 = tpu.vector_load %arg13[%swap3A_353] {strides = array<i32>} : memref<128xi32, #tpu.memory_space<vmem>>, vector<16xi32>,
          %swap3A_355 = vector.shape_cast %swap3A_354 : vector<16xi32> to vector<16xi32>
          %swap3A_356 = vector.shape_cast %select_n3A_352 : vector<16xi32> to vector<16xi32>
          tpu.vector_store %arg13[%swap3A_353], %swap3A_356 {strides = array<i32>} : memref<128xi32, #tpu.memory_space<vmem>>, vector<16xi32>,
          %add3A_357 = arith.constant 32 : i32
          %add3A_358 = arith.addi %add3A_288, %add3A_357 : i32
          %iota3A_359 = tpu.iota {dimensions = array<i32: 0>} : vector<16xi32>
          %add3A_360 = vector.broadcast %add3A_358 : i32 to vector<16xi32>
          %add3A_361 = arith.addi %add3A_360, %iota3A_359 : vector<16xi32>
          %ge3A_362 = vector.broadcast %squeeze3A_185 : i32 to vector<16xi32>
          %ge3A_363 = arith.cmpi sge, %add3A_361, %ge3A_362 : vector<16xi32>
          %lt3A_364 = vector.broadcast %squeeze3A_190 : i32 to vector<16xi32>
          %lt3A_365 = arith.cmpi slt, %add3A_361, %lt3A_364 : vector<16xi32>
          %and3A_366 = arith.andi %ge3A_363, %lt3A_365 : vector<16xi1>
          %iota3A_367 = tpu.iota {dimensions = array<i32: 0>} : vector<16xi32>
          %add3A_368 = arith.constant 32 : i32
          %add3A_369 = vector.broadcast %add3A_368 : i32 to vector<16xi32>
          %add3A_370 = arith.addi %iota3A_367, %add3A_369 : vector<16xi32>
          %get3A_371 = arith.constant 32 : index
          %get3A_372 = tpu.vector_load %arg12[%get3A_371] {strides = array<i32>} : memref<128xi32, #tpu.memory_space<vmem>>, vector<16xi32>,
          %get3A_373 = vector.shape_cast %get3A_372 : vector<16xi32> to vector<16xi32>
          %and3A_374 = arith.constant 16383 : i32
          %and3A_375 = vector.broadcast %and3A_374 : i32 to vector<16xi32>
          %and3A_376 = arith.andi %get3A_373, %and3A_375 : vector<16xi32>
          %add3A_377 = arith.constant 12160 : i32
          %add3A_378 = vector.broadcast %add3A_377 : i32 to vector<16xi32>
          %add3A_379 = arith.addi %add3A_378, %add3A_370 : vector<16xi32>
          %select_n3A_380 = arith.select %and3A_366, %and3A_376, %add3A_379 : vector<16xi1>, vector<16xi32>
          %swap3A_381 = arith.constant 32 : index
          %swap3A_382 = tpu.vector_load %arg14[%swap3A_381] {strides = array<i32>} : memref<128xi32, #tpu.memory_space<vmem>>, vector<16xi32>,
          %swap3A_383 = vector.shape_cast %swap3A_382 : vector<16xi32> to vector<16xi32>
          %swap3A_384 = vector.shape_cast %select_n3A_380 : vector<16xi32> to vector<16xi32>
          tpu.vector_store %arg14[%swap3A_381], %swap3A_384 {strides = array<i32>} : memref<128xi32, #tpu.memory_space<vmem>>, vector<16xi32>,
          %shift_right_arithmetic3A_385 = arith.constant 14 : i32
          %shift_right_arithmetic3A_386 = vector.broadcast %shift_right_arithmetic3A_385 : i32 to vector<16xi32>
          %shift_right_arithmetic3A_387 = arith.shrsi %get3A_373, %shift_right_arithmetic3A_386 : vector<16xi32>
          %select_n3A_388 = arith.select %and3A_366, %shift_right_arithmetic3A_387, %add3A_370 : vector<16xi1>, vector<16xi32>
          %swap3A_389 = arith.constant 32 : index
          %swap3A_390 = tpu.vector_load %arg13[%swap3A_389] {strides = array<i32>} : memref<128xi32, #tpu.memory_space<vmem>>, vector<16xi32>,
          %swap3A_391 = vector.shape_cast %swap3A_390 : vector<16xi32> to vector<16xi32>
          %swap3A_392 = vector.shape_cast %select_n3A_388 : vector<16xi32> to vector<16xi32>
          tpu.vector_store %arg13[%swap3A_389], %swap3A_392 {strides = array<i32>} : memref<128xi32, #tpu.memory_space<vmem>>, vector<16xi32>,
          %add3A_393 = arith.constant 48 : i32
          %add3A_394 = arith.addi %add3A_288, %add3A_393 : i32
          %iota3A_395 = tpu.iota {dimensions = array<i32: 0>} : vector<16xi32>
          %add3A_396 = vector.broadcast %add3A_394 : i32 to vector<16xi32>
          %add3A_397 = arith.addi %add3A_396, %iota3A_395 : vector<16xi32>
          %ge3A_398 = vector.broadcast %squeeze3A_185 : i32 to vector<16xi32>
          %ge3A_399 = arith.cmpi sge, %add3A_397, %ge3A_398 : vector<16xi32>
          %lt3A_400 = vector.broadcast %squeeze3A_190 : i32 to vector<16xi32>
          %lt3A_401 = arith.cmpi slt, %add3A_397, %lt3A_400 : vector<16xi32>
          %and3A_402 = arith.andi %ge3A_399, %lt3A_401 : vector<16xi1>
          %iota3A_403 = tpu.iota {dimensions = array<i32: 0>} : vector<16xi32>
          %add3A_404 = arith.constant 48 : i32
          %add3A_405 = vector.broadcast %add3A_404 : i32 to vector<16xi32>
          %add3A_406 = arith.addi %iota3A_403, %add3A_405 : vector<16xi32>
          %get3A_407 = arith.constant 48 : index
          %get3A_408 = tpu.vector_load %arg12[%get3A_407] {strides = array<i32>} : memref<128xi32, #tpu.memory_space<vmem>>, vector<16xi32>,
          %get3A_409 = vector.shape_cast %get3A_408 : vector<16xi32> to vector<16xi32>
          %and3A_410 = arith.constant 16383 : i32
          %and3A_411 = vector.broadcast %and3A_410 : i32 to vector<16xi32>
          %and3A_412 = arith.andi %get3A_409, %and3A_411 : vector<16xi32>
          %add3A_413 = arith.constant 12160 : i32
          %add3A_414 = vector.broadcast %add3A_413 : i32 to vector<16xi32>
          %add3A_415 = arith.addi %add3A_414, %add3A_406 : vector<16xi32>
          %select_n3A_416 = arith.select %and3A_402, %and3A_412, %add3A_415 : vector<16xi1>, vector<16xi32>
          %swap3A_417 = arith.constant 48 : index
          %swap3A_418 = tpu.vector_load %arg14[%swap3A_417] {strides = array<i32>} : memref<128xi32, #tpu.memory_space<vmem>>, vector<16xi32>,
          %swap3A_419 = vector.shape_cast %swap3A_418 : vector<16xi32> to vector<16xi32>
          %swap3A_420 = vector.shape_cast %select_n3A_416 : vector<16xi32> to vector<16xi32>
          tpu.vector_store %arg14[%swap3A_417], %swap3A_420 {strides = array<i32>} : memref<128xi32, #tpu.memory_space<vmem>>, vector<16xi32>,
          %shift_right_arithmetic3A_421 = arith.constant 14 : i32
          %shift_right_arithmetic3A_422 = vector.broadcast %shift_right_arithmetic3A_421 : i32 to vector<16xi32>
          %shift_right_arithmetic3A_423 = arith.shrsi %get3A_409, %shift_right_arithmetic3A_422 : vector<16xi32>
          %select_n3A_424 = arith.select %and3A_402, %shift_right_arithmetic3A_423, %add3A_406 : vector<16xi1>, vector<16xi32>
          %swap3A_425 = arith.constant 48 : index
          %swap3A_426 = tpu.vector_load %arg13[%swap3A_425] {strides = array<i32>} : memref<128xi32, #tpu.memory_space<vmem>>, vector<16xi32>,
          %swap3A_427 = vector.shape_cast %swap3A_426 : vector<16xi32> to vector<16xi32>
          %swap3A_428 = vector.shape_cast %select_n3A_424 : vector<16xi32> to vector<16xi32>
          tpu.vector_store %arg13[%swap3A_425], %swap3A_428 {strides = array<i32>} : memref<128xi32, #tpu.memory_space<vmem>>, vector<16xi32>,
          %add3A_429 = arith.constant 64 : i32
          %add3A_430 = arith.addi %add3A_288, %add3A_429 : i32
          %iota3A_431 = tpu.iota {dimensions = array<i32: 0>} : vector<16xi32>
          %add3A_432 = vector.broadcast %add3A_430 : i32 to vector<16xi32>
          %add3A_433 = arith.addi %add3A_432, %iota3A_431 : vector<16xi32>
          %ge3A_434 = vector.broadcast %squeeze3A_185 : i32 to vector<16xi32>
          %ge3A_435 = arith.cmpi sge, %add3A_433, %ge3A_434 : vector<16xi32>
          %lt3A_436 = vector.broadcast %squeeze3A_190 : i32 to vector<16xi32>
          %lt3A_437 = arith.cmpi slt, %add3A_433, %lt3A_436 : vector<16xi32>
          %and3A_438 = arith.andi %ge3A_435, %lt3A_437 : vector<16xi1>
          %iota3A_439 = tpu.iota {dimensions = array<i32: 0>} : vector<16xi32>
          %add3A_440 = arith.constant 64 : i32
          %add3A_441 = vector.broadcast %add3A_440 : i32 to vector<16xi32>
          %add3A_442 = arith.addi %iota3A_439, %add3A_441 : vector<16xi32>
          %get3A_443 = arith.constant 64 : index
          %get3A_444 = tpu.vector_load %arg12[%get3A_443] {strides = array<i32>} : memref<128xi32, #tpu.memory_space<vmem>>, vector<16xi32>,
          %get3A_445 = vector.shape_cast %get3A_444 : vector<16xi32> to vector<16xi32>
          %and3A_446 = arith.constant 16383 : i32
          %and3A_447 = vector.broadcast %and3A_446 : i32 to vector<16xi32>
          %and3A_448 = arith.andi %get3A_445, %and3A_447 : vector<16xi32>
          %add3A_449 = arith.constant 12160 : i32
          %add3A_450 = vector.broadcast %add3A_449 : i32 to vector<16xi32>
          %add3A_451 = arith.addi %add3A_450, %add3A_442 : vector<16xi32>
          %select_n3A_452 = arith.select %and3A_438, %and3A_448, %add3A_451 : vector<16xi1>, vector<16xi32>
          %swap3A_453 = arith.constant 64 : index
          %swap3A_454 = tpu.vector_load %arg14[%swap3A_453] {strides = array<i32>} : memref<128xi32, #tpu.memory_space<vmem>>, vector<16xi32>,
          %swap3A_455 = vector.shape_cast %swap3A_454 : vector<16xi32> to vector<16xi32>
          %swap3A_456 = vector.shape_cast %select_n3A_452 : vector<16xi32> to vector<16xi32>
          tpu.vector_store %arg14[%swap3A_453], %swap3A_456 {strides = array<i32>} : memref<128xi32, #tpu.memory_space<vmem>>, vector<16xi32>,
          %shift_right_arithmetic3A_457 = arith.constant 14 : i32
          %shift_right_arithmetic3A_458 = vector.broadcast %shift_right_arithmetic3A_457 : i32 to vector<16xi32>
          %shift_right_arithmetic3A_459 = arith.shrsi %get3A_445, %shift_right_arithmetic3A_458 : vector<16xi32>
          %select_n3A_460 = arith.select %and3A_438, %shift_right_arithmetic3A_459, %add3A_442 : vector<16xi1>, vector<16xi32>
          %swap3A_461 = arith.constant 64 : index
          %swap3A_462 = tpu.vector_load %arg13[%swap3A_461] {strides = array<i32>} : memref<128xi32, #tpu.memory_space<vmem>>, vector<16xi32>,
          %swap3A_463 = vector.shape_cast %swap3A_462 : vector<16xi32> to vector<16xi32>
          %swap3A_464 = vector.shape_cast %select_n3A_460 : vector<16xi32> to vector<16xi32>
          tpu.vector_store %arg13[%swap3A_461], %swap3A_464 {strides = array<i32>} : memref<128xi32, #tpu.memory_space<vmem>>, vector<16xi32>,
          %add3A_465 = arith.constant 80 : i32
          %add3A_466 = arith.addi %add3A_288, %add3A_465 : i32
          %iota3A_467 = tpu.iota {dimensions = array<i32: 0>} : vector<16xi32>
          %add3A_468 = vector.broadcast %add3A_466 : i32 to vector<16xi32>
          %add3A_469 = arith.addi %add3A_468, %iota3A_467 : vector<16xi32>
          %ge3A_470 = vector.broadcast %squeeze3A_185 : i32 to vector<16xi32>
          %ge3A_471 = arith.cmpi sge, %add3A_469, %ge3A_470 : vector<16xi32>
          %lt3A_472 = vector.broadcast %squeeze3A_190 : i32 to vector<16xi32>
          %lt3A_473 = arith.cmpi slt, %add3A_469, %lt3A_472 : vector<16xi32>
          %and3A_474 = arith.andi %ge3A_471, %lt3A_473 : vector<16xi1>
          %iota3A_475 = tpu.iota {dimensions = array<i32: 0>} : vector<16xi32>
          %add3A_476 = arith.constant 80 : i32
          %add3A_477 = vector.broadcast %add3A_476 : i32 to vector<16xi32>
          %add3A_478 = arith.addi %iota3A_475, %add3A_477 : vector<16xi32>
          %get3A_479 = arith.constant 80 : index
          %get3A_480 = tpu.vector_load %arg12[%get3A_479] {strides = array<i32>} : memref<128xi32, #tpu.memory_space<vmem>>, vector<16xi32>,
          %get3A_481 = vector.shape_cast %get3A_480 : vector<16xi32> to vector<16xi32>
          %and3A_482 = arith.constant 16383 : i32
          %and3A_483 = vector.broadcast %and3A_482 : i32 to vector<16xi32>
          %and3A_484 = arith.andi %get3A_481, %and3A_483 : vector<16xi32>
          %add3A_485 = arith.constant 12160 : i32
          %add3A_486 = vector.broadcast %add3A_485 : i32 to vector<16xi32>
          %add3A_487 = arith.addi %add3A_486, %add3A_478 : vector<16xi32>
          %select_n3A_488 = arith.select %and3A_474, %and3A_484, %add3A_487 : vector<16xi1>, vector<16xi32>
          %swap3A_489 = arith.constant 80 : index
          %swap3A_490 = tpu.vector_load %arg14[%swap3A_489] {strides = array<i32>} : memref<128xi32, #tpu.memory_space<vmem>>, vector<16xi32>,
          %swap3A_491 = vector.shape_cast %swap3A_490 : vector<16xi32> to vector<16xi32>
          %swap3A_492 = vector.shape_cast %select_n3A_488 : vector<16xi32> to vector<16xi32>
          tpu.vector_store %arg14[%swap3A_489], %swap3A_492 {strides = array<i32>} : memref<128xi32, #tpu.memory_space<vmem>>, vector<16xi32>,
          %shift_right_arithmetic3A_493 = arith.constant 14 : i32
          %shift_right_arithmetic3A_494 = vector.broadcast %shift_right_arithmetic3A_493 : i32 to vector<16xi32>
          %shift_right_arithmetic3A_495 = arith.shrsi %get3A_481, %shift_right_arithmetic3A_494 : vector<16xi32>
          %select_n3A_496 = arith.select %and3A_474, %shift_right_arithmetic3A_495, %add3A_478 : vector<16xi1>, vector<16xi32>
          %swap3A_497 = arith.constant 80 : index
          %swap3A_498 = tpu.vector_load %arg13[%swap3A_497] {strides = array<i32>} : memref<128xi32, #tpu.memory_space<vmem>>, vector<16xi32>,
          %swap3A_499 = vector.shape_cast %swap3A_498 : vector<16xi32> to vector<16xi32>
          %swap3A_500 = vector.shape_cast %select_n3A_496 : vector<16xi32> to vector<16xi32>
          tpu.vector_store %arg13[%swap3A_497], %swap3A_500 {strides = array<i32>} : memref<128xi32, #tpu.memory_space<vmem>>, vector<16xi32>,
          %add3A_501 = arith.constant 96 : i32
          %add3A_502 = arith.addi %add3A_288, %add3A_501 : i32
          %iota3A_503 = tpu.iota {dimensions = array<i32: 0>} : vector<16xi32>
          %add3A_504 = vector.broadcast %add3A_502 : i32 to vector<16xi32>
          %add3A_505 = arith.addi %add3A_504, %iota3A_503 : vector<16xi32>
          %ge3A_506 = vector.broadcast %squeeze3A_185 : i32 to vector<16xi32>
          %ge3A_507 = arith.cmpi sge, %add3A_505, %ge3A_506 : vector<16xi32>
          %lt3A_508 = vector.broadcast %squeeze3A_190 : i32 to vector<16xi32>
          %lt3A_509 = arith.cmpi slt, %add3A_505, %lt3A_508 : vector<16xi32>
          %and3A_510 = arith.andi %ge3A_507, %lt3A_509 : vector<16xi1>
          %iota3A_511 = tpu.iota {dimensions = array<i32: 0>} : vector<16xi32>
          %add3A_512 = arith.constant 96 : i32
          %add3A_513 = vector.broadcast %add3A_512 : i32 to vector<16xi32>
          %add3A_514 = arith.addi %iota3A_511, %add3A_513 : vector<16xi32>
          %get3A_515 = arith.constant 96 : index
          %get3A_516 = tpu.vector_load %arg12[%get3A_515] {strides = array<i32>} : memref<128xi32, #tpu.memory_space<vmem>>, vector<16xi32>,
          %get3A_517 = vector.shape_cast %get3A_516 : vector<16xi32> to vector<16xi32>
          %and3A_518 = arith.constant 16383 : i32
          %and3A_519 = vector.broadcast %and3A_518 : i32 to vector<16xi32>
          %and3A_520 = arith.andi %get3A_517, %and3A_519 : vector<16xi32>
          %add3A_521 = arith.constant 12160 : i32
          %add3A_522 = vector.broadcast %add3A_521 : i32 to vector<16xi32>
          %add3A_523 = arith.addi %add3A_522, %add3A_514 : vector<16xi32>
          %select_n3A_524 = arith.select %and3A_510, %and3A_520, %add3A_523 : vector<16xi1>, vector<16xi32>
          %swap3A_525 = arith.constant 96 : index
          %swap3A_526 = tpu.vector_load %arg14[%swap3A_525] {strides = array<i32>} : memref<128xi32, #tpu.memory_space<vmem>>, vector<16xi32>,
          %swap3A_527 = vector.shape_cast %swap3A_526 : vector<16xi32> to vector<16xi32>
          %swap3A_528 = vector.shape_cast %select_n3A_524 : vector<16xi32> to vector<16xi32>
          tpu.vector_store %arg14[%swap3A_525], %swap3A_528 {strides = array<i32>} : memref<128xi32, #tpu.memory_space<vmem>>, vector<16xi32>,
          %shift_right_arithmetic3A_529 = arith.constant 14 : i32
          %shift_right_arithmetic3A_530 = vector.broadcast %shift_right_arithmetic3A_529 : i32 to vector<16xi32>
          %shift_right_arithmetic3A_531 = arith.shrsi %get3A_517, %shift_right_arithmetic3A_530 : vector<16xi32>
          %select_n3A_532 = arith.select %and3A_510, %shift_right_arithmetic3A_531, %add3A_514 : vector<16xi1>, vector<16xi32>
          %swap3A_533 = arith.constant 96 : index
          %swap3A_534 = tpu.vector_load %arg13[%swap3A_533] {strides = array<i32>} : memref<128xi32, #tpu.memory_space<vmem>>, vector<16xi32>,
          %swap3A_535 = vector.shape_cast %swap3A_534 : vector<16xi32> to vector<16xi32>
          %swap3A_536 = vector.shape_cast %select_n3A_532 : vector<16xi32> to vector<16xi32>
          tpu.vector_store %arg13[%swap3A_533], %swap3A_536 {strides = array<i32>} : memref<128xi32, #tpu.memory_space<vmem>>, vector<16xi32>,
          %add3A_537 = arith.constant 112 : i32
          %add3A_538 = arith.addi %add3A_288, %add3A_537 : i32
          %iota3A_539 = tpu.iota {dimensions = array<i32: 0>} : vector<16xi32>
          %add3A_540 = vector.broadcast %add3A_538 : i32 to vector<16xi32>
          %add3A_541 = arith.addi %add3A_540, %iota3A_539 : vector<16xi32>
          %ge3A_542 = vector.broadcast %squeeze3A_185 : i32 to vector<16xi32>
          %ge3A_543 = arith.cmpi sge, %add3A_541, %ge3A_542 : vector<16xi32>
          %lt3A_544 = vector.broadcast %squeeze3A_190 : i32 to vector<16xi32>
          %lt3A_545 = arith.cmpi slt, %add3A_541, %lt3A_544 : vector<16xi32>
          %and3A_546 = arith.andi %ge3A_543, %lt3A_545 : vector<16xi1>
          %iota3A_547 = tpu.iota {dimensions = array<i32: 0>} : vector<16xi32>
          %add3A_548 = arith.constant 112 : i32
          %add3A_549 = vector.broadcast %add3A_548 : i32 to vector<16xi32>
          %add3A_550 = arith.addi %iota3A_547, %add3A_549 : vector<16xi32>
          %get3A_551 = arith.constant 112 : index
          %get3A_552 = tpu.vector_load %arg12[%get3A_551] {strides = array<i32>} : memref<128xi32, #tpu.memory_space<vmem>>, vector<16xi32>,
          %get3A_553 = vector.shape_cast %get3A_552 : vector<16xi32> to vector<16xi32>
          %and3A_554 = arith.constant 16383 : i32
          %and3A_555 = vector.broadcast %and3A_554 : i32 to vector<16xi32>
          %and3A_556 = arith.andi %get3A_553, %and3A_555 : vector<16xi32>
          %add3A_557 = arith.constant 12160 : i32
          %add3A_558 = vector.broadcast %add3A_557 : i32 to vector<16xi32>
          %add3A_559 = arith.addi %add3A_558, %add3A_550 : vector<16xi32>
          %select_n3A_560 = arith.select %and3A_546, %and3A_556, %add3A_559 : vector<16xi1>, vector<16xi32>
          %swap3A_561 = arith.constant 112 : index
          %swap3A_562 = tpu.vector_load %arg14[%swap3A_561] {strides = array<i32>} : memref<128xi32, #tpu.memory_space<vmem>>, vector<16xi32>,
          %swap3A_563 = vector.shape_cast %swap3A_562 : vector<16xi32> to vector<16xi32>
          %swap3A_564 = vector.shape_cast %select_n3A_560 : vector<16xi32> to vector<16xi32>
          tpu.vector_store %arg14[%swap3A_561], %swap3A_564 {strides = array<i32>} : memref<128xi32, #tpu.memory_space<vmem>>, vector<16xi32>,
          %shift_right_arithmetic3A_565 = arith.constant 14 : i32
          %shift_right_arithmetic3A_566 = vector.broadcast %shift_right_arithmetic3A_565 : i32 to vector<16xi32>
          %shift_right_arithmetic3A_567 = arith.shrsi %get3A_553, %shift_right_arithmetic3A_566 : vector<16xi32>
          %select_n3A_568 = arith.select %and3A_546, %shift_right_arithmetic3A_567, %add3A_550 : vector<16xi1>, vector<16xi32>
          %swap3A_569 = arith.constant 112 : index
          %swap3A_570 = tpu.vector_load %arg13[%swap3A_569] {strides = array<i32>} : memref<128xi32, #tpu.memory_space<vmem>>, vector<16xi32>,
          %swap3A_571 = vector.shape_cast %swap3A_570 : vector<16xi32> to vector<16xi32>
          %swap3A_572 = vector.shape_cast %select_n3A_568 : vector<16xi32> to vector<16xi32>
          tpu.vector_store %arg13[%swap3A_569], %swap3A_572 {strides = array<i32>} : memref<128xi32, #tpu.memory_space<vmem>>, vector<16xi32>,
          %dma_start3A_573 = arith.constant 0 : i32
          %dma_start3A_574 = arith.constant 0 : i32
          %dma_start3A_575 = tpu.memref_slice %arg2[%dma_start3A_573, %dma_start3A_574] : memref<100000x128xf32, #tpu.memory_space<hbm>> -> memref<100000x128xf32, #tpu.memory_space<hbm>>
          tpu.enqueue_indirect_dma source(%dma_start3A_575 : memref<100000x128xf32, #tpu.memory_space<hbm>>) target(%arg15 : memref<128x128xf32, #tpu.memory_space<vmem>>) offsets(%arg13 : memref<128xi32, #tpu.memory_space<vmem>>) semaphore(%arg19 : memref<!tpu.dma_semaphore, #tpu.memory_space<semaphore_mem>>)
          %dma_wait3A_576 = arith.constant 0 : i32
          %dma_wait3A_577 = arith.constant 0 : i32
          %dma_wait3A_578 = tpu.memref_slice %arg2[%dma_wait3A_576, %dma_wait3A_577] : memref<100000x128xf32, #tpu.memory_space<hbm>> -> memref<100000x128xf32, #tpu.memory_space<hbm>>
          tpu.wait_indirect_dma semaphore(%arg19 : memref<!tpu.dma_semaphore, #tpu.memory_space<semaphore_mem>>) src(%dma_wait3A_578 : memref<100000x128xf32, #tpu.memory_space<hbm>>) dst(%arg15 : memref<128x128xf32, #tpu.memory_space<vmem>>)
          "tpu.region"() ({
            %run_scoped3A = tpu.sem_alloc : memref<!tpu.dma_semaphore, #tpu.memory_space<semaphore_mem>>
            %dma_start3A_579 = arith.constant 0 : i32
            %dma_start3A_580 = arith.constant 0 : i32
            %dma_start3A_581 = tpu.memref_slice %arg10[%dma_start3A_579, %dma_start3A_580] : memref<12288x128xf32, #tpu.memory_space<vmem_shared>> -> memref<12288x128xf32, #tpu.memory_space<vmem_shared>>
            tpu.enqueue_indirect_dma source(%arg15 : memref<128x128xf32, #tpu.memory_space<vmem>>) target(%dma_start3A_581 : memref<12288x128xf32, #tpu.memory_space<vmem_shared>>) offsets(%arg14 : memref<128xi32, #tpu.memory_space<vmem>>) semaphore(%run_scoped3A : memref<!tpu.dma_semaphore, #tpu.memory_space<semaphore_mem>>) {add = true}
            %dma_wait3A_582 = arith.constant 0 : i32
            %dma_wait3A_583 = arith.constant 0 : i32
            %dma_wait3A_584 = tpu.memref_slice %arg10[%dma_wait3A_582, %dma_wait3A_583] : memref<12288x128xf32, #tpu.memory_space<vmem_shared>> -> memref<12288x128xf32, #tpu.memory_space<vmem_shared>>
            tpu.wait_indirect_dma semaphore(%run_scoped3A : memref<!tpu.dma_semaphore, #tpu.memory_space<semaphore_mem>>) src(%arg15 : memref<128x128xf32, #tpu.memory_space<vmem>>) dst(%dma_wait3A_584 : memref<12288x128xf32, #tpu.memory_space<vmem_shared>>)
            tpu.yield
          }) : () -> ()
        }
        %while3A_217 = arith.constant 1 : i32
        scf.for %while3A_282 = %while3A_215 to %while3A_211 step %while3A_217  : i32 {
          %mul3A_283 = arith.constant 2048 : i32
          %mul3A_284 = arith.muli %while3A_282, %mul3A_283 : i32
          %add3A_285 = arith.addi %mul3A_208, %mul3A_284 : i32
          %mul3A_286 = arith.constant 128 : i32
          %mul3A_287 = arith.muli %arg1, %mul3A_286 : i32
          %add3A_288 = arith.addi %add3A_285, %mul3A_287 : i32
          "tpu.region"() ({
            %run_scoped3A = tpu.sem_alloc : memref<!tpu.dma_semaphore, #tpu.memory_space<semaphore_mem>>
            %dma_start3A_579 = tpu.memref_slice %arg4[%add3A_288] : memref<223232xi32, #tpu.memory_space<hbm>> -> memref<128xi32, #tpu.memory_space<hbm>>
            %dma_start3A_580 = tpu.memref_slice %arg4[%add3A_288] : memref<223232xi32, #tpu.memory_space<hbm>> -> memref<128xi32, #tpu.memory_space<hbm>>
            tpu.enqueue_dma source(%dma_start3A_580 : memref<128xi32, #tpu.memory_space<hbm>>) target(%arg12 : memref<128xi32, #tpu.memory_space<vmem>>) target_semaphore(%run_scoped3A : memref<!tpu.dma_semaphore, #tpu.memory_space<semaphore_mem>>)
            %dma_wait3A_581 = tpu.memref_slice %arg4[%add3A_288] : memref<223232xi32, #tpu.memory_space<hbm>> -> memref<128xi32, #tpu.memory_space<hbm>>
            %dma_wait3A_582 = tpu.memref_slice %arg4[%add3A_288] : memref<223232xi32, #tpu.memory_space<hbm>> -> memref<128xi32, #tpu.memory_space<hbm>>
            tpu.wait_dma2 semaphore(%run_scoped3A : memref<!tpu.dma_semaphore, #tpu.memory_space<semaphore_mem>>) src(%dma_wait3A_582 : memref<128xi32, #tpu.memory_space<hbm>>) dst(%arg12 : memref<128xi32, #tpu.memory_space<vmem>>)
            tpu.yield
          }) : () -> ()
          %add3A_289 = arith.constant 0 : i32
          %add3A_290 = arith.addi %add3A_288, %add3A_289 : i32
          %iota3A = tpu.iota {dimensions = array<i32: 0>} : vector<16xi32>
          %add3A_291 = vector.broadcast %add3A_290 : i32 to vector<16xi32>
          %add3A_292 = arith.addi %add3A_291, %iota3A : vector<16xi32>
          %ge3A = vector.broadcast %squeeze3A_185 : i32 to vector<16xi32>
          %ge3A_293 = arith.cmpi sge, %add3A_292, %ge3A : vector<16xi32>
          %lt3A_294 = vector.broadcast %squeeze3A_190 : i32 to vector<16xi32>
          %lt3A_295 = arith.cmpi slt, %add3A_292, %lt3A_294 : vector<16xi32>
          %and3A_296 = arith.andi %ge3A_293, %lt3A_295 : vector<16xi1>
          %iota3A_297 = tpu.iota {dimensions = array<i32: 0>} : vector<16xi32>
          %add3A_298 = arith.constant 0 : i32
          %add3A_299 = vector.broadcast %add3A_298 : i32 to vector<16xi32>
          %add3A_300 = arith.addi %iota3A_297, %add3A_299 : vector<16xi32>
          %get3A_301 = arith.constant 0 : index
          %get3A_302 = tpu.vector_load %arg12[%get3A_301] {strides = array<i32>} : memref<128xi32, #tpu.memory_space<vmem>>, vector<16xi32>,
          %get3A_303 = vector.shape_cast %get3A_302 : vector<16xi32> to vector<16xi32>
          %and3A_304 = arith.constant 16383 : i32
          %and3A_305 = vector.broadcast %and3A_304 : i32 to vector<16xi32>
          %and3A_306 = arith.andi %get3A_303, %and3A_305 : vector<16xi32>
          %add3A_307 = arith.constant 12160 : i32
          %add3A_308 = vector.broadcast %add3A_307 : i32 to vector<16xi32>
          %add3A_309 = arith.addi %add3A_308, %add3A_300 : vector<16xi32>
          %select_n3A_310 = arith.select %and3A_296, %and3A_306, %add3A_309 : vector<16xi1>, vector<16xi32>
          %swap3A = arith.constant 0 : index
          %swap3A_311 = tpu.vector_load %arg14[%swap3A] {strides = array<i32>} : memref<128xi32, #tpu.memory_space<vmem>>, vector<16xi32>,
          %swap3A_312 = vector.shape_cast %swap3A_311 : vector<16xi32> to vector<16xi32>
          %swap3A_313 = vector.shape_cast %select_n3A_310 : vector<16xi32> to vector<16xi32>
          tpu.vector_store %arg14[%swap3A], %swap3A_313 {strides = array<i32>} : memref<128xi32, #tpu.memory_space<vmem>>, vector<16xi32>,
          %shift_right_arithmetic3A = arith.constant 14 : i32
          %shift_right_arithmetic3A_314 = vector.broadcast %shift_right_arithmetic3A : i32 to vector<16xi32>
          %shift_right_arithmetic3A_315 = arith.shrsi %get3A_303, %shift_right_arithmetic3A_314 : vector<16xi32>
          %select_n3A_316 = arith.select %and3A_296, %shift_right_arithmetic3A_315, %add3A_300 : vector<16xi1>, vector<16xi32>
          %swap3A_317 = arith.constant 0 : index
          %swap3A_318 = tpu.vector_load %arg13[%swap3A_317] {strides = array<i32>} : memref<128xi32, #tpu.memory_space<vmem>>, vector<16xi32>,
          %swap3A_319 = vector.shape_cast %swap3A_318 : vector<16xi32> to vector<16xi32>
          %swap3A_320 = vector.shape_cast %select_n3A_316 : vector<16xi32> to vector<16xi32>
          tpu.vector_store %arg13[%swap3A_317], %swap3A_320 {strides = array<i32>} : memref<128xi32, #tpu.memory_space<vmem>>, vector<16xi32>,
          %add3A_321 = arith.constant 16 : i32
          %add3A_322 = arith.addi %add3A_288, %add3A_321 : i32
          %iota3A_323 = tpu.iota {dimensions = array<i32: 0>} : vector<16xi32>
          %add3A_324 = vector.broadcast %add3A_322 : i32 to vector<16xi32>
          %add3A_325 = arith.addi %add3A_324, %iota3A_323 : vector<16xi32>
          %ge3A_326 = vector.broadcast %squeeze3A_185 : i32 to vector<16xi32>
          %ge3A_327 = arith.cmpi sge, %add3A_325, %ge3A_326 : vector<16xi32>
          %lt3A_328 = vector.broadcast %squeeze3A_190 : i32 to vector<16xi32>
          %lt3A_329 = arith.cmpi slt, %add3A_325, %lt3A_328 : vector<16xi32>
          %and3A_330 = arith.andi %ge3A_327, %lt3A_329 : vector<16xi1>
          %iota3A_331 = tpu.iota {dimensions = array<i32: 0>} : vector<16xi32>
          %add3A_332 = arith.constant 16 : i32
          %add3A_333 = vector.broadcast %add3A_332 : i32 to vector<16xi32>
          %add3A_334 = arith.addi %iota3A_331, %add3A_333 : vector<16xi32>
          %get3A_335 = arith.constant 16 : index
          %get3A_336 = tpu.vector_load %arg12[%get3A_335] {strides = array<i32>} : memref<128xi32, #tpu.memory_space<vmem>>, vector<16xi32>,
          %get3A_337 = vector.shape_cast %get3A_336 : vector<16xi32> to vector<16xi32>
          %and3A_338 = arith.constant 16383 : i32
          %and3A_339 = vector.broadcast %and3A_338 : i32 to vector<16xi32>
          %and3A_340 = arith.andi %get3A_337, %and3A_339 : vector<16xi32>
          %add3A_341 = arith.constant 12160 : i32
          %add3A_342 = vector.broadcast %add3A_341 : i32 to vector<16xi32>
          %add3A_343 = arith.addi %add3A_342, %add3A_334 : vector<16xi32>
          %select_n3A_344 = arith.select %and3A_330, %and3A_340, %add3A_343 : vector<16xi1>, vector<16xi32>
          %swap3A_345 = arith.constant 16 : index
          %swap3A_346 = tpu.vector_load %arg14[%swap3A_345] {strides = array<i32>} : memref<128xi32, #tpu.memory_space<vmem>>, vector<16xi32>,
          %swap3A_347 = vector.shape_cast %swap3A_346 : vector<16xi32> to vector<16xi32>
          %swap3A_348 = vector.shape_cast %select_n3A_344 : vector<16xi32> to vector<16xi32>
          tpu.vector_store %arg14[%swap3A_345], %swap3A_348 {strides = array<i32>} : memref<128xi32, #tpu.memory_space<vmem>>, vector<16xi32>,
          %shift_right_arithmetic3A_349 = arith.constant 14 : i32
          %shift_right_arithmetic3A_350 = vector.broadcast %shift_right_arithmetic3A_349 : i32 to vector<16xi32>
          %shift_right_arithmetic3A_351 = arith.shrsi %get3A_337, %shift_right_arithmetic3A_350 : vector<16xi32>
          %select_n3A_352 = arith.select %and3A_330, %shift_right_arithmetic3A_351, %add3A_334 : vector<16xi1>, vector<16xi32>
          %swap3A_353 = arith.constant 16 : index
          %swap3A_354 = tpu.vector_load %arg13[%swap3A_353] {strides = array<i32>} : memref<128xi32, #tpu.memory_space<vmem>>, vector<16xi32>,
          %swap3A_355 = vector.shape_cast %swap3A_354 : vector<16xi32> to vector<16xi32>
          %swap3A_356 = vector.shape_cast %select_n3A_352 : vector<16xi32> to vector<16xi32>
          tpu.vector_store %arg13[%swap3A_353], %swap3A_356 {strides = array<i32>} : memref<128xi32, #tpu.memory_space<vmem>>, vector<16xi32>,
          %add3A_357 = arith.constant 32 : i32
          %add3A_358 = arith.addi %add3A_288, %add3A_357 : i32
          %iota3A_359 = tpu.iota {dimensions = array<i32: 0>} : vector<16xi32>
          %add3A_360 = vector.broadcast %add3A_358 : i32 to vector<16xi32>
          %add3A_361 = arith.addi %add3A_360, %iota3A_359 : vector<16xi32>
          %ge3A_362 = vector.broadcast %squeeze3A_185 : i32 to vector<16xi32>
          %ge3A_363 = arith.cmpi sge, %add3A_361, %ge3A_362 : vector<16xi32>
          %lt3A_364 = vector.broadcast %squeeze3A_190 : i32 to vector<16xi32>
          %lt3A_365 = arith.cmpi slt, %add3A_361, %lt3A_364 : vector<16xi32>
          %and3A_366 = arith.andi %ge3A_363, %lt3A_365 : vector<16xi1>
          %iota3A_367 = tpu.iota {dimensions = array<i32: 0>} : vector<16xi32>
          %add3A_368 = arith.constant 32 : i32
          %add3A_369 = vector.broadcast %add3A_368 : i32 to vector<16xi32>
          %add3A_370 = arith.addi %iota3A_367, %add3A_369 : vector<16xi32>
          %get3A_371 = arith.constant 32 : index
          %get3A_372 = tpu.vector_load %arg12[%get3A_371] {strides = array<i32>} : memref<128xi32, #tpu.memory_space<vmem>>, vector<16xi32>,
          %get3A_373 = vector.shape_cast %get3A_372 : vector<16xi32> to vector<16xi32>
          %and3A_374 = arith.constant 16383 : i32
          %and3A_375 = vector.broadcast %and3A_374 : i32 to vector<16xi32>
          %and3A_376 = arith.andi %get3A_373, %and3A_375 : vector<16xi32>
          %add3A_377 = arith.constant 12160 : i32
          %add3A_378 = vector.broadcast %add3A_377 : i32 to vector<16xi32>
          %add3A_379 = arith.addi %add3A_378, %add3A_370 : vector<16xi32>
          %select_n3A_380 = arith.select %and3A_366, %and3A_376, %add3A_379 : vector<16xi1>, vector<16xi32>
          %swap3A_381 = arith.constant 32 : index
          %swap3A_382 = tpu.vector_load %arg14[%swap3A_381] {strides = array<i32>} : memref<128xi32, #tpu.memory_space<vmem>>, vector<16xi32>,
          %swap3A_383 = vector.shape_cast %swap3A_382 : vector<16xi32> to vector<16xi32>
          %swap3A_384 = vector.shape_cast %select_n3A_380 : vector<16xi32> to vector<16xi32>
          tpu.vector_store %arg14[%swap3A_381], %swap3A_384 {strides = array<i32>} : memref<128xi32, #tpu.memory_space<vmem>>, vector<16xi32>,
          %shift_right_arithmetic3A_385 = arith.constant 14 : i32
          %shift_right_arithmetic3A_386 = vector.broadcast %shift_right_arithmetic3A_385 : i32 to vector<16xi32>
          %shift_right_arithmetic3A_387 = arith.shrsi %get3A_373, %shift_right_arithmetic3A_386 : vector<16xi32>
          %select_n3A_388 = arith.select %and3A_366, %shift_right_arithmetic3A_387, %add3A_370 : vector<16xi1>, vector<16xi32>
          %swap3A_389 = arith.constant 32 : index
          %swap3A_390 = tpu.vector_load %arg13[%swap3A_389] {strides = array<i32>} : memref<128xi32, #tpu.memory_space<vmem>>, vector<16xi32>,
          %swap3A_391 = vector.shape_cast %swap3A_390 : vector<16xi32> to vector<16xi32>
          %swap3A_392 = vector.shape_cast %select_n3A_388 : vector<16xi32> to vector<16xi32>
          tpu.vector_store %arg13[%swap3A_389], %swap3A_392 {strides = array<i32>} : memref<128xi32, #tpu.memory_space<vmem>>, vector<16xi32>,
          %add3A_393 = arith.constant 48 : i32
          %add3A_394 = arith.addi %add3A_288, %add3A_393 : i32
          %iota3A_395 = tpu.iota {dimensions = array<i32: 0>} : vector<16xi32>
          %add3A_396 = vector.broadcast %add3A_394 : i32 to vector<16xi32>
          %add3A_397 = arith.addi %add3A_396, %iota3A_395 : vector<16xi32>
          %ge3A_398 = vector.broadcast %squeeze3A_185 : i32 to vector<16xi32>
          %ge3A_399 = arith.cmpi sge, %add3A_397, %ge3A_398 : vector<16xi32>
          %lt3A_400 = vector.broadcast %squeeze3A_190 : i32 to vector<16xi32>
          %lt3A_401 = arith.cmpi slt, %add3A_397, %lt3A_400 : vector<16xi32>
          %and3A_402 = arith.andi %ge3A_399, %lt3A_401 : vector<16xi1>
          %iota3A_403 = tpu.iota {dimensions = array<i32: 0>} : vector<16xi32>
          %add3A_404 = arith.constant 48 : i32
          %add3A_405 = vector.broadcast %add3A_404 : i32 to vector<16xi32>
          %add3A_406 = arith.addi %iota3A_403, %add3A_405 : vector<16xi32>
          %get3A_407 = arith.constant 48 : index
          %get3A_408 = tpu.vector_load %arg12[%get3A_407] {strides = array<i32>} : memref<128xi32, #tpu.memory_space<vmem>>, vector<16xi32>,
          %get3A_409 = vector.shape_cast %get3A_408 : vector<16xi32> to vector<16xi32>
          %and3A_410 = arith.constant 16383 : i32
          %and3A_411 = vector.broadcast %and3A_410 : i32 to vector<16xi32>
          %and3A_412 = arith.andi %get3A_409, %and3A_411 : vector<16xi32>
          %add3A_413 = arith.constant 12160 : i32
          %add3A_414 = vector.broadcast %add3A_413 : i32 to vector<16xi32>
          %add3A_415 = arith.addi %add3A_414, %add3A_406 : vector<16xi32>
          %select_n3A_416 = arith.select %and3A_402, %and3A_412, %add3A_415 : vector<16xi1>, vector<16xi32>
          %swap3A_417 = arith.constant 48 : index
          %swap3A_418 = tpu.vector_load %arg14[%swap3A_417] {strides = array<i32>} : memref<128xi32, #tpu.memory_space<vmem>>, vector<16xi32>,
          %swap3A_419 = vector.shape_cast %swap3A_418 : vector<16xi32> to vector<16xi32>
          %swap3A_420 = vector.shape_cast %select_n3A_416 : vector<16xi32> to vector<16xi32>
          tpu.vector_store %arg14[%swap3A_417], %swap3A_420 {strides = array<i32>} : memref<128xi32, #tpu.memory_space<vmem>>, vector<16xi32>,
          %shift_right_arithmetic3A_421 = arith.constant 14 : i32
          %shift_right_arithmetic3A_422 = vector.broadcast %shift_right_arithmetic3A_421 : i32 to vector<16xi32>
          %shift_right_arithmetic3A_423 = arith.shrsi %get3A_409, %shift_right_arithmetic3A_422 : vector<16xi32>
          %select_n3A_424 = arith.select %and3A_402, %shift_right_arithmetic3A_423, %add3A_406 : vector<16xi1>, vector<16xi32>
          %swap3A_425 = arith.constant 48 : index
          %swap3A_426 = tpu.vector_load %arg13[%swap3A_425] {strides = array<i32>} : memref<128xi32, #tpu.memory_space<vmem>>, vector<16xi32>,
          %swap3A_427 = vector.shape_cast %swap3A_426 : vector<16xi32> to vector<16xi32>
          %swap3A_428 = vector.shape_cast %select_n3A_424 : vector<16xi32> to vector<16xi32>
          tpu.vector_store %arg13[%swap3A_425], %swap3A_428 {strides = array<i32>} : memref<128xi32, #tpu.memory_space<vmem>>, vector<16xi32>,
          %add3A_429 = arith.constant 64 : i32
          %add3A_430 = arith.addi %add3A_288, %add3A_429 : i32
          %iota3A_431 = tpu.iota {dimensions = array<i32: 0>} : vector<16xi32>
          %add3A_432 = vector.broadcast %add3A_430 : i32 to vector<16xi32>
          %add3A_433 = arith.addi %add3A_432, %iota3A_431 : vector<16xi32>
          %ge3A_434 = vector.broadcast %squeeze3A_185 : i32 to vector<16xi32>
          %ge3A_435 = arith.cmpi sge, %add3A_433, %ge3A_434 : vector<16xi32>
          %lt3A_436 = vector.broadcast %squeeze3A_190 : i32 to vector<16xi32>
          %lt3A_437 = arith.cmpi slt, %add3A_433, %lt3A_436 : vector<16xi32>
          %and3A_438 = arith.andi %ge3A_435, %lt3A_437 : vector<16xi1>
          %iota3A_439 = tpu.iota {dimensions = array<i32: 0>} : vector<16xi32>
          %add3A_440 = arith.constant 64 : i32
          %add3A_441 = vector.broadcast %add3A_440 : i32 to vector<16xi32>
          %add3A_442 = arith.addi %iota3A_439, %add3A_441 : vector<16xi32>
          %get3A_443 = arith.constant 64 : index
          %get3A_444 = tpu.vector_load %arg12[%get3A_443] {strides = array<i32>} : memref<128xi32, #tpu.memory_space<vmem>>, vector<16xi32>,
          %get3A_445 = vector.shape_cast %get3A_444 : vector<16xi32> to vector<16xi32>
          %and3A_446 = arith.constant 16383 : i32
          %and3A_447 = vector.broadcast %and3A_446 : i32 to vector<16xi32>
          %and3A_448 = arith.andi %get3A_445, %and3A_447 : vector<16xi32>
          %add3A_449 = arith.constant 12160 : i32
          %add3A_450 = vector.broadcast %add3A_449 : i32 to vector<16xi32>
          %add3A_451 = arith.addi %add3A_450, %add3A_442 : vector<16xi32>
          %select_n3A_452 = arith.select %and3A_438, %and3A_448, %add3A_451 : vector<16xi1>, vector<16xi32>
          %swap3A_453 = arith.constant 64 : index
          %swap3A_454 = tpu.vector_load %arg14[%swap3A_453] {strides = array<i32>} : memref<128xi32, #tpu.memory_space<vmem>>, vector<16xi32>,
          %swap3A_455 = vector.shape_cast %swap3A_454 : vector<16xi32> to vector<16xi32>
          %swap3A_456 = vector.shape_cast %select_n3A_452 : vector<16xi32> to vector<16xi32>
          tpu.vector_store %arg14[%swap3A_453], %swap3A_456 {strides = array<i32>} : memref<128xi32, #tpu.memory_space<vmem>>, vector<16xi32>,
          %shift_right_arithmetic3A_457 = arith.constant 14 : i32
          %shift_right_arithmetic3A_458 = vector.broadcast %shift_right_arithmetic3A_457 : i32 to vector<16xi32>
          %shift_right_arithmetic3A_459 = arith.shrsi %get3A_445, %shift_right_arithmetic3A_458 : vector<16xi32>
          %select_n3A_460 = arith.select %and3A_438, %shift_right_arithmetic3A_459, %add3A_442 : vector<16xi1>, vector<16xi32>
          %swap3A_461 = arith.constant 64 : index
          %swap3A_462 = tpu.vector_load %arg13[%swap3A_461] {strides = array<i32>} : memref<128xi32, #tpu.memory_space<vmem>>, vector<16xi32>,
          %swap3A_463 = vector.shape_cast %swap3A_462 : vector<16xi32> to vector<16xi32>
          %swap3A_464 = vector.shape_cast %select_n3A_460 : vector<16xi32> to vector<16xi32>
          tpu.vector_store %arg13[%swap3A_461], %swap3A_464 {strides = array<i32>} : memref<128xi32, #tpu.memory_space<vmem>>, vector<16xi32>,
          %add3A_465 = arith.constant 80 : i32
          %add3A_466 = arith.addi %add3A_288, %add3A_465 : i32
          %iota3A_467 = tpu.iota {dimensions = array<i32: 0>} : vector<16xi32>
          %add3A_468 = vector.broadcast %add3A_466 : i32 to vector<16xi32>
          %add3A_469 = arith.addi %add3A_468, %iota3A_467 : vector<16xi32>
          %ge3A_470 = vector.broadcast %squeeze3A_185 : i32 to vector<16xi32>
          %ge3A_471 = arith.cmpi sge, %add3A_469, %ge3A_470 : vector<16xi32>
          %lt3A_472 = vector.broadcast %squeeze3A_190 : i32 to vector<16xi32>
          %lt3A_473 = arith.cmpi slt, %add3A_469, %lt3A_472 : vector<16xi32>
          %and3A_474 = arith.andi %ge3A_471, %lt3A_473 : vector<16xi1>
          %iota3A_475 = tpu.iota {dimensions = array<i32: 0>} : vector<16xi32>
          %add3A_476 = arith.constant 80 : i32
          %add3A_477 = vector.broadcast %add3A_476 : i32 to vector<16xi32>
          %add3A_478 = arith.addi %iota3A_475, %add3A_477 : vector<16xi32>
          %get3A_479 = arith.constant 80 : index
          %get3A_480 = tpu.vector_load %arg12[%get3A_479] {strides = array<i32>} : memref<128xi32, #tpu.memory_space<vmem>>, vector<16xi32>,
          %get3A_481 = vector.shape_cast %get3A_480 : vector<16xi32> to vector<16xi32>
          %and3A_482 = arith.constant 16383 : i32
          %and3A_483 = vector.broadcast %and3A_482 : i32 to vector<16xi32>
          %and3A_484 = arith.andi %get3A_481, %and3A_483 : vector<16xi32>
          %add3A_485 = arith.constant 12160 : i32
          %add3A_486 = vector.broadcast %add3A_485 : i32 to vector<16xi32>
          %add3A_487 = arith.addi %add3A_486, %add3A_478 : vector<16xi32>
          %select_n3A_488 = arith.select %and3A_474, %and3A_484, %add3A_487 : vector<16xi1>, vector<16xi32>
          %swap3A_489 = arith.constant 80 : index
          %swap3A_490 = tpu.vector_load %arg14[%swap3A_489] {strides = array<i32>} : memref<128xi32, #tpu.memory_space<vmem>>, vector<16xi32>,
          %swap3A_491 = vector.shape_cast %swap3A_490 : vector<16xi32> to vector<16xi32>
          %swap3A_492 = vector.shape_cast %select_n3A_488 : vector<16xi32> to vector<16xi32>
          tpu.vector_store %arg14[%swap3A_489], %swap3A_492 {strides = array<i32>} : memref<128xi32, #tpu.memory_space<vmem>>, vector<16xi32>,
          %shift_right_arithmetic3A_493 = arith.constant 14 : i32
          %shift_right_arithmetic3A_494 = vector.broadcast %shift_right_arithmetic3A_493 : i32 to vector<16xi32>
          %shift_right_arithmetic3A_495 = arith.shrsi %get3A_481, %shift_right_arithmetic3A_494 : vector<16xi32>
          %select_n3A_496 = arith.select %and3A_474, %shift_right_arithmetic3A_495, %add3A_478 : vector<16xi1>, vector<16xi32>
          %swap3A_497 = arith.constant 80 : index
          %swap3A_498 = tpu.vector_load %arg13[%swap3A_497] {strides = array<i32>} : memref<128xi32, #tpu.memory_space<vmem>>, vector<16xi32>,
          %swap3A_499 = vector.shape_cast %swap3A_498 : vector<16xi32> to vector<16xi32>
          %swap3A_500 = vector.shape_cast %select_n3A_496 : vector<16xi32> to vector<16xi32>
          tpu.vector_store %arg13[%swap3A_497], %swap3A_500 {strides = array<i32>} : memref<128xi32, #tpu.memory_space<vmem>>, vector<16xi32>,
          %add3A_501 = arith.constant 96 : i32
          %add3A_502 = arith.addi %add3A_288, %add3A_501 : i32
          %iota3A_503 = tpu.iota {dimensions = array<i32: 0>} : vector<16xi32>
          %add3A_504 = vector.broadcast %add3A_502 : i32 to vector<16xi32>
          %add3A_505 = arith.addi %add3A_504, %iota3A_503 : vector<16xi32>
          %ge3A_506 = vector.broadcast %squeeze3A_185 : i32 to vector<16xi32>
          %ge3A_507 = arith.cmpi sge, %add3A_505, %ge3A_506 : vector<16xi32>
          %lt3A_508 = vector.broadcast %squeeze3A_190 : i32 to vector<16xi32>
          %lt3A_509 = arith.cmpi slt, %add3A_505, %lt3A_508 : vector<16xi32>
          %and3A_510 = arith.andi %ge3A_507, %lt3A_509 : vector<16xi1>
          %iota3A_511 = tpu.iota {dimensions = array<i32: 0>} : vector<16xi32>
          %add3A_512 = arith.constant 96 : i32
          %add3A_513 = vector.broadcast %add3A_512 : i32 to vector<16xi32>
          %add3A_514 = arith.addi %iota3A_511, %add3A_513 : vector<16xi32>
          %get3A_515 = arith.constant 96 : index
          %get3A_516 = tpu.vector_load %arg12[%get3A_515] {strides = array<i32>} : memref<128xi32, #tpu.memory_space<vmem>>, vector<16xi32>,
          %get3A_517 = vector.shape_cast %get3A_516 : vector<16xi32> to vector<16xi32>
          %and3A_518 = arith.constant 16383 : i32
          %and3A_519 = vector.broadcast %and3A_518 : i32 to vector<16xi32>
          %and3A_520 = arith.andi %get3A_517, %and3A_519 : vector<16xi32>
          %add3A_521 = arith.constant 12160 : i32
          %add3A_522 = vector.broadcast %add3A_521 : i32 to vector<16xi32>
          %add3A_523 = arith.addi %add3A_522, %add3A_514 : vector<16xi32>
          %select_n3A_524 = arith.select %and3A_510, %and3A_520, %add3A_523 : vector<16xi1>, vector<16xi32>
          %swap3A_525 = arith.constant 96 : index
          %swap3A_526 = tpu.vector_load %arg14[%swap3A_525] {strides = array<i32>} : memref<128xi32, #tpu.memory_space<vmem>>, vector<16xi32>,
          %swap3A_527 = vector.shape_cast %swap3A_526 : vector<16xi32> to vector<16xi32>
          %swap3A_528 = vector.shape_cast %select_n3A_524 : vector<16xi32> to vector<16xi32>
          tpu.vector_store %arg14[%swap3A_525], %swap3A_528 {strides = array<i32>} : memref<128xi32, #tpu.memory_space<vmem>>, vector<16xi32>,
          %shift_right_arithmetic3A_529 = arith.constant 14 : i32
          %shift_right_arithmetic3A_530 = vector.broadcast %shift_right_arithmetic3A_529 : i32 to vector<16xi32>
          %shift_right_arithmetic3A_531 = arith.shrsi %get3A_517, %shift_right_arithmetic3A_530 : vector<16xi32>
          %select_n3A_532 = arith.select %and3A_510, %shift_right_arithmetic3A_531, %add3A_514 : vector<16xi1>, vector<16xi32>
          %swap3A_533 = arith.constant 96 : index
          %swap3A_534 = tpu.vector_load %arg13[%swap3A_533] {strides = array<i32>} : memref<128xi32, #tpu.memory_space<vmem>>, vector<16xi32>,
          %swap3A_535 = vector.shape_cast %swap3A_534 : vector<16xi32> to vector<16xi32>
          %swap3A_536 = vector.shape_cast %select_n3A_532 : vector<16xi32> to vector<16xi32>
          tpu.vector_store %arg13[%swap3A_533], %swap3A_536 {strides = array<i32>} : memref<128xi32, #tpu.memory_space<vmem>>, vector<16xi32>,
          %add3A_537 = arith.constant 112 : i32
          %add3A_538 = arith.addi %add3A_288, %add3A_537 : i32
          %iota3A_539 = tpu.iota {dimensions = array<i32: 0>} : vector<16xi32>
          %add3A_540 = vector.broadcast %add3A_538 : i32 to vector<16xi32>
          %add3A_541 = arith.addi %add3A_540, %iota3A_539 : vector<16xi32>
          %ge3A_542 = vector.broadcast %squeeze3A_185 : i32 to vector<16xi32>
          %ge3A_543 = arith.cmpi sge, %add3A_541, %ge3A_542 : vector<16xi32>
          %lt3A_544 = vector.broadcast %squeeze3A_190 : i32 to vector<16xi32>
          %lt3A_545 = arith.cmpi slt, %add3A_541, %lt3A_544 : vector<16xi32>
          %and3A_546 = arith.andi %ge3A_543, %lt3A_545 : vector<16xi1>
          %iota3A_547 = tpu.iota {dimensions = array<i32: 0>} : vector<16xi32>
          %add3A_548 = arith.constant 112 : i32
          %add3A_549 = vector.broadcast %add3A_548 : i32 to vector<16xi32>
          %add3A_550 = arith.addi %iota3A_547, %add3A_549 : vector<16xi32>
          %get3A_551 = arith.constant 112 : index
          %get3A_552 = tpu.vector_load %arg12[%get3A_551] {strides = array<i32>} : memref<128xi32, #tpu.memory_space<vmem>>, vector<16xi32>,
          %get3A_553 = vector.shape_cast %get3A_552 : vector<16xi32> to vector<16xi32>
          %and3A_554 = arith.constant 16383 : i32
          %and3A_555 = vector.broadcast %and3A_554 : i32 to vector<16xi32>
          %and3A_556 = arith.andi %get3A_553, %and3A_555 : vector<16xi32>
          %add3A_557 = arith.constant 12160 : i32
          %add3A_558 = vector.broadcast %add3A_557 : i32 to vector<16xi32>
          %add3A_559 = arith.addi %add3A_558, %add3A_550 : vector<16xi32>
          %select_n3A_560 = arith.select %and3A_546, %and3A_556, %add3A_559 : vector<16xi1>, vector<16xi32>
          %swap3A_561 = arith.constant 112 : index
          %swap3A_562 = tpu.vector_load %arg14[%swap3A_561] {strides = array<i32>} : memref<128xi32, #tpu.memory_space<vmem>>, vector<16xi32>,
          %swap3A_563 = vector.shape_cast %swap3A_562 : vector<16xi32> to vector<16xi32>
          %swap3A_564 = vector.shape_cast %select_n3A_560 : vector<16xi32> to vector<16xi32>
          tpu.vector_store %arg14[%swap3A_561], %swap3A_564 {strides = array<i32>} : memref<128xi32, #tpu.memory_space<vmem>>, vector<16xi32>,
          %shift_right_arithmetic3A_565 = arith.constant 14 : i32
          %shift_right_arithmetic3A_566 = vector.broadcast %shift_right_arithmetic3A_565 : i32 to vector<16xi32>
          %shift_right_arithmetic3A_567 = arith.shrsi %get3A_553, %shift_right_arithmetic3A_566 : vector<16xi32>
          %select_n3A_568 = arith.select %and3A_546, %shift_right_arithmetic3A_567, %add3A_550 : vector<16xi1>, vector<16xi32>
          %swap3A_569 = arith.constant 112 : index
          %swap3A_570 = tpu.vector_load %arg13[%swap3A_569] {strides = array<i32>} : memref<128xi32, #tpu.memory_space<vmem>>, vector<16xi32>,
          %swap3A_571 = vector.shape_cast %swap3A_570 : vector<16xi32> to vector<16xi32>
          %swap3A_572 = vector.shape_cast %select_n3A_568 : vector<16xi32> to vector<16xi32>
          tpu.vector_store %arg13[%swap3A_569], %swap3A_572 {strides = array<i32>} : memref<128xi32, #tpu.memory_space<vmem>>, vector<16xi32>,
          %dma_start3A_573 = arith.constant 0 : i32
          %dma_start3A_574 = arith.constant 0 : i32
          %dma_start3A_575 = tpu.memref_slice %arg2[%dma_start3A_573, %dma_start3A_574] : memref<100000x128xf32, #tpu.memory_space<hbm>> -> memref<100000x128xf32, #tpu.memory_space<hbm>>
          tpu.enqueue_indirect_dma source(%dma_start3A_575 : memref<100000x128xf32, #tpu.memory_space<hbm>>) target(%arg15 : memref<128x128xf32, #tpu.memory_space<vmem>>) offsets(%arg13 : memref<128xi32, #tpu.memory_space<vmem>>) semaphore(%arg19 : memref<!tpu.dma_semaphore, #tpu.memory_space<semaphore_mem>>)
          %dma_wait3A_576 = arith.constant 0 : i32
          %dma_wait3A_577 = arith.constant 0 : i32
          %dma_wait3A_578 = tpu.memref_slice %arg2[%dma_wait3A_576, %dma_wait3A_577] : memref<100000x128xf32, #tpu.memory_space<hbm>> -> memref<100000x128xf32, #tpu.memory_space<hbm>>
          tpu.wait_indirect_dma semaphore(%arg19 : memref<!tpu.dma_semaphore, #tpu.memory_space<semaphore_mem>>) src(%dma_wait3A_578 : memref<100000x128xf32, #tpu.memory_space<hbm>>) dst(%arg15 : memref<128x128xf32, #tpu.memory_space<vmem>>)
          "tpu.region"() ({
            %run_scoped3A = tpu.sem_alloc : memref<!tpu.dma_semaphore, #tpu.memory_space<semaphore_mem>>
            %dma_start3A_579 = arith.constant 0 : i32
            %dma_start3A_580 = arith.constant 0 : i32
            %dma_start3A_581 = tpu.memref_slice %arg10[%dma_start3A_579, %dma_start3A_580] : memref<12288x128xf32, #tpu.memory_space<vmem_shared>> -> memref<12288x128xf32, #tpu.memory_space<vmem_shared>>
            tpu.enqueue_indirect_dma source(%arg15 : memref<128x128xf32, #tpu.memory_space<vmem>>) target(%dma_start3A_581 : memref<12288x128xf32, #tpu.memory_space<vmem_shared>>) offsets(%arg14 : memref<128xi32, #tpu.memory_space<vmem>>) semaphore(%run_scoped3A : memref<!tpu.dma_semaphore, #tpu.memory_space<semaphore_mem>>) {add = true}
            %dma_wait3A_582 = arith.constant 0 : i32
            %dma_wait3A_583 = arith.constant 0 : i32
            %dma_wait3A_584 = tpu.memref_slice %arg10[%dma_wait3A_582, %dma_wait3A_583] : memref<12288x128xf32, #tpu.memory_space<vmem_shared>> -> memref<12288x128xf32, #tpu.memory_space<vmem_shared>>
            tpu.wait_indirect_dma semaphore(%run_scoped3A : memref<!tpu.dma_semaphore, #tpu.memory_space<semaphore_mem>>) src(%arg15 : memref<128x128xf32, #tpu.memory_space<vmem>>) dst(%dma_wait3A_584 : memref<12288x128xf32, #tpu.memory_space<vmem_shared>>)
            tpu.yield
          }) : () -> ()
        }
        %mul3A_218 = arith.constant 2 : i32
        %mul3A_219 = arith.muli %mul3A_218, %add3A : i32
        %add3A_220 = arith.constant 1 : i32
        %add3A_221 = arith.addi %mul3A_219, %add3A_220 : i32
        %get3A_222 = arith.index_cast %add3A_221 : i32 to index
        %get3A_223 = tpu.vector_load %arg18[%get3A_222] {strides = array<i32>} : memref<80xi32, #tpu.memory_space<vmem>>, vector<16xi32>,
        %get3A_224 = vector.shape_cast %get3A_223 : vector<16xi32> to vector<16xi32>
        %slice3A_225 = vector.extract_strided_slice %get3A_224 {offsets = [0], sizes = [1], strides = [1]} : vector<16xi32> to vector<1xi32>
        %squeeze3A_226 = vector.extract %slice3A_225[0] : i32 from vector<1xi32>
        %get3A_227 = arith.index_cast %add3A_221 : i32 to index
        %get3A_228 = tpu.vector_load %arg16[%get3A_227] {strides = array<i32>} : memref<80xi32, #tpu.memory_space<vmem>>, vector<16xi32>,
        %get3A_229 = vector.shape_cast %get3A_228 : vector<16xi32> to vector<16xi32>
        %slice3A_230 = vector.extract_strided_slice %get3A_229 {offsets = [0], sizes = [1], strides = [1]} : vector<16xi32> to vector<1xi32>
        %squeeze3A_231 = vector.extract %slice3A_230[0] : i32 from vector<1xi32>
        %get3A_232 = arith.index_cast %add3A_221 : i32 to index
        %get3A_233 = tpu.vector_load %arg17[%get3A_232] {strides = array<i32>} : memref<80xi32, #tpu.memory_space<vmem>>, vector<16xi32>,
        %get3A_234 = vector.shape_cast %get3A_233 : vector<16xi32> to vector<16xi32>
        %slice3A_235 = vector.extract_strided_slice %get3A_234 {offsets = [0], sizes = [1], strides = [1]} : vector<16xi32> to vector<1xi32>
        %squeeze3A_236 = vector.extract %slice3A_235[0] : i32 from vector<1xi32>
        %jit3A_237 = arith.constant 128 : i32
        %div3A_238 = arith.divsi %squeeze3A_231, %jit3A_237 : i32
        %sign3A_239 = arith.constant 0 : i32
        %sign3A_240 = arith.cmpi sgt, %squeeze3A_231, %sign3A_239 : i32
        %sign3A_241 = arith.extui %sign3A_240 : i1 to i32
        %sign3A_242 = arith.constant 0 : i32
        %sign3A_243 = arith.cmpi slt, %squeeze3A_231, %sign3A_242 : i32
        %sign3A_244 = arith.extui %sign3A_243 : i1 to i32
        %sign3A_245 = arith.subi %sign3A_241, %sign3A_244 : i32
        %sign3A_246 = arith.constant 0 : i32
        %sign3A_247 = arith.cmpi sgt, %jit3A_237, %sign3A_246 : i32
        %sign3A_248 = arith.extui %sign3A_247 : i1 to i32
        %sign3A_249 = arith.constant 0 : i32
        %sign3A_250 = arith.cmpi slt, %jit3A_237, %sign3A_249 : i32
        %sign3A_251 = arith.extui %sign3A_250 : i1 to i32
        %sign3A_252 = arith.subi %sign3A_248, %sign3A_251 : i32
        %ne3A_253 = arith.cmpi ne, %sign3A_245, %sign3A_252 : i32
        %rem3A_254 = arith.remsi %squeeze3A_231, %jit3A_237 : i32
        %ne3A_255 = arith.constant 0 : i32
        %ne3A_256 = arith.cmpi ne, %rem3A_254, %ne3A_255 : i32
        %and3A_257 = arith.andi %ne3A_253, %ne3A_256 : i1
        %sub3A_258 = arith.constant 1 : i32
        %sub3A_259 = arith.subi %div3A_238, %sub3A_258 : i32
        %select_n3A_260 = arith.select %and3A_257, %sub3A_259, %div3A_238 : i32
        %mul3A_261 = arith.constant 128 : i32
        %mul3A_262 = arith.muli %select_n3A_260, %mul3A_261 : i32
        %while3A_263 = arith.constant 0 : i32
        %while3A_264 = arith.constant 0 : i32
        %while3A_265 = arith.subi %squeeze3A_226, %while3A_264 : i32
        %while3A_266 = arith.addi %while3A_264, %while3A_265 : i32
        %while3A_267 = arith.constant 1 : i32
        %while3A_268 = arith.divsi %while3A_265, %while3A_267 : i32
        %while3A_269 = arith.muli %while3A_268, %while3A_267 : i32
        %while3A_270 = arith.addi %while3A_264, %while3A_269 : i32
        %while3A_271 = arith.constant 1 : i32
        scf.for %while3A_282 = %while3A_264 to %while3A_270 step %while3A_271  : i32 {
          %mul3A_283 = arith.constant 2048 : i32
          %mul3A_284 = arith.muli %while3A_282, %mul3A_283 : i32
          %add3A_285 = arith.addi %mul3A_262, %mul3A_284 : i32
          %mul3A_286 = arith.constant 128 : i32
          %mul3A_287 = arith.muli %arg1, %mul3A_286 : i32
          %add3A_288 = arith.addi %add3A_285, %mul3A_287 : i32
          "tpu.region"() ({
            %run_scoped3A = tpu.sem_alloc : memref<!tpu.dma_semaphore, #tpu.memory_space<semaphore_mem>>
            %dma_start3A_579 = tpu.memref_slice %arg4[%add3A_288] : memref<223232xi32, #tpu.memory_space<hbm>> -> memref<128xi32, #tpu.memory_space<hbm>>
            %dma_start3A_580 = tpu.memref_slice %arg4[%add3A_288] : memref<223232xi32, #tpu.memory_space<hbm>> -> memref<128xi32, #tpu.memory_space<hbm>>
            tpu.enqueue_dma source(%dma_start3A_580 : memref<128xi32, #tpu.memory_space<hbm>>) target(%arg12 : memref<128xi32, #tpu.memory_space<vmem>>) target_semaphore(%run_scoped3A : memref<!tpu.dma_semaphore, #tpu.memory_space<semaphore_mem>>)
            %dma_wait3A_581 = tpu.memref_slice %arg4[%add3A_288] : memref<223232xi32, #tpu.memory_space<hbm>> -> memref<128xi32, #tpu.memory_space<hbm>>
            %dma_wait3A_582 = tpu.memref_slice %arg4[%add3A_288] : memref<223232xi32, #tpu.memory_space<hbm>> -> memref<128xi32, #tpu.memory_space<hbm>>
            tpu.wait_dma2 semaphore(%run_scoped3A : memref<!tpu.dma_semaphore, #tpu.memory_space<semaphore_mem>>) src(%dma_wait3A_582 : memref<128xi32, #tpu.memory_space<hbm>>) dst(%arg12 : memref<128xi32, #tpu.memory_space<vmem>>)
            tpu.yield
          }) : () -> ()
          %add3A_289 = arith.constant 0 : i32
          %add3A_290 = arith.addi %add3A_288, %add3A_289 : i32
          %iota3A = tpu.iota {dimensions = array<i32: 0>} : vector<16xi32>
          %add3A_291 = vector.broadcast %add3A_290 : i32 to vector<16xi32>
          %add3A_292 = arith.addi %add3A_291, %iota3A : vector<16xi32>
          %ge3A = vector.broadcast %squeeze3A_231 : i32 to vector<16xi32>
          %ge3A_293 = arith.cmpi sge, %add3A_292, %ge3A : vector<16xi32>
          %lt3A_294 = vector.broadcast %squeeze3A_236 : i32 to vector<16xi32>
          %lt3A_295 = arith.cmpi slt, %add3A_292, %lt3A_294 : vector<16xi32>
          %and3A_296 = arith.andi %ge3A_293, %lt3A_295 : vector<16xi1>
          %iota3A_297 = tpu.iota {dimensions = array<i32: 0>} : vector<16xi32>
          %add3A_298 = arith.constant 0 : i32
          %add3A_299 = vector.broadcast %add3A_298 : i32 to vector<16xi32>
          %add3A_300 = arith.addi %iota3A_297, %add3A_299 : vector<16xi32>
          %get3A_301 = arith.constant 0 : index
          %get3A_302 = tpu.vector_load %arg12[%get3A_301] {strides = array<i32>} : memref<128xi32, #tpu.memory_space<vmem>>, vector<16xi32>,
          %get3A_303 = vector.shape_cast %get3A_302 : vector<16xi32> to vector<16xi32>
          %and3A_304 = arith.constant 16383 : i32
          %and3A_305 = vector.broadcast %and3A_304 : i32 to vector<16xi32>
          %and3A_306 = arith.andi %get3A_303, %and3A_305 : vector<16xi32>
          %add3A_307 = arith.constant 12160 : i32
          %add3A_308 = vector.broadcast %add3A_307 : i32 to vector<16xi32>
          %add3A_309 = arith.addi %add3A_308, %add3A_300 : vector<16xi32>
          %select_n3A_310 = arith.select %and3A_296, %and3A_306, %add3A_309 : vector<16xi1>, vector<16xi32>
          %swap3A = arith.constant 0 : index
          %swap3A_311 = tpu.vector_load %arg14[%swap3A] {strides = array<i32>} : memref<128xi32, #tpu.memory_space<vmem>>, vector<16xi32>,
          %swap3A_312 = vector.shape_cast %swap3A_311 : vector<16xi32> to vector<16xi32>
          %swap3A_313 = vector.shape_cast %select_n3A_310 : vector<16xi32> to vector<16xi32>
          tpu.vector_store %arg14[%swap3A], %swap3A_313 {strides = array<i32>} : memref<128xi32, #tpu.memory_space<vmem>>, vector<16xi32>,
          %shift_right_arithmetic3A = arith.constant 14 : i32
          %shift_right_arithmetic3A_314 = vector.broadcast %shift_right_arithmetic3A : i32 to vector<16xi32>
          %shift_right_arithmetic3A_315 = arith.shrsi %get3A_303, %shift_right_arithmetic3A_314 : vector<16xi32>
          %select_n3A_316 = arith.select %and3A_296, %shift_right_arithmetic3A_315, %add3A_300 : vector<16xi1>, vector<16xi32>
          %swap3A_317 = arith.constant 0 : index
          %swap3A_318 = tpu.vector_load %arg13[%swap3A_317] {strides = array<i32>} : memref<128xi32, #tpu.memory_space<vmem>>, vector<16xi32>,
          %swap3A_319 = vector.shape_cast %swap3A_318 : vector<16xi32> to vector<16xi32>
          %swap3A_320 = vector.shape_cast %select_n3A_316 : vector<16xi32> to vector<16xi32>
          tpu.vector_store %arg13[%swap3A_317], %swap3A_320 {strides = array<i32>} : memref<128xi32, #tpu.memory_space<vmem>>, vector<16xi32>,
          %add3A_321 = arith.constant 16 : i32
          %add3A_322 = arith.addi %add3A_288, %add3A_321 : i32
          %iota3A_323 = tpu.iota {dimensions = array<i32: 0>} : vector<16xi32>
          %add3A_324 = vector.broadcast %add3A_322 : i32 to vector<16xi32>
          %add3A_325 = arith.addi %add3A_324, %iota3A_323 : vector<16xi32>
          %ge3A_326 = vector.broadcast %squeeze3A_231 : i32 to vector<16xi32>
          %ge3A_327 = arith.cmpi sge, %add3A_325, %ge3A_326 : vector<16xi32>
          %lt3A_328 = vector.broadcast %squeeze3A_236 : i32 to vector<16xi32>
          %lt3A_329 = arith.cmpi slt, %add3A_325, %lt3A_328 : vector<16xi32>
          %and3A_330 = arith.andi %ge3A_327, %lt3A_329 : vector<16xi1>
          %iota3A_331 = tpu.iota {dimensions = array<i32: 0>} : vector<16xi32>
          %add3A_332 = arith.constant 16 : i32
          %add3A_333 = vector.broadcast %add3A_332 : i32 to vector<16xi32>
          %add3A_334 = arith.addi %iota3A_331, %add3A_333 : vector<16xi32>
          %get3A_335 = arith.constant 16 : index
          %get3A_336 = tpu.vector_load %arg12[%get3A_335] {strides = array<i32>} : memref<128xi32, #tpu.memory_space<vmem>>, vector<16xi32>,
          %get3A_337 = vector.shape_cast %get3A_336 : vector<16xi32> to vector<16xi32>
          %and3A_338 = arith.constant 16383 : i32
          %and3A_339 = vector.broadcast %and3A_338 : i32 to vector<16xi32>
          %and3A_340 = arith.andi %get3A_337, %and3A_339 : vector<16xi32>
          %add3A_341 = arith.constant 12160 : i32
          %add3A_342 = vector.broadcast %add3A_341 : i32 to vector<16xi32>
          %add3A_343 = arith.addi %add3A_342, %add3A_334 : vector<16xi32>
          %select_n3A_344 = arith.select %and3A_330, %and3A_340, %add3A_343 : vector<16xi1>, vector<16xi32>
          %swap3A_345 = arith.constant 16 : index
          %swap3A_346 = tpu.vector_load %arg14[%swap3A_345] {strides = array<i32>} : memref<128xi32, #tpu.memory_space<vmem>>, vector<16xi32>,
          %swap3A_347 = vector.shape_cast %swap3A_346 : vector<16xi32> to vector<16xi32>
          %swap3A_348 = vector.shape_cast %select_n3A_344 : vector<16xi32> to vector<16xi32>
          tpu.vector_store %arg14[%swap3A_345], %swap3A_348 {strides = array<i32>} : memref<128xi32, #tpu.memory_space<vmem>>, vector<16xi32>,
          %shift_right_arithmetic3A_349 = arith.constant 14 : i32
          %shift_right_arithmetic3A_350 = vector.broadcast %shift_right_arithmetic3A_349 : i32 to vector<16xi32>
          %shift_right_arithmetic3A_351 = arith.shrsi %get3A_337, %shift_right_arithmetic3A_350 : vector<16xi32>
          %select_n3A_352 = arith.select %and3A_330, %shift_right_arithmetic3A_351, %add3A_334 : vector<16xi1>, vector<16xi32>
          %swap3A_353 = arith.constant 16 : index
          %swap3A_354 = tpu.vector_load %arg13[%swap3A_353] {strides = array<i32>} : memref<128xi32, #tpu.memory_space<vmem>>, vector<16xi32>,
          %swap3A_355 = vector.shape_cast %swap3A_354 : vector<16xi32> to vector<16xi32>
          %swap3A_356 = vector.shape_cast %select_n3A_352 : vector<16xi32> to vector<16xi32>
          tpu.vector_store %arg13[%swap3A_353], %swap3A_356 {strides = array<i32>} : memref<128xi32, #tpu.memory_space<vmem>>, vector<16xi32>,
          %add3A_357 = arith.constant 32 : i32
          %add3A_358 = arith.addi %add3A_288, %add3A_357 : i32
          %iota3A_359 = tpu.iota {dimensions = array<i32: 0>} : vector<16xi32>
          %add3A_360 = vector.broadcast %add3A_358 : i32 to vector<16xi32>
          %add3A_361 = arith.addi %add3A_360, %iota3A_359 : vector<16xi32>
          %ge3A_362 = vector.broadcast %squeeze3A_231 : i32 to vector<16xi32>
          %ge3A_363 = arith.cmpi sge, %add3A_361, %ge3A_362 : vector<16xi32>
          %lt3A_364 = vector.broadcast %squeeze3A_236 : i32 to vector<16xi32>
          %lt3A_365 = arith.cmpi slt, %add3A_361, %lt3A_364 : vector<16xi32>
          %and3A_366 = arith.andi %ge3A_363, %lt3A_365 : vector<16xi1>
          %iota3A_367 = tpu.iota {dimensions = array<i32: 0>} : vector<16xi32>
          %add3A_368 = arith.constant 32 : i32
          %add3A_369 = vector.broadcast %add3A_368 : i32 to vector<16xi32>
          %add3A_370 = arith.addi %iota3A_367, %add3A_369 : vector<16xi32>
          %get3A_371 = arith.constant 32 : index
          %get3A_372 = tpu.vector_load %arg12[%get3A_371] {strides = array<i32>} : memref<128xi32, #tpu.memory_space<vmem>>, vector<16xi32>,
          %get3A_373 = vector.shape_cast %get3A_372 : vector<16xi32> to vector<16xi32>
          %and3A_374 = arith.constant 16383 : i32
          %and3A_375 = vector.broadcast %and3A_374 : i32 to vector<16xi32>
          %and3A_376 = arith.andi %get3A_373, %and3A_375 : vector<16xi32>
          %add3A_377 = arith.constant 12160 : i32
          %add3A_378 = vector.broadcast %add3A_377 : i32 to vector<16xi32>
          %add3A_379 = arith.addi %add3A_378, %add3A_370 : vector<16xi32>
          %select_n3A_380 = arith.select %and3A_366, %and3A_376, %add3A_379 : vector<16xi1>, vector<16xi32>
          %swap3A_381 = arith.constant 32 : index
          %swap3A_382 = tpu.vector_load %arg14[%swap3A_381] {strides = array<i32>} : memref<128xi32, #tpu.memory_space<vmem>>, vector<16xi32>,
          %swap3A_383 = vector.shape_cast %swap3A_382 : vector<16xi32> to vector<16xi32>
          %swap3A_384 = vector.shape_cast %select_n3A_380 : vector<16xi32> to vector<16xi32>
          tpu.vector_store %arg14[%swap3A_381], %swap3A_384 {strides = array<i32>} : memref<128xi32, #tpu.memory_space<vmem>>, vector<16xi32>,
          %shift_right_arithmetic3A_385 = arith.constant 14 : i32
          %shift_right_arithmetic3A_386 = vector.broadcast %shift_right_arithmetic3A_385 : i32 to vector<16xi32>
          %shift_right_arithmetic3A_387 = arith.shrsi %get3A_373, %shift_right_arithmetic3A_386 : vector<16xi32>
          %select_n3A_388 = arith.select %and3A_366, %shift_right_arithmetic3A_387, %add3A_370 : vector<16xi1>, vector<16xi32>
          %swap3A_389 = arith.constant 32 : index
          %swap3A_390 = tpu.vector_load %arg13[%swap3A_389] {strides = array<i32>} : memref<128xi32, #tpu.memory_space<vmem>>, vector<16xi32>,
          %swap3A_391 = vector.shape_cast %swap3A_390 : vector<16xi32> to vector<16xi32>
          %swap3A_392 = vector.shape_cast %select_n3A_388 : vector<16xi32> to vector<16xi32>
          tpu.vector_store %arg13[%swap3A_389], %swap3A_392 {strides = array<i32>} : memref<128xi32, #tpu.memory_space<vmem>>, vector<16xi32>,
          %add3A_393 = arith.constant 48 : i32
          %add3A_394 = arith.addi %add3A_288, %add3A_393 : i32
          %iota3A_395 = tpu.iota {dimensions = array<i32: 0>} : vector<16xi32>
          %add3A_396 = vector.broadcast %add3A_394 : i32 to vector<16xi32>
          %add3A_397 = arith.addi %add3A_396, %iota3A_395 : vector<16xi32>
          %ge3A_398 = vector.broadcast %squeeze3A_231 : i32 to vector<16xi32>
          %ge3A_399 = arith.cmpi sge, %add3A_397, %ge3A_398 : vector<16xi32>
          %lt3A_400 = vector.broadcast %squeeze3A_236 : i32 to vector<16xi32>
          %lt3A_401 = arith.cmpi slt, %add3A_397, %lt3A_400 : vector<16xi32>
          %and3A_402 = arith.andi %ge3A_399, %lt3A_401 : vector<16xi1>
          %iota3A_403 = tpu.iota {dimensions = array<i32: 0>} : vector<16xi32>
          %add3A_404 = arith.constant 48 : i32
          %add3A_405 = vector.broadcast %add3A_404 : i32 to vector<16xi32>
          %add3A_406 = arith.addi %iota3A_403, %add3A_405 : vector<16xi32>
          %get3A_407 = arith.constant 48 : index
          %get3A_408 = tpu.vector_load %arg12[%get3A_407] {strides = array<i32>} : memref<128xi32, #tpu.memory_space<vmem>>, vector<16xi32>,
          %get3A_409 = vector.shape_cast %get3A_408 : vector<16xi32> to vector<16xi32>
          %and3A_410 = arith.constant 16383 : i32
          %and3A_411 = vector.broadcast %and3A_410 : i32 to vector<16xi32>
          %and3A_412 = arith.andi %get3A_409, %and3A_411 : vector<16xi32>
          %add3A_413 = arith.constant 12160 : i32
          %add3A_414 = vector.broadcast %add3A_413 : i32 to vector<16xi32>
          %add3A_415 = arith.addi %add3A_414, %add3A_406 : vector<16xi32>
          %select_n3A_416 = arith.select %and3A_402, %and3A_412, %add3A_415 : vector<16xi1>, vector<16xi32>
          %swap3A_417 = arith.constant 48 : index
          %swap3A_418 = tpu.vector_load %arg14[%swap3A_417] {strides = array<i32>} : memref<128xi32, #tpu.memory_space<vmem>>, vector<16xi32>,
          %swap3A_419 = vector.shape_cast %swap3A_418 : vector<16xi32> to vector<16xi32>
          %swap3A_420 = vector.shape_cast %select_n3A_416 : vector<16xi32> to vector<16xi32>
          tpu.vector_store %arg14[%swap3A_417], %swap3A_420 {strides = array<i32>} : memref<128xi32, #tpu.memory_space<vmem>>, vector<16xi32>,
          %shift_right_arithmetic3A_421 = arith.constant 14 : i32
          %shift_right_arithmetic3A_422 = vector.broadcast %shift_right_arithmetic3A_421 : i32 to vector<16xi32>
          %shift_right_arithmetic3A_423 = arith.shrsi %get3A_409, %shift_right_arithmetic3A_422 : vector<16xi32>
          %select_n3A_424 = arith.select %and3A_402, %shift_right_arithmetic3A_423, %add3A_406 : vector<16xi1>, vector<16xi32>
          %swap3A_425 = arith.constant 48 : index
          %swap3A_426 = tpu.vector_load %arg13[%swap3A_425] {strides = array<i32>} : memref<128xi32, #tpu.memory_space<vmem>>, vector<16xi32>,
          %swap3A_427 = vector.shape_cast %swap3A_426 : vector<16xi32> to vector<16xi32>
          %swap3A_428 = vector.shape_cast %select_n3A_424 : vector<16xi32> to vector<16xi32>
          tpu.vector_store %arg13[%swap3A_425], %swap3A_428 {strides = array<i32>} : memref<128xi32, #tpu.memory_space<vmem>>, vector<16xi32>,
          %add3A_429 = arith.constant 64 : i32
          %add3A_430 = arith.addi %add3A_288, %add3A_429 : i32
          %iota3A_431 = tpu.iota {dimensions = array<i32: 0>} : vector<16xi32>
          %add3A_432 = vector.broadcast %add3A_430 : i32 to vector<16xi32>
          %add3A_433 = arith.addi %add3A_432, %iota3A_431 : vector<16xi32>
          %ge3A_434 = vector.broadcast %squeeze3A_231 : i32 to vector<16xi32>
          %ge3A_435 = arith.cmpi sge, %add3A_433, %ge3A_434 : vector<16xi32>
          %lt3A_436 = vector.broadcast %squeeze3A_236 : i32 to vector<16xi32>
          %lt3A_437 = arith.cmpi slt, %add3A_433, %lt3A_436 : vector<16xi32>
          %and3A_438 = arith.andi %ge3A_435, %lt3A_437 : vector<16xi1>
          %iota3A_439 = tpu.iota {dimensions = array<i32: 0>} : vector<16xi32>
          %add3A_440 = arith.constant 64 : i32
          %add3A_441 = vector.broadcast %add3A_440 : i32 to vector<16xi32>
          %add3A_442 = arith.addi %iota3A_439, %add3A_441 : vector<16xi32>
          %get3A_443 = arith.constant 64 : index
          %get3A_444 = tpu.vector_load %arg12[%get3A_443] {strides = array<i32>} : memref<128xi32, #tpu.memory_space<vmem>>, vector<16xi32>,
          %get3A_445 = vector.shape_cast %get3A_444 : vector<16xi32> to vector<16xi32>
          %and3A_446 = arith.constant 16383 : i32
          %and3A_447 = vector.broadcast %and3A_446 : i32 to vector<16xi32>
          %and3A_448 = arith.andi %get3A_445, %and3A_447 : vector<16xi32>
          %add3A_449 = arith.constant 12160 : i32
          %add3A_450 = vector.broadcast %add3A_449 : i32 to vector<16xi32>
          %add3A_451 = arith.addi %add3A_450, %add3A_442 : vector<16xi32>
          %select_n3A_452 = arith.select %and3A_438, %and3A_448, %add3A_451 : vector<16xi1>, vector<16xi32>
          %swap3A_453 = arith.constant 64 : index
          %swap3A_454 = tpu.vector_load %arg14[%swap3A_453] {strides = array<i32>} : memref<128xi32, #tpu.memory_space<vmem>>, vector<16xi32>,
          %swap3A_455 = vector.shape_cast %swap3A_454 : vector<16xi32> to vector<16xi32>
          %swap3A_456 = vector.shape_cast %select_n3A_452 : vector<16xi32> to vector<16xi32>
          tpu.vector_store %arg14[%swap3A_453], %swap3A_456 {strides = array<i32>} : memref<128xi32, #tpu.memory_space<vmem>>, vector<16xi32>,
          %shift_right_arithmetic3A_457 = arith.constant 14 : i32
          %shift_right_arithmetic3A_458 = vector.broadcast %shift_right_arithmetic3A_457 : i32 to vector<16xi32>
          %shift_right_arithmetic3A_459 = arith.shrsi %get3A_445, %shift_right_arithmetic3A_458 : vector<16xi32>
          %select_n3A_460 = arith.select %and3A_438, %shift_right_arithmetic3A_459, %add3A_442 : vector<16xi1>, vector<16xi32>
          %swap3A_461 = arith.constant 64 : index
          %swap3A_462 = tpu.vector_load %arg13[%swap3A_461] {strides = array<i32>} : memref<128xi32, #tpu.memory_space<vmem>>, vector<16xi32>,
          %swap3A_463 = vector.shape_cast %swap3A_462 : vector<16xi32> to vector<16xi32>
          %swap3A_464 = vector.shape_cast %select_n3A_460 : vector<16xi32> to vector<16xi32>
          tpu.vector_store %arg13[%swap3A_461], %swap3A_464 {strides = array<i32>} : memref<128xi32, #tpu.memory_space<vmem>>, vector<16xi32>,
          %add3A_465 = arith.constant 80 : i32
          %add3A_466 = arith.addi %add3A_288, %add3A_465 : i32
          %iota3A_467 = tpu.iota {dimensions = array<i32: 0>} : vector<16xi32>
          %add3A_468 = vector.broadcast %add3A_466 : i32 to vector<16xi32>
          %add3A_469 = arith.addi %add3A_468, %iota3A_467 : vector<16xi32>
          %ge3A_470 = vector.broadcast %squeeze3A_231 : i32 to vector<16xi32>
          %ge3A_471 = arith.cmpi sge, %add3A_469, %ge3A_470 : vector<16xi32>
          %lt3A_472 = vector.broadcast %squeeze3A_236 : i32 to vector<16xi32>
          %lt3A_473 = arith.cmpi slt, %add3A_469, %lt3A_472 : vector<16xi32>
          %and3A_474 = arith.andi %ge3A_471, %lt3A_473 : vector<16xi1>
          %iota3A_475 = tpu.iota {dimensions = array<i32: 0>} : vector<16xi32>
          %add3A_476 = arith.constant 80 : i32
          %add3A_477 = vector.broadcast %add3A_476 : i32 to vector<16xi32>
          %add3A_478 = arith.addi %iota3A_475, %add3A_477 : vector<16xi32>
          %get3A_479 = arith.constant 80 : index
          %get3A_480 = tpu.vector_load %arg12[%get3A_479] {strides = array<i32>} : memref<128xi32, #tpu.memory_space<vmem>>, vector<16xi32>,
          %get3A_481 = vector.shape_cast %get3A_480 : vector<16xi32> to vector<16xi32>
          %and3A_482 = arith.constant 16383 : i32
          %and3A_483 = vector.broadcast %and3A_482 : i32 to vector<16xi32>
          %and3A_484 = arith.andi %get3A_481, %and3A_483 : vector<16xi32>
          %add3A_485 = arith.constant 12160 : i32
          %add3A_486 = vector.broadcast %add3A_485 : i32 to vector<16xi32>
          %add3A_487 = arith.addi %add3A_486, %add3A_478 : vector<16xi32>
          %select_n3A_488 = arith.select %and3A_474, %and3A_484, %add3A_487 : vector<16xi1>, vector<16xi32>
          %swap3A_489 = arith.constant 80 : index
          %swap3A_490 = tpu.vector_load %arg14[%swap3A_489] {strides = array<i32>} : memref<128xi32, #tpu.memory_space<vmem>>, vector<16xi32>,
          %swap3A_491 = vector.shape_cast %swap3A_490 : vector<16xi32> to vector<16xi32>
          %swap3A_492 = vector.shape_cast %select_n3A_488 : vector<16xi32> to vector<16xi32>
          tpu.vector_store %arg14[%swap3A_489], %swap3A_492 {strides = array<i32>} : memref<128xi32, #tpu.memory_space<vmem>>, vector<16xi32>,
          %shift_right_arithmetic3A_493 = arith.constant 14 : i32
          %shift_right_arithmetic3A_494 = vector.broadcast %shift_right_arithmetic3A_493 : i32 to vector<16xi32>
          %shift_right_arithmetic3A_495 = arith.shrsi %get3A_481, %shift_right_arithmetic3A_494 : vector<16xi32>
          %select_n3A_496 = arith.select %and3A_474, %shift_right_arithmetic3A_495, %add3A_478 : vector<16xi1>, vector<16xi32>
          %swap3A_497 = arith.constant 80 : index
          %swap3A_498 = tpu.vector_load %arg13[%swap3A_497] {strides = array<i32>} : memref<128xi32, #tpu.memory_space<vmem>>, vector<16xi32>,
          %swap3A_499 = vector.shape_cast %swap3A_498 : vector<16xi32> to vector<16xi32>
          %swap3A_500 = vector.shape_cast %select_n3A_496 : vector<16xi32> to vector<16xi32>
          tpu.vector_store %arg13[%swap3A_497], %swap3A_500 {strides = array<i32>} : memref<128xi32, #tpu.memory_space<vmem>>, vector<16xi32>,
          %add3A_501 = arith.constant 96 : i32
          %add3A_502 = arith.addi %add3A_288, %add3A_501 : i32
          %iota3A_503 = tpu.iota {dimensions = array<i32: 0>} : vector<16xi32>
          %add3A_504 = vector.broadcast %add3A_502 : i32 to vector<16xi32>
          %add3A_505 = arith.addi %add3A_504, %iota3A_503 : vector<16xi32>
          %ge3A_506 = vector.broadcast %squeeze3A_231 : i32 to vector<16xi32>
          %ge3A_507 = arith.cmpi sge, %add3A_505, %ge3A_506 : vector<16xi32>
          %lt3A_508 = vector.broadcast %squeeze3A_236 : i32 to vector<16xi32>
          %lt3A_509 = arith.cmpi slt, %add3A_505, %lt3A_508 : vector<16xi32>
          %and3A_510 = arith.andi %ge3A_507, %lt3A_509 : vector<16xi1>
          %iota3A_511 = tpu.iota {dimensions = array<i32: 0>} : vector<16xi32>
          %add3A_512 = arith.constant 96 : i32
          %add3A_513 = vector.broadcast %add3A_512 : i32 to vector<16xi32>
          %add3A_514 = arith.addi %iota3A_511, %add3A_513 : vector<16xi32>
          %get3A_515 = arith.constant 96 : index
          %get3A_516 = tpu.vector_load %arg12[%get3A_515] {strides = array<i32>} : memref<128xi32, #tpu.memory_space<vmem>>, vector<16xi32>,
          %get3A_517 = vector.shape_cast %get3A_516 : vector<16xi32> to vector<16xi32>
          %and3A_518 = arith.constant 16383 : i32
          %and3A_519 = vector.broadcast %and3A_518 : i32 to vector<16xi32>
          %and3A_520 = arith.andi %get3A_517, %and3A_519 : vector<16xi32>
          %add3A_521 = arith.constant 12160 : i32
          %add3A_522 = vector.broadcast %add3A_521 : i32 to vector<16xi32>
          %add3A_523 = arith.addi %add3A_522, %add3A_514 : vector<16xi32>
          %select_n3A_524 = arith.select %and3A_510, %and3A_520, %add3A_523 : vector<16xi1>, vector<16xi32>
          %swap3A_525 = arith.constant 96 : index
          %swap3A_526 = tpu.vector_load %arg14[%swap3A_525] {strides = array<i32>} : memref<128xi32, #tpu.memory_space<vmem>>, vector<16xi32>,
          %swap3A_527 = vector.shape_cast %swap3A_526 : vector<16xi32> to vector<16xi32>
          %swap3A_528 = vector.shape_cast %select_n3A_524 : vector<16xi32> to vector<16xi32>
          tpu.vector_store %arg14[%swap3A_525], %swap3A_528 {strides = array<i32>} : memref<128xi32, #tpu.memory_space<vmem>>, vector<16xi32>,
          %shift_right_arithmetic3A_529 = arith.constant 14 : i32
          %shift_right_arithmetic3A_530 = vector.broadcast %shift_right_arithmetic3A_529 : i32 to vector<16xi32>
          %shift_right_arithmetic3A_531 = arith.shrsi %get3A_517, %shift_right_arithmetic3A_530 : vector<16xi32>
          %select_n3A_532 = arith.select %and3A_510, %shift_right_arithmetic3A_531, %add3A_514 : vector<16xi1>, vector<16xi32>
          %swap3A_533 = arith.constant 96 : index
          %swap3A_534 = tpu.vector_load %arg13[%swap3A_533] {strides = array<i32>} : memref<128xi32, #tpu.memory_space<vmem>>, vector<16xi32>,
          %swap3A_535 = vector.shape_cast %swap3A_534 : vector<16xi32> to vector<16xi32>
          %swap3A_536 = vector.shape_cast %select_n3A_532 : vector<16xi32> to vector<16xi32>
          tpu.vector_store %arg13[%swap3A_533], %swap3A_536 {strides = array<i32>} : memref<128xi32, #tpu.memory_space<vmem>>, vector<16xi32>,
          %add3A_537 = arith.constant 112 : i32
          %add3A_538 = arith.addi %add3A_288, %add3A_537 : i32
          %iota3A_539 = tpu.iota {dimensions = array<i32: 0>} : vector<16xi32>
          %add3A_540 = vector.broadcast %add3A_538 : i32 to vector<16xi32>
          %add3A_541 = arith.addi %add3A_540, %iota3A_539 : vector<16xi32>
          %ge3A_542 = vector.broadcast %squeeze3A_231 : i32 to vector<16xi32>
          %ge3A_543 = arith.cmpi sge, %add3A_541, %ge3A_542 : vector<16xi32>
          %lt3A_544 = vector.broadcast %squeeze3A_236 : i32 to vector<16xi32>
          %lt3A_545 = arith.cmpi slt, %add3A_541, %lt3A_544 : vector<16xi32>
          %and3A_546 = arith.andi %ge3A_543, %lt3A_545 : vector<16xi1>
          %iota3A_547 = tpu.iota {dimensions = array<i32: 0>} : vector<16xi32>
          %add3A_548 = arith.constant 112 : i32
          %add3A_549 = vector.broadcast %add3A_548 : i32 to vector<16xi32>
          %add3A_550 = arith.addi %iota3A_547, %add3A_549 : vector<16xi32>
          %get3A_551 = arith.constant 112 : index
          %get3A_552 = tpu.vector_load %arg12[%get3A_551] {strides = array<i32>} : memref<128xi32, #tpu.memory_space<vmem>>, vector<16xi32>,
          %get3A_553 = vector.shape_cast %get3A_552 : vector<16xi32> to vector<16xi32>
          %and3A_554 = arith.constant 16383 : i32
          %and3A_555 = vector.broadcast %and3A_554 : i32 to vector<16xi32>
          %and3A_556 = arith.andi %get3A_553, %and3A_555 : vector<16xi32>
          %add3A_557 = arith.constant 12160 : i32
          %add3A_558 = vector.broadcast %add3A_557 : i32 to vector<16xi32>
          %add3A_559 = arith.addi %add3A_558, %add3A_550 : vector<16xi32>
          %select_n3A_560 = arith.select %and3A_546, %and3A_556, %add3A_559 : vector<16xi1>, vector<16xi32>
          %swap3A_561 = arith.constant 112 : index
          %swap3A_562 = tpu.vector_load %arg14[%swap3A_561] {strides = array<i32>} : memref<128xi32, #tpu.memory_space<vmem>>, vector<16xi32>,
          %swap3A_563 = vector.shape_cast %swap3A_562 : vector<16xi32> to vector<16xi32>
          %swap3A_564 = vector.shape_cast %select_n3A_560 : vector<16xi32> to vector<16xi32>
          tpu.vector_store %arg14[%swap3A_561], %swap3A_564 {strides = array<i32>} : memref<128xi32, #tpu.memory_space<vmem>>, vector<16xi32>,
          %shift_right_arithmetic3A_565 = arith.constant 14 : i32
          %shift_right_arithmetic3A_566 = vector.broadcast %shift_right_arithmetic3A_565 : i32 to vector<16xi32>
          %shift_right_arithmetic3A_567 = arith.shrsi %get3A_553, %shift_right_arithmetic3A_566 : vector<16xi32>
          %select_n3A_568 = arith.select %and3A_546, %shift_right_arithmetic3A_567, %add3A_550 : vector<16xi1>, vector<16xi32>
          %swap3A_569 = arith.constant 112 : index
          %swap3A_570 = tpu.vector_load %arg13[%swap3A_569] {strides = array<i32>} : memref<128xi32, #tpu.memory_space<vmem>>, vector<16xi32>,
          %swap3A_571 = vector.shape_cast %swap3A_570 : vector<16xi32> to vector<16xi32>
          %swap3A_572 = vector.shape_cast %select_n3A_568 : vector<16xi32> to vector<16xi32>
          tpu.vector_store %arg13[%swap3A_569], %swap3A_572 {strides = array<i32>} : memref<128xi32, #tpu.memory_space<vmem>>, vector<16xi32>,
          %dma_start3A_573 = arith.constant 0 : i32
          %dma_start3A_574 = arith.constant 0 : i32
          %dma_start3A_575 = tpu.memref_slice %arg3[%dma_start3A_573, %dma_start3A_574] : memref<120000x128xf32, #tpu.memory_space<hbm>> -> memref<120000x128xf32, #tpu.memory_space<hbm>>
          tpu.enqueue_indirect_dma source(%dma_start3A_575 : memref<120000x128xf32, #tpu.memory_space<hbm>>) target(%arg15 : memref<128x128xf32, #tpu.memory_space<vmem>>) offsets(%arg13 : memref<128xi32, #tpu.memory_space<vmem>>) semaphore(%arg19 : memref<!tpu.dma_semaphore, #tpu.memory_space<semaphore_mem>>)
          %dma_wait3A_576 = arith.constant 0 : i32
          %dma_wait3A_577 = arith.constant 0 : i32
          %dma_wait3A_578 = tpu.memref_slice %arg3[%dma_wait3A_576, %dma_wait3A_577] : memref<120000x128xf32, #tpu.memory_space<hbm>> -> memref<120000x128xf32, #tpu.memory_space<hbm>>
          tpu.wait_indirect_dma semaphore(%arg19 : memref<!tpu.dma_semaphore, #tpu.memory_space<semaphore_mem>>) src(%dma_wait3A_578 : memref<120000x128xf32, #tpu.memory_space<hbm>>) dst(%arg15 : memref<128x128xf32, #tpu.memory_space<vmem>>)
          "tpu.region"() ({
            %run_scoped3A = tpu.sem_alloc : memref<!tpu.dma_semaphore, #tpu.memory_space<semaphore_mem>>
            %dma_start3A_579 = arith.constant 0 : i32
            %dma_start3A_580 = arith.constant 0 : i32
            %dma_start3A_581 = tpu.memref_slice %arg10[%dma_start3A_579, %dma_start3A_580] : memref<12288x128xf32, #tpu.memory_space<vmem_shared>> -> memref<12288x128xf32, #tpu.memory_space<vmem_shared>>
            tpu.enqueue_indirect_dma source(%arg15 : memref<128x128xf32, #tpu.memory_space<vmem>>) target(%dma_start3A_581 : memref<12288x128xf32, #tpu.memory_space<vmem_shared>>) offsets(%arg14 : memref<128xi32, #tpu.memory_space<vmem>>) semaphore(%run_scoped3A : memref<!tpu.dma_semaphore, #tpu.memory_space<semaphore_mem>>) {add = true}
            %dma_wait3A_582 = arith.constant 0 : i32
            %dma_wait3A_583 = arith.constant 0 : i32
            %dma_wait3A_584 = tpu.memref_slice %arg10[%dma_wait3A_582, %dma_wait3A_583] : memref<12288x128xf32, #tpu.memory_space<vmem_shared>> -> memref<12288x128xf32, #tpu.memory_space<vmem_shared>>
            tpu.wait_indirect_dma semaphore(%run_scoped3A : memref<!tpu.dma_semaphore, #tpu.memory_space<semaphore_mem>>) src(%arg15 : memref<128x128xf32, #tpu.memory_space<vmem>>) dst(%dma_wait3A_584 : memref<12288x128xf32, #tpu.memory_space<vmem_shared>>)
            tpu.yield
          }) : () -> ()
        }
        %while3A_272 = arith.constant 1 : i32
        scf.for %while3A_282 = %while3A_270 to %while3A_266 step %while3A_272  : i32 {
          %mul3A_283 = arith.constant 2048 : i32
          %mul3A_284 = arith.muli %while3A_282, %mul3A_283 : i32
          %add3A_285 = arith.addi %mul3A_262, %mul3A_284 : i32
          %mul3A_286 = arith.constant 128 : i32
          %mul3A_287 = arith.muli %arg1, %mul3A_286 : i32
          %add3A_288 = arith.addi %add3A_285, %mul3A_287 : i32
          "tpu.region"() ({
            %run_scoped3A = tpu.sem_alloc : memref<!tpu.dma_semaphore, #tpu.memory_space<semaphore_mem>>
            %dma_start3A_579 = tpu.memref_slice %arg4[%add3A_288] : memref<223232xi32, #tpu.memory_space<hbm>> -> memref<128xi32, #tpu.memory_space<hbm>>
            %dma_start3A_580 = tpu.memref_slice %arg4[%add3A_288] : memref<223232xi32, #tpu.memory_space<hbm>> -> memref<128xi32, #tpu.memory_space<hbm>>
            tpu.enqueue_dma source(%dma_start3A_580 : memref<128xi32, #tpu.memory_space<hbm>>) target(%arg12 : memref<128xi32, #tpu.memory_space<vmem>>) target_semaphore(%run_scoped3A : memref<!tpu.dma_semaphore, #tpu.memory_space<semaphore_mem>>)
            %dma_wait3A_581 = tpu.memref_slice %arg4[%add3A_288] : memref<223232xi32, #tpu.memory_space<hbm>> -> memref<128xi32, #tpu.memory_space<hbm>>
            %dma_wait3A_582 = tpu.memref_slice %arg4[%add3A_288] : memref<223232xi32, #tpu.memory_space<hbm>> -> memref<128xi32, #tpu.memory_space<hbm>>
            tpu.wait_dma2 semaphore(%run_scoped3A : memref<!tpu.dma_semaphore, #tpu.memory_space<semaphore_mem>>) src(%dma_wait3A_582 : memref<128xi32, #tpu.memory_space<hbm>>) dst(%arg12 : memref<128xi32, #tpu.memory_space<vmem>>)
            tpu.yield
          }) : () -> ()
          %add3A_289 = arith.constant 0 : i32
          %add3A_290 = arith.addi %add3A_288, %add3A_289 : i32
          %iota3A = tpu.iota {dimensions = array<i32: 0>} : vector<16xi32>
          %add3A_291 = vector.broadcast %add3A_290 : i32 to vector<16xi32>
          %add3A_292 = arith.addi %add3A_291, %iota3A : vector<16xi32>
          %ge3A = vector.broadcast %squeeze3A_231 : i32 to vector<16xi32>
          %ge3A_293 = arith.cmpi sge, %add3A_292, %ge3A : vector<16xi32>
          %lt3A_294 = vector.broadcast %squeeze3A_236 : i32 to vector<16xi32>
          %lt3A_295 = arith.cmpi slt, %add3A_292, %lt3A_294 : vector<16xi32>
          %and3A_296 = arith.andi %ge3A_293, %lt3A_295 : vector<16xi1>
          %iota3A_297 = tpu.iota {dimensions = array<i32: 0>} : vector<16xi32>
          %add3A_298 = arith.constant 0 : i32
          %add3A_299 = vector.broadcast %add3A_298 : i32 to vector<16xi32>
          %add3A_300 = arith.addi %iota3A_297, %add3A_299 : vector<16xi32>
          %get3A_301 = arith.constant 0 : index
          %get3A_302 = tpu.vector_load %arg12[%get3A_301] {strides = array<i32>} : memref<128xi32, #tpu.memory_space<vmem>>, vector<16xi32>,
          %get3A_303 = vector.shape_cast %get3A_302 : vector<16xi32> to vector<16xi32>
          %and3A_304 = arith.constant 16383 : i32
          %and3A_305 = vector.broadcast %and3A_304 : i32 to vector<16xi32>
          %and3A_306 = arith.andi %get3A_303, %and3A_305 : vector<16xi32>
          %add3A_307 = arith.constant 12160 : i32
          %add3A_308 = vector.broadcast %add3A_307 : i32 to vector<16xi32>
          %add3A_309 = arith.addi %add3A_308, %add3A_300 : vector<16xi32>
          %select_n3A_310 = arith.select %and3A_296, %and3A_306, %add3A_309 : vector<16xi1>, vector<16xi32>
          %swap3A = arith.constant 0 : index
          %swap3A_311 = tpu.vector_load %arg14[%swap3A] {strides = array<i32>} : memref<128xi32, #tpu.memory_space<vmem>>, vector<16xi32>,
          %swap3A_312 = vector.shape_cast %swap3A_311 : vector<16xi32> to vector<16xi32>
          %swap3A_313 = vector.shape_cast %select_n3A_310 : vector<16xi32> to vector<16xi32>
          tpu.vector_store %arg14[%swap3A], %swap3A_313 {strides = array<i32>} : memref<128xi32, #tpu.memory_space<vmem>>, vector<16xi32>,
          %shift_right_arithmetic3A = arith.constant 14 : i32
          %shift_right_arithmetic3A_314 = vector.broadcast %shift_right_arithmetic3A : i32 to vector<16xi32>
          %shift_right_arithmetic3A_315 = arith.shrsi %get3A_303, %shift_right_arithmetic3A_314 : vector<16xi32>
          %select_n3A_316 = arith.select %and3A_296, %shift_right_arithmetic3A_315, %add3A_300 : vector<16xi1>, vector<16xi32>
          %swap3A_317 = arith.constant 0 : index
          %swap3A_318 = tpu.vector_load %arg13[%swap3A_317] {strides = array<i32>} : memref<128xi32, #tpu.memory_space<vmem>>, vector<16xi32>,
          %swap3A_319 = vector.shape_cast %swap3A_318 : vector<16xi32> to vector<16xi32>
          %swap3A_320 = vector.shape_cast %select_n3A_316 : vector<16xi32> to vector<16xi32>
          tpu.vector_store %arg13[%swap3A_317], %swap3A_320 {strides = array<i32>} : memref<128xi32, #tpu.memory_space<vmem>>, vector<16xi32>,
          %add3A_321 = arith.constant 16 : i32
          %add3A_322 = arith.addi %add3A_288, %add3A_321 : i32
          %iota3A_323 = tpu.iota {dimensions = array<i32: 0>} : vector<16xi32>
          %add3A_324 = vector.broadcast %add3A_322 : i32 to vector<16xi32>
          %add3A_325 = arith.addi %add3A_324, %iota3A_323 : vector<16xi32>
          %ge3A_326 = vector.broadcast %squeeze3A_231 : i32 to vector<16xi32>
          %ge3A_327 = arith.cmpi sge, %add3A_325, %ge3A_326 : vector<16xi32>
          %lt3A_328 = vector.broadcast %squeeze3A_236 : i32 to vector<16xi32>
          %lt3A_329 = arith.cmpi slt, %add3A_325, %lt3A_328 : vector<16xi32>
          %and3A_330 = arith.andi %ge3A_327, %lt3A_329 : vector<16xi1>
          %iota3A_331 = tpu.iota {dimensions = array<i32: 0>} : vector<16xi32>
          %add3A_332 = arith.constant 16 : i32
          %add3A_333 = vector.broadcast %add3A_332 : i32 to vector<16xi32>
          %add3A_334 = arith.addi %iota3A_331, %add3A_333 : vector<16xi32>
          %get3A_335 = arith.constant 16 : index
          %get3A_336 = tpu.vector_load %arg12[%get3A_335] {strides = array<i32>} : memref<128xi32, #tpu.memory_space<vmem>>, vector<16xi32>,
          %get3A_337 = vector.shape_cast %get3A_336 : vector<16xi32> to vector<16xi32>
          %and3A_338 = arith.constant 16383 : i32
          %and3A_339 = vector.broadcast %and3A_338 : i32 to vector<16xi32>
          %and3A_340 = arith.andi %get3A_337, %and3A_339 : vector<16xi32>
          %add3A_341 = arith.constant 12160 : i32
          %add3A_342 = vector.broadcast %add3A_341 : i32 to vector<16xi32>
          %add3A_343 = arith.addi %add3A_342, %add3A_334 : vector<16xi32>
          %select_n3A_344 = arith.select %and3A_330, %and3A_340, %add3A_343 : vector<16xi1>, vector<16xi32>
          %swap3A_345 = arith.constant 16 : index
          %swap3A_346 = tpu.vector_load %arg14[%swap3A_345] {strides = array<i32>} : memref<128xi32, #tpu.memory_space<vmem>>, vector<16xi32>,
          %swap3A_347 = vector.shape_cast %swap3A_346 : vector<16xi32> to vector<16xi32>
          %swap3A_348 = vector.shape_cast %select_n3A_344 : vector<16xi32> to vector<16xi32>
          tpu.vector_store %arg14[%swap3A_345], %swap3A_348 {strides = array<i32>} : memref<128xi32, #tpu.memory_space<vmem>>, vector<16xi32>,
          %shift_right_arithmetic3A_349 = arith.constant 14 : i32
          %shift_right_arithmetic3A_350 = vector.broadcast %shift_right_arithmetic3A_349 : i32 to vector<16xi32>
          %shift_right_arithmetic3A_351 = arith.shrsi %get3A_337, %shift_right_arithmetic3A_350 : vector<16xi32>
          %select_n3A_352 = arith.select %and3A_330, %shift_right_arithmetic3A_351, %add3A_334 : vector<16xi1>, vector<16xi32>
          %swap3A_353 = arith.constant 16 : index
          %swap3A_354 = tpu.vector_load %arg13[%swap3A_353] {strides = array<i32>} : memref<128xi32, #tpu.memory_space<vmem>>, vector<16xi32>,
          %swap3A_355 = vector.shape_cast %swap3A_354 : vector<16xi32> to vector<16xi32>
          %swap3A_356 = vector.shape_cast %select_n3A_352 : vector<16xi32> to vector<16xi32>
          tpu.vector_store %arg13[%swap3A_353], %swap3A_356 {strides = array<i32>} : memref<128xi32, #tpu.memory_space<vmem>>, vector<16xi32>,
          %add3A_357 = arith.constant 32 : i32
          %add3A_358 = arith.addi %add3A_288, %add3A_357 : i32
          %iota3A_359 = tpu.iota {dimensions = array<i32: 0>} : vector<16xi32>
          %add3A_360 = vector.broadcast %add3A_358 : i32 to vector<16xi32>
          %add3A_361 = arith.addi %add3A_360, %iota3A_359 : vector<16xi32>
          %ge3A_362 = vector.broadcast %squeeze3A_231 : i32 to vector<16xi32>
          %ge3A_363 = arith.cmpi sge, %add3A_361, %ge3A_362 : vector<16xi32>
          %lt3A_364 = vector.broadcast %squeeze3A_236 : i32 to vector<16xi32>
          %lt3A_365 = arith.cmpi slt, %add3A_361, %lt3A_364 : vector<16xi32>
          %and3A_366 = arith.andi %ge3A_363, %lt3A_365 : vector<16xi1>
          %iota3A_367 = tpu.iota {dimensions = array<i32: 0>} : vector<16xi32>
          %add3A_368 = arith.constant 32 : i32
          %add3A_369 = vector.broadcast %add3A_368 : i32 to vector<16xi32>
          %add3A_370 = arith.addi %iota3A_367, %add3A_369 : vector<16xi32>
          %get3A_371 = arith.constant 32 : index
          %get3A_372 = tpu.vector_load %arg12[%get3A_371] {strides = array<i32>} : memref<128xi32, #tpu.memory_space<vmem>>, vector<16xi32>,
          %get3A_373 = vector.shape_cast %get3A_372 : vector<16xi32> to vector<16xi32>
          %and3A_374 = arith.constant 16383 : i32
          %and3A_375 = vector.broadcast %and3A_374 : i32 to vector<16xi32>
          %and3A_376 = arith.andi %get3A_373, %and3A_375 : vector<16xi32>
          %add3A_377 = arith.constant 12160 : i32
          %add3A_378 = vector.broadcast %add3A_377 : i32 to vector<16xi32>
          %add3A_379 = arith.addi %add3A_378, %add3A_370 : vector<16xi32>
          %select_n3A_380 = arith.select %and3A_366, %and3A_376, %add3A_379 : vector<16xi1>, vector<16xi32>
          %swap3A_381 = arith.constant 32 : index
          %swap3A_382 = tpu.vector_load %arg14[%swap3A_381] {strides = array<i32>} : memref<128xi32, #tpu.memory_space<vmem>>, vector<16xi32>,
          %swap3A_383 = vector.shape_cast %swap3A_382 : vector<16xi32> to vector<16xi32>
          %swap3A_384 = vector.shape_cast %select_n3A_380 : vector<16xi32> to vector<16xi32>
          tpu.vector_store %arg14[%swap3A_381], %swap3A_384 {strides = array<i32>} : memref<128xi32, #tpu.memory_space<vmem>>, vector<16xi32>,
          %shift_right_arithmetic3A_385 = arith.constant 14 : i32
          %shift_right_arithmetic3A_386 = vector.broadcast %shift_right_arithmetic3A_385 : i32 to vector<16xi32>
          %shift_right_arithmetic3A_387 = arith.shrsi %get3A_373, %shift_right_arithmetic3A_386 : vector<16xi32>
          %select_n3A_388 = arith.select %and3A_366, %shift_right_arithmetic3A_387, %add3A_370 : vector<16xi1>, vector<16xi32>
          %swap3A_389 = arith.constant 32 : index
          %swap3A_390 = tpu.vector_load %arg13[%swap3A_389] {strides = array<i32>} : memref<128xi32, #tpu.memory_space<vmem>>, vector<16xi32>,
          %swap3A_391 = vector.shape_cast %swap3A_390 : vector<16xi32> to vector<16xi32>
          %swap3A_392 = vector.shape_cast %select_n3A_388 : vector<16xi32> to vector<16xi32>
          tpu.vector_store %arg13[%swap3A_389], %swap3A_392 {strides = array<i32>} : memref<128xi32, #tpu.memory_space<vmem>>, vector<16xi32>,
          %add3A_393 = arith.constant 48 : i32
          %add3A_394 = arith.addi %add3A_288, %add3A_393 : i32
          %iota3A_395 = tpu.iota {dimensions = array<i32: 0>} : vector<16xi32>
          %add3A_396 = vector.broadcast %add3A_394 : i32 to vector<16xi32>
          %add3A_397 = arith.addi %add3A_396, %iota3A_395 : vector<16xi32>
          %ge3A_398 = vector.broadcast %squeeze3A_231 : i32 to vector<16xi32>
          %ge3A_399 = arith.cmpi sge, %add3A_397, %ge3A_398 : vector<16xi32>
          %lt3A_400 = vector.broadcast %squeeze3A_236 : i32 to vector<16xi32>
          %lt3A_401 = arith.cmpi slt, %add3A_397, %lt3A_400 : vector<16xi32>
          %and3A_402 = arith.andi %ge3A_399, %lt3A_401 : vector<16xi1>
          %iota3A_403 = tpu.iota {dimensions = array<i32: 0>} : vector<16xi32>
          %add3A_404 = arith.constant 48 : i32
          %add3A_405 = vector.broadcast %add3A_404 : i32 to vector<16xi32>
          %add3A_406 = arith.addi %iota3A_403, %add3A_405 : vector<16xi32>
          %get3A_407 = arith.constant 48 : index
          %get3A_408 = tpu.vector_load %arg12[%get3A_407] {strides = array<i32>} : memref<128xi32, #tpu.memory_space<vmem>>, vector<16xi32>,
          %get3A_409 = vector.shape_cast %get3A_408 : vector<16xi32> to vector<16xi32>
          %and3A_410 = arith.constant 16383 : i32
          %and3A_411 = vector.broadcast %and3A_410 : i32 to vector<16xi32>
          %and3A_412 = arith.andi %get3A_409, %and3A_411 : vector<16xi32>
          %add3A_413 = arith.constant 12160 : i32
          %add3A_414 = vector.broadcast %add3A_413 : i32 to vector<16xi32>
          %add3A_415 = arith.addi %add3A_414, %add3A_406 : vector<16xi32>
          %select_n3A_416 = arith.select %and3A_402, %and3A_412, %add3A_415 : vector<16xi1>, vector<16xi32>
          %swap3A_417 = arith.constant 48 : index
          %swap3A_418 = tpu.vector_load %arg14[%swap3A_417] {strides = array<i32>} : memref<128xi32, #tpu.memory_space<vmem>>, vector<16xi32>,
          %swap3A_419 = vector.shape_cast %swap3A_418 : vector<16xi32> to vector<16xi32>
          %swap3A_420 = vector.shape_cast %select_n3A_416 : vector<16xi32> to vector<16xi32>
          tpu.vector_store %arg14[%swap3A_417], %swap3A_420 {strides = array<i32>} : memref<128xi32, #tpu.memory_space<vmem>>, vector<16xi32>,
          %shift_right_arithmetic3A_421 = arith.constant 14 : i32
          %shift_right_arithmetic3A_422 = vector.broadcast %shift_right_arithmetic3A_421 : i32 to vector<16xi32>
          %shift_right_arithmetic3A_423 = arith.shrsi %get3A_409, %shift_right_arithmetic3A_422 : vector<16xi32>
          %select_n3A_424 = arith.select %and3A_402, %shift_right_arithmetic3A_423, %add3A_406 : vector<16xi1>, vector<16xi32>
          %swap3A_425 = arith.constant 48 : index
          %swap3A_426 = tpu.vector_load %arg13[%swap3A_425] {strides = array<i32>} : memref<128xi32, #tpu.memory_space<vmem>>, vector<16xi32>,
          %swap3A_427 = vector.shape_cast %swap3A_426 : vector<16xi32> to vector<16xi32>
          %swap3A_428 = vector.shape_cast %select_n3A_424 : vector<16xi32> to vector<16xi32>
          tpu.vector_store %arg13[%swap3A_425], %swap3A_428 {strides = array<i32>} : memref<128xi32, #tpu.memory_space<vmem>>, vector<16xi32>,
          %add3A_429 = arith.constant 64 : i32
          %add3A_430 = arith.addi %add3A_288, %add3A_429 : i32
          %iota3A_431 = tpu.iota {dimensions = array<i32: 0>} : vector<16xi32>
          %add3A_432 = vector.broadcast %add3A_430 : i32 to vector<16xi32>
          %add3A_433 = arith.addi %add3A_432, %iota3A_431 : vector<16xi32>
          %ge3A_434 = vector.broadcast %squeeze3A_231 : i32 to vector<16xi32>
          %ge3A_435 = arith.cmpi sge, %add3A_433, %ge3A_434 : vector<16xi32>
          %lt3A_436 = vector.broadcast %squeeze3A_236 : i32 to vector<16xi32>
          %lt3A_437 = arith.cmpi slt, %add3A_433, %lt3A_436 : vector<16xi32>
          %and3A_438 = arith.andi %ge3A_435, %lt3A_437 : vector<16xi1>
          %iota3A_439 = tpu.iota {dimensions = array<i32: 0>} : vector<16xi32>
          %add3A_440 = arith.constant 64 : i32
          %add3A_441 = vector.broadcast %add3A_440 : i32 to vector<16xi32>
          %add3A_442 = arith.addi %iota3A_439, %add3A_441 : vector<16xi32>
          %get3A_443 = arith.constant 64 : index
          %get3A_444 = tpu.vector_load %arg12[%get3A_443] {strides = array<i32>} : memref<128xi32, #tpu.memory_space<vmem>>, vector<16xi32>,
          %get3A_445 = vector.shape_cast %get3A_444 : vector<16xi32> to vector<16xi32>
          %and3A_446 = arith.constant 16383 : i32
          %and3A_447 = vector.broadcast %and3A_446 : i32 to vector<16xi32>
          %and3A_448 = arith.andi %get3A_445, %and3A_447 : vector<16xi32>
          %add3A_449 = arith.constant 12160 : i32
          %add3A_450 = vector.broadcast %add3A_449 : i32 to vector<16xi32>
          %add3A_451 = arith.addi %add3A_450, %add3A_442 : vector<16xi32>
          %select_n3A_452 = arith.select %and3A_438, %and3A_448, %add3A_451 : vector<16xi1>, vector<16xi32>
          %swap3A_453 = arith.constant 64 : index
          %swap3A_454 = tpu.vector_load %arg14[%swap3A_453] {strides = array<i32>} : memref<128xi32, #tpu.memory_space<vmem>>, vector<16xi32>,
          %swap3A_455 = vector.shape_cast %swap3A_454 : vector<16xi32> to vector<16xi32>
          %swap3A_456 = vector.shape_cast %select_n3A_452 : vector<16xi32> to vector<16xi32>
          tpu.vector_store %arg14[%swap3A_453], %swap3A_456 {strides = array<i32>} : memref<128xi32, #tpu.memory_space<vmem>>, vector<16xi32>,
          %shift_right_arithmetic3A_457 = arith.constant 14 : i32
          %shift_right_arithmetic3A_458 = vector.broadcast %shift_right_arithmetic3A_457 : i32 to vector<16xi32>
          %shift_right_arithmetic3A_459 = arith.shrsi %get3A_445, %shift_right_arithmetic3A_458 : vector<16xi32>
          %select_n3A_460 = arith.select %and3A_438, %shift_right_arithmetic3A_459, %add3A_442 : vector<16xi1>, vector<16xi32>
          %swap3A_461 = arith.constant 64 : index
          %swap3A_462 = tpu.vector_load %arg13[%swap3A_461] {strides = array<i32>} : memref<128xi32, #tpu.memory_space<vmem>>, vector<16xi32>,
          %swap3A_463 = vector.shape_cast %swap3A_462 : vector<16xi32> to vector<16xi32>
          %swap3A_464 = vector.shape_cast %select_n3A_460 : vector<16xi32> to vector<16xi32>
          tpu.vector_store %arg13[%swap3A_461], %swap3A_464 {strides = array<i32>} : memref<128xi32, #tpu.memory_space<vmem>>, vector<16xi32>,
          %add3A_465 = arith.constant 80 : i32
          %add3A_466 = arith.addi %add3A_288, %add3A_465 : i32
          %iota3A_467 = tpu.iota {dimensions = array<i32: 0>} : vector<16xi32>
          %add3A_468 = vector.broadcast %add3A_466 : i32 to vector<16xi32>
          %add3A_469 = arith.addi %add3A_468, %iota3A_467 : vector<16xi32>
          %ge3A_470 = vector.broadcast %squeeze3A_231 : i32 to vector<16xi32>
          %ge3A_471 = arith.cmpi sge, %add3A_469, %ge3A_470 : vector<16xi32>
          %lt3A_472 = vector.broadcast %squeeze3A_236 : i32 to vector<16xi32>
          %lt3A_473 = arith.cmpi slt, %add3A_469, %lt3A_472 : vector<16xi32>
          %and3A_474 = arith.andi %ge3A_471, %lt3A_473 : vector<16xi1>
          %iota3A_475 = tpu.iota {dimensions = array<i32: 0>} : vector<16xi32>
          %add3A_476 = arith.constant 80 : i32
          %add3A_477 = vector.broadcast %add3A_476 : i32 to vector<16xi32>
          %add3A_478 = arith.addi %iota3A_475, %add3A_477 : vector<16xi32>
          %get3A_479 = arith.constant 80 : index
          %get3A_480 = tpu.vector_load %arg12[%get3A_479] {strides = array<i32>} : memref<128xi32, #tpu.memory_space<vmem>>, vector<16xi32>,
          %get3A_481 = vector.shape_cast %get3A_480 : vector<16xi32> to vector<16xi32>
          %and3A_482 = arith.constant 16383 : i32
          %and3A_483 = vector.broadcast %and3A_482 : i32 to vector<16xi32>
          %and3A_484 = arith.andi %get3A_481, %and3A_483 : vector<16xi32>
          %add3A_485 = arith.constant 12160 : i32
          %add3A_486 = vector.broadcast %add3A_485 : i32 to vector<16xi32>
          %add3A_487 = arith.addi %add3A_486, %add3A_478 : vector<16xi32>
          %select_n3A_488 = arith.select %and3A_474, %and3A_484, %add3A_487 : vector<16xi1>, vector<16xi32>
          %swap3A_489 = arith.constant 80 : index
          %swap3A_490 = tpu.vector_load %arg14[%swap3A_489] {strides = array<i32>} : memref<128xi32, #tpu.memory_space<vmem>>, vector<16xi32>,
          %swap3A_491 = vector.shape_cast %swap3A_490 : vector<16xi32> to vector<16xi32>
          %swap3A_492 = vector.shape_cast %select_n3A_488 : vector<16xi32> to vector<16xi32>
          tpu.vector_store %arg14[%swap3A_489], %swap3A_492 {strides = array<i32>} : memref<128xi32, #tpu.memory_space<vmem>>, vector<16xi32>,
          %shift_right_arithmetic3A_493 = arith.constant 14 : i32
          %shift_right_arithmetic3A_494 = vector.broadcast %shift_right_arithmetic3A_493 : i32 to vector<16xi32>
          %shift_right_arithmetic3A_495 = arith.shrsi %get3A_481, %shift_right_arithmetic3A_494 : vector<16xi32>
          %select_n3A_496 = arith.select %and3A_474, %shift_right_arithmetic3A_495, %add3A_478 : vector<16xi1>, vector<16xi32>
          %swap3A_497 = arith.constant 80 : index
          %swap3A_498 = tpu.vector_load %arg13[%swap3A_497] {strides = array<i32>} : memref<128xi32, #tpu.memory_space<vmem>>, vector<16xi32>,
          %swap3A_499 = vector.shape_cast %swap3A_498 : vector<16xi32> to vector<16xi32>
          %swap3A_500 = vector.shape_cast %select_n3A_496 : vector<16xi32> to vector<16xi32>
          tpu.vector_store %arg13[%swap3A_497], %swap3A_500 {strides = array<i32>} : memref<128xi32, #tpu.memory_space<vmem>>, vector<16xi32>,
          %add3A_501 = arith.constant 96 : i32
          %add3A_502 = arith.addi %add3A_288, %add3A_501 : i32
          %iota3A_503 = tpu.iota {dimensions = array<i32: 0>} : vector<16xi32>
          %add3A_504 = vector.broadcast %add3A_502 : i32 to vector<16xi32>
          %add3A_505 = arith.addi %add3A_504, %iota3A_503 : vector<16xi32>
          %ge3A_506 = vector.broadcast %squeeze3A_231 : i32 to vector<16xi32>
          %ge3A_507 = arith.cmpi sge, %add3A_505, %ge3A_506 : vector<16xi32>
          %lt3A_508 = vector.broadcast %squeeze3A_236 : i32 to vector<16xi32>
          %lt3A_509 = arith.cmpi slt, %add3A_505, %lt3A_508 : vector<16xi32>
          %and3A_510 = arith.andi %ge3A_507, %lt3A_509 : vector<16xi1>
          %iota3A_511 = tpu.iota {dimensions = array<i32: 0>} : vector<16xi32>
          %add3A_512 = arith.constant 96 : i32
          %add3A_513 = vector.broadcast %add3A_512 : i32 to vector<16xi32>
          %add3A_514 = arith.addi %iota3A_511, %add3A_513 : vector<16xi32>
          %get3A_515 = arith.constant 96 : index
          %get3A_516 = tpu.vector_load %arg12[%get3A_515] {strides = array<i32>} : memref<128xi32, #tpu.memory_space<vmem>>, vector<16xi32>,
          %get3A_517 = vector.shape_cast %get3A_516 : vector<16xi32> to vector<16xi32>
          %and3A_518 = arith.constant 16383 : i32
          %and3A_519 = vector.broadcast %and3A_518 : i32 to vector<16xi32>
          %and3A_520 = arith.andi %get3A_517, %and3A_519 : vector<16xi32>
          %add3A_521 = arith.constant 12160 : i32
          %add3A_522 = vector.broadcast %add3A_521 : i32 to vector<16xi32>
          %add3A_523 = arith.addi %add3A_522, %add3A_514 : vector<16xi32>
          %select_n3A_524 = arith.select %and3A_510, %and3A_520, %add3A_523 : vector<16xi1>, vector<16xi32>
          %swap3A_525 = arith.constant 96 : index
          %swap3A_526 = tpu.vector_load %arg14[%swap3A_525] {strides = array<i32>} : memref<128xi32, #tpu.memory_space<vmem>>, vector<16xi32>,
          %swap3A_527 = vector.shape_cast %swap3A_526 : vector<16xi32> to vector<16xi32>
          %swap3A_528 = vector.shape_cast %select_n3A_524 : vector<16xi32> to vector<16xi32>
          tpu.vector_store %arg14[%swap3A_525], %swap3A_528 {strides = array<i32>} : memref<128xi32, #tpu.memory_space<vmem>>, vector<16xi32>,
          %shift_right_arithmetic3A_529 = arith.constant 14 : i32
          %shift_right_arithmetic3A_530 = vector.broadcast %shift_right_arithmetic3A_529 : i32 to vector<16xi32>
          %shift_right_arithmetic3A_531 = arith.shrsi %get3A_517, %shift_right_arithmetic3A_530 : vector<16xi32>
          %select_n3A_532 = arith.select %and3A_510, %shift_right_arithmetic3A_531, %add3A_514 : vector<16xi1>, vector<16xi32>
          %swap3A_533 = arith.constant 96 : index
          %swap3A_534 = tpu.vector_load %arg13[%swap3A_533] {strides = array<i32>} : memref<128xi32, #tpu.memory_space<vmem>>, vector<16xi32>,
          %swap3A_535 = vector.shape_cast %swap3A_534 : vector<16xi32> to vector<16xi32>
          %swap3A_536 = vector.shape_cast %select_n3A_532 : vector<16xi32> to vector<16xi32>
          tpu.vector_store %arg13[%swap3A_533], %swap3A_536 {strides = array<i32>} : memref<128xi32, #tpu.memory_space<vmem>>, vector<16xi32>,
          %add3A_537 = arith.constant 112 : i32
          %add3A_538 = arith.addi %add3A_288, %add3A_537 : i32
          %iota3A_539 = tpu.iota {dimensions = array<i32: 0>} : vector<16xi32>
          %add3A_540 = vector.broadcast %add3A_538 : i32 to vector<16xi32>
          %add3A_541 = arith.addi %add3A_540, %iota3A_539 : vector<16xi32>
          %ge3A_542 = vector.broadcast %squeeze3A_231 : i32 to vector<16xi32>
          %ge3A_543 = arith.cmpi sge, %add3A_541, %ge3A_542 : vector<16xi32>
          %lt3A_544 = vector.broadcast %squeeze3A_236 : i32 to vector<16xi32>
          %lt3A_545 = arith.cmpi slt, %add3A_541, %lt3A_544 : vector<16xi32>
          %and3A_546 = arith.andi %ge3A_543, %lt3A_545 : vector<16xi1>
          %iota3A_547 = tpu.iota {dimensions = array<i32: 0>} : vector<16xi32>
          %add3A_548 = arith.constant 112 : i32
          %add3A_549 = vector.broadcast %add3A_548 : i32 to vector<16xi32>
          %add3A_550 = arith.addi %iota3A_547, %add3A_549 : vector<16xi32>
          %get3A_551 = arith.constant 112 : index
          %get3A_552 = tpu.vector_load %arg12[%get3A_551] {strides = array<i32>} : memref<128xi32, #tpu.memory_space<vmem>>, vector<16xi32>,
          %get3A_553 = vector.shape_cast %get3A_552 : vector<16xi32> to vector<16xi32>
          %and3A_554 = arith.constant 16383 : i32
          %and3A_555 = vector.broadcast %and3A_554 : i32 to vector<16xi32>
          %and3A_556 = arith.andi %get3A_553, %and3A_555 : vector<16xi32>
          %add3A_557 = arith.constant 12160 : i32
          %add3A_558 = vector.broadcast %add3A_557 : i32 to vector<16xi32>
          %add3A_559 = arith.addi %add3A_558, %add3A_550 : vector<16xi32>
          %select_n3A_560 = arith.select %and3A_546, %and3A_556, %add3A_559 : vector<16xi1>, vector<16xi32>
          %swap3A_561 = arith.constant 112 : index
          %swap3A_562 = tpu.vector_load %arg14[%swap3A_561] {strides = array<i32>} : memref<128xi32, #tpu.memory_space<vmem>>, vector<16xi32>,
          %swap3A_563 = vector.shape_cast %swap3A_562 : vector<16xi32> to vector<16xi32>
          %swap3A_564 = vector.shape_cast %select_n3A_560 : vector<16xi32> to vector<16xi32>
          tpu.vector_store %arg14[%swap3A_561], %swap3A_564 {strides = array<i32>} : memref<128xi32, #tpu.memory_space<vmem>>, vector<16xi32>,
          %shift_right_arithmetic3A_565 = arith.constant 14 : i32
          %shift_right_arithmetic3A_566 = vector.broadcast %shift_right_arithmetic3A_565 : i32 to vector<16xi32>
          %shift_right_arithmetic3A_567 = arith.shrsi %get3A_553, %shift_right_arithmetic3A_566 : vector<16xi32>
          %select_n3A_568 = arith.select %and3A_546, %shift_right_arithmetic3A_567, %add3A_550 : vector<16xi1>, vector<16xi32>
          %swap3A_569 = arith.constant 112 : index
          %swap3A_570 = tpu.vector_load %arg13[%swap3A_569] {strides = array<i32>} : memref<128xi32, #tpu.memory_space<vmem>>, vector<16xi32>,
          %swap3A_571 = vector.shape_cast %swap3A_570 : vector<16xi32> to vector<16xi32>
          %swap3A_572 = vector.shape_cast %select_n3A_568 : vector<16xi32> to vector<16xi32>
          tpu.vector_store %arg13[%swap3A_569], %swap3A_572 {strides = array<i32>} : memref<128xi32, #tpu.memory_space<vmem>>, vector<16xi32>,
          %dma_start3A_573 = arith.constant 0 : i32
          %dma_start3A_574 = arith.constant 0 : i32
          %dma_start3A_575 = tpu.memref_slice %arg3[%dma_start3A_573, %dma_start3A_574] : memref<120000x128xf32, #tpu.memory_space<hbm>> -> memref<120000x128xf32, #tpu.memory_space<hbm>>
          tpu.enqueue_indirect_dma source(%dma_start3A_575 : memref<120000x128xf32, #tpu.memory_space<hbm>>) target(%arg15 : memref<128x128xf32, #tpu.memory_space<vmem>>) offsets(%arg13 : memref<128xi32, #tpu.memory_space<vmem>>) semaphore(%arg19 : memref<!tpu.dma_semaphore, #tpu.memory_space<semaphore_mem>>)
          %dma_wait3A_576 = arith.constant 0 : i32
          %dma_wait3A_577 = arith.constant 0 : i32
          %dma_wait3A_578 = tpu.memref_slice %arg3[%dma_wait3A_576, %dma_wait3A_577] : memref<120000x128xf32, #tpu.memory_space<hbm>> -> memref<120000x128xf32, #tpu.memory_space<hbm>>
          tpu.wait_indirect_dma semaphore(%arg19 : memref<!tpu.dma_semaphore, #tpu.memory_space<semaphore_mem>>) src(%dma_wait3A_578 : memref<120000x128xf32, #tpu.memory_space<hbm>>) dst(%arg15 : memref<128x128xf32, #tpu.memory_space<vmem>>)
          "tpu.region"() ({
            %run_scoped3A = tpu.sem_alloc : memref<!tpu.dma_semaphore, #tpu.memory_space<semaphore_mem>>
            %dma_start3A_579 = arith.constant 0 : i32
            %dma_start3A_580 = arith.constant 0 : i32
            %dma_start3A_581 = tpu.memref_slice %arg10[%dma_start3A_579, %dma_start3A_580] : memref<12288x128xf32, #tpu.memory_space<vmem_shared>> -> memref<12288x128xf32, #tpu.memory_space<vmem_shared>>
            tpu.enqueue_indirect_dma source(%arg15 : memref<128x128xf32, #tpu.memory_space<vmem>>) target(%dma_start3A_581 : memref<12288x128xf32, #tpu.memory_space<vmem_shared>>) offsets(%arg14 : memref<128xi32, #tpu.memory_space<vmem>>) semaphore(%run_scoped3A : memref<!tpu.dma_semaphore, #tpu.memory_space<semaphore_mem>>) {add = true}
            %dma_wait3A_582 = arith.constant 0 : i32
            %dma_wait3A_583 = arith.constant 0 : i32
            %dma_wait3A_584 = tpu.memref_slice %arg10[%dma_wait3A_582, %dma_wait3A_583] : memref<12288x128xf32, #tpu.memory_space<vmem_shared>> -> memref<12288x128xf32, #tpu.memory_space<vmem_shared>>
            tpu.wait_indirect_dma semaphore(%run_scoped3A : memref<!tpu.dma_semaphore, #tpu.memory_space<semaphore_mem>>) src(%arg15 : memref<128x128xf32, #tpu.memory_space<vmem>>) dst(%dma_wait3A_584 : memref<12288x128xf32, #tpu.memory_space<vmem_shared>>)
            tpu.yield
          }) : () -> ()
        }
        %barrier3A_273 = arith.constant 0 : index
        tpu.barrier barrier_id(%barrier3A_273)
        %mul3A_274 = arith.constant 760 : i32
        %mul3A_275 = arith.muli %arg1, %mul3A_274 : i32
        %mul3A_276 = arith.constant 12160 : i32
        %mul3A_277 = arith.muli %add3A, %mul3A_276 : i32
        %mul3A_278 = arith.constant 760 : i32
        %mul3A_279 = arith.muli %arg1, %mul3A_278 : i32
        %add3A_280 = arith.addi %mul3A_277, %mul3A_279 : i32
        "tpu.region"() ({
          %run_scoped3A = tpu.sem_alloc : memref<!tpu.dma_semaphore, #tpu.memory_space<semaphore_mem>>
          %dma_start3A_282 = arith.constant 0 : i32
          %dma_start3A_283 = tpu.memref_slice %arg9[%add3A_280, %dma_start3A_282] : memref<328320x128xf32, #tpu.memory_space<hbm>> -> memref<760x128xf32, #tpu.memory_space<hbm>>
          %dma_start3A_284 = arith.constant 0 : i32
          %dma_start3A_285 = tpu.memref_slice %arg10[%mul3A_275, %dma_start3A_284] : memref<12288x128xf32, #tpu.memory_space<vmem_shared>> -> memref<760x128xf32, #tpu.memory_space<vmem_shared>>
          tpu.enqueue_dma source(%dma_start3A_285 : memref<760x128xf32, #tpu.memory_space<vmem_shared>>) target(%dma_start3A_283 : memref<760x128xf32, #tpu.memory_space<hbm>>) target_semaphore(%run_scoped3A : memref<!tpu.dma_semaphore, #tpu.memory_space<semaphore_mem>>)
          %dma_wait3A_286 = arith.constant 0 : i32
          %dma_wait3A_287 = tpu.memref_slice %arg9[%add3A_280, %dma_wait3A_286] : memref<328320x128xf32, #tpu.memory_space<hbm>> -> memref<760x128xf32, #tpu.memory_space<hbm>>
          %dma_wait3A_288 = arith.constant 0 : i32
          %dma_wait3A_289 = tpu.memref_slice %arg10[%mul3A_275, %dma_wait3A_288] : memref<12288x128xf32, #tpu.memory_space<vmem_shared>> -> memref<760x128xf32, #tpu.memory_space<vmem_shared>>
          tpu.wait_dma2 semaphore(%run_scoped3A : memref<!tpu.dma_semaphore, #tpu.memory_space<semaphore_mem>>) src(%dma_wait3A_289 : memref<760x128xf32, #tpu.memory_space<vmem_shared>>) dst(%dma_wait3A_287 : memref<760x128xf32, #tpu.memory_space<hbm>>)
          tpu.yield
        }) : () -> ()
        %barrier3A_281 = arith.constant 0 : index
        tpu.barrier barrier_id(%barrier3A_281)
      } else {
      }
    }
    %scan3A_4 = arith.constant 14 : i32
    return
  }
}

#map = affine_map<(d0, d1) -> (0, 0)>
#map1 = affine_map<(d0, d1) -> (0)>
module attributes {stable_mosaic.version = 14 : i64} {
  func.func @k(%arg0: i32, %arg1: i32, %arg2: memref<320000x128xf32, #tpu.memory_space<hbm>>, %arg3: memref<114688xi32, #tpu.memory_space<hbm>>, %arg4: memref<114688xi32, #tpu.memory_space<hbm>>, %arg5: memref<114688x128xf32, #tpu.memory_space<hbm>>, %arg6: memref<114688x128xf32, #tpu.memory_space<hbm>>, %arg7: memref<512xi32, #tpu.memory_space<vmem>>, %arg8: memref<512x128xf32, #tpu.memory_space<vmem>>, %arg9: memref<!tpu.dma_semaphore, #tpu.memory_space<semaphore_mem>>) attributes {dimension_semantics = [#tpu.dimension_semantics<core_parallel>, #tpu.dimension_semantics<subcore_parallel>], iteration_bounds = array<i64: 2, 16>, scalar_prefetch = 0 : i64, scratch_operands = 3 : i64, tpu.core_type = #tpu.core_type<sc_vector_subcore>, window_params = [{transform_indices = #map}, {transform_indices = #map1}, {transform_indices = #map1}, {transform_indices = #map}, {transform_indices = #map}]} {
    %mul3A = arith.constant 2 : i32
    %mul3A_0 = arith.muli %arg1, %mul3A : i32
    %add3A = arith.addi %mul3A_0, %arg0 : i32
    %mul3A_1 = arith.constant 3584 : i32
    %mul3A_2 = arith.muli %add3A, %mul3A_1 : i32
    %add3A_3 = arith.constant 0 : i32
    %add3A_4 = arith.addi %mul3A_2, %add3A_3 : i32
    "tpu.region"() ({
      %run_scoped3A = tpu.sem_alloc : memref<!tpu.dma_semaphore, #tpu.memory_space<semaphore_mem>>
      %dma_start3A_113 = tpu.memref_slice %arg3[%add3A_4] : memref<114688xi32, #tpu.memory_space<hbm>> -> memref<512xi32, #tpu.memory_space<hbm>>
      %dma_start3A_114 = tpu.memref_slice %arg3[%add3A_4] : memref<114688xi32, #tpu.memory_space<hbm>> -> memref<512xi32, #tpu.memory_space<hbm>>
      tpu.enqueue_dma source(%dma_start3A_114 : memref<512xi32, #tpu.memory_space<hbm>>) target(%arg7 : memref<512xi32, #tpu.memory_space<vmem>>) target_semaphore(%run_scoped3A : memref<!tpu.dma_semaphore, #tpu.memory_space<semaphore_mem>>)
      %dma_wait3A_115 = tpu.memref_slice %arg3[%add3A_4] : memref<114688xi32, #tpu.memory_space<hbm>> -> memref<512xi32, #tpu.memory_space<hbm>>
      %dma_wait3A_116 = tpu.memref_slice %arg3[%add3A_4] : memref<114688xi32, #tpu.memory_space<hbm>> -> memref<512xi32, #tpu.memory_space<hbm>>
      tpu.wait_dma2 semaphore(%run_scoped3A : memref<!tpu.dma_semaphore, #tpu.memory_space<semaphore_mem>>) src(%dma_wait3A_116 : memref<512xi32, #tpu.memory_space<hbm>>) dst(%arg7 : memref<512xi32, #tpu.memory_space<vmem>>)
      tpu.yield
    }) : () -> ()
    %dma_start3A = arith.constant 0 : i32
    %dma_start3A_5 = arith.constant 0 : i32
    %dma_start3A_6 = tpu.memref_slice %arg2[%dma_start3A, %dma_start3A_5] : memref<320000x128xf32, #tpu.memory_space<hbm>> -> memref<320000x128xf32, #tpu.memory_space<hbm>>
    tpu.enqueue_indirect_dma source(%dma_start3A_6 : memref<320000x128xf32, #tpu.memory_space<hbm>>) target(%arg8 : memref<512x128xf32, #tpu.memory_space<vmem>>) offsets(%arg7 : memref<512xi32, #tpu.memory_space<vmem>>) semaphore(%arg9 : memref<!tpu.dma_semaphore, #tpu.memory_space<semaphore_mem>>)
    %dma_wait3A = arith.constant 0 : i32
    %dma_wait3A_7 = arith.constant 0 : i32
    %dma_wait3A_8 = tpu.memref_slice %arg2[%dma_wait3A, %dma_wait3A_7] : memref<320000x128xf32, #tpu.memory_space<hbm>> -> memref<320000x128xf32, #tpu.memory_space<hbm>>
    tpu.wait_indirect_dma semaphore(%arg9 : memref<!tpu.dma_semaphore, #tpu.memory_space<semaphore_mem>>) src(%dma_wait3A_8 : memref<320000x128xf32, #tpu.memory_space<hbm>>) dst(%arg8 : memref<512x128xf32, #tpu.memory_space<vmem>>)
    "tpu.region"() ({
      %run_scoped3A = tpu.sem_alloc : memref<!tpu.dma_semaphore, #tpu.memory_space<semaphore_mem>>
      %dma_start3A_113 = arith.constant 0 : i32
      %dma_start3A_114 = tpu.memref_slice %arg5[%add3A_4, %dma_start3A_113] : memref<114688x128xf32, #tpu.memory_space<hbm>> -> memref<512x128xf32, #tpu.memory_space<hbm>>
      %dma_start3A_115 = arith.constant 0 : i32
      %dma_start3A_116 = tpu.memref_slice %arg5[%add3A_4, %dma_start3A_115] : memref<114688x128xf32, #tpu.memory_space<hbm>> -> memref<512x128xf32, #tpu.memory_space<hbm>>
      tpu.enqueue_dma source(%arg8 : memref<512x128xf32, #tpu.memory_space<vmem>>) target(%dma_start3A_116 : memref<512x128xf32, #tpu.memory_space<hbm>>) target_semaphore(%run_scoped3A : memref<!tpu.dma_semaphore, #tpu.memory_space<semaphore_mem>>)
      %dma_wait3A_117 = arith.constant 0 : i32
      %dma_wait3A_118 = tpu.memref_slice %arg5[%add3A_4, %dma_wait3A_117] : memref<114688x128xf32, #tpu.memory_space<hbm>> -> memref<512x128xf32, #tpu.memory_space<hbm>>
      %dma_wait3A_119 = arith.constant 0 : i32
      %dma_wait3A_120 = tpu.memref_slice %arg5[%add3A_4, %dma_wait3A_119] : memref<114688x128xf32, #tpu.memory_space<hbm>> -> memref<512x128xf32, #tpu.memory_space<hbm>>
      tpu.wait_dma2 semaphore(%run_scoped3A : memref<!tpu.dma_semaphore, #tpu.memory_space<semaphore_mem>>) src(%arg8 : memref<512x128xf32, #tpu.memory_space<vmem>>) dst(%dma_wait3A_120 : memref<512x128xf32, #tpu.memory_space<hbm>>)
      tpu.yield
    }) : () -> ()
    %add3A_9 = arith.constant 512 : i32
    %add3A_10 = arith.addi %mul3A_2, %add3A_9 : i32
    "tpu.region"() ({
      %run_scoped3A = tpu.sem_alloc : memref<!tpu.dma_semaphore, #tpu.memory_space<semaphore_mem>>
      %dma_start3A_113 = tpu.memref_slice %arg3[%add3A_10] : memref<114688xi32, #tpu.memory_space<hbm>> -> memref<512xi32, #tpu.memory_space<hbm>>
      %dma_start3A_114 = tpu.memref_slice %arg3[%add3A_10] : memref<114688xi32, #tpu.memory_space<hbm>> -> memref<512xi32, #tpu.memory_space<hbm>>
      tpu.enqueue_dma source(%dma_start3A_114 : memref<512xi32, #tpu.memory_space<hbm>>) target(%arg7 : memref<512xi32, #tpu.memory_space<vmem>>) target_semaphore(%run_scoped3A : memref<!tpu.dma_semaphore, #tpu.memory_space<semaphore_mem>>)
      %dma_wait3A_115 = tpu.memref_slice %arg3[%add3A_10] : memref<114688xi32, #tpu.memory_space<hbm>> -> memref<512xi32, #tpu.memory_space<hbm>>
      %dma_wait3A_116 = tpu.memref_slice %arg3[%add3A_10] : memref<114688xi32, #tpu.memory_space<hbm>> -> memref<512xi32, #tpu.memory_space<hbm>>
      tpu.wait_dma2 semaphore(%run_scoped3A : memref<!tpu.dma_semaphore, #tpu.memory_space<semaphore_mem>>) src(%dma_wait3A_116 : memref<512xi32, #tpu.memory_space<hbm>>) dst(%arg7 : memref<512xi32, #tpu.memory_space<vmem>>)
      tpu.yield
    }) : () -> ()
    %dma_start3A_11 = arith.constant 0 : i32
    %dma_start3A_12 = arith.constant 0 : i32
    %dma_start3A_13 = tpu.memref_slice %arg2[%dma_start3A_11, %dma_start3A_12] : memref<320000x128xf32, #tpu.memory_space<hbm>> -> memref<320000x128xf32, #tpu.memory_space<hbm>>
    tpu.enqueue_indirect_dma source(%dma_start3A_13 : memref<320000x128xf32, #tpu.memory_space<hbm>>) target(%arg8 : memref<512x128xf32, #tpu.memory_space<vmem>>) offsets(%arg7 : memref<512xi32, #tpu.memory_space<vmem>>) semaphore(%arg9 : memref<!tpu.dma_semaphore, #tpu.memory_space<semaphore_mem>>)
    %dma_wait3A_14 = arith.constant 0 : i32
    %dma_wait3A_15 = arith.constant 0 : i32
    %dma_wait3A_16 = tpu.memref_slice %arg2[%dma_wait3A_14, %dma_wait3A_15] : memref<320000x128xf32, #tpu.memory_space<hbm>> -> memref<320000x128xf32, #tpu.memory_space<hbm>>
    tpu.wait_indirect_dma semaphore(%arg9 : memref<!tpu.dma_semaphore, #tpu.memory_space<semaphore_mem>>) src(%dma_wait3A_16 : memref<320000x128xf32, #tpu.memory_space<hbm>>) dst(%arg8 : memref<512x128xf32, #tpu.memory_space<vmem>>)
    "tpu.region"() ({
      %run_scoped3A = tpu.sem_alloc : memref<!tpu.dma_semaphore, #tpu.memory_space<semaphore_mem>>
      %dma_start3A_113 = arith.constant 0 : i32
      %dma_start3A_114 = tpu.memref_slice %arg5[%add3A_10, %dma_start3A_113] : memref<114688x128xf32, #tpu.memory_space<hbm>> -> memref<512x128xf32, #tpu.memory_space<hbm>>
      %dma_start3A_115 = arith.constant 0 : i32
      %dma_start3A_116 = tpu.memref_slice %arg5[%add3A_10, %dma_start3A_115] : memref<114688x128xf32, #tpu.memory_space<hbm>> -> memref<512x128xf32, #tpu.memory_space<hbm>>
      tpu.enqueue_dma source(%arg8 : memref<512x128xf32, #tpu.memory_space<vmem>>) target(%dma_start3A_116 : memref<512x128xf32, #tpu.memory_space<hbm>>) target_semaphore(%run_scoped3A : memref<!tpu.dma_semaphore, #tpu.memory_space<semaphore_mem>>)
      %dma_wait3A_117 = arith.constant 0 : i32
      %dma_wait3A_118 = tpu.memref_slice %arg5[%add3A_10, %dma_wait3A_117] : memref<114688x128xf32, #tpu.memory_space<hbm>> -> memref<512x128xf32, #tpu.memory_space<hbm>>
      %dma_wait3A_119 = arith.constant 0 : i32
      %dma_wait3A_120 = tpu.memref_slice %arg5[%add3A_10, %dma_wait3A_119] : memref<114688x128xf32, #tpu.memory_space<hbm>> -> memref<512x128xf32, #tpu.memory_space<hbm>>
      tpu.wait_dma2 semaphore(%run_scoped3A : memref<!tpu.dma_semaphore, #tpu.memory_space<semaphore_mem>>) src(%arg8 : memref<512x128xf32, #tpu.memory_space<vmem>>) dst(%dma_wait3A_120 : memref<512x128xf32, #tpu.memory_space<hbm>>)
      tpu.yield
    }) : () -> ()
    %add3A_17 = arith.constant 1024 : i32
    %add3A_18 = arith.addi %mul3A_2, %add3A_17 : i32
    "tpu.region"() ({
      %run_scoped3A = tpu.sem_alloc : memref<!tpu.dma_semaphore, #tpu.memory_space<semaphore_mem>>
      %dma_start3A_113 = tpu.memref_slice %arg3[%add3A_18] : memref<114688xi32, #tpu.memory_space<hbm>> -> memref<512xi32, #tpu.memory_space<hbm>>
      %dma_start3A_114 = tpu.memref_slice %arg3[%add3A_18] : memref<114688xi32, #tpu.memory_space<hbm>> -> memref<512xi32, #tpu.memory_space<hbm>>
      tpu.enqueue_dma source(%dma_start3A_114 : memref<512xi32, #tpu.memory_space<hbm>>) target(%arg7 : memref<512xi32, #tpu.memory_space<vmem>>) target_semaphore(%run_scoped3A : memref<!tpu.dma_semaphore, #tpu.memory_space<semaphore_mem>>)
      %dma_wait3A_115 = tpu.memref_slice %arg3[%add3A_18] : memref<114688xi32, #tpu.memory_space<hbm>> -> memref<512xi32, #tpu.memory_space<hbm>>
      %dma_wait3A_116 = tpu.memref_slice %arg3[%add3A_18] : memref<114688xi32, #tpu.memory_space<hbm>> -> memref<512xi32, #tpu.memory_space<hbm>>
      tpu.wait_dma2 semaphore(%run_scoped3A : memref<!tpu.dma_semaphore, #tpu.memory_space<semaphore_mem>>) src(%dma_wait3A_116 : memref<512xi32, #tpu.memory_space<hbm>>) dst(%arg7 : memref<512xi32, #tpu.memory_space<vmem>>)
      tpu.yield
    }) : () -> ()
    %dma_start3A_19 = arith.constant 0 : i32
    %dma_start3A_20 = arith.constant 0 : i32
    %dma_start3A_21 = tpu.memref_slice %arg2[%dma_start3A_19, %dma_start3A_20] : memref<320000x128xf32, #tpu.memory_space<hbm>> -> memref<320000x128xf32, #tpu.memory_space<hbm>>
    tpu.enqueue_indirect_dma source(%dma_start3A_21 : memref<320000x128xf32, #tpu.memory_space<hbm>>) target(%arg8 : memref<512x128xf32, #tpu.memory_space<vmem>>) offsets(%arg7 : memref<512xi32, #tpu.memory_space<vmem>>) semaphore(%arg9 : memref<!tpu.dma_semaphore, #tpu.memory_space<semaphore_mem>>)
    %dma_wait3A_22 = arith.constant 0 : i32
    %dma_wait3A_23 = arith.constant 0 : i32
    %dma_wait3A_24 = tpu.memref_slice %arg2[%dma_wait3A_22, %dma_wait3A_23] : memref<320000x128xf32, #tpu.memory_space<hbm>> -> memref<320000x128xf32, #tpu.memory_space<hbm>>
    tpu.wait_indirect_dma semaphore(%arg9 : memref<!tpu.dma_semaphore, #tpu.memory_space<semaphore_mem>>) src(%dma_wait3A_24 : memref<320000x128xf32, #tpu.memory_space<hbm>>) dst(%arg8 : memref<512x128xf32, #tpu.memory_space<vmem>>)
    "tpu.region"() ({
      %run_scoped3A = tpu.sem_alloc : memref<!tpu.dma_semaphore, #tpu.memory_space<semaphore_mem>>
      %dma_start3A_113 = arith.constant 0 : i32
      %dma_start3A_114 = tpu.memref_slice %arg5[%add3A_18, %dma_start3A_113] : memref<114688x128xf32, #tpu.memory_space<hbm>> -> memref<512x128xf32, #tpu.memory_space<hbm>>
      %dma_start3A_115 = arith.constant 0 : i32
      %dma_start3A_116 = tpu.memref_slice %arg5[%add3A_18, %dma_start3A_115] : memref<114688x128xf32, #tpu.memory_space<hbm>> -> memref<512x128xf32, #tpu.memory_space<hbm>>
      tpu.enqueue_dma source(%arg8 : memref<512x128xf32, #tpu.memory_space<vmem>>) target(%dma_start3A_116 : memref<512x128xf32, #tpu.memory_space<hbm>>) target_semaphore(%run_scoped3A : memref<!tpu.dma_semaphore, #tpu.memory_space<semaphore_mem>>)
      %dma_wait3A_117 = arith.constant 0 : i32
      %dma_wait3A_118 = tpu.memref_slice %arg5[%add3A_18, %dma_wait3A_117] : memref<114688x128xf32, #tpu.memory_space<hbm>> -> memref<512x128xf32, #tpu.memory_space<hbm>>
      %dma_wait3A_119 = arith.constant 0 : i32
      %dma_wait3A_120 = tpu.memref_slice %arg5[%add3A_18, %dma_wait3A_119] : memref<114688x128xf32, #tpu.memory_space<hbm>> -> memref<512x128xf32, #tpu.memory_space<hbm>>
      tpu.wait_dma2 semaphore(%run_scoped3A : memref<!tpu.dma_semaphore, #tpu.memory_space<semaphore_mem>>) src(%arg8 : memref<512x128xf32, #tpu.memory_space<vmem>>) dst(%dma_wait3A_120 : memref<512x128xf32, #tpu.memory_space<hbm>>)
      tpu.yield
    }) : () -> ()
    %add3A_25 = arith.constant 1536 : i32
    %add3A_26 = arith.addi %mul3A_2, %add3A_25 : i32
    "tpu.region"() ({
      %run_scoped3A = tpu.sem_alloc : memref<!tpu.dma_semaphore, #tpu.memory_space<semaphore_mem>>
      %dma_start3A_113 = tpu.memref_slice %arg3[%add3A_26] : memref<114688xi32, #tpu.memory_space<hbm>> -> memref<512xi32, #tpu.memory_space<hbm>>
      %dma_start3A_114 = tpu.memref_slice %arg3[%add3A_26] : memref<114688xi32, #tpu.memory_space<hbm>> -> memref<512xi32, #tpu.memory_space<hbm>>
      tpu.enqueue_dma source(%dma_start3A_114 : memref<512xi32, #tpu.memory_space<hbm>>) target(%arg7 : memref<512xi32, #tpu.memory_space<vmem>>) target_semaphore(%run_scoped3A : memref<!tpu.dma_semaphore, #tpu.memory_space<semaphore_mem>>)
      %dma_wait3A_115 = tpu.memref_slice %arg3[%add3A_26] : memref<114688xi32, #tpu.memory_space<hbm>> -> memref<512xi32, #tpu.memory_space<hbm>>
      %dma_wait3A_116 = tpu.memref_slice %arg3[%add3A_26] : memref<114688xi32, #tpu.memory_space<hbm>> -> memref<512xi32, #tpu.memory_space<hbm>>
      tpu.wait_dma2 semaphore(%run_scoped3A : memref<!tpu.dma_semaphore, #tpu.memory_space<semaphore_mem>>) src(%dma_wait3A_116 : memref<512xi32, #tpu.memory_space<hbm>>) dst(%arg7 : memref<512xi32, #tpu.memory_space<vmem>>)
      tpu.yield
    }) : () -> ()
    %dma_start3A_27 = arith.constant 0 : i32
    %dma_start3A_28 = arith.constant 0 : i32
    %dma_start3A_29 = tpu.memref_slice %arg2[%dma_start3A_27, %dma_start3A_28] : memref<320000x128xf32, #tpu.memory_space<hbm>> -> memref<320000x128xf32, #tpu.memory_space<hbm>>
    tpu.enqueue_indirect_dma source(%dma_start3A_29 : memref<320000x128xf32, #tpu.memory_space<hbm>>) target(%arg8 : memref<512x128xf32, #tpu.memory_space<vmem>>) offsets(%arg7 : memref<512xi32, #tpu.memory_space<vmem>>) semaphore(%arg9 : memref<!tpu.dma_semaphore, #tpu.memory_space<semaphore_mem>>)
    %dma_wait3A_30 = arith.constant 0 : i32
    %dma_wait3A_31 = arith.constant 0 : i32
    %dma_wait3A_32 = tpu.memref_slice %arg2[%dma_wait3A_30, %dma_wait3A_31] : memref<320000x128xf32, #tpu.memory_space<hbm>> -> memref<320000x128xf32, #tpu.memory_space<hbm>>
    tpu.wait_indirect_dma semaphore(%arg9 : memref<!tpu.dma_semaphore, #tpu.memory_space<semaphore_mem>>) src(%dma_wait3A_32 : memref<320000x128xf32, #tpu.memory_space<hbm>>) dst(%arg8 : memref<512x128xf32, #tpu.memory_space<vmem>>)
    "tpu.region"() ({
      %run_scoped3A = tpu.sem_alloc : memref<!tpu.dma_semaphore, #tpu.memory_space<semaphore_mem>>
      %dma_start3A_113 = arith.constant 0 : i32
      %dma_start3A_114 = tpu.memref_slice %arg5[%add3A_26, %dma_start3A_113] : memref<114688x128xf32, #tpu.memory_space<hbm>> -> memref<512x128xf32, #tpu.memory_space<hbm>>
      %dma_start3A_115 = arith.constant 0 : i32
      %dma_start3A_116 = tpu.memref_slice %arg5[%add3A_26, %dma_start3A_115] : memref<114688x128xf32, #tpu.memory_space<hbm>> -> memref<512x128xf32, #tpu.memory_space<hbm>>
      tpu.enqueue_dma source(%arg8 : memref<512x128xf32, #tpu.memory_space<vmem>>) target(%dma_start3A_116 : memref<512x128xf32, #tpu.memory_space<hbm>>) target_semaphore(%run_scoped3A : memref<!tpu.dma_semaphore, #tpu.memory_space<semaphore_mem>>)
      %dma_wait3A_117 = arith.constant 0 : i32
      %dma_wait3A_118 = tpu.memref_slice %arg5[%add3A_26, %dma_wait3A_117] : memref<114688x128xf32, #tpu.memory_space<hbm>> -> memref<512x128xf32, #tpu.memory_space<hbm>>
      %dma_wait3A_119 = arith.constant 0 : i32
      %dma_wait3A_120 = tpu.memref_slice %arg5[%add3A_26, %dma_wait3A_119] : memref<114688x128xf32, #tpu.memory_space<hbm>> -> memref<512x128xf32, #tpu.memory_space<hbm>>
      tpu.wait_dma2 semaphore(%run_scoped3A : memref<!tpu.dma_semaphore, #tpu.memory_space<semaphore_mem>>) src(%arg8 : memref<512x128xf32, #tpu.memory_space<vmem>>) dst(%dma_wait3A_120 : memref<512x128xf32, #tpu.memory_space<hbm>>)
      tpu.yield
    }) : () -> ()
    %add3A_33 = arith.constant 2048 : i32
    %add3A_34 = arith.addi %mul3A_2, %add3A_33 : i32
    "tpu.region"() ({
      %run_scoped3A = tpu.sem_alloc : memref<!tpu.dma_semaphore, #tpu.memory_space<semaphore_mem>>
      %dma_start3A_113 = tpu.memref_slice %arg3[%add3A_34] : memref<114688xi32, #tpu.memory_space<hbm>> -> memref<512xi32, #tpu.memory_space<hbm>>
      %dma_start3A_114 = tpu.memref_slice %arg3[%add3A_34] : memref<114688xi32, #tpu.memory_space<hbm>> -> memref<512xi32, #tpu.memory_space<hbm>>
      tpu.enqueue_dma source(%dma_start3A_114 : memref<512xi32, #tpu.memory_space<hbm>>) target(%arg7 : memref<512xi32, #tpu.memory_space<vmem>>) target_semaphore(%run_scoped3A : memref<!tpu.dma_semaphore, #tpu.memory_space<semaphore_mem>>)
      %dma_wait3A_115 = tpu.memref_slice %arg3[%add3A_34] : memref<114688xi32, #tpu.memory_space<hbm>> -> memref<512xi32, #tpu.memory_space<hbm>>
      %dma_wait3A_116 = tpu.memref_slice %arg3[%add3A_34] : memref<114688xi32, #tpu.memory_space<hbm>> -> memref<512xi32, #tpu.memory_space<hbm>>
      tpu.wait_dma2 semaphore(%run_scoped3A : memref<!tpu.dma_semaphore, #tpu.memory_space<semaphore_mem>>) src(%dma_wait3A_116 : memref<512xi32, #tpu.memory_space<hbm>>) dst(%arg7 : memref<512xi32, #tpu.memory_space<vmem>>)
      tpu.yield
    }) : () -> ()
    %dma_start3A_35 = arith.constant 0 : i32
    %dma_start3A_36 = arith.constant 0 : i32
    %dma_start3A_37 = tpu.memref_slice %arg2[%dma_start3A_35, %dma_start3A_36] : memref<320000x128xf32, #tpu.memory_space<hbm>> -> memref<320000x128xf32, #tpu.memory_space<hbm>>
    tpu.enqueue_indirect_dma source(%dma_start3A_37 : memref<320000x128xf32, #tpu.memory_space<hbm>>) target(%arg8 : memref<512x128xf32, #tpu.memory_space<vmem>>) offsets(%arg7 : memref<512xi32, #tpu.memory_space<vmem>>) semaphore(%arg9 : memref<!tpu.dma_semaphore, #tpu.memory_space<semaphore_mem>>)
    %dma_wait3A_38 = arith.constant 0 : i32
    %dma_wait3A_39 = arith.constant 0 : i32
    %dma_wait3A_40 = tpu.memref_slice %arg2[%dma_wait3A_38, %dma_wait3A_39] : memref<320000x128xf32, #tpu.memory_space<hbm>> -> memref<320000x128xf32, #tpu.memory_space<hbm>>
    tpu.wait_indirect_dma semaphore(%arg9 : memref<!tpu.dma_semaphore, #tpu.memory_space<semaphore_mem>>) src(%dma_wait3A_40 : memref<320000x128xf32, #tpu.memory_space<hbm>>) dst(%arg8 : memref<512x128xf32, #tpu.memory_space<vmem>>)
    "tpu.region"() ({
      %run_scoped3A = tpu.sem_alloc : memref<!tpu.dma_semaphore, #tpu.memory_space<semaphore_mem>>
      %dma_start3A_113 = arith.constant 0 : i32
      %dma_start3A_114 = tpu.memref_slice %arg5[%add3A_34, %dma_start3A_113] : memref<114688x128xf32, #tpu.memory_space<hbm>> -> memref<512x128xf32, #tpu.memory_space<hbm>>
      %dma_start3A_115 = arith.constant 0 : i32
      %dma_start3A_116 = tpu.memref_slice %arg5[%add3A_34, %dma_start3A_115] : memref<114688x128xf32, #tpu.memory_space<hbm>> -> memref<512x128xf32, #tpu.memory_space<hbm>>
      tpu.enqueue_dma source(%arg8 : memref<512x128xf32, #tpu.memory_space<vmem>>) target(%dma_start3A_116 : memref<512x128xf32, #tpu.memory_space<hbm>>) target_semaphore(%run_scoped3A : memref<!tpu.dma_semaphore, #tpu.memory_space<semaphore_mem>>)
      %dma_wait3A_117 = arith.constant 0 : i32
      %dma_wait3A_118 = tpu.memref_slice %arg5[%add3A_34, %dma_wait3A_117] : memref<114688x128xf32, #tpu.memory_space<hbm>> -> memref<512x128xf32, #tpu.memory_space<hbm>>
      %dma_wait3A_119 = arith.constant 0 : i32
      %dma_wait3A_120 = tpu.memref_slice %arg5[%add3A_34, %dma_wait3A_119] : memref<114688x128xf32, #tpu.memory_space<hbm>> -> memref<512x128xf32, #tpu.memory_space<hbm>>
      tpu.wait_dma2 semaphore(%run_scoped3A : memref<!tpu.dma_semaphore, #tpu.memory_space<semaphore_mem>>) src(%arg8 : memref<512x128xf32, #tpu.memory_space<vmem>>) dst(%dma_wait3A_120 : memref<512x128xf32, #tpu.memory_space<hbm>>)
      tpu.yield
    }) : () -> ()
    %add3A_41 = arith.constant 2560 : i32
    %add3A_42 = arith.addi %mul3A_2, %add3A_41 : i32
    "tpu.region"() ({
      %run_scoped3A = tpu.sem_alloc : memref<!tpu.dma_semaphore, #tpu.memory_space<semaphore_mem>>
      %dma_start3A_113 = tpu.memref_slice %arg3[%add3A_42] : memref<114688xi32, #tpu.memory_space<hbm>> -> memref<512xi32, #tpu.memory_space<hbm>>
      %dma_start3A_114 = tpu.memref_slice %arg3[%add3A_42] : memref<114688xi32, #tpu.memory_space<hbm>> -> memref<512xi32, #tpu.memory_space<hbm>>
      tpu.enqueue_dma source(%dma_start3A_114 : memref<512xi32, #tpu.memory_space<hbm>>) target(%arg7 : memref<512xi32, #tpu.memory_space<vmem>>) target_semaphore(%run_scoped3A : memref<!tpu.dma_semaphore, #tpu.memory_space<semaphore_mem>>)
      %dma_wait3A_115 = tpu.memref_slice %arg3[%add3A_42] : memref<114688xi32, #tpu.memory_space<hbm>> -> memref<512xi32, #tpu.memory_space<hbm>>
      %dma_wait3A_116 = tpu.memref_slice %arg3[%add3A_42] : memref<114688xi32, #tpu.memory_space<hbm>> -> memref<512xi32, #tpu.memory_space<hbm>>
      tpu.wait_dma2 semaphore(%run_scoped3A : memref<!tpu.dma_semaphore, #tpu.memory_space<semaphore_mem>>) src(%dma_wait3A_116 : memref<512xi32, #tpu.memory_space<hbm>>) dst(%arg7 : memref<512xi32, #tpu.memory_space<vmem>>)
      tpu.yield
    }) : () -> ()
    %dma_start3A_43 = arith.constant 0 : i32
    %dma_start3A_44 = arith.constant 0 : i32
    %dma_start3A_45 = tpu.memref_slice %arg2[%dma_start3A_43, %dma_start3A_44] : memref<320000x128xf32, #tpu.memory_space<hbm>> -> memref<320000x128xf32, #tpu.memory_space<hbm>>
    tpu.enqueue_indirect_dma source(%dma_start3A_45 : memref<320000x128xf32, #tpu.memory_space<hbm>>) target(%arg8 : memref<512x128xf32, #tpu.memory_space<vmem>>) offsets(%arg7 : memref<512xi32, #tpu.memory_space<vmem>>) semaphore(%arg9 : memref<!tpu.dma_semaphore, #tpu.memory_space<semaphore_mem>>)
    %dma_wait3A_46 = arith.constant 0 : i32
    %dma_wait3A_47 = arith.constant 0 : i32
    %dma_wait3A_48 = tpu.memref_slice %arg2[%dma_wait3A_46, %dma_wait3A_47] : memref<320000x128xf32, #tpu.memory_space<hbm>> -> memref<320000x128xf32, #tpu.memory_space<hbm>>
    tpu.wait_indirect_dma semaphore(%arg9 : memref<!tpu.dma_semaphore, #tpu.memory_space<semaphore_mem>>) src(%dma_wait3A_48 : memref<320000x128xf32, #tpu.memory_space<hbm>>) dst(%arg8 : memref<512x128xf32, #tpu.memory_space<vmem>>)
    "tpu.region"() ({
      %run_scoped3A = tpu.sem_alloc : memref<!tpu.dma_semaphore, #tpu.memory_space<semaphore_mem>>
      %dma_start3A_113 = arith.constant 0 : i32
      %dma_start3A_114 = tpu.memref_slice %arg5[%add3A_42, %dma_start3A_113] : memref<114688x128xf32, #tpu.memory_space<hbm>> -> memref<512x128xf32, #tpu.memory_space<hbm>>
      %dma_start3A_115 = arith.constant 0 : i32
      %dma_start3A_116 = tpu.memref_slice %arg5[%add3A_42, %dma_start3A_115] : memref<114688x128xf32, #tpu.memory_space<hbm>> -> memref<512x128xf32, #tpu.memory_space<hbm>>
      tpu.enqueue_dma source(%arg8 : memref<512x128xf32, #tpu.memory_space<vmem>>) target(%dma_start3A_116 : memref<512x128xf32, #tpu.memory_space<hbm>>) target_semaphore(%run_scoped3A : memref<!tpu.dma_semaphore, #tpu.memory_space<semaphore_mem>>)
      %dma_wait3A_117 = arith.constant 0 : i32
      %dma_wait3A_118 = tpu.memref_slice %arg5[%add3A_42, %dma_wait3A_117] : memref<114688x128xf32, #tpu.memory_space<hbm>> -> memref<512x128xf32, #tpu.memory_space<hbm>>
      %dma_wait3A_119 = arith.constant 0 : i32
      %dma_wait3A_120 = tpu.memref_slice %arg5[%add3A_42, %dma_wait3A_119] : memref<114688x128xf32, #tpu.memory_space<hbm>> -> memref<512x128xf32, #tpu.memory_space<hbm>>
      tpu.wait_dma2 semaphore(%run_scoped3A : memref<!tpu.dma_semaphore, #tpu.memory_space<semaphore_mem>>) src(%arg8 : memref<512x128xf32, #tpu.memory_space<vmem>>) dst(%dma_wait3A_120 : memref<512x128xf32, #tpu.memory_space<hbm>>)
      tpu.yield
    }) : () -> ()
    %add3A_49 = arith.constant 3072 : i32
    %add3A_50 = arith.addi %mul3A_2, %add3A_49 : i32
    "tpu.region"() ({
      %run_scoped3A = tpu.sem_alloc : memref<!tpu.dma_semaphore, #tpu.memory_space<semaphore_mem>>
      %dma_start3A_113 = tpu.memref_slice %arg3[%add3A_50] : memref<114688xi32, #tpu.memory_space<hbm>> -> memref<512xi32, #tpu.memory_space<hbm>>
      %dma_start3A_114 = tpu.memref_slice %arg3[%add3A_50] : memref<114688xi32, #tpu.memory_space<hbm>> -> memref<512xi32, #tpu.memory_space<hbm>>
      tpu.enqueue_dma source(%dma_start3A_114 : memref<512xi32, #tpu.memory_space<hbm>>) target(%arg7 : memref<512xi32, #tpu.memory_space<vmem>>) target_semaphore(%run_scoped3A : memref<!tpu.dma_semaphore, #tpu.memory_space<semaphore_mem>>)
      %dma_wait3A_115 = tpu.memref_slice %arg3[%add3A_50] : memref<114688xi32, #tpu.memory_space<hbm>> -> memref<512xi32, #tpu.memory_space<hbm>>
      %dma_wait3A_116 = tpu.memref_slice %arg3[%add3A_50] : memref<114688xi32, #tpu.memory_space<hbm>> -> memref<512xi32, #tpu.memory_space<hbm>>
      tpu.wait_dma2 semaphore(%run_scoped3A : memref<!tpu.dma_semaphore, #tpu.memory_space<semaphore_mem>>) src(%dma_wait3A_116 : memref<512xi32, #tpu.memory_space<hbm>>) dst(%arg7 : memref<512xi32, #tpu.memory_space<vmem>>)
      tpu.yield
    }) : () -> ()
    %dma_start3A_51 = arith.constant 0 : i32
    %dma_start3A_52 = arith.constant 0 : i32
    %dma_start3A_53 = tpu.memref_slice %arg2[%dma_start3A_51, %dma_start3A_52] : memref<320000x128xf32, #tpu.memory_space<hbm>> -> memref<320000x128xf32, #tpu.memory_space<hbm>>
    tpu.enqueue_indirect_dma source(%dma_start3A_53 : memref<320000x128xf32, #tpu.memory_space<hbm>>) target(%arg8 : memref<512x128xf32, #tpu.memory_space<vmem>>) offsets(%arg7 : memref<512xi32, #tpu.memory_space<vmem>>) semaphore(%arg9 : memref<!tpu.dma_semaphore, #tpu.memory_space<semaphore_mem>>)
    %dma_wait3A_54 = arith.constant 0 : i32
    %dma_wait3A_55 = arith.constant 0 : i32
    %dma_wait3A_56 = tpu.memref_slice %arg2[%dma_wait3A_54, %dma_wait3A_55] : memref<320000x128xf32, #tpu.memory_space<hbm>> -> memref<320000x128xf32, #tpu.memory_space<hbm>>
    tpu.wait_indirect_dma semaphore(%arg9 : memref<!tpu.dma_semaphore, #tpu.memory_space<semaphore_mem>>) src(%dma_wait3A_56 : memref<320000x128xf32, #tpu.memory_space<hbm>>) dst(%arg8 : memref<512x128xf32, #tpu.memory_space<vmem>>)
    "tpu.region"() ({
      %run_scoped3A = tpu.sem_alloc : memref<!tpu.dma_semaphore, #tpu.memory_space<semaphore_mem>>
      %dma_start3A_113 = arith.constant 0 : i32
      %dma_start3A_114 = tpu.memref_slice %arg5[%add3A_50, %dma_start3A_113] : memref<114688x128xf32, #tpu.memory_space<hbm>> -> memref<512x128xf32, #tpu.memory_space<hbm>>
      %dma_start3A_115 = arith.constant 0 : i32
      %dma_start3A_116 = tpu.memref_slice %arg5[%add3A_50, %dma_start3A_115] : memref<114688x128xf32, #tpu.memory_space<hbm>> -> memref<512x128xf32, #tpu.memory_space<hbm>>
      tpu.enqueue_dma source(%arg8 : memref<512x128xf32, #tpu.memory_space<vmem>>) target(%dma_start3A_116 : memref<512x128xf32, #tpu.memory_space<hbm>>) target_semaphore(%run_scoped3A : memref<!tpu.dma_semaphore, #tpu.memory_space<semaphore_mem>>)
      %dma_wait3A_117 = arith.constant 0 : i32
      %dma_wait3A_118 = tpu.memref_slice %arg5[%add3A_50, %dma_wait3A_117] : memref<114688x128xf32, #tpu.memory_space<hbm>> -> memref<512x128xf32, #tpu.memory_space<hbm>>
      %dma_wait3A_119 = arith.constant 0 : i32
      %dma_wait3A_120 = tpu.memref_slice %arg5[%add3A_50, %dma_wait3A_119] : memref<114688x128xf32, #tpu.memory_space<hbm>> -> memref<512x128xf32, #tpu.memory_space<hbm>>
      tpu.wait_dma2 semaphore(%run_scoped3A : memref<!tpu.dma_semaphore, #tpu.memory_space<semaphore_mem>>) src(%arg8 : memref<512x128xf32, #tpu.memory_space<vmem>>) dst(%dma_wait3A_120 : memref<512x128xf32, #tpu.memory_space<hbm>>)
      tpu.yield
    }) : () -> ()
    %add3A_57 = arith.constant 0 : i32
    %add3A_58 = arith.addi %mul3A_2, %add3A_57 : i32
    "tpu.region"() ({
      %run_scoped3A = tpu.sem_alloc : memref<!tpu.dma_semaphore, #tpu.memory_space<semaphore_mem>>
      %dma_start3A_113 = tpu.memref_slice %arg4[%add3A_58] : memref<114688xi32, #tpu.memory_space<hbm>> -> memref<512xi32, #tpu.memory_space<hbm>>
      %dma_start3A_114 = tpu.memref_slice %arg4[%add3A_58] : memref<114688xi32, #tpu.memory_space<hbm>> -> memref<512xi32, #tpu.memory_space<hbm>>
      tpu.enqueue_dma source(%dma_start3A_114 : memref<512xi32, #tpu.memory_space<hbm>>) target(%arg7 : memref<512xi32, #tpu.memory_space<vmem>>) target_semaphore(%run_scoped3A : memref<!tpu.dma_semaphore, #tpu.memory_space<semaphore_mem>>)
      %dma_wait3A_115 = tpu.memref_slice %arg4[%add3A_58] : memref<114688xi32, #tpu.memory_space<hbm>> -> memref<512xi32, #tpu.memory_space<hbm>>
      %dma_wait3A_116 = tpu.memref_slice %arg4[%add3A_58] : memref<114688xi32, #tpu.memory_space<hbm>> -> memref<512xi32, #tpu.memory_space<hbm>>
      tpu.wait_dma2 semaphore(%run_scoped3A : memref<!tpu.dma_semaphore, #tpu.memory_space<semaphore_mem>>) src(%dma_wait3A_116 : memref<512xi32, #tpu.memory_space<hbm>>) dst(%arg7 : memref<512xi32, #tpu.memory_space<vmem>>)
      tpu.yield
    }) : () -> ()
    %dma_start3A_59 = arith.constant 0 : i32
    %dma_start3A_60 = arith.constant 0 : i32
    %dma_start3A_61 = tpu.memref_slice %arg2[%dma_start3A_59, %dma_start3A_60] : memref<320000x128xf32, #tpu.memory_space<hbm>> -> memref<320000x128xf32, #tpu.memory_space<hbm>>
    tpu.enqueue_indirect_dma source(%dma_start3A_61 : memref<320000x128xf32, #tpu.memory_space<hbm>>) target(%arg8 : memref<512x128xf32, #tpu.memory_space<vmem>>) offsets(%arg7 : memref<512xi32, #tpu.memory_space<vmem>>) semaphore(%arg9 : memref<!tpu.dma_semaphore, #tpu.memory_space<semaphore_mem>>)
    %dma_wait3A_62 = arith.constant 0 : i32
    %dma_wait3A_63 = arith.constant 0 : i32
    %dma_wait3A_64 = tpu.memref_slice %arg2[%dma_wait3A_62, %dma_wait3A_63] : memref<320000x128xf32, #tpu.memory_space<hbm>> -> memref<320000x128xf32, #tpu.memory_space<hbm>>
    tpu.wait_indirect_dma semaphore(%arg9 : memref<!tpu.dma_semaphore, #tpu.memory_space<semaphore_mem>>) src(%dma_wait3A_64 : memref<320000x128xf32, #tpu.memory_space<hbm>>) dst(%arg8 : memref<512x128xf32, #tpu.memory_space<vmem>>)
    "tpu.region"() ({
      %run_scoped3A = tpu.sem_alloc : memref<!tpu.dma_semaphore, #tpu.memory_space<semaphore_mem>>
      %dma_start3A_113 = arith.constant 0 : i32
      %dma_start3A_114 = tpu.memref_slice %arg6[%add3A_58, %dma_start3A_113] : memref<114688x128xf32, #tpu.memory_space<hbm>> -> memref<512x128xf32, #tpu.memory_space<hbm>>
      %dma_start3A_115 = arith.constant 0 : i32
      %dma_start3A_116 = tpu.memref_slice %arg6[%add3A_58, %dma_start3A_115] : memref<114688x128xf32, #tpu.memory_space<hbm>> -> memref<512x128xf32, #tpu.memory_space<hbm>>
      tpu.enqueue_dma source(%arg8 : memref<512x128xf32, #tpu.memory_space<vmem>>) target(%dma_start3A_116 : memref<512x128xf32, #tpu.memory_space<hbm>>) target_semaphore(%run_scoped3A : memref<!tpu.dma_semaphore, #tpu.memory_space<semaphore_mem>>)
      %dma_wait3A_117 = arith.constant 0 : i32
      %dma_wait3A_118 = tpu.memref_slice %arg6[%add3A_58, %dma_wait3A_117] : memref<114688x128xf32, #tpu.memory_space<hbm>> -> memref<512x128xf32, #tpu.memory_space<hbm>>
      %dma_wait3A_119 = arith.constant 0 : i32
      %dma_wait3A_120 = tpu.memref_slice %arg6[%add3A_58, %dma_wait3A_119] : memref<114688x128xf32, #tpu.memory_space<hbm>> -> memref<512x128xf32, #tpu.memory_space<hbm>>
      tpu.wait_dma2 semaphore(%run_scoped3A : memref<!tpu.dma_semaphore, #tpu.memory_space<semaphore_mem>>) src(%arg8 : memref<512x128xf32, #tpu.memory_space<vmem>>) dst(%dma_wait3A_120 : memref<512x128xf32, #tpu.memory_space<hbm>>)
      tpu.yield
    }) : () -> ()
    %add3A_65 = arith.constant 512 : i32
    %add3A_66 = arith.addi %mul3A_2, %add3A_65 : i32
    "tpu.region"() ({
      %run_scoped3A = tpu.sem_alloc : memref<!tpu.dma_semaphore, #tpu.memory_space<semaphore_mem>>
      %dma_start3A_113 = tpu.memref_slice %arg4[%add3A_66] : memref<114688xi32, #tpu.memory_space<hbm>> -> memref<512xi32, #tpu.memory_space<hbm>>
      %dma_start3A_114 = tpu.memref_slice %arg4[%add3A_66] : memref<114688xi32, #tpu.memory_space<hbm>> -> memref<512xi32, #tpu.memory_space<hbm>>
      tpu.enqueue_dma source(%dma_start3A_114 : memref<512xi32, #tpu.memory_space<hbm>>) target(%arg7 : memref<512xi32, #tpu.memory_space<vmem>>) target_semaphore(%run_scoped3A : memref<!tpu.dma_semaphore, #tpu.memory_space<semaphore_mem>>)
      %dma_wait3A_115 = tpu.memref_slice %arg4[%add3A_66] : memref<114688xi32, #tpu.memory_space<hbm>> -> memref<512xi32, #tpu.memory_space<hbm>>
      %dma_wait3A_116 = tpu.memref_slice %arg4[%add3A_66] : memref<114688xi32, #tpu.memory_space<hbm>> -> memref<512xi32, #tpu.memory_space<hbm>>
      tpu.wait_dma2 semaphore(%run_scoped3A : memref<!tpu.dma_semaphore, #tpu.memory_space<semaphore_mem>>) src(%dma_wait3A_116 : memref<512xi32, #tpu.memory_space<hbm>>) dst(%arg7 : memref<512xi32, #tpu.memory_space<vmem>>)
      tpu.yield
    }) : () -> ()
    %dma_start3A_67 = arith.constant 0 : i32
    %dma_start3A_68 = arith.constant 0 : i32
    %dma_start3A_69 = tpu.memref_slice %arg2[%dma_start3A_67, %dma_start3A_68] : memref<320000x128xf32, #tpu.memory_space<hbm>> -> memref<320000x128xf32, #tpu.memory_space<hbm>>
    tpu.enqueue_indirect_dma source(%dma_start3A_69 : memref<320000x128xf32, #tpu.memory_space<hbm>>) target(%arg8 : memref<512x128xf32, #tpu.memory_space<vmem>>) offsets(%arg7 : memref<512xi32, #tpu.memory_space<vmem>>) semaphore(%arg9 : memref<!tpu.dma_semaphore, #tpu.memory_space<semaphore_mem>>)
    %dma_wait3A_70 = arith.constant 0 : i32
    %dma_wait3A_71 = arith.constant 0 : i32
    %dma_wait3A_72 = tpu.memref_slice %arg2[%dma_wait3A_70, %dma_wait3A_71] : memref<320000x128xf32, #tpu.memory_space<hbm>> -> memref<320000x128xf32, #tpu.memory_space<hbm>>
    tpu.wait_indirect_dma semaphore(%arg9 : memref<!tpu.dma_semaphore, #tpu.memory_space<semaphore_mem>>) src(%dma_wait3A_72 : memref<320000x128xf32, #tpu.memory_space<hbm>>) dst(%arg8 : memref<512x128xf32, #tpu.memory_space<vmem>>)
    "tpu.region"() ({
      %run_scoped3A = tpu.sem_alloc : memref<!tpu.dma_semaphore, #tpu.memory_space<semaphore_mem>>
      %dma_start3A_113 = arith.constant 0 : i32
      %dma_start3A_114 = tpu.memref_slice %arg6[%add3A_66, %dma_start3A_113] : memref<114688x128xf32, #tpu.memory_space<hbm>> -> memref<512x128xf32, #tpu.memory_space<hbm>>
      %dma_start3A_115 = arith.constant 0 : i32
      %dma_start3A_116 = tpu.memref_slice %arg6[%add3A_66, %dma_start3A_115] : memref<114688x128xf32, #tpu.memory_space<hbm>> -> memref<512x128xf32, #tpu.memory_space<hbm>>
      tpu.enqueue_dma source(%arg8 : memref<512x128xf32, #tpu.memory_space<vmem>>) target(%dma_start3A_116 : memref<512x128xf32, #tpu.memory_space<hbm>>) target_semaphore(%run_scoped3A : memref<!tpu.dma_semaphore, #tpu.memory_space<semaphore_mem>>)
      %dma_wait3A_117 = arith.constant 0 : i32
      %dma_wait3A_118 = tpu.memref_slice %arg6[%add3A_66, %dma_wait3A_117] : memref<114688x128xf32, #tpu.memory_space<hbm>> -> memref<512x128xf32, #tpu.memory_space<hbm>>
      %dma_wait3A_119 = arith.constant 0 : i32
      %dma_wait3A_120 = tpu.memref_slice %arg6[%add3A_66, %dma_wait3A_119] : memref<114688x128xf32, #tpu.memory_space<hbm>> -> memref<512x128xf32, #tpu.memory_space<hbm>>
      tpu.wait_dma2 semaphore(%run_scoped3A : memref<!tpu.dma_semaphore, #tpu.memory_space<semaphore_mem>>) src(%arg8 : memref<512x128xf32, #tpu.memory_space<vmem>>) dst(%dma_wait3A_120 : memref<512x128xf32, #tpu.memory_space<hbm>>)
      tpu.yield
    }) : () -> ()
    %add3A_73 = arith.constant 1024 : i32
    %add3A_74 = arith.addi %mul3A_2, %add3A_73 : i32
    "tpu.region"() ({
      %run_scoped3A = tpu.sem_alloc : memref<!tpu.dma_semaphore, #tpu.memory_space<semaphore_mem>>
      %dma_start3A_113 = tpu.memref_slice %arg4[%add3A_74] : memref<114688xi32, #tpu.memory_space<hbm>> -> memref<512xi32, #tpu.memory_space<hbm>>
      %dma_start3A_114 = tpu.memref_slice %arg4[%add3A_74] : memref<114688xi32, #tpu.memory_space<hbm>> -> memref<512xi32, #tpu.memory_space<hbm>>
      tpu.enqueue_dma source(%dma_start3A_114 : memref<512xi32, #tpu.memory_space<hbm>>) target(%arg7 : memref<512xi32, #tpu.memory_space<vmem>>) target_semaphore(%run_scoped3A : memref<!tpu.dma_semaphore, #tpu.memory_space<semaphore_mem>>)
      %dma_wait3A_115 = tpu.memref_slice %arg4[%add3A_74] : memref<114688xi32, #tpu.memory_space<hbm>> -> memref<512xi32, #tpu.memory_space<hbm>>
      %dma_wait3A_116 = tpu.memref_slice %arg4[%add3A_74] : memref<114688xi32, #tpu.memory_space<hbm>> -> memref<512xi32, #tpu.memory_space<hbm>>
      tpu.wait_dma2 semaphore(%run_scoped3A : memref<!tpu.dma_semaphore, #tpu.memory_space<semaphore_mem>>) src(%dma_wait3A_116 : memref<512xi32, #tpu.memory_space<hbm>>) dst(%arg7 : memref<512xi32, #tpu.memory_space<vmem>>)
      tpu.yield
    }) : () -> ()
    %dma_start3A_75 = arith.constant 0 : i32
    %dma_start3A_76 = arith.constant 0 : i32
    %dma_start3A_77 = tpu.memref_slice %arg2[%dma_start3A_75, %dma_start3A_76] : memref<320000x128xf32, #tpu.memory_space<hbm>> -> memref<320000x128xf32, #tpu.memory_space<hbm>>
    tpu.enqueue_indirect_dma source(%dma_start3A_77 : memref<320000x128xf32, #tpu.memory_space<hbm>>) target(%arg8 : memref<512x128xf32, #tpu.memory_space<vmem>>) offsets(%arg7 : memref<512xi32, #tpu.memory_space<vmem>>) semaphore(%arg9 : memref<!tpu.dma_semaphore, #tpu.memory_space<semaphore_mem>>)
    %dma_wait3A_78 = arith.constant 0 : i32
    %dma_wait3A_79 = arith.constant 0 : i32
    %dma_wait3A_80 = tpu.memref_slice %arg2[%dma_wait3A_78, %dma_wait3A_79] : memref<320000x128xf32, #tpu.memory_space<hbm>> -> memref<320000x128xf32, #tpu.memory_space<hbm>>
    tpu.wait_indirect_dma semaphore(%arg9 : memref<!tpu.dma_semaphore, #tpu.memory_space<semaphore_mem>>) src(%dma_wait3A_80 : memref<320000x128xf32, #tpu.memory_space<hbm>>) dst(%arg8 : memref<512x128xf32, #tpu.memory_space<vmem>>)
    "tpu.region"() ({
      %run_scoped3A = tpu.sem_alloc : memref<!tpu.dma_semaphore, #tpu.memory_space<semaphore_mem>>
      %dma_start3A_113 = arith.constant 0 : i32
      %dma_start3A_114 = tpu.memref_slice %arg6[%add3A_74, %dma_start3A_113] : memref<114688x128xf32, #tpu.memory_space<hbm>> -> memref<512x128xf32, #tpu.memory_space<hbm>>
      %dma_start3A_115 = arith.constant 0 : i32
      %dma_start3A_116 = tpu.memref_slice %arg6[%add3A_74, %dma_start3A_115] : memref<114688x128xf32, #tpu.memory_space<hbm>> -> memref<512x128xf32, #tpu.memory_space<hbm>>
      tpu.enqueue_dma source(%arg8 : memref<512x128xf32, #tpu.memory_space<vmem>>) target(%dma_start3A_116 : memref<512x128xf32, #tpu.memory_space<hbm>>) target_semaphore(%run_scoped3A : memref<!tpu.dma_semaphore, #tpu.memory_space<semaphore_mem>>)
      %dma_wait3A_117 = arith.constant 0 : i32
      %dma_wait3A_118 = tpu.memref_slice %arg6[%add3A_74, %dma_wait3A_117] : memref<114688x128xf32, #tpu.memory_space<hbm>> -> memref<512x128xf32, #tpu.memory_space<hbm>>
      %dma_wait3A_119 = arith.constant 0 : i32
      %dma_wait3A_120 = tpu.memref_slice %arg6[%add3A_74, %dma_wait3A_119] : memref<114688x128xf32, #tpu.memory_space<hbm>> -> memref<512x128xf32, #tpu.memory_space<hbm>>
      tpu.wait_dma2 semaphore(%run_scoped3A : memref<!tpu.dma_semaphore, #tpu.memory_space<semaphore_mem>>) src(%arg8 : memref<512x128xf32, #tpu.memory_space<vmem>>) dst(%dma_wait3A_120 : memref<512x128xf32, #tpu.memory_space<hbm>>)
      tpu.yield
    }) : () -> ()
    %add3A_81 = arith.constant 1536 : i32
    %add3A_82 = arith.addi %mul3A_2, %add3A_81 : i32
    "tpu.region"() ({
      %run_scoped3A = tpu.sem_alloc : memref<!tpu.dma_semaphore, #tpu.memory_space<semaphore_mem>>
      %dma_start3A_113 = tpu.memref_slice %arg4[%add3A_82] : memref<114688xi32, #tpu.memory_space<hbm>> -> memref<512xi32, #tpu.memory_space<hbm>>
      %dma_start3A_114 = tpu.memref_slice %arg4[%add3A_82] : memref<114688xi32, #tpu.memory_space<hbm>> -> memref<512xi32, #tpu.memory_space<hbm>>
      tpu.enqueue_dma source(%dma_start3A_114 : memref<512xi32, #tpu.memory_space<hbm>>) target(%arg7 : memref<512xi32, #tpu.memory_space<vmem>>) target_semaphore(%run_scoped3A : memref<!tpu.dma_semaphore, #tpu.memory_space<semaphore_mem>>)
      %dma_wait3A_115 = tpu.memref_slice %arg4[%add3A_82] : memref<114688xi32, #tpu.memory_space<hbm>> -> memref<512xi32, #tpu.memory_space<hbm>>
      %dma_wait3A_116 = tpu.memref_slice %arg4[%add3A_82] : memref<114688xi32, #tpu.memory_space<hbm>> -> memref<512xi32, #tpu.memory_space<hbm>>
      tpu.wait_dma2 semaphore(%run_scoped3A : memref<!tpu.dma_semaphore, #tpu.memory_space<semaphore_mem>>) src(%dma_wait3A_116 : memref<512xi32, #tpu.memory_space<hbm>>) dst(%arg7 : memref<512xi32, #tpu.memory_space<vmem>>)
      tpu.yield
    }) : () -> ()
    %dma_start3A_83 = arith.constant 0 : i32
    %dma_start3A_84 = arith.constant 0 : i32
    %dma_start3A_85 = tpu.memref_slice %arg2[%dma_start3A_83, %dma_start3A_84] : memref<320000x128xf32, #tpu.memory_space<hbm>> -> memref<320000x128xf32, #tpu.memory_space<hbm>>
    tpu.enqueue_indirect_dma source(%dma_start3A_85 : memref<320000x128xf32, #tpu.memory_space<hbm>>) target(%arg8 : memref<512x128xf32, #tpu.memory_space<vmem>>) offsets(%arg7 : memref<512xi32, #tpu.memory_space<vmem>>) semaphore(%arg9 : memref<!tpu.dma_semaphore, #tpu.memory_space<semaphore_mem>>)
    %dma_wait3A_86 = arith.constant 0 : i32
    %dma_wait3A_87 = arith.constant 0 : i32
    %dma_wait3A_88 = tpu.memref_slice %arg2[%dma_wait3A_86, %dma_wait3A_87] : memref<320000x128xf32, #tpu.memory_space<hbm>> -> memref<320000x128xf32, #tpu.memory_space<hbm>>
    tpu.wait_indirect_dma semaphore(%arg9 : memref<!tpu.dma_semaphore, #tpu.memory_space<semaphore_mem>>) src(%dma_wait3A_88 : memref<320000x128xf32, #tpu.memory_space<hbm>>) dst(%arg8 : memref<512x128xf32, #tpu.memory_space<vmem>>)
    "tpu.region"() ({
      %run_scoped3A = tpu.sem_alloc : memref<!tpu.dma_semaphore, #tpu.memory_space<semaphore_mem>>
      %dma_start3A_113 = arith.constant 0 : i32
      %dma_start3A_114 = tpu.memref_slice %arg6[%add3A_82, %dma_start3A_113] : memref<114688x128xf32, #tpu.memory_space<hbm>> -> memref<512x128xf32, #tpu.memory_space<hbm>>
      %dma_start3A_115 = arith.constant 0 : i32
      %dma_start3A_116 = tpu.memref_slice %arg6[%add3A_82, %dma_start3A_115] : memref<114688x128xf32, #tpu.memory_space<hbm>> -> memref<512x128xf32, #tpu.memory_space<hbm>>
      tpu.enqueue_dma source(%arg8 : memref<512x128xf32, #tpu.memory_space<vmem>>) target(%dma_start3A_116 : memref<512x128xf32, #tpu.memory_space<hbm>>) target_semaphore(%run_scoped3A : memref<!tpu.dma_semaphore, #tpu.memory_space<semaphore_mem>>)
      %dma_wait3A_117 = arith.constant 0 : i32
      %dma_wait3A_118 = tpu.memref_slice %arg6[%add3A_82, %dma_wait3A_117] : memref<114688x128xf32, #tpu.memory_space<hbm>> -> memref<512x128xf32, #tpu.memory_space<hbm>>
      %dma_wait3A_119 = arith.constant 0 : i32
      %dma_wait3A_120 = tpu.memref_slice %arg6[%add3A_82, %dma_wait3A_119] : memref<114688x128xf32, #tpu.memory_space<hbm>> -> memref<512x128xf32, #tpu.memory_space<hbm>>
      tpu.wait_dma2 semaphore(%run_scoped3A : memref<!tpu.dma_semaphore, #tpu.memory_space<semaphore_mem>>) src(%arg8 : memref<512x128xf32, #tpu.memory_space<vmem>>) dst(%dma_wait3A_120 : memref<512x128xf32, #tpu.memory_space<hbm>>)
      tpu.yield
    }) : () -> ()
    %add3A_89 = arith.constant 2048 : i32
    %add3A_90 = arith.addi %mul3A_2, %add3A_89 : i32
    "tpu.region"() ({
      %run_scoped3A = tpu.sem_alloc : memref<!tpu.dma_semaphore, #tpu.memory_space<semaphore_mem>>
      %dma_start3A_113 = tpu.memref_slice %arg4[%add3A_90] : memref<114688xi32, #tpu.memory_space<hbm>> -> memref<512xi32, #tpu.memory_space<hbm>>
      %dma_start3A_114 = tpu.memref_slice %arg4[%add3A_90] : memref<114688xi32, #tpu.memory_space<hbm>> -> memref<512xi32, #tpu.memory_space<hbm>>
      tpu.enqueue_dma source(%dma_start3A_114 : memref<512xi32, #tpu.memory_space<hbm>>) target(%arg7 : memref<512xi32, #tpu.memory_space<vmem>>) target_semaphore(%run_scoped3A : memref<!tpu.dma_semaphore, #tpu.memory_space<semaphore_mem>>)
      %dma_wait3A_115 = tpu.memref_slice %arg4[%add3A_90] : memref<114688xi32, #tpu.memory_space<hbm>> -> memref<512xi32, #tpu.memory_space<hbm>>
      %dma_wait3A_116 = tpu.memref_slice %arg4[%add3A_90] : memref<114688xi32, #tpu.memory_space<hbm>> -> memref<512xi32, #tpu.memory_space<hbm>>
      tpu.wait_dma2 semaphore(%run_scoped3A : memref<!tpu.dma_semaphore, #tpu.memory_space<semaphore_mem>>) src(%dma_wait3A_116 : memref<512xi32, #tpu.memory_space<hbm>>) dst(%arg7 : memref<512xi32, #tpu.memory_space<vmem>>)
      tpu.yield
    }) : () -> ()
    %dma_start3A_91 = arith.constant 0 : i32
    %dma_start3A_92 = arith.constant 0 : i32
    %dma_start3A_93 = tpu.memref_slice %arg2[%dma_start3A_91, %dma_start3A_92] : memref<320000x128xf32, #tpu.memory_space<hbm>> -> memref<320000x128xf32, #tpu.memory_space<hbm>>
    tpu.enqueue_indirect_dma source(%dma_start3A_93 : memref<320000x128xf32, #tpu.memory_space<hbm>>) target(%arg8 : memref<512x128xf32, #tpu.memory_space<vmem>>) offsets(%arg7 : memref<512xi32, #tpu.memory_space<vmem>>) semaphore(%arg9 : memref<!tpu.dma_semaphore, #tpu.memory_space<semaphore_mem>>)
    %dma_wait3A_94 = arith.constant 0 : i32
    %dma_wait3A_95 = arith.constant 0 : i32
    %dma_wait3A_96 = tpu.memref_slice %arg2[%dma_wait3A_94, %dma_wait3A_95] : memref<320000x128xf32, #tpu.memory_space<hbm>> -> memref<320000x128xf32, #tpu.memory_space<hbm>>
    tpu.wait_indirect_dma semaphore(%arg9 : memref<!tpu.dma_semaphore, #tpu.memory_space<semaphore_mem>>) src(%dma_wait3A_96 : memref<320000x128xf32, #tpu.memory_space<hbm>>) dst(%arg8 : memref<512x128xf32, #tpu.memory_space<vmem>>)
    "tpu.region"() ({
      %run_scoped3A = tpu.sem_alloc : memref<!tpu.dma_semaphore, #tpu.memory_space<semaphore_mem>>
      %dma_start3A_113 = arith.constant 0 : i32
      %dma_start3A_114 = tpu.memref_slice %arg6[%add3A_90, %dma_start3A_113] : memref<114688x128xf32, #tpu.memory_space<hbm>> -> memref<512x128xf32, #tpu.memory_space<hbm>>
      %dma_start3A_115 = arith.constant 0 : i32
      %dma_start3A_116 = tpu.memref_slice %arg6[%add3A_90, %dma_start3A_115] : memref<114688x128xf32, #tpu.memory_space<hbm>> -> memref<512x128xf32, #tpu.memory_space<hbm>>
      tpu.enqueue_dma source(%arg8 : memref<512x128xf32, #tpu.memory_space<vmem>>) target(%dma_start3A_116 : memref<512x128xf32, #tpu.memory_space<hbm>>) target_semaphore(%run_scoped3A : memref<!tpu.dma_semaphore, #tpu.memory_space<semaphore_mem>>)
      %dma_wait3A_117 = arith.constant 0 : i32
      %dma_wait3A_118 = tpu.memref_slice %arg6[%add3A_90, %dma_wait3A_117] : memref<114688x128xf32, #tpu.memory_space<hbm>> -> memref<512x128xf32, #tpu.memory_space<hbm>>
      %dma_wait3A_119 = arith.constant 0 : i32
      %dma_wait3A_120 = tpu.memref_slice %arg6[%add3A_90, %dma_wait3A_119] : memref<114688x128xf32, #tpu.memory_space<hbm>> -> memref<512x128xf32, #tpu.memory_space<hbm>>
      tpu.wait_dma2 semaphore(%run_scoped3A : memref<!tpu.dma_semaphore, #tpu.memory_space<semaphore_mem>>) src(%arg8 : memref<512x128xf32, #tpu.memory_space<vmem>>) dst(%dma_wait3A_120 : memref<512x128xf32, #tpu.memory_space<hbm>>)
      tpu.yield
    }) : () -> ()
    %add3A_97 = arith.constant 2560 : i32
    %add3A_98 = arith.addi %mul3A_2, %add3A_97 : i32
    "tpu.region"() ({
      %run_scoped3A = tpu.sem_alloc : memref<!tpu.dma_semaphore, #tpu.memory_space<semaphore_mem>>
      %dma_start3A_113 = tpu.memref_slice %arg4[%add3A_98] : memref<114688xi32, #tpu.memory_space<hbm>> -> memref<512xi32, #tpu.memory_space<hbm>>
      %dma_start3A_114 = tpu.memref_slice %arg4[%add3A_98] : memref<114688xi32, #tpu.memory_space<hbm>> -> memref<512xi32, #tpu.memory_space<hbm>>
      tpu.enqueue_dma source(%dma_start3A_114 : memref<512xi32, #tpu.memory_space<hbm>>) target(%arg7 : memref<512xi32, #tpu.memory_space<vmem>>) target_semaphore(%run_scoped3A : memref<!tpu.dma_semaphore, #tpu.memory_space<semaphore_mem>>)
      %dma_wait3A_115 = tpu.memref_slice %arg4[%add3A_98] : memref<114688xi32, #tpu.memory_space<hbm>> -> memref<512xi32, #tpu.memory_space<hbm>>
      %dma_wait3A_116 = tpu.memref_slice %arg4[%add3A_98] : memref<114688xi32, #tpu.memory_space<hbm>> -> memref<512xi32, #tpu.memory_space<hbm>>
      tpu.wait_dma2 semaphore(%run_scoped3A : memref<!tpu.dma_semaphore, #tpu.memory_space<semaphore_mem>>) src(%dma_wait3A_116 : memref<512xi32, #tpu.memory_space<hbm>>) dst(%arg7 : memref<512xi32, #tpu.memory_space<vmem>>)
      tpu.yield
    }) : () -> ()
    %dma_start3A_99 = arith.constant 0 : i32
    %dma_start3A_100 = arith.constant 0 : i32
    %dma_start3A_101 = tpu.memref_slice %arg2[%dma_start3A_99, %dma_start3A_100] : memref<320000x128xf32, #tpu.memory_space<hbm>> -> memref<320000x128xf32, #tpu.memory_space<hbm>>
    tpu.enqueue_indirect_dma source(%dma_start3A_101 : memref<320000x128xf32, #tpu.memory_space<hbm>>) target(%arg8 : memref<512x128xf32, #tpu.memory_space<vmem>>) offsets(%arg7 : memref<512xi32, #tpu.memory_space<vmem>>) semaphore(%arg9 : memref<!tpu.dma_semaphore, #tpu.memory_space<semaphore_mem>>)
    %dma_wait3A_102 = arith.constant 0 : i32
    %dma_wait3A_103 = arith.constant 0 : i32
    %dma_wait3A_104 = tpu.memref_slice %arg2[%dma_wait3A_102, %dma_wait3A_103] : memref<320000x128xf32, #tpu.memory_space<hbm>> -> memref<320000x128xf32, #tpu.memory_space<hbm>>
    tpu.wait_indirect_dma semaphore(%arg9 : memref<!tpu.dma_semaphore, #tpu.memory_space<semaphore_mem>>) src(%dma_wait3A_104 : memref<320000x128xf32, #tpu.memory_space<hbm>>) dst(%arg8 : memref<512x128xf32, #tpu.memory_space<vmem>>)
    "tpu.region"() ({
      %run_scoped3A = tpu.sem_alloc : memref<!tpu.dma_semaphore, #tpu.memory_space<semaphore_mem>>
      %dma_start3A_113 = arith.constant 0 : i32
      %dma_start3A_114 = tpu.memref_slice %arg6[%add3A_98, %dma_start3A_113] : memref<114688x128xf32, #tpu.memory_space<hbm>> -> memref<512x128xf32, #tpu.memory_space<hbm>>
      %dma_start3A_115 = arith.constant 0 : i32
      %dma_start3A_116 = tpu.memref_slice %arg6[%add3A_98, %dma_start3A_115] : memref<114688x128xf32, #tpu.memory_space<hbm>> -> memref<512x128xf32, #tpu.memory_space<hbm>>
      tpu.enqueue_dma source(%arg8 : memref<512x128xf32, #tpu.memory_space<vmem>>) target(%dma_start3A_116 : memref<512x128xf32, #tpu.memory_space<hbm>>) target_semaphore(%run_scoped3A : memref<!tpu.dma_semaphore, #tpu.memory_space<semaphore_mem>>)
      %dma_wait3A_117 = arith.constant 0 : i32
      %dma_wait3A_118 = tpu.memref_slice %arg6[%add3A_98, %dma_wait3A_117] : memref<114688x128xf32, #tpu.memory_space<hbm>> -> memref<512x128xf32, #tpu.memory_space<hbm>>
      %dma_wait3A_119 = arith.constant 0 : i32
      %dma_wait3A_120 = tpu.memref_slice %arg6[%add3A_98, %dma_wait3A_119] : memref<114688x128xf32, #tpu.memory_space<hbm>> -> memref<512x128xf32, #tpu.memory_space<hbm>>
      tpu.wait_dma2 semaphore(%run_scoped3A : memref<!tpu.dma_semaphore, #tpu.memory_space<semaphore_mem>>) src(%arg8 : memref<512x128xf32, #tpu.memory_space<vmem>>) dst(%dma_wait3A_120 : memref<512x128xf32, #tpu.memory_space<hbm>>)
      tpu.yield
    }) : () -> ()
    %add3A_105 = arith.constant 3072 : i32
    %add3A_106 = arith.addi %mul3A_2, %add3A_105 : i32
    "tpu.region"() ({
      %run_scoped3A = tpu.sem_alloc : memref<!tpu.dma_semaphore, #tpu.memory_space<semaphore_mem>>
      %dma_start3A_113 = tpu.memref_slice %arg4[%add3A_106] : memref<114688xi32, #tpu.memory_space<hbm>> -> memref<512xi32, #tpu.memory_space<hbm>>
      %dma_start3A_114 = tpu.memref_slice %arg4[%add3A_106] : memref<114688xi32, #tpu.memory_space<hbm>> -> memref<512xi32, #tpu.memory_space<hbm>>
      tpu.enqueue_dma source(%dma_start3A_114 : memref<512xi32, #tpu.memory_space<hbm>>) target(%arg7 : memref<512xi32, #tpu.memory_space<vmem>>) target_semaphore(%run_scoped3A : memref<!tpu.dma_semaphore, #tpu.memory_space<semaphore_mem>>)
      %dma_wait3A_115 = tpu.memref_slice %arg4[%add3A_106] : memref<114688xi32, #tpu.memory_space<hbm>> -> memref<512xi32, #tpu.memory_space<hbm>>
      %dma_wait3A_116 = tpu.memref_slice %arg4[%add3A_106] : memref<114688xi32, #tpu.memory_space<hbm>> -> memref<512xi32, #tpu.memory_space<hbm>>
      tpu.wait_dma2 semaphore(%run_scoped3A : memref<!tpu.dma_semaphore, #tpu.memory_space<semaphore_mem>>) src(%dma_wait3A_116 : memref<512xi32, #tpu.memory_space<hbm>>) dst(%arg7 : memref<512xi32, #tpu.memory_space<vmem>>)
      tpu.yield
    }) : () -> ()
    %dma_start3A_107 = arith.constant 0 : i32
    %dma_start3A_108 = arith.constant 0 : i32
    %dma_start3A_109 = tpu.memref_slice %arg2[%dma_start3A_107, %dma_start3A_108] : memref<320000x128xf32, #tpu.memory_space<hbm>> -> memref<320000x128xf32, #tpu.memory_space<hbm>>
    tpu.enqueue_indirect_dma source(%dma_start3A_109 : memref<320000x128xf32, #tpu.memory_space<hbm>>) target(%arg8 : memref<512x128xf32, #tpu.memory_space<vmem>>) offsets(%arg7 : memref<512xi32, #tpu.memory_space<vmem>>) semaphore(%arg9 : memref<!tpu.dma_semaphore, #tpu.memory_space<semaphore_mem>>)
    %dma_wait3A_110 = arith.constant 0 : i32
    %dma_wait3A_111 = arith.constant 0 : i32
    %dma_wait3A_112 = tpu.memref_slice %arg2[%dma_wait3A_110, %dma_wait3A_111] : memref<320000x128xf32, #tpu.memory_space<hbm>> -> memref<320000x128xf32, #tpu.memory_space<hbm>>
    tpu.wait_indirect_dma semaphore(%arg9 : memref<!tpu.dma_semaphore, #tpu.memory_space<semaphore_mem>>) src(%dma_wait3A_112 : memref<320000x128xf32, #tpu.memory_space<hbm>>) dst(%arg8 : memref<512x128xf32, #tpu.memory_space<vmem>>)
    "tpu.region"() ({
      %run_scoped3A = tpu.sem_alloc : memref<!tpu.dma_semaphore, #tpu.memory_space<semaphore_mem>>
      %dma_start3A_113 = arith.constant 0 : i32
      %dma_start3A_114 = tpu.memref_slice %arg6[%add3A_106, %dma_start3A_113] : memref<114688x128xf32, #tpu.memory_space<hbm>> -> memref<512x128xf32, #tpu.memory_space<hbm>>
      %dma_start3A_115 = arith.constant 0 : i32
      %dma_start3A_116 = tpu.memref_slice %arg6[%add3A_106, %dma_start3A_115] : memref<114688x128xf32, #tpu.memory_space<hbm>> -> memref<512x128xf32, #tpu.memory_space<hbm>>
      tpu.enqueue_dma source(%arg8 : memref<512x128xf32, #tpu.memory_space<vmem>>) target(%dma_start3A_116 : memref<512x128xf32, #tpu.memory_space<hbm>>) target_semaphore(%run_scoped3A : memref<!tpu.dma_semaphore, #tpu.memory_space<semaphore_mem>>)
      %dma_wait3A_117 = arith.constant 0 : i32
      %dma_wait3A_118 = tpu.memref_slice %arg6[%add3A_106, %dma_wait3A_117] : memref<114688x128xf32, #tpu.memory_space<hbm>> -> memref<512x128xf32, #tpu.memory_space<hbm>>
      %dma_wait3A_119 = arith.constant 0 : i32
      %dma_wait3A_120 = tpu.memref_slice %arg6[%add3A_106, %dma_wait3A_119] : memref<114688x128xf32, #tpu.memory_space<hbm>> -> memref<512x128xf32, #tpu.memory_space<hbm>>
      tpu.wait_dma2 semaphore(%run_scoped3A : memref<!tpu.dma_semaphore, #tpu.memory_space<semaphore_mem>>) src(%arg8 : memref<512x128xf32, #tpu.memory_space<vmem>>) dst(%dma_wait3A_120 : memref<512x128xf32, #tpu.memory_space<hbm>>)
      tpu.yield
    }) : () -> ()
    return
  }
}

#map = affine_map<(d0, d1) -> (0, 0)>
#map1 = affine_map<(d0, d1) -> (0)>
module attributes {stable_mosaic.version = 14 : i64} {
  func.func @k(%arg0: i32, %arg1: i32, %arg2: memref<320000x128xf32, #tpu.memory_space<hbm>>, %arg3: memref<131072xi32, #tpu.memory_space<hbm>>, %arg4: memref<131072xi32, #tpu.memory_space<hbm>>, %arg5: memref<131072x128xf32, #tpu.memory_space<hbm>>, %arg6: memref<131072x128xf32, #tpu.memory_space<hbm>>, %arg7: memref<512xi32, #tpu.memory_space<vmem>>, %arg8: memref<512x128xf32, #tpu.memory_space<vmem>>, %arg9: memref<!tpu.dma_semaphore, #tpu.memory_space<semaphore_mem>>) attributes {dimension_semantics = [#tpu.dimension_semantics<core_parallel>, #tpu.dimension_semantics<subcore_parallel>], iteration_bounds = array<i64: 2, 16>, scalar_prefetch = 0 : i64, scratch_operands = 3 : i64, tpu.core_type = #tpu.core_type<sc_vector_subcore>, window_params = [{transform_indices = #map}, {transform_indices = #map1}, {transform_indices = #map1}, {transform_indices = #map}, {transform_indices = #map}]} {
    %mul3A = arith.constant 2 : i32
    %mul3A_0 = arith.muli %arg1, %mul3A : i32
    %add3A = arith.addi %mul3A_0, %arg0 : i32
    %mul3A_1 = arith.constant 4096 : i32
    %mul3A_2 = arith.muli %add3A, %mul3A_1 : i32
    %add3A_3 = arith.constant 0 : i32
    %add3A_4 = arith.addi %mul3A_2, %add3A_3 : i32
    "tpu.region"() ({
      %run_scoped3A = tpu.sem_alloc : memref<!tpu.dma_semaphore, #tpu.memory_space<semaphore_mem>>
      %dma_start3A_129 = tpu.memref_slice %arg3[%add3A_4] : memref<131072xi32, #tpu.memory_space<hbm>> -> memref<512xi32, #tpu.memory_space<hbm>>
      %dma_start3A_130 = tpu.memref_slice %arg3[%add3A_4] : memref<131072xi32, #tpu.memory_space<hbm>> -> memref<512xi32, #tpu.memory_space<hbm>>
      tpu.enqueue_dma source(%dma_start3A_130 : memref<512xi32, #tpu.memory_space<hbm>>) target(%arg7 : memref<512xi32, #tpu.memory_space<vmem>>) target_semaphore(%run_scoped3A : memref<!tpu.dma_semaphore, #tpu.memory_space<semaphore_mem>>)
      %dma_wait3A_131 = tpu.memref_slice %arg3[%add3A_4] : memref<131072xi32, #tpu.memory_space<hbm>> -> memref<512xi32, #tpu.memory_space<hbm>>
      %dma_wait3A_132 = tpu.memref_slice %arg3[%add3A_4] : memref<131072xi32, #tpu.memory_space<hbm>> -> memref<512xi32, #tpu.memory_space<hbm>>
      tpu.wait_dma2 semaphore(%run_scoped3A : memref<!tpu.dma_semaphore, #tpu.memory_space<semaphore_mem>>) src(%dma_wait3A_132 : memref<512xi32, #tpu.memory_space<hbm>>) dst(%arg7 : memref<512xi32, #tpu.memory_space<vmem>>)
      tpu.yield
    }) : () -> ()
    %dma_start3A = arith.constant 0 : i32
    %dma_start3A_5 = arith.constant 0 : i32
    %dma_start3A_6 = tpu.memref_slice %arg2[%dma_start3A, %dma_start3A_5] : memref<320000x128xf32, #tpu.memory_space<hbm>> -> memref<320000x128xf32, #tpu.memory_space<hbm>>
    tpu.enqueue_indirect_dma source(%dma_start3A_6 : memref<320000x128xf32, #tpu.memory_space<hbm>>) target(%arg8 : memref<512x128xf32, #tpu.memory_space<vmem>>) offsets(%arg7 : memref<512xi32, #tpu.memory_space<vmem>>) semaphore(%arg9 : memref<!tpu.dma_semaphore, #tpu.memory_space<semaphore_mem>>)
    %dma_wait3A = arith.constant 0 : i32
    %dma_wait3A_7 = arith.constant 0 : i32
    %dma_wait3A_8 = tpu.memref_slice %arg2[%dma_wait3A, %dma_wait3A_7] : memref<320000x128xf32, #tpu.memory_space<hbm>> -> memref<320000x128xf32, #tpu.memory_space<hbm>>
    tpu.wait_indirect_dma semaphore(%arg9 : memref<!tpu.dma_semaphore, #tpu.memory_space<semaphore_mem>>) src(%dma_wait3A_8 : memref<320000x128xf32, #tpu.memory_space<hbm>>) dst(%arg8 : memref<512x128xf32, #tpu.memory_space<vmem>>)
    "tpu.region"() ({
      %run_scoped3A = tpu.sem_alloc : memref<!tpu.dma_semaphore, #tpu.memory_space<semaphore_mem>>
      %dma_start3A_129 = arith.constant 0 : i32
      %dma_start3A_130 = tpu.memref_slice %arg5[%add3A_4, %dma_start3A_129] : memref<131072x128xf32, #tpu.memory_space<hbm>> -> memref<512x128xf32, #tpu.memory_space<hbm>>
      %dma_start3A_131 = arith.constant 0 : i32
      %dma_start3A_132 = tpu.memref_slice %arg5[%add3A_4, %dma_start3A_131] : memref<131072x128xf32, #tpu.memory_space<hbm>> -> memref<512x128xf32, #tpu.memory_space<hbm>>
      tpu.enqueue_dma source(%arg8 : memref<512x128xf32, #tpu.memory_space<vmem>>) target(%dma_start3A_132 : memref<512x128xf32, #tpu.memory_space<hbm>>) target_semaphore(%run_scoped3A : memref<!tpu.dma_semaphore, #tpu.memory_space<semaphore_mem>>)
      %dma_wait3A_133 = arith.constant 0 : i32
      %dma_wait3A_134 = tpu.memref_slice %arg5[%add3A_4, %dma_wait3A_133] : memref<131072x128xf32, #tpu.memory_space<hbm>> -> memref<512x128xf32, #tpu.memory_space<hbm>>
      %dma_wait3A_135 = arith.constant 0 : i32
      %dma_wait3A_136 = tpu.memref_slice %arg5[%add3A_4, %dma_wait3A_135] : memref<131072x128xf32, #tpu.memory_space<hbm>> -> memref<512x128xf32, #tpu.memory_space<hbm>>
      tpu.wait_dma2 semaphore(%run_scoped3A : memref<!tpu.dma_semaphore, #tpu.memory_space<semaphore_mem>>) src(%arg8 : memref<512x128xf32, #tpu.memory_space<vmem>>) dst(%dma_wait3A_136 : memref<512x128xf32, #tpu.memory_space<hbm>>)
      tpu.yield
    }) : () -> ()
    %add3A_9 = arith.constant 512 : i32
    %add3A_10 = arith.addi %mul3A_2, %add3A_9 : i32
    "tpu.region"() ({
      %run_scoped3A = tpu.sem_alloc : memref<!tpu.dma_semaphore, #tpu.memory_space<semaphore_mem>>
      %dma_start3A_129 = tpu.memref_slice %arg3[%add3A_10] : memref<131072xi32, #tpu.memory_space<hbm>> -> memref<512xi32, #tpu.memory_space<hbm>>
      %dma_start3A_130 = tpu.memref_slice %arg3[%add3A_10] : memref<131072xi32, #tpu.memory_space<hbm>> -> memref<512xi32, #tpu.memory_space<hbm>>
      tpu.enqueue_dma source(%dma_start3A_130 : memref<512xi32, #tpu.memory_space<hbm>>) target(%arg7 : memref<512xi32, #tpu.memory_space<vmem>>) target_semaphore(%run_scoped3A : memref<!tpu.dma_semaphore, #tpu.memory_space<semaphore_mem>>)
      %dma_wait3A_131 = tpu.memref_slice %arg3[%add3A_10] : memref<131072xi32, #tpu.memory_space<hbm>> -> memref<512xi32, #tpu.memory_space<hbm>>
      %dma_wait3A_132 = tpu.memref_slice %arg3[%add3A_10] : memref<131072xi32, #tpu.memory_space<hbm>> -> memref<512xi32, #tpu.memory_space<hbm>>
      tpu.wait_dma2 semaphore(%run_scoped3A : memref<!tpu.dma_semaphore, #tpu.memory_space<semaphore_mem>>) src(%dma_wait3A_132 : memref<512xi32, #tpu.memory_space<hbm>>) dst(%arg7 : memref<512xi32, #tpu.memory_space<vmem>>)
      tpu.yield
    }) : () -> ()
    %dma_start3A_11 = arith.constant 0 : i32
    %dma_start3A_12 = arith.constant 0 : i32
    %dma_start3A_13 = tpu.memref_slice %arg2[%dma_start3A_11, %dma_start3A_12] : memref<320000x128xf32, #tpu.memory_space<hbm>> -> memref<320000x128xf32, #tpu.memory_space<hbm>>
    tpu.enqueue_indirect_dma source(%dma_start3A_13 : memref<320000x128xf32, #tpu.memory_space<hbm>>) target(%arg8 : memref<512x128xf32, #tpu.memory_space<vmem>>) offsets(%arg7 : memref<512xi32, #tpu.memory_space<vmem>>) semaphore(%arg9 : memref<!tpu.dma_semaphore, #tpu.memory_space<semaphore_mem>>)
    %dma_wait3A_14 = arith.constant 0 : i32
    %dma_wait3A_15 = arith.constant 0 : i32
    %dma_wait3A_16 = tpu.memref_slice %arg2[%dma_wait3A_14, %dma_wait3A_15] : memref<320000x128xf32, #tpu.memory_space<hbm>> -> memref<320000x128xf32, #tpu.memory_space<hbm>>
    tpu.wait_indirect_dma semaphore(%arg9 : memref<!tpu.dma_semaphore, #tpu.memory_space<semaphore_mem>>) src(%dma_wait3A_16 : memref<320000x128xf32, #tpu.memory_space<hbm>>) dst(%arg8 : memref<512x128xf32, #tpu.memory_space<vmem>>)
    "tpu.region"() ({
      %run_scoped3A = tpu.sem_alloc : memref<!tpu.dma_semaphore, #tpu.memory_space<semaphore_mem>>
      %dma_start3A_129 = arith.constant 0 : i32
      %dma_start3A_130 = tpu.memref_slice %arg5[%add3A_10, %dma_start3A_129] : memref<131072x128xf32, #tpu.memory_space<hbm>> -> memref<512x128xf32, #tpu.memory_space<hbm>>
      %dma_start3A_131 = arith.constant 0 : i32
      %dma_start3A_132 = tpu.memref_slice %arg5[%add3A_10, %dma_start3A_131] : memref<131072x128xf32, #tpu.memory_space<hbm>> -> memref<512x128xf32, #tpu.memory_space<hbm>>
      tpu.enqueue_dma source(%arg8 : memref<512x128xf32, #tpu.memory_space<vmem>>) target(%dma_start3A_132 : memref<512x128xf32, #tpu.memory_space<hbm>>) target_semaphore(%run_scoped3A : memref<!tpu.dma_semaphore, #tpu.memory_space<semaphore_mem>>)
      %dma_wait3A_133 = arith.constant 0 : i32
      %dma_wait3A_134 = tpu.memref_slice %arg5[%add3A_10, %dma_wait3A_133] : memref<131072x128xf32, #tpu.memory_space<hbm>> -> memref<512x128xf32, #tpu.memory_space<hbm>>
      %dma_wait3A_135 = arith.constant 0 : i32
      %dma_wait3A_136 = tpu.memref_slice %arg5[%add3A_10, %dma_wait3A_135] : memref<131072x128xf32, #tpu.memory_space<hbm>> -> memref<512x128xf32, #tpu.memory_space<hbm>>
      tpu.wait_dma2 semaphore(%run_scoped3A : memref<!tpu.dma_semaphore, #tpu.memory_space<semaphore_mem>>) src(%arg8 : memref<512x128xf32, #tpu.memory_space<vmem>>) dst(%dma_wait3A_136 : memref<512x128xf32, #tpu.memory_space<hbm>>)
      tpu.yield
    }) : () -> ()
    %add3A_17 = arith.constant 1024 : i32
    %add3A_18 = arith.addi %mul3A_2, %add3A_17 : i32
    "tpu.region"() ({
      %run_scoped3A = tpu.sem_alloc : memref<!tpu.dma_semaphore, #tpu.memory_space<semaphore_mem>>
      %dma_start3A_129 = tpu.memref_slice %arg3[%add3A_18] : memref<131072xi32, #tpu.memory_space<hbm>> -> memref<512xi32, #tpu.memory_space<hbm>>
      %dma_start3A_130 = tpu.memref_slice %arg3[%add3A_18] : memref<131072xi32, #tpu.memory_space<hbm>> -> memref<512xi32, #tpu.memory_space<hbm>>
      tpu.enqueue_dma source(%dma_start3A_130 : memref<512xi32, #tpu.memory_space<hbm>>) target(%arg7 : memref<512xi32, #tpu.memory_space<vmem>>) target_semaphore(%run_scoped3A : memref<!tpu.dma_semaphore, #tpu.memory_space<semaphore_mem>>)
      %dma_wait3A_131 = tpu.memref_slice %arg3[%add3A_18] : memref<131072xi32, #tpu.memory_space<hbm>> -> memref<512xi32, #tpu.memory_space<hbm>>
      %dma_wait3A_132 = tpu.memref_slice %arg3[%add3A_18] : memref<131072xi32, #tpu.memory_space<hbm>> -> memref<512xi32, #tpu.memory_space<hbm>>
      tpu.wait_dma2 semaphore(%run_scoped3A : memref<!tpu.dma_semaphore, #tpu.memory_space<semaphore_mem>>) src(%dma_wait3A_132 : memref<512xi32, #tpu.memory_space<hbm>>) dst(%arg7 : memref<512xi32, #tpu.memory_space<vmem>>)
      tpu.yield
    }) : () -> ()
    %dma_start3A_19 = arith.constant 0 : i32
    %dma_start3A_20 = arith.constant 0 : i32
    %dma_start3A_21 = tpu.memref_slice %arg2[%dma_start3A_19, %dma_start3A_20] : memref<320000x128xf32, #tpu.memory_space<hbm>> -> memref<320000x128xf32, #tpu.memory_space<hbm>>
    tpu.enqueue_indirect_dma source(%dma_start3A_21 : memref<320000x128xf32, #tpu.memory_space<hbm>>) target(%arg8 : memref<512x128xf32, #tpu.memory_space<vmem>>) offsets(%arg7 : memref<512xi32, #tpu.memory_space<vmem>>) semaphore(%arg9 : memref<!tpu.dma_semaphore, #tpu.memory_space<semaphore_mem>>)
    %dma_wait3A_22 = arith.constant 0 : i32
    %dma_wait3A_23 = arith.constant 0 : i32
    %dma_wait3A_24 = tpu.memref_slice %arg2[%dma_wait3A_22, %dma_wait3A_23] : memref<320000x128xf32, #tpu.memory_space<hbm>> -> memref<320000x128xf32, #tpu.memory_space<hbm>>
    tpu.wait_indirect_dma semaphore(%arg9 : memref<!tpu.dma_semaphore, #tpu.memory_space<semaphore_mem>>) src(%dma_wait3A_24 : memref<320000x128xf32, #tpu.memory_space<hbm>>) dst(%arg8 : memref<512x128xf32, #tpu.memory_space<vmem>>)
    "tpu.region"() ({
      %run_scoped3A = tpu.sem_alloc : memref<!tpu.dma_semaphore, #tpu.memory_space<semaphore_mem>>
      %dma_start3A_129 = arith.constant 0 : i32
      %dma_start3A_130 = tpu.memref_slice %arg5[%add3A_18, %dma_start3A_129] : memref<131072x128xf32, #tpu.memory_space<hbm>> -> memref<512x128xf32, #tpu.memory_space<hbm>>
      %dma_start3A_131 = arith.constant 0 : i32
      %dma_start3A_132 = tpu.memref_slice %arg5[%add3A_18, %dma_start3A_131] : memref<131072x128xf32, #tpu.memory_space<hbm>> -> memref<512x128xf32, #tpu.memory_space<hbm>>
      tpu.enqueue_dma source(%arg8 : memref<512x128xf32, #tpu.memory_space<vmem>>) target(%dma_start3A_132 : memref<512x128xf32, #tpu.memory_space<hbm>>) target_semaphore(%run_scoped3A : memref<!tpu.dma_semaphore, #tpu.memory_space<semaphore_mem>>)
      %dma_wait3A_133 = arith.constant 0 : i32
      %dma_wait3A_134 = tpu.memref_slice %arg5[%add3A_18, %dma_wait3A_133] : memref<131072x128xf32, #tpu.memory_space<hbm>> -> memref<512x128xf32, #tpu.memory_space<hbm>>
      %dma_wait3A_135 = arith.constant 0 : i32
      %dma_wait3A_136 = tpu.memref_slice %arg5[%add3A_18, %dma_wait3A_135] : memref<131072x128xf32, #tpu.memory_space<hbm>> -> memref<512x128xf32, #tpu.memory_space<hbm>>
      tpu.wait_dma2 semaphore(%run_scoped3A : memref<!tpu.dma_semaphore, #tpu.memory_space<semaphore_mem>>) src(%arg8 : memref<512x128xf32, #tpu.memory_space<vmem>>) dst(%dma_wait3A_136 : memref<512x128xf32, #tpu.memory_space<hbm>>)
      tpu.yield
    }) : () -> ()
    %add3A_25 = arith.constant 1536 : i32
    %add3A_26 = arith.addi %mul3A_2, %add3A_25 : i32
    "tpu.region"() ({
      %run_scoped3A = tpu.sem_alloc : memref<!tpu.dma_semaphore, #tpu.memory_space<semaphore_mem>>
      %dma_start3A_129 = tpu.memref_slice %arg3[%add3A_26] : memref<131072xi32, #tpu.memory_space<hbm>> -> memref<512xi32, #tpu.memory_space<hbm>>
      %dma_start3A_130 = tpu.memref_slice %arg3[%add3A_26] : memref<131072xi32, #tpu.memory_space<hbm>> -> memref<512xi32, #tpu.memory_space<hbm>>
      tpu.enqueue_dma source(%dma_start3A_130 : memref<512xi32, #tpu.memory_space<hbm>>) target(%arg7 : memref<512xi32, #tpu.memory_space<vmem>>) target_semaphore(%run_scoped3A : memref<!tpu.dma_semaphore, #tpu.memory_space<semaphore_mem>>)
      %dma_wait3A_131 = tpu.memref_slice %arg3[%add3A_26] : memref<131072xi32, #tpu.memory_space<hbm>> -> memref<512xi32, #tpu.memory_space<hbm>>
      %dma_wait3A_132 = tpu.memref_slice %arg3[%add3A_26] : memref<131072xi32, #tpu.memory_space<hbm>> -> memref<512xi32, #tpu.memory_space<hbm>>
      tpu.wait_dma2 semaphore(%run_scoped3A : memref<!tpu.dma_semaphore, #tpu.memory_space<semaphore_mem>>) src(%dma_wait3A_132 : memref<512xi32, #tpu.memory_space<hbm>>) dst(%arg7 : memref<512xi32, #tpu.memory_space<vmem>>)
      tpu.yield
    }) : () -> ()
    %dma_start3A_27 = arith.constant 0 : i32
    %dma_start3A_28 = arith.constant 0 : i32
    %dma_start3A_29 = tpu.memref_slice %arg2[%dma_start3A_27, %dma_start3A_28] : memref<320000x128xf32, #tpu.memory_space<hbm>> -> memref<320000x128xf32, #tpu.memory_space<hbm>>
    tpu.enqueue_indirect_dma source(%dma_start3A_29 : memref<320000x128xf32, #tpu.memory_space<hbm>>) target(%arg8 : memref<512x128xf32, #tpu.memory_space<vmem>>) offsets(%arg7 : memref<512xi32, #tpu.memory_space<vmem>>) semaphore(%arg9 : memref<!tpu.dma_semaphore, #tpu.memory_space<semaphore_mem>>)
    %dma_wait3A_30 = arith.constant 0 : i32
    %dma_wait3A_31 = arith.constant 0 : i32
    %dma_wait3A_32 = tpu.memref_slice %arg2[%dma_wait3A_30, %dma_wait3A_31] : memref<320000x128xf32, #tpu.memory_space<hbm>> -> memref<320000x128xf32, #tpu.memory_space<hbm>>
    tpu.wait_indirect_dma semaphore(%arg9 : memref<!tpu.dma_semaphore, #tpu.memory_space<semaphore_mem>>) src(%dma_wait3A_32 : memref<320000x128xf32, #tpu.memory_space<hbm>>) dst(%arg8 : memref<512x128xf32, #tpu.memory_space<vmem>>)
    "tpu.region"() ({
      %run_scoped3A = tpu.sem_alloc : memref<!tpu.dma_semaphore, #tpu.memory_space<semaphore_mem>>
      %dma_start3A_129 = arith.constant 0 : i32
      %dma_start3A_130 = tpu.memref_slice %arg5[%add3A_26, %dma_start3A_129] : memref<131072x128xf32, #tpu.memory_space<hbm>> -> memref<512x128xf32, #tpu.memory_space<hbm>>
      %dma_start3A_131 = arith.constant 0 : i32
      %dma_start3A_132 = tpu.memref_slice %arg5[%add3A_26, %dma_start3A_131] : memref<131072x128xf32, #tpu.memory_space<hbm>> -> memref<512x128xf32, #tpu.memory_space<hbm>>
      tpu.enqueue_dma source(%arg8 : memref<512x128xf32, #tpu.memory_space<vmem>>) target(%dma_start3A_132 : memref<512x128xf32, #tpu.memory_space<hbm>>) target_semaphore(%run_scoped3A : memref<!tpu.dma_semaphore, #tpu.memory_space<semaphore_mem>>)
      %dma_wait3A_133 = arith.constant 0 : i32
      %dma_wait3A_134 = tpu.memref_slice %arg5[%add3A_26, %dma_wait3A_133] : memref<131072x128xf32, #tpu.memory_space<hbm>> -> memref<512x128xf32, #tpu.memory_space<hbm>>
      %dma_wait3A_135 = arith.constant 0 : i32
      %dma_wait3A_136 = tpu.memref_slice %arg5[%add3A_26, %dma_wait3A_135] : memref<131072x128xf32, #tpu.memory_space<hbm>> -> memref<512x128xf32, #tpu.memory_space<hbm>>
      tpu.wait_dma2 semaphore(%run_scoped3A : memref<!tpu.dma_semaphore, #tpu.memory_space<semaphore_mem>>) src(%arg8 : memref<512x128xf32, #tpu.memory_space<vmem>>) dst(%dma_wait3A_136 : memref<512x128xf32, #tpu.memory_space<hbm>>)
      tpu.yield
    }) : () -> ()
    %add3A_33 = arith.constant 2048 : i32
    %add3A_34 = arith.addi %mul3A_2, %add3A_33 : i32
    "tpu.region"() ({
      %run_scoped3A = tpu.sem_alloc : memref<!tpu.dma_semaphore, #tpu.memory_space<semaphore_mem>>
      %dma_start3A_129 = tpu.memref_slice %arg3[%add3A_34] : memref<131072xi32, #tpu.memory_space<hbm>> -> memref<512xi32, #tpu.memory_space<hbm>>
      %dma_start3A_130 = tpu.memref_slice %arg3[%add3A_34] : memref<131072xi32, #tpu.memory_space<hbm>> -> memref<512xi32, #tpu.memory_space<hbm>>
      tpu.enqueue_dma source(%dma_start3A_130 : memref<512xi32, #tpu.memory_space<hbm>>) target(%arg7 : memref<512xi32, #tpu.memory_space<vmem>>) target_semaphore(%run_scoped3A : memref<!tpu.dma_semaphore, #tpu.memory_space<semaphore_mem>>)
      %dma_wait3A_131 = tpu.memref_slice %arg3[%add3A_34] : memref<131072xi32, #tpu.memory_space<hbm>> -> memref<512xi32, #tpu.memory_space<hbm>>
      %dma_wait3A_132 = tpu.memref_slice %arg3[%add3A_34] : memref<131072xi32, #tpu.memory_space<hbm>> -> memref<512xi32, #tpu.memory_space<hbm>>
      tpu.wait_dma2 semaphore(%run_scoped3A : memref<!tpu.dma_semaphore, #tpu.memory_space<semaphore_mem>>) src(%dma_wait3A_132 : memref<512xi32, #tpu.memory_space<hbm>>) dst(%arg7 : memref<512xi32, #tpu.memory_space<vmem>>)
      tpu.yield
    }) : () -> ()
    %dma_start3A_35 = arith.constant 0 : i32
    %dma_start3A_36 = arith.constant 0 : i32
    %dma_start3A_37 = tpu.memref_slice %arg2[%dma_start3A_35, %dma_start3A_36] : memref<320000x128xf32, #tpu.memory_space<hbm>> -> memref<320000x128xf32, #tpu.memory_space<hbm>>
    tpu.enqueue_indirect_dma source(%dma_start3A_37 : memref<320000x128xf32, #tpu.memory_space<hbm>>) target(%arg8 : memref<512x128xf32, #tpu.memory_space<vmem>>) offsets(%arg7 : memref<512xi32, #tpu.memory_space<vmem>>) semaphore(%arg9 : memref<!tpu.dma_semaphore, #tpu.memory_space<semaphore_mem>>)
    %dma_wait3A_38 = arith.constant 0 : i32
    %dma_wait3A_39 = arith.constant 0 : i32
    %dma_wait3A_40 = tpu.memref_slice %arg2[%dma_wait3A_38, %dma_wait3A_39] : memref<320000x128xf32, #tpu.memory_space<hbm>> -> memref<320000x128xf32, #tpu.memory_space<hbm>>
    tpu.wait_indirect_dma semaphore(%arg9 : memref<!tpu.dma_semaphore, #tpu.memory_space<semaphore_mem>>) src(%dma_wait3A_40 : memref<320000x128xf32, #tpu.memory_space<hbm>>) dst(%arg8 : memref<512x128xf32, #tpu.memory_space<vmem>>)
    "tpu.region"() ({
      %run_scoped3A = tpu.sem_alloc : memref<!tpu.dma_semaphore, #tpu.memory_space<semaphore_mem>>
      %dma_start3A_129 = arith.constant 0 : i32
      %dma_start3A_130 = tpu.memref_slice %arg5[%add3A_34, %dma_start3A_129] : memref<131072x128xf32, #tpu.memory_space<hbm>> -> memref<512x128xf32, #tpu.memory_space<hbm>>
      %dma_start3A_131 = arith.constant 0 : i32
      %dma_start3A_132 = tpu.memref_slice %arg5[%add3A_34, %dma_start3A_131] : memref<131072x128xf32, #tpu.memory_space<hbm>> -> memref<512x128xf32, #tpu.memory_space<hbm>>
      tpu.enqueue_dma source(%arg8 : memref<512x128xf32, #tpu.memory_space<vmem>>) target(%dma_start3A_132 : memref<512x128xf32, #tpu.memory_space<hbm>>) target_semaphore(%run_scoped3A : memref<!tpu.dma_semaphore, #tpu.memory_space<semaphore_mem>>)
      %dma_wait3A_133 = arith.constant 0 : i32
      %dma_wait3A_134 = tpu.memref_slice %arg5[%add3A_34, %dma_wait3A_133] : memref<131072x128xf32, #tpu.memory_space<hbm>> -> memref<512x128xf32, #tpu.memory_space<hbm>>
      %dma_wait3A_135 = arith.constant 0 : i32
      %dma_wait3A_136 = tpu.memref_slice %arg5[%add3A_34, %dma_wait3A_135] : memref<131072x128xf32, #tpu.memory_space<hbm>> -> memref<512x128xf32, #tpu.memory_space<hbm>>
      tpu.wait_dma2 semaphore(%run_scoped3A : memref<!tpu.dma_semaphore, #tpu.memory_space<semaphore_mem>>) src(%arg8 : memref<512x128xf32, #tpu.memory_space<vmem>>) dst(%dma_wait3A_136 : memref<512x128xf32, #tpu.memory_space<hbm>>)
      tpu.yield
    }) : () -> ()
    %add3A_41 = arith.constant 2560 : i32
    %add3A_42 = arith.addi %mul3A_2, %add3A_41 : i32
    "tpu.region"() ({
      %run_scoped3A = tpu.sem_alloc : memref<!tpu.dma_semaphore, #tpu.memory_space<semaphore_mem>>
      %dma_start3A_129 = tpu.memref_slice %arg3[%add3A_42] : memref<131072xi32, #tpu.memory_space<hbm>> -> memref<512xi32, #tpu.memory_space<hbm>>
      %dma_start3A_130 = tpu.memref_slice %arg3[%add3A_42] : memref<131072xi32, #tpu.memory_space<hbm>> -> memref<512xi32, #tpu.memory_space<hbm>>
      tpu.enqueue_dma source(%dma_start3A_130 : memref<512xi32, #tpu.memory_space<hbm>>) target(%arg7 : memref<512xi32, #tpu.memory_space<vmem>>) target_semaphore(%run_scoped3A : memref<!tpu.dma_semaphore, #tpu.memory_space<semaphore_mem>>)
      %dma_wait3A_131 = tpu.memref_slice %arg3[%add3A_42] : memref<131072xi32, #tpu.memory_space<hbm>> -> memref<512xi32, #tpu.memory_space<hbm>>
      %dma_wait3A_132 = tpu.memref_slice %arg3[%add3A_42] : memref<131072xi32, #tpu.memory_space<hbm>> -> memref<512xi32, #tpu.memory_space<hbm>>
      tpu.wait_dma2 semaphore(%run_scoped3A : memref<!tpu.dma_semaphore, #tpu.memory_space<semaphore_mem>>) src(%dma_wait3A_132 : memref<512xi32, #tpu.memory_space<hbm>>) dst(%arg7 : memref<512xi32, #tpu.memory_space<vmem>>)
      tpu.yield
    }) : () -> ()
    %dma_start3A_43 = arith.constant 0 : i32
    %dma_start3A_44 = arith.constant 0 : i32
    %dma_start3A_45 = tpu.memref_slice %arg2[%dma_start3A_43, %dma_start3A_44] : memref<320000x128xf32, #tpu.memory_space<hbm>> -> memref<320000x128xf32, #tpu.memory_space<hbm>>
    tpu.enqueue_indirect_dma source(%dma_start3A_45 : memref<320000x128xf32, #tpu.memory_space<hbm>>) target(%arg8 : memref<512x128xf32, #tpu.memory_space<vmem>>) offsets(%arg7 : memref<512xi32, #tpu.memory_space<vmem>>) semaphore(%arg9 : memref<!tpu.dma_semaphore, #tpu.memory_space<semaphore_mem>>)
    %dma_wait3A_46 = arith.constant 0 : i32
    %dma_wait3A_47 = arith.constant 0 : i32
    %dma_wait3A_48 = tpu.memref_slice %arg2[%dma_wait3A_46, %dma_wait3A_47] : memref<320000x128xf32, #tpu.memory_space<hbm>> -> memref<320000x128xf32, #tpu.memory_space<hbm>>
    tpu.wait_indirect_dma semaphore(%arg9 : memref<!tpu.dma_semaphore, #tpu.memory_space<semaphore_mem>>) src(%dma_wait3A_48 : memref<320000x128xf32, #tpu.memory_space<hbm>>) dst(%arg8 : memref<512x128xf32, #tpu.memory_space<vmem>>)
    "tpu.region"() ({
      %run_scoped3A = tpu.sem_alloc : memref<!tpu.dma_semaphore, #tpu.memory_space<semaphore_mem>>
      %dma_start3A_129 = arith.constant 0 : i32
      %dma_start3A_130 = tpu.memref_slice %arg5[%add3A_42, %dma_start3A_129] : memref<131072x128xf32, #tpu.memory_space<hbm>> -> memref<512x128xf32, #tpu.memory_space<hbm>>
      %dma_start3A_131 = arith.constant 0 : i32
      %dma_start3A_132 = tpu.memref_slice %arg5[%add3A_42, %dma_start3A_131] : memref<131072x128xf32, #tpu.memory_space<hbm>> -> memref<512x128xf32, #tpu.memory_space<hbm>>
      tpu.enqueue_dma source(%arg8 : memref<512x128xf32, #tpu.memory_space<vmem>>) target(%dma_start3A_132 : memref<512x128xf32, #tpu.memory_space<hbm>>) target_semaphore(%run_scoped3A : memref<!tpu.dma_semaphore, #tpu.memory_space<semaphore_mem>>)
      %dma_wait3A_133 = arith.constant 0 : i32
      %dma_wait3A_134 = tpu.memref_slice %arg5[%add3A_42, %dma_wait3A_133] : memref<131072x128xf32, #tpu.memory_space<hbm>> -> memref<512x128xf32, #tpu.memory_space<hbm>>
      %dma_wait3A_135 = arith.constant 0 : i32
      %dma_wait3A_136 = tpu.memref_slice %arg5[%add3A_42, %dma_wait3A_135] : memref<131072x128xf32, #tpu.memory_space<hbm>> -> memref<512x128xf32, #tpu.memory_space<hbm>>
      tpu.wait_dma2 semaphore(%run_scoped3A : memref<!tpu.dma_semaphore, #tpu.memory_space<semaphore_mem>>) src(%arg8 : memref<512x128xf32, #tpu.memory_space<vmem>>) dst(%dma_wait3A_136 : memref<512x128xf32, #tpu.memory_space<hbm>>)
      tpu.yield
    }) : () -> ()
    %add3A_49 = arith.constant 3072 : i32
    %add3A_50 = arith.addi %mul3A_2, %add3A_49 : i32
    "tpu.region"() ({
      %run_scoped3A = tpu.sem_alloc : memref<!tpu.dma_semaphore, #tpu.memory_space<semaphore_mem>>
      %dma_start3A_129 = tpu.memref_slice %arg3[%add3A_50] : memref<131072xi32, #tpu.memory_space<hbm>> -> memref<512xi32, #tpu.memory_space<hbm>>
      %dma_start3A_130 = tpu.memref_slice %arg3[%add3A_50] : memref<131072xi32, #tpu.memory_space<hbm>> -> memref<512xi32, #tpu.memory_space<hbm>>
      tpu.enqueue_dma source(%dma_start3A_130 : memref<512xi32, #tpu.memory_space<hbm>>) target(%arg7 : memref<512xi32, #tpu.memory_space<vmem>>) target_semaphore(%run_scoped3A : memref<!tpu.dma_semaphore, #tpu.memory_space<semaphore_mem>>)
      %dma_wait3A_131 = tpu.memref_slice %arg3[%add3A_50] : memref<131072xi32, #tpu.memory_space<hbm>> -> memref<512xi32, #tpu.memory_space<hbm>>
      %dma_wait3A_132 = tpu.memref_slice %arg3[%add3A_50] : memref<131072xi32, #tpu.memory_space<hbm>> -> memref<512xi32, #tpu.memory_space<hbm>>
      tpu.wait_dma2 semaphore(%run_scoped3A : memref<!tpu.dma_semaphore, #tpu.memory_space<semaphore_mem>>) src(%dma_wait3A_132 : memref<512xi32, #tpu.memory_space<hbm>>) dst(%arg7 : memref<512xi32, #tpu.memory_space<vmem>>)
      tpu.yield
    }) : () -> ()
    %dma_start3A_51 = arith.constant 0 : i32
    %dma_start3A_52 = arith.constant 0 : i32
    %dma_start3A_53 = tpu.memref_slice %arg2[%dma_start3A_51, %dma_start3A_52] : memref<320000x128xf32, #tpu.memory_space<hbm>> -> memref<320000x128xf32, #tpu.memory_space<hbm>>
    tpu.enqueue_indirect_dma source(%dma_start3A_53 : memref<320000x128xf32, #tpu.memory_space<hbm>>) target(%arg8 : memref<512x128xf32, #tpu.memory_space<vmem>>) offsets(%arg7 : memref<512xi32, #tpu.memory_space<vmem>>) semaphore(%arg9 : memref<!tpu.dma_semaphore, #tpu.memory_space<semaphore_mem>>)
    %dma_wait3A_54 = arith.constant 0 : i32
    %dma_wait3A_55 = arith.constant 0 : i32
    %dma_wait3A_56 = tpu.memref_slice %arg2[%dma_wait3A_54, %dma_wait3A_55] : memref<320000x128xf32, #tpu.memory_space<hbm>> -> memref<320000x128xf32, #tpu.memory_space<hbm>>
    tpu.wait_indirect_dma semaphore(%arg9 : memref<!tpu.dma_semaphore, #tpu.memory_space<semaphore_mem>>) src(%dma_wait3A_56 : memref<320000x128xf32, #tpu.memory_space<hbm>>) dst(%arg8 : memref<512x128xf32, #tpu.memory_space<vmem>>)
    "tpu.region"() ({
      %run_scoped3A = tpu.sem_alloc : memref<!tpu.dma_semaphore, #tpu.memory_space<semaphore_mem>>
      %dma_start3A_129 = arith.constant 0 : i32
      %dma_start3A_130 = tpu.memref_slice %arg5[%add3A_50, %dma_start3A_129] : memref<131072x128xf32, #tpu.memory_space<hbm>> -> memref<512x128xf32, #tpu.memory_space<hbm>>
      %dma_start3A_131 = arith.constant 0 : i32
      %dma_start3A_132 = tpu.memref_slice %arg5[%add3A_50, %dma_start3A_131] : memref<131072x128xf32, #tpu.memory_space<hbm>> -> memref<512x128xf32, #tpu.memory_space<hbm>>
      tpu.enqueue_dma source(%arg8 : memref<512x128xf32, #tpu.memory_space<vmem>>) target(%dma_start3A_132 : memref<512x128xf32, #tpu.memory_space<hbm>>) target_semaphore(%run_scoped3A : memref<!tpu.dma_semaphore, #tpu.memory_space<semaphore_mem>>)
      %dma_wait3A_133 = arith.constant 0 : i32
      %dma_wait3A_134 = tpu.memref_slice %arg5[%add3A_50, %dma_wait3A_133] : memref<131072x128xf32, #tpu.memory_space<hbm>> -> memref<512x128xf32, #tpu.memory_space<hbm>>
      %dma_wait3A_135 = arith.constant 0 : i32
      %dma_wait3A_136 = tpu.memref_slice %arg5[%add3A_50, %dma_wait3A_135] : memref<131072x128xf32, #tpu.memory_space<hbm>> -> memref<512x128xf32, #tpu.memory_space<hbm>>
      tpu.wait_dma2 semaphore(%run_scoped3A : memref<!tpu.dma_semaphore, #tpu.memory_space<semaphore_mem>>) src(%arg8 : memref<512x128xf32, #tpu.memory_space<vmem>>) dst(%dma_wait3A_136 : memref<512x128xf32, #tpu.memory_space<hbm>>)
      tpu.yield
    }) : () -> ()
    %add3A_57 = arith.constant 3584 : i32
    %add3A_58 = arith.addi %mul3A_2, %add3A_57 : i32
    "tpu.region"() ({
      %run_scoped3A = tpu.sem_alloc : memref<!tpu.dma_semaphore, #tpu.memory_space<semaphore_mem>>
      %dma_start3A_129 = tpu.memref_slice %arg3[%add3A_58] : memref<131072xi32, #tpu.memory_space<hbm>> -> memref<512xi32, #tpu.memory_space<hbm>>
      %dma_start3A_130 = tpu.memref_slice %arg3[%add3A_58] : memref<131072xi32, #tpu.memory_space<hbm>> -> memref<512xi32, #tpu.memory_space<hbm>>
      tpu.enqueue_dma source(%dma_start3A_130 : memref<512xi32, #tpu.memory_space<hbm>>) target(%arg7 : memref<512xi32, #tpu.memory_space<vmem>>) target_semaphore(%run_scoped3A : memref<!tpu.dma_semaphore, #tpu.memory_space<semaphore_mem>>)
      %dma_wait3A_131 = tpu.memref_slice %arg3[%add3A_58] : memref<131072xi32, #tpu.memory_space<hbm>> -> memref<512xi32, #tpu.memory_space<hbm>>
      %dma_wait3A_132 = tpu.memref_slice %arg3[%add3A_58] : memref<131072xi32, #tpu.memory_space<hbm>> -> memref<512xi32, #tpu.memory_space<hbm>>
      tpu.wait_dma2 semaphore(%run_scoped3A : memref<!tpu.dma_semaphore, #tpu.memory_space<semaphore_mem>>) src(%dma_wait3A_132 : memref<512xi32, #tpu.memory_space<hbm>>) dst(%arg7 : memref<512xi32, #tpu.memory_space<vmem>>)
      tpu.yield
    }) : () -> ()
    %dma_start3A_59 = arith.constant 0 : i32
    %dma_start3A_60 = arith.constant 0 : i32
    %dma_start3A_61 = tpu.memref_slice %arg2[%dma_start3A_59, %dma_start3A_60] : memref<320000x128xf32, #tpu.memory_space<hbm>> -> memref<320000x128xf32, #tpu.memory_space<hbm>>
    tpu.enqueue_indirect_dma source(%dma_start3A_61 : memref<320000x128xf32, #tpu.memory_space<hbm>>) target(%arg8 : memref<512x128xf32, #tpu.memory_space<vmem>>) offsets(%arg7 : memref<512xi32, #tpu.memory_space<vmem>>) semaphore(%arg9 : memref<!tpu.dma_semaphore, #tpu.memory_space<semaphore_mem>>)
    %dma_wait3A_62 = arith.constant 0 : i32
    %dma_wait3A_63 = arith.constant 0 : i32
    %dma_wait3A_64 = tpu.memref_slice %arg2[%dma_wait3A_62, %dma_wait3A_63] : memref<320000x128xf32, #tpu.memory_space<hbm>> -> memref<320000x128xf32, #tpu.memory_space<hbm>>
    tpu.wait_indirect_dma semaphore(%arg9 : memref<!tpu.dma_semaphore, #tpu.memory_space<semaphore_mem>>) src(%dma_wait3A_64 : memref<320000x128xf32, #tpu.memory_space<hbm>>) dst(%arg8 : memref<512x128xf32, #tpu.memory_space<vmem>>)
    "tpu.region"() ({
      %run_scoped3A = tpu.sem_alloc : memref<!tpu.dma_semaphore, #tpu.memory_space<semaphore_mem>>
      %dma_start3A_129 = arith.constant 0 : i32
      %dma_start3A_130 = tpu.memref_slice %arg5[%add3A_58, %dma_start3A_129] : memref<131072x128xf32, #tpu.memory_space<hbm>> -> memref<512x128xf32, #tpu.memory_space<hbm>>
      %dma_start3A_131 = arith.constant 0 : i32
      %dma_start3A_132 = tpu.memref_slice %arg5[%add3A_58, %dma_start3A_131] : memref<131072x128xf32, #tpu.memory_space<hbm>> -> memref<512x128xf32, #tpu.memory_space<hbm>>
      tpu.enqueue_dma source(%arg8 : memref<512x128xf32, #tpu.memory_space<vmem>>) target(%dma_start3A_132 : memref<512x128xf32, #tpu.memory_space<hbm>>) target_semaphore(%run_scoped3A : memref<!tpu.dma_semaphore, #tpu.memory_space<semaphore_mem>>)
      %dma_wait3A_133 = arith.constant 0 : i32
      %dma_wait3A_134 = tpu.memref_slice %arg5[%add3A_58, %dma_wait3A_133] : memref<131072x128xf32, #tpu.memory_space<hbm>> -> memref<512x128xf32, #tpu.memory_space<hbm>>
      %dma_wait3A_135 = arith.constant 0 : i32
      %dma_wait3A_136 = tpu.memref_slice %arg5[%add3A_58, %dma_wait3A_135] : memref<131072x128xf32, #tpu.memory_space<hbm>> -> memref<512x128xf32, #tpu.memory_space<hbm>>
      tpu.wait_dma2 semaphore(%run_scoped3A : memref<!tpu.dma_semaphore, #tpu.memory_space<semaphore_mem>>) src(%arg8 : memref<512x128xf32, #tpu.memory_space<vmem>>) dst(%dma_wait3A_136 : memref<512x128xf32, #tpu.memory_space<hbm>>)
      tpu.yield
    }) : () -> ()
    %add3A_65 = arith.constant 0 : i32
    %add3A_66 = arith.addi %mul3A_2, %add3A_65 : i32
    "tpu.region"() ({
      %run_scoped3A = tpu.sem_alloc : memref<!tpu.dma_semaphore, #tpu.memory_space<semaphore_mem>>
      %dma_start3A_129 = tpu.memref_slice %arg4[%add3A_66] : memref<131072xi32, #tpu.memory_space<hbm>> -> memref<512xi32, #tpu.memory_space<hbm>>
      %dma_start3A_130 = tpu.memref_slice %arg4[%add3A_66] : memref<131072xi32, #tpu.memory_space<hbm>> -> memref<512xi32, #tpu.memory_space<hbm>>
      tpu.enqueue_dma source(%dma_start3A_130 : memref<512xi32, #tpu.memory_space<hbm>>) target(%arg7 : memref<512xi32, #tpu.memory_space<vmem>>) target_semaphore(%run_scoped3A : memref<!tpu.dma_semaphore, #tpu.memory_space<semaphore_mem>>)
      %dma_wait3A_131 = tpu.memref_slice %arg4[%add3A_66] : memref<131072xi32, #tpu.memory_space<hbm>> -> memref<512xi32, #tpu.memory_space<hbm>>
      %dma_wait3A_132 = tpu.memref_slice %arg4[%add3A_66] : memref<131072xi32, #tpu.memory_space<hbm>> -> memref<512xi32, #tpu.memory_space<hbm>>
      tpu.wait_dma2 semaphore(%run_scoped3A : memref<!tpu.dma_semaphore, #tpu.memory_space<semaphore_mem>>) src(%dma_wait3A_132 : memref<512xi32, #tpu.memory_space<hbm>>) dst(%arg7 : memref<512xi32, #tpu.memory_space<vmem>>)
      tpu.yield
    }) : () -> ()
    %dma_start3A_67 = arith.constant 0 : i32
    %dma_start3A_68 = arith.constant 0 : i32
    %dma_start3A_69 = tpu.memref_slice %arg2[%dma_start3A_67, %dma_start3A_68] : memref<320000x128xf32, #tpu.memory_space<hbm>> -> memref<320000x128xf32, #tpu.memory_space<hbm>>
    tpu.enqueue_indirect_dma source(%dma_start3A_69 : memref<320000x128xf32, #tpu.memory_space<hbm>>) target(%arg8 : memref<512x128xf32, #tpu.memory_space<vmem>>) offsets(%arg7 : memref<512xi32, #tpu.memory_space<vmem>>) semaphore(%arg9 : memref<!tpu.dma_semaphore, #tpu.memory_space<semaphore_mem>>)
    %dma_wait3A_70 = arith.constant 0 : i32
    %dma_wait3A_71 = arith.constant 0 : i32
    %dma_wait3A_72 = tpu.memref_slice %arg2[%dma_wait3A_70, %dma_wait3A_71] : memref<320000x128xf32, #tpu.memory_space<hbm>> -> memref<320000x128xf32, #tpu.memory_space<hbm>>
    tpu.wait_indirect_dma semaphore(%arg9 : memref<!tpu.dma_semaphore, #tpu.memory_space<semaphore_mem>>) src(%dma_wait3A_72 : memref<320000x128xf32, #tpu.memory_space<hbm>>) dst(%arg8 : memref<512x128xf32, #tpu.memory_space<vmem>>)
    "tpu.region"() ({
      %run_scoped3A = tpu.sem_alloc : memref<!tpu.dma_semaphore, #tpu.memory_space<semaphore_mem>>
      %dma_start3A_129 = arith.constant 0 : i32
      %dma_start3A_130 = tpu.memref_slice %arg6[%add3A_66, %dma_start3A_129] : memref<131072x128xf32, #tpu.memory_space<hbm>> -> memref<512x128xf32, #tpu.memory_space<hbm>>
      %dma_start3A_131 = arith.constant 0 : i32
      %dma_start3A_132 = tpu.memref_slice %arg6[%add3A_66, %dma_start3A_131] : memref<131072x128xf32, #tpu.memory_space<hbm>> -> memref<512x128xf32, #tpu.memory_space<hbm>>
      tpu.enqueue_dma source(%arg8 : memref<512x128xf32, #tpu.memory_space<vmem>>) target(%dma_start3A_132 : memref<512x128xf32, #tpu.memory_space<hbm>>) target_semaphore(%run_scoped3A : memref<!tpu.dma_semaphore, #tpu.memory_space<semaphore_mem>>)
      %dma_wait3A_133 = arith.constant 0 : i32
      %dma_wait3A_134 = tpu.memref_slice %arg6[%add3A_66, %dma_wait3A_133] : memref<131072x128xf32, #tpu.memory_space<hbm>> -> memref<512x128xf32, #tpu.memory_space<hbm>>
      %dma_wait3A_135 = arith.constant 0 : i32
      %dma_wait3A_136 = tpu.memref_slice %arg6[%add3A_66, %dma_wait3A_135] : memref<131072x128xf32, #tpu.memory_space<hbm>> -> memref<512x128xf32, #tpu.memory_space<hbm>>
      tpu.wait_dma2 semaphore(%run_scoped3A : memref<!tpu.dma_semaphore, #tpu.memory_space<semaphore_mem>>) src(%arg8 : memref<512x128xf32, #tpu.memory_space<vmem>>) dst(%dma_wait3A_136 : memref<512x128xf32, #tpu.memory_space<hbm>>)
      tpu.yield
    }) : () -> ()
    %add3A_73 = arith.constant 512 : i32
    %add3A_74 = arith.addi %mul3A_2, %add3A_73 : i32
    "tpu.region"() ({
      %run_scoped3A = tpu.sem_alloc : memref<!tpu.dma_semaphore, #tpu.memory_space<semaphore_mem>>
      %dma_start3A_129 = tpu.memref_slice %arg4[%add3A_74] : memref<131072xi32, #tpu.memory_space<hbm>> -> memref<512xi32, #tpu.memory_space<hbm>>
      %dma_start3A_130 = tpu.memref_slice %arg4[%add3A_74] : memref<131072xi32, #tpu.memory_space<hbm>> -> memref<512xi32, #tpu.memory_space<hbm>>
      tpu.enqueue_dma source(%dma_start3A_130 : memref<512xi32, #tpu.memory_space<hbm>>) target(%arg7 : memref<512xi32, #tpu.memory_space<vmem>>) target_semaphore(%run_scoped3A : memref<!tpu.dma_semaphore, #tpu.memory_space<semaphore_mem>>)
      %dma_wait3A_131 = tpu.memref_slice %arg4[%add3A_74] : memref<131072xi32, #tpu.memory_space<hbm>> -> memref<512xi32, #tpu.memory_space<hbm>>
      %dma_wait3A_132 = tpu.memref_slice %arg4[%add3A_74] : memref<131072xi32, #tpu.memory_space<hbm>> -> memref<512xi32, #tpu.memory_space<hbm>>
      tpu.wait_dma2 semaphore(%run_scoped3A : memref<!tpu.dma_semaphore, #tpu.memory_space<semaphore_mem>>) src(%dma_wait3A_132 : memref<512xi32, #tpu.memory_space<hbm>>) dst(%arg7 : memref<512xi32, #tpu.memory_space<vmem>>)
      tpu.yield
    }) : () -> ()
    %dma_start3A_75 = arith.constant 0 : i32
    %dma_start3A_76 = arith.constant 0 : i32
    %dma_start3A_77 = tpu.memref_slice %arg2[%dma_start3A_75, %dma_start3A_76] : memref<320000x128xf32, #tpu.memory_space<hbm>> -> memref<320000x128xf32, #tpu.memory_space<hbm>>
    tpu.enqueue_indirect_dma source(%dma_start3A_77 : memref<320000x128xf32, #tpu.memory_space<hbm>>) target(%arg8 : memref<512x128xf32, #tpu.memory_space<vmem>>) offsets(%arg7 : memref<512xi32, #tpu.memory_space<vmem>>) semaphore(%arg9 : memref<!tpu.dma_semaphore, #tpu.memory_space<semaphore_mem>>)
    %dma_wait3A_78 = arith.constant 0 : i32
    %dma_wait3A_79 = arith.constant 0 : i32
    %dma_wait3A_80 = tpu.memref_slice %arg2[%dma_wait3A_78, %dma_wait3A_79] : memref<320000x128xf32, #tpu.memory_space<hbm>> -> memref<320000x128xf32, #tpu.memory_space<hbm>>
    tpu.wait_indirect_dma semaphore(%arg9 : memref<!tpu.dma_semaphore, #tpu.memory_space<semaphore_mem>>) src(%dma_wait3A_80 : memref<320000x128xf32, #tpu.memory_space<hbm>>) dst(%arg8 : memref<512x128xf32, #tpu.memory_space<vmem>>)
    "tpu.region"() ({
      %run_scoped3A = tpu.sem_alloc : memref<!tpu.dma_semaphore, #tpu.memory_space<semaphore_mem>>
      %dma_start3A_129 = arith.constant 0 : i32
      %dma_start3A_130 = tpu.memref_slice %arg6[%add3A_74, %dma_start3A_129] : memref<131072x128xf32, #tpu.memory_space<hbm>> -> memref<512x128xf32, #tpu.memory_space<hbm>>
      %dma_start3A_131 = arith.constant 0 : i32
      %dma_start3A_132 = tpu.memref_slice %arg6[%add3A_74, %dma_start3A_131] : memref<131072x128xf32, #tpu.memory_space<hbm>> -> memref<512x128xf32, #tpu.memory_space<hbm>>
      tpu.enqueue_dma source(%arg8 : memref<512x128xf32, #tpu.memory_space<vmem>>) target(%dma_start3A_132 : memref<512x128xf32, #tpu.memory_space<hbm>>) target_semaphore(%run_scoped3A : memref<!tpu.dma_semaphore, #tpu.memory_space<semaphore_mem>>)
      %dma_wait3A_133 = arith.constant 0 : i32
      %dma_wait3A_134 = tpu.memref_slice %arg6[%add3A_74, %dma_wait3A_133] : memref<131072x128xf32, #tpu.memory_space<hbm>> -> memref<512x128xf32, #tpu.memory_space<hbm>>
      %dma_wait3A_135 = arith.constant 0 : i32
      %dma_wait3A_136 = tpu.memref_slice %arg6[%add3A_74, %dma_wait3A_135] : memref<131072x128xf32, #tpu.memory_space<hbm>> -> memref<512x128xf32, #tpu.memory_space<hbm>>
      tpu.wait_dma2 semaphore(%run_scoped3A : memref<!tpu.dma_semaphore, #tpu.memory_space<semaphore_mem>>) src(%arg8 : memref<512x128xf32, #tpu.memory_space<vmem>>) dst(%dma_wait3A_136 : memref<512x128xf32, #tpu.memory_space<hbm>>)
      tpu.yield
    }) : () -> ()
    %add3A_81 = arith.constant 1024 : i32
    %add3A_82 = arith.addi %mul3A_2, %add3A_81 : i32
    "tpu.region"() ({
      %run_scoped3A = tpu.sem_alloc : memref<!tpu.dma_semaphore, #tpu.memory_space<semaphore_mem>>
      %dma_start3A_129 = tpu.memref_slice %arg4[%add3A_82] : memref<131072xi32, #tpu.memory_space<hbm>> -> memref<512xi32, #tpu.memory_space<hbm>>
      %dma_start3A_130 = tpu.memref_slice %arg4[%add3A_82] : memref<131072xi32, #tpu.memory_space<hbm>> -> memref<512xi32, #tpu.memory_space<hbm>>
      tpu.enqueue_dma source(%dma_start3A_130 : memref<512xi32, #tpu.memory_space<hbm>>) target(%arg7 : memref<512xi32, #tpu.memory_space<vmem>>) target_semaphore(%run_scoped3A : memref<!tpu.dma_semaphore, #tpu.memory_space<semaphore_mem>>)
      %dma_wait3A_131 = tpu.memref_slice %arg4[%add3A_82] : memref<131072xi32, #tpu.memory_space<hbm>> -> memref<512xi32, #tpu.memory_space<hbm>>
      %dma_wait3A_132 = tpu.memref_slice %arg4[%add3A_82] : memref<131072xi32, #tpu.memory_space<hbm>> -> memref<512xi32, #tpu.memory_space<hbm>>
      tpu.wait_dma2 semaphore(%run_scoped3A : memref<!tpu.dma_semaphore, #tpu.memory_space<semaphore_mem>>) src(%dma_wait3A_132 : memref<512xi32, #tpu.memory_space<hbm>>) dst(%arg7 : memref<512xi32, #tpu.memory_space<vmem>>)
      tpu.yield
    }) : () -> ()
    %dma_start3A_83 = arith.constant 0 : i32
    %dma_start3A_84 = arith.constant 0 : i32
    %dma_start3A_85 = tpu.memref_slice %arg2[%dma_start3A_83, %dma_start3A_84] : memref<320000x128xf32, #tpu.memory_space<hbm>> -> memref<320000x128xf32, #tpu.memory_space<hbm>>
    tpu.enqueue_indirect_dma source(%dma_start3A_85 : memref<320000x128xf32, #tpu.memory_space<hbm>>) target(%arg8 : memref<512x128xf32, #tpu.memory_space<vmem>>) offsets(%arg7 : memref<512xi32, #tpu.memory_space<vmem>>) semaphore(%arg9 : memref<!tpu.dma_semaphore, #tpu.memory_space<semaphore_mem>>)
    %dma_wait3A_86 = arith.constant 0 : i32
    %dma_wait3A_87 = arith.constant 0 : i32
    %dma_wait3A_88 = tpu.memref_slice %arg2[%dma_wait3A_86, %dma_wait3A_87] : memref<320000x128xf32, #tpu.memory_space<hbm>> -> memref<320000x128xf32, #tpu.memory_space<hbm>>
    tpu.wait_indirect_dma semaphore(%arg9 : memref<!tpu.dma_semaphore, #tpu.memory_space<semaphore_mem>>) src(%dma_wait3A_88 : memref<320000x128xf32, #tpu.memory_space<hbm>>) dst(%arg8 : memref<512x128xf32, #tpu.memory_space<vmem>>)
    "tpu.region"() ({
      %run_scoped3A = tpu.sem_alloc : memref<!tpu.dma_semaphore, #tpu.memory_space<semaphore_mem>>
      %dma_start3A_129 = arith.constant 0 : i32
      %dma_start3A_130 = tpu.memref_slice %arg6[%add3A_82, %dma_start3A_129] : memref<131072x128xf32, #tpu.memory_space<hbm>> -> memref<512x128xf32, #tpu.memory_space<hbm>>
      %dma_start3A_131 = arith.constant 0 : i32
      %dma_start3A_132 = tpu.memref_slice %arg6[%add3A_82, %dma_start3A_131] : memref<131072x128xf32, #tpu.memory_space<hbm>> -> memref<512x128xf32, #tpu.memory_space<hbm>>
      tpu.enqueue_dma source(%arg8 : memref<512x128xf32, #tpu.memory_space<vmem>>) target(%dma_start3A_132 : memref<512x128xf32, #tpu.memory_space<hbm>>) target_semaphore(%run_scoped3A : memref<!tpu.dma_semaphore, #tpu.memory_space<semaphore_mem>>)
      %dma_wait3A_133 = arith.constant 0 : i32
      %dma_wait3A_134 = tpu.memref_slice %arg6[%add3A_82, %dma_wait3A_133] : memref<131072x128xf32, #tpu.memory_space<hbm>> -> memref<512x128xf32, #tpu.memory_space<hbm>>
      %dma_wait3A_135 = arith.constant 0 : i32
      %dma_wait3A_136 = tpu.memref_slice %arg6[%add3A_82, %dma_wait3A_135] : memref<131072x128xf32, #tpu.memory_space<hbm>> -> memref<512x128xf32, #tpu.memory_space<hbm>>
      tpu.wait_dma2 semaphore(%run_scoped3A : memref<!tpu.dma_semaphore, #tpu.memory_space<semaphore_mem>>) src(%arg8 : memref<512x128xf32, #tpu.memory_space<vmem>>) dst(%dma_wait3A_136 : memref<512x128xf32, #tpu.memory_space<hbm>>)
      tpu.yield
    }) : () -> ()
    %add3A_89 = arith.constant 1536 : i32
    %add3A_90 = arith.addi %mul3A_2, %add3A_89 : i32
    "tpu.region"() ({
      %run_scoped3A = tpu.sem_alloc : memref<!tpu.dma_semaphore, #tpu.memory_space<semaphore_mem>>
      %dma_start3A_129 = tpu.memref_slice %arg4[%add3A_90] : memref<131072xi32, #tpu.memory_space<hbm>> -> memref<512xi32, #tpu.memory_space<hbm>>
      %dma_start3A_130 = tpu.memref_slice %arg4[%add3A_90] : memref<131072xi32, #tpu.memory_space<hbm>> -> memref<512xi32, #tpu.memory_space<hbm>>
      tpu.enqueue_dma source(%dma_start3A_130 : memref<512xi32, #tpu.memory_space<hbm>>) target(%arg7 : memref<512xi32, #tpu.memory_space<vmem>>) target_semaphore(%run_scoped3A : memref<!tpu.dma_semaphore, #tpu.memory_space<semaphore_mem>>)
      %dma_wait3A_131 = tpu.memref_slice %arg4[%add3A_90] : memref<131072xi32, #tpu.memory_space<hbm>> -> memref<512xi32, #tpu.memory_space<hbm>>
      %dma_wait3A_132 = tpu.memref_slice %arg4[%add3A_90] : memref<131072xi32, #tpu.memory_space<hbm>> -> memref<512xi32, #tpu.memory_space<hbm>>
      tpu.wait_dma2 semaphore(%run_scoped3A : memref<!tpu.dma_semaphore, #tpu.memory_space<semaphore_mem>>) src(%dma_wait3A_132 : memref<512xi32, #tpu.memory_space<hbm>>) dst(%arg7 : memref<512xi32, #tpu.memory_space<vmem>>)
      tpu.yield
    }) : () -> ()
    %dma_start3A_91 = arith.constant 0 : i32
    %dma_start3A_92 = arith.constant 0 : i32
    %dma_start3A_93 = tpu.memref_slice %arg2[%dma_start3A_91, %dma_start3A_92] : memref<320000x128xf32, #tpu.memory_space<hbm>> -> memref<320000x128xf32, #tpu.memory_space<hbm>>
    tpu.enqueue_indirect_dma source(%dma_start3A_93 : memref<320000x128xf32, #tpu.memory_space<hbm>>) target(%arg8 : memref<512x128xf32, #tpu.memory_space<vmem>>) offsets(%arg7 : memref<512xi32, #tpu.memory_space<vmem>>) semaphore(%arg9 : memref<!tpu.dma_semaphore, #tpu.memory_space<semaphore_mem>>)
    %dma_wait3A_94 = arith.constant 0 : i32
    %dma_wait3A_95 = arith.constant 0 : i32
    %dma_wait3A_96 = tpu.memref_slice %arg2[%dma_wait3A_94, %dma_wait3A_95] : memref<320000x128xf32, #tpu.memory_space<hbm>> -> memref<320000x128xf32, #tpu.memory_space<hbm>>
    tpu.wait_indirect_dma semaphore(%arg9 : memref<!tpu.dma_semaphore, #tpu.memory_space<semaphore_mem>>) src(%dma_wait3A_96 : memref<320000x128xf32, #tpu.memory_space<hbm>>) dst(%arg8 : memref<512x128xf32, #tpu.memory_space<vmem>>)
    "tpu.region"() ({
      %run_scoped3A = tpu.sem_alloc : memref<!tpu.dma_semaphore, #tpu.memory_space<semaphore_mem>>
      %dma_start3A_129 = arith.constant 0 : i32
      %dma_start3A_130 = tpu.memref_slice %arg6[%add3A_90, %dma_start3A_129] : memref<131072x128xf32, #tpu.memory_space<hbm>> -> memref<512x128xf32, #tpu.memory_space<hbm>>
      %dma_start3A_131 = arith.constant 0 : i32
      %dma_start3A_132 = tpu.memref_slice %arg6[%add3A_90, %dma_start3A_131] : memref<131072x128xf32, #tpu.memory_space<hbm>> -> memref<512x128xf32, #tpu.memory_space<hbm>>
      tpu.enqueue_dma source(%arg8 : memref<512x128xf32, #tpu.memory_space<vmem>>) target(%dma_start3A_132 : memref<512x128xf32, #tpu.memory_space<hbm>>) target_semaphore(%run_scoped3A : memref<!tpu.dma_semaphore, #tpu.memory_space<semaphore_mem>>)
      %dma_wait3A_133 = arith.constant 0 : i32
      %dma_wait3A_134 = tpu.memref_slice %arg6[%add3A_90, %dma_wait3A_133] : memref<131072x128xf32, #tpu.memory_space<hbm>> -> memref<512x128xf32, #tpu.memory_space<hbm>>
      %dma_wait3A_135 = arith.constant 0 : i32
      %dma_wait3A_136 = tpu.memref_slice %arg6[%add3A_90, %dma_wait3A_135] : memref<131072x128xf32, #tpu.memory_space<hbm>> -> memref<512x128xf32, #tpu.memory_space<hbm>>
      tpu.wait_dma2 semaphore(%run_scoped3A : memref<!tpu.dma_semaphore, #tpu.memory_space<semaphore_mem>>) src(%arg8 : memref<512x128xf32, #tpu.memory_space<vmem>>) dst(%dma_wait3A_136 : memref<512x128xf32, #tpu.memory_space<hbm>>)
      tpu.yield
    }) : () -> ()
    %add3A_97 = arith.constant 2048 : i32
    %add3A_98 = arith.addi %mul3A_2, %add3A_97 : i32
    "tpu.region"() ({
      %run_scoped3A = tpu.sem_alloc : memref<!tpu.dma_semaphore, #tpu.memory_space<semaphore_mem>>
      %dma_start3A_129 = tpu.memref_slice %arg4[%add3A_98] : memref<131072xi32, #tpu.memory_space<hbm>> -> memref<512xi32, #tpu.memory_space<hbm>>
      %dma_start3A_130 = tpu.memref_slice %arg4[%add3A_98] : memref<131072xi32, #tpu.memory_space<hbm>> -> memref<512xi32, #tpu.memory_space<hbm>>
      tpu.enqueue_dma source(%dma_start3A_130 : memref<512xi32, #tpu.memory_space<hbm>>) target(%arg7 : memref<512xi32, #tpu.memory_space<vmem>>) target_semaphore(%run_scoped3A : memref<!tpu.dma_semaphore, #tpu.memory_space<semaphore_mem>>)
      %dma_wait3A_131 = tpu.memref_slice %arg4[%add3A_98] : memref<131072xi32, #tpu.memory_space<hbm>> -> memref<512xi32, #tpu.memory_space<hbm>>
      %dma_wait3A_132 = tpu.memref_slice %arg4[%add3A_98] : memref<131072xi32, #tpu.memory_space<hbm>> -> memref<512xi32, #tpu.memory_space<hbm>>
      tpu.wait_dma2 semaphore(%run_scoped3A : memref<!tpu.dma_semaphore, #tpu.memory_space<semaphore_mem>>) src(%dma_wait3A_132 : memref<512xi32, #tpu.memory_space<hbm>>) dst(%arg7 : memref<512xi32, #tpu.memory_space<vmem>>)
      tpu.yield
    }) : () -> ()
    %dma_start3A_99 = arith.constant 0 : i32
    %dma_start3A_100 = arith.constant 0 : i32
    %dma_start3A_101 = tpu.memref_slice %arg2[%dma_start3A_99, %dma_start3A_100] : memref<320000x128xf32, #tpu.memory_space<hbm>> -> memref<320000x128xf32, #tpu.memory_space<hbm>>
    tpu.enqueue_indirect_dma source(%dma_start3A_101 : memref<320000x128xf32, #tpu.memory_space<hbm>>) target(%arg8 : memref<512x128xf32, #tpu.memory_space<vmem>>) offsets(%arg7 : memref<512xi32, #tpu.memory_space<vmem>>) semaphore(%arg9 : memref<!tpu.dma_semaphore, #tpu.memory_space<semaphore_mem>>)
    %dma_wait3A_102 = arith.constant 0 : i32
    %dma_wait3A_103 = arith.constant 0 : i32
    %dma_wait3A_104 = tpu.memref_slice %arg2[%dma_wait3A_102, %dma_wait3A_103] : memref<320000x128xf32, #tpu.memory_space<hbm>> -> memref<320000x128xf32, #tpu.memory_space<hbm>>
    tpu.wait_indirect_dma semaphore(%arg9 : memref<!tpu.dma_semaphore, #tpu.memory_space<semaphore_mem>>) src(%dma_wait3A_104 : memref<320000x128xf32, #tpu.memory_space<hbm>>) dst(%arg8 : memref<512x128xf32, #tpu.memory_space<vmem>>)
    "tpu.region"() ({
      %run_scoped3A = tpu.sem_alloc : memref<!tpu.dma_semaphore, #tpu.memory_space<semaphore_mem>>
      %dma_start3A_129 = arith.constant 0 : i32
      %dma_start3A_130 = tpu.memref_slice %arg6[%add3A_98, %dma_start3A_129] : memref<131072x128xf32, #tpu.memory_space<hbm>> -> memref<512x128xf32, #tpu.memory_space<hbm>>
      %dma_start3A_131 = arith.constant 0 : i32
      %dma_start3A_132 = tpu.memref_slice %arg6[%add3A_98, %dma_start3A_131] : memref<131072x128xf32, #tpu.memory_space<hbm>> -> memref<512x128xf32, #tpu.memory_space<hbm>>
      tpu.enqueue_dma source(%arg8 : memref<512x128xf32, #tpu.memory_space<vmem>>) target(%dma_start3A_132 : memref<512x128xf32, #tpu.memory_space<hbm>>) target_semaphore(%run_scoped3A : memref<!tpu.dma_semaphore, #tpu.memory_space<semaphore_mem>>)
      %dma_wait3A_133 = arith.constant 0 : i32
      %dma_wait3A_134 = tpu.memref_slice %arg6[%add3A_98, %dma_wait3A_133] : memref<131072x128xf32, #tpu.memory_space<hbm>> -> memref<512x128xf32, #tpu.memory_space<hbm>>
      %dma_wait3A_135 = arith.constant 0 : i32
      %dma_wait3A_136 = tpu.memref_slice %arg6[%add3A_98, %dma_wait3A_135] : memref<131072x128xf32, #tpu.memory_space<hbm>> -> memref<512x128xf32, #tpu.memory_space<hbm>>
      tpu.wait_dma2 semaphore(%run_scoped3A : memref<!tpu.dma_semaphore, #tpu.memory_space<semaphore_mem>>) src(%arg8 : memref<512x128xf32, #tpu.memory_space<vmem>>) dst(%dma_wait3A_136 : memref<512x128xf32, #tpu.memory_space<hbm>>)
      tpu.yield
    }) : () -> ()
    %add3A_105 = arith.constant 2560 : i32
    %add3A_106 = arith.addi %mul3A_2, %add3A_105 : i32
    "tpu.region"() ({
      %run_scoped3A = tpu.sem_alloc : memref<!tpu.dma_semaphore, #tpu.memory_space<semaphore_mem>>
      %dma_start3A_129 = tpu.memref_slice %arg4[%add3A_106] : memref<131072xi32, #tpu.memory_space<hbm>> -> memref<512xi32, #tpu.memory_space<hbm>>
      %dma_start3A_130 = tpu.memref_slice %arg4[%add3A_106] : memref<131072xi32, #tpu.memory_space<hbm>> -> memref<512xi32, #tpu.memory_space<hbm>>
      tpu.enqueue_dma source(%dma_start3A_130 : memref<512xi32, #tpu.memory_space<hbm>>) target(%arg7 : memref<512xi32, #tpu.memory_space<vmem>>) target_semaphore(%run_scoped3A : memref<!tpu.dma_semaphore, #tpu.memory_space<semaphore_mem>>)
      %dma_wait3A_131 = tpu.memref_slice %arg4[%add3A_106] : memref<131072xi32, #tpu.memory_space<hbm>> -> memref<512xi32, #tpu.memory_space<hbm>>
      %dma_wait3A_132 = tpu.memref_slice %arg4[%add3A_106] : memref<131072xi32, #tpu.memory_space<hbm>> -> memref<512xi32, #tpu.memory_space<hbm>>
      tpu.wait_dma2 semaphore(%run_scoped3A : memref<!tpu.dma_semaphore, #tpu.memory_space<semaphore_mem>>) src(%dma_wait3A_132 : memref<512xi32, #tpu.memory_space<hbm>>) dst(%arg7 : memref<512xi32, #tpu.memory_space<vmem>>)
      tpu.yield
    }) : () -> ()
    %dma_start3A_107 = arith.constant 0 : i32
    %dma_start3A_108 = arith.constant 0 : i32
    %dma_start3A_109 = tpu.memref_slice %arg2[%dma_start3A_107, %dma_start3A_108] : memref<320000x128xf32, #tpu.memory_space<hbm>> -> memref<320000x128xf32, #tpu.memory_space<hbm>>
    tpu.enqueue_indirect_dma source(%dma_start3A_109 : memref<320000x128xf32, #tpu.memory_space<hbm>>) target(%arg8 : memref<512x128xf32, #tpu.memory_space<vmem>>) offsets(%arg7 : memref<512xi32, #tpu.memory_space<vmem>>) semaphore(%arg9 : memref<!tpu.dma_semaphore, #tpu.memory_space<semaphore_mem>>)
    %dma_wait3A_110 = arith.constant 0 : i32
    %dma_wait3A_111 = arith.constant 0 : i32
    %dma_wait3A_112 = tpu.memref_slice %arg2[%dma_wait3A_110, %dma_wait3A_111] : memref<320000x128xf32, #tpu.memory_space<hbm>> -> memref<320000x128xf32, #tpu.memory_space<hbm>>
    tpu.wait_indirect_dma semaphore(%arg9 : memref<!tpu.dma_semaphore, #tpu.memory_space<semaphore_mem>>) src(%dma_wait3A_112 : memref<320000x128xf32, #tpu.memory_space<hbm>>) dst(%arg8 : memref<512x128xf32, #tpu.memory_space<vmem>>)
    "tpu.region"() ({
      %run_scoped3A = tpu.sem_alloc : memref<!tpu.dma_semaphore, #tpu.memory_space<semaphore_mem>>
      %dma_start3A_129 = arith.constant 0 : i32
      %dma_start3A_130 = tpu.memref_slice %arg6[%add3A_106, %dma_start3A_129] : memref<131072x128xf32, #tpu.memory_space<hbm>> -> memref<512x128xf32, #tpu.memory_space<hbm>>
      %dma_start3A_131 = arith.constant 0 : i32
      %dma_start3A_132 = tpu.memref_slice %arg6[%add3A_106, %dma_start3A_131] : memref<131072x128xf32, #tpu.memory_space<hbm>> -> memref<512x128xf32, #tpu.memory_space<hbm>>
      tpu.enqueue_dma source(%arg8 : memref<512x128xf32, #tpu.memory_space<vmem>>) target(%dma_start3A_132 : memref<512x128xf32, #tpu.memory_space<hbm>>) target_semaphore(%run_scoped3A : memref<!tpu.dma_semaphore, #tpu.memory_space<semaphore_mem>>)
      %dma_wait3A_133 = arith.constant 0 : i32
      %dma_wait3A_134 = tpu.memref_slice %arg6[%add3A_106, %dma_wait3A_133] : memref<131072x128xf32, #tpu.memory_space<hbm>> -> memref<512x128xf32, #tpu.memory_space<hbm>>
      %dma_wait3A_135 = arith.constant 0 : i32
      %dma_wait3A_136 = tpu.memref_slice %arg6[%add3A_106, %dma_wait3A_135] : memref<131072x128xf32, #tpu.memory_space<hbm>> -> memref<512x128xf32, #tpu.memory_space<hbm>>
      tpu.wait_dma2 semaphore(%run_scoped3A : memref<!tpu.dma_semaphore, #tpu.memory_space<semaphore_mem>>) src(%arg8 : memref<512x128xf32, #tpu.memory_space<vmem>>) dst(%dma_wait3A_136 : memref<512x128xf32, #tpu.memory_space<hbm>>)
      tpu.yield
    }) : () -> ()
    %add3A_113 = arith.constant 3072 : i32
    %add3A_114 = arith.addi %mul3A_2, %add3A_113 : i32
    "tpu.region"() ({
      %run_scoped3A = tpu.sem_alloc : memref<!tpu.dma_semaphore, #tpu.memory_space<semaphore_mem>>
      %dma_start3A_129 = tpu.memref_slice %arg4[%add3A_114] : memref<131072xi32, #tpu.memory_space<hbm>> -> memref<512xi32, #tpu.memory_space<hbm>>
      %dma_start3A_130 = tpu.memref_slice %arg4[%add3A_114] : memref<131072xi32, #tpu.memory_space<hbm>> -> memref<512xi32, #tpu.memory_space<hbm>>
      tpu.enqueue_dma source(%dma_start3A_130 : memref<512xi32, #tpu.memory_space<hbm>>) target(%arg7 : memref<512xi32, #tpu.memory_space<vmem>>) target_semaphore(%run_scoped3A : memref<!tpu.dma_semaphore, #tpu.memory_space<semaphore_mem>>)
      %dma_wait3A_131 = tpu.memref_slice %arg4[%add3A_114] : memref<131072xi32, #tpu.memory_space<hbm>> -> memref<512xi32, #tpu.memory_space<hbm>>
      %dma_wait3A_132 = tpu.memref_slice %arg4[%add3A_114] : memref<131072xi32, #tpu.memory_space<hbm>> -> memref<512xi32, #tpu.memory_space<hbm>>
      tpu.wait_dma2 semaphore(%run_scoped3A : memref<!tpu.dma_semaphore, #tpu.memory_space<semaphore_mem>>) src(%dma_wait3A_132 : memref<512xi32, #tpu.memory_space<hbm>>) dst(%arg7 : memref<512xi32, #tpu.memory_space<vmem>>)
      tpu.yield
    }) : () -> ()
    %dma_start3A_115 = arith.constant 0 : i32
    %dma_start3A_116 = arith.constant 0 : i32
    %dma_start3A_117 = tpu.memref_slice %arg2[%dma_start3A_115, %dma_start3A_116] : memref<320000x128xf32, #tpu.memory_space<hbm>> -> memref<320000x128xf32, #tpu.memory_space<hbm>>
    tpu.enqueue_indirect_dma source(%dma_start3A_117 : memref<320000x128xf32, #tpu.memory_space<hbm>>) target(%arg8 : memref<512x128xf32, #tpu.memory_space<vmem>>) offsets(%arg7 : memref<512xi32, #tpu.memory_space<vmem>>) semaphore(%arg9 : memref<!tpu.dma_semaphore, #tpu.memory_space<semaphore_mem>>)
    %dma_wait3A_118 = arith.constant 0 : i32
    %dma_wait3A_119 = arith.constant 0 : i32
    %dma_wait3A_120 = tpu.memref_slice %arg2[%dma_wait3A_118, %dma_wait3A_119] : memref<320000x128xf32, #tpu.memory_space<hbm>> -> memref<320000x128xf32, #tpu.memory_space<hbm>>
    tpu.wait_indirect_dma semaphore(%arg9 : memref<!tpu.dma_semaphore, #tpu.memory_space<semaphore_mem>>) src(%dma_wait3A_120 : memref<320000x128xf32, #tpu.memory_space<hbm>>) dst(%arg8 : memref<512x128xf32, #tpu.memory_space<vmem>>)
    "tpu.region"() ({
      %run_scoped3A = tpu.sem_alloc : memref<!tpu.dma_semaphore, #tpu.memory_space<semaphore_mem>>
      %dma_start3A_129 = arith.constant 0 : i32
      %dma_start3A_130 = tpu.memref_slice %arg6[%add3A_114, %dma_start3A_129] : memref<131072x128xf32, #tpu.memory_space<hbm>> -> memref<512x128xf32, #tpu.memory_space<hbm>>
      %dma_start3A_131 = arith.constant 0 : i32
      %dma_start3A_132 = tpu.memref_slice %arg6[%add3A_114, %dma_start3A_131] : memref<131072x128xf32, #tpu.memory_space<hbm>> -> memref<512x128xf32, #tpu.memory_space<hbm>>
      tpu.enqueue_dma source(%arg8 : memref<512x128xf32, #tpu.memory_space<vmem>>) target(%dma_start3A_132 : memref<512x128xf32, #tpu.memory_space<hbm>>) target_semaphore(%run_scoped3A : memref<!tpu.dma_semaphore, #tpu.memory_space<semaphore_mem>>)
      %dma_wait3A_133 = arith.constant 0 : i32
      %dma_wait3A_134 = tpu.memref_slice %arg6[%add3A_114, %dma_wait3A_133] : memref<131072x128xf32, #tpu.memory_space<hbm>> -> memref<512x128xf32, #tpu.memory_space<hbm>>
      %dma_wait3A_135 = arith.constant 0 : i32
      %dma_wait3A_136 = tpu.memref_slice %arg6[%add3A_114, %dma_wait3A_135] : memref<131072x128xf32, #tpu.memory_space<hbm>> -> memref<512x128xf32, #tpu.memory_space<hbm>>
      tpu.wait_dma2 semaphore(%run_scoped3A : memref<!tpu.dma_semaphore, #tpu.memory_space<semaphore_mem>>) src(%arg8 : memref<512x128xf32, #tpu.memory_space<vmem>>) dst(%dma_wait3A_136 : memref<512x128xf32, #tpu.memory_space<hbm>>)
      tpu.yield
    }) : () -> ()
    %add3A_121 = arith.constant 3584 : i32
    %add3A_122 = arith.addi %mul3A_2, %add3A_121 : i32
    "tpu.region"() ({
      %run_scoped3A = tpu.sem_alloc : memref<!tpu.dma_semaphore, #tpu.memory_space<semaphore_mem>>
      %dma_start3A_129 = tpu.memref_slice %arg4[%add3A_122] : memref<131072xi32, #tpu.memory_space<hbm>> -> memref<512xi32, #tpu.memory_space<hbm>>
      %dma_start3A_130 = tpu.memref_slice %arg4[%add3A_122] : memref<131072xi32, #tpu.memory_space<hbm>> -> memref<512xi32, #tpu.memory_space<hbm>>
      tpu.enqueue_dma source(%dma_start3A_130 : memref<512xi32, #tpu.memory_space<hbm>>) target(%arg7 : memref<512xi32, #tpu.memory_space<vmem>>) target_semaphore(%run_scoped3A : memref<!tpu.dma_semaphore, #tpu.memory_space<semaphore_mem>>)
      %dma_wait3A_131 = tpu.memref_slice %arg4[%add3A_122] : memref<131072xi32, #tpu.memory_space<hbm>> -> memref<512xi32, #tpu.memory_space<hbm>>
      %dma_wait3A_132 = tpu.memref_slice %arg4[%add3A_122] : memref<131072xi32, #tpu.memory_space<hbm>> -> memref<512xi32, #tpu.memory_space<hbm>>
      tpu.wait_dma2 semaphore(%run_scoped3A : memref<!tpu.dma_semaphore, #tpu.memory_space<semaphore_mem>>) src(%dma_wait3A_132 : memref<512xi32, #tpu.memory_space<hbm>>) dst(%arg7 : memref<512xi32, #tpu.memory_space<vmem>>)
      tpu.yield
    }) : () -> ()
    %dma_start3A_123 = arith.constant 0 : i32
    %dma_start3A_124 = arith.constant 0 : i32
    %dma_start3A_125 = tpu.memref_slice %arg2[%dma_start3A_123, %dma_start3A_124] : memref<320000x128xf32, #tpu.memory_space<hbm>> -> memref<320000x128xf32, #tpu.memory_space<hbm>>
    tpu.enqueue_indirect_dma source(%dma_start3A_125 : memref<320000x128xf32, #tpu.memory_space<hbm>>) target(%arg8 : memref<512x128xf32, #tpu.memory_space<vmem>>) offsets(%arg7 : memref<512xi32, #tpu.memory_space<vmem>>) semaphore(%arg9 : memref<!tpu.dma_semaphore, #tpu.memory_space<semaphore_mem>>)
    %dma_wait3A_126 = arith.constant 0 : i32
    %dma_wait3A_127 = arith.constant 0 : i32
    %dma_wait3A_128 = tpu.memref_slice %arg2[%dma_wait3A_126, %dma_wait3A_127] : memref<320000x128xf32, #tpu.memory_space<hbm>> -> memref<320000x128xf32, #tpu.memory_space<hbm>>
    tpu.wait_indirect_dma semaphore(%arg9 : memref<!tpu.dma_semaphore, #tpu.memory_space<semaphore_mem>>) src(%dma_wait3A_128 : memref<320000x128xf32, #tpu.memory_space<hbm>>) dst(%arg8 : memref<512x128xf32, #tpu.memory_space<vmem>>)
    "tpu.region"() ({
      %run_scoped3A = tpu.sem_alloc : memref<!tpu.dma_semaphore, #tpu.memory_space<semaphore_mem>>
      %dma_start3A_129 = arith.constant 0 : i32
      %dma_start3A_130 = tpu.memref_slice %arg6[%add3A_122, %dma_start3A_129] : memref<131072x128xf32, #tpu.memory_space<hbm>> -> memref<512x128xf32, #tpu.memory_space<hbm>>
      %dma_start3A_131 = arith.constant 0 : i32
      %dma_start3A_132 = tpu.memref_slice %arg6[%add3A_122, %dma_start3A_131] : memref<131072x128xf32, #tpu.memory_space<hbm>> -> memref<512x128xf32, #tpu.memory_space<hbm>>
      tpu.enqueue_dma source(%arg8 : memref<512x128xf32, #tpu.memory_space<vmem>>) target(%dma_start3A_132 : memref<512x128xf32, #tpu.memory_space<hbm>>) target_semaphore(%run_scoped3A : memref<!tpu.dma_semaphore, #tpu.memory_space<semaphore_mem>>)
      %dma_wait3A_133 = arith.constant 0 : i32
      %dma_wait3A_134 = tpu.memref_slice %arg6[%add3A_122, %dma_wait3A_133] : memref<131072x128xf32, #tpu.memory_space<hbm>> -> memref<512x128xf32, #tpu.memory_space<hbm>>
      %dma_wait3A_135 = arith.constant 0 : i32
      %dma_wait3A_136 = tpu.memref_slice %arg6[%add3A_122, %dma_wait3A_135] : memref<131072x128xf32, #tpu.memory_space<hbm>> -> memref<512x128xf32, #tpu.memory_space<hbm>>
      tpu.wait_dma2 semaphore(%run_scoped3A : memref<!tpu.dma_semaphore, #tpu.memory_space<semaphore_mem>>) src(%arg8 : memref<512x128xf32, #tpu.memory_space<vmem>>) dst(%dma_wait3A_136 : memref<512x128xf32, #tpu.memory_space<hbm>>)
      tpu.yield
    }) : () -> ()
    return
  }
}

module attributes {stable_mosaic.version = 14 : i64} {
  func.func @_branch_body(%arg0: i32, %arg1: memref<640x128xf32, #tpu.memory_space<vmem>>, %arg2: memref<640x128xf32, #tpu.memory_space<vmem>>, %arg3: memref<640x128xf32, #tpu.memory_space<vmem>>, %arg4: memref<128x256xf32, #tpu.memory_space<vmem>>, %arg5: memref<128x256xf32, #tpu.memory_space<vmem>>, %arg6: memref<1x256xf32, #tpu.memory_space<vmem>>, %arg7: memref<256x128xf32, #tpu.memory_space<vmem>>, %arg8: memref<1x128xf32, #tpu.memory_space<vmem>>, %arg9: memref<128x256xf32, #tpu.memory_space<vmem>>, %arg10: memref<128x256xf32, #tpu.memory_space<vmem>>, %arg11: memref<1x256xf32, #tpu.memory_space<vmem>>, %arg12: memref<256x256xf32, #tpu.memory_space<vmem>>, %arg13: memref<1x256xf32, #tpu.memory_space<vmem>>, %arg14: memref<256x128xf32, #tpu.memory_space<vmem>>, %arg15: memref<1x128xf32, #tpu.memory_space<vmem>>, %arg16: memref<128x640xf32, #tpu.memory_space<vmem>>, %arg17: memref<640x128xf32, #tpu.memory_space<vmem>>) attributes {dimension_semantics = [#tpu.dimension_semantics<arbitrary>], iteration_bounds = array<i64: 157>, scalar_prefetch = 0 : i64, scratch_operands = 0 : i64, tpu.core_type = #tpu.core_type<tc>, window_params = [{transform_indices = @transform_0, window_bounds = array<i64: 640, 128>}, {transform_indices = @transform_1, window_bounds = array<i64: 640, 128>}, {transform_indices = @transform_2, window_bounds = array<i64: 640, 128>}, {pipeline_mode = #tpu.pipeline_mode<synchronous>, transform_indices = @transform_3, window_bounds = array<i64: 128, 256>}, {pipeline_mode = #tpu.pipeline_mode<synchronous>, transform_indices = @transform_4, window_bounds = array<i64: 128, 256>}, {pipeline_mode = #tpu.pipeline_mode<synchronous>, transform_indices = @transform_5, window_bounds = array<i64: 1, 256>}, {pipeline_mode = #tpu.pipeline_mode<synchronous>, transform_indices = @transform_6, window_bounds = array<i64: 256, 128>}, {pipeline_mode = #tpu.pipeline_mode<synchronous>, transform_indices = @transform_7, window_bounds = array<i64: 1, 128>}, {pipeline_mode = #tpu.pipeline_mode<synchronous>, transform_indices = @transform_8, window_bounds = array<i64: 128, 256>}, {pipeline_mode = #tpu.pipeline_mode<synchronous>, transform_indices = @transform_9, window_bounds = array<i64: 128, 256>}, {pipeline_mode = #tpu.pipeline_mode<synchronous>, transform_indices = @transform_10, window_bounds = array<i64: 1, 256>}, {pipeline_mode = #tpu.pipeline_mode<synchronous>, transform_indices = @transform_11, window_bounds = array<i64: 256, 256>}, {pipeline_mode = #tpu.pipeline_mode<synchronous>, transform_indices = @transform_12, window_bounds = array<i64: 1, 256>}, {pipeline_mode = #tpu.pipeline_mode<synchronous>, transform_indices = @transform_13, window_bounds = array<i64: 256, 128>}, {pipeline_mode = #tpu.pipeline_mode<synchronous>, transform_indices = @transform_14, window_bounds = array<i64: 1, 128>}, {pipeline_mode = #tpu.pipeline_mode<synchronous>, transform_indices = @transform_15, window_bounds = array<i64: 128, 640>}, {transform_indices = @transform_16, window_bounds = array<i64: 640, 128>}]} {
    %get3A = arith.constant 0 : index
    %get3A_0 = arith.constant 0 : index
    %get3A_1 = vector.load %arg2[%get3A, %get3A_0] : memref<640x128xf32, #tpu.memory_space<vmem>>, vector<640x128xf32>
    %get3A_2 = arith.constant 0 : index
    %get3A_3 = arith.constant 0 : index
    %get3A_4 = vector.load %arg3[%get3A_2, %get3A_3] : memref<640x128xf32, #tpu.memory_space<vmem>>, vector<640x128xf32>
    %add3A = arith.addf %get3A_1, %get3A_4 : vector<640x128xf32>
    %get3A_5 = arith.constant 0 : index
    %get3A_6 = arith.constant 0 : index
    %get3A_7 = vector.load %arg1[%get3A_5, %get3A_6] : memref<640x128xf32, #tpu.memory_space<vmem>>, vector<640x128xf32>
    %get3A_8 = arith.constant 0 : index
    %get3A_9 = arith.constant 0 : index
    %get3A_10 = vector.load %arg4[%get3A_8, %get3A_9] : memref<128x256xf32, #tpu.memory_space<vmem>>, vector<128x256xf32>
    %dot_general3A = arith.constant dense<0.000000e+00> : vector<640x256xf32>
    %dot_general3A_11 = tpu.matmul %get3A_7, %get3A_10, %dot_general3A {dimension_numbers = #tpu.dot_dimension_numbers<[1], [0], [0], [1], [0, 0, 1, 1], [], []>, transpose_lhs_hint = false} : vector<640x128xf32>, vector<128x256xf32>, vector<640x256xf32> -> vector<640x256xf32>
    %get3A_12 = arith.constant 0 : index
    %get3A_13 = arith.constant 0 : index
    %get3A_14 = vector.load %arg5[%get3A_12, %get3A_13] : memref<128x256xf32, #tpu.memory_space<vmem>>, vector<128x256xf32>
    %dot_general3A_15 = arith.constant dense<0.000000e+00> : vector<640x256xf32>
    %dot_general3A_16 = tpu.matmul %add3A, %get3A_14, %dot_general3A_15 {dimension_numbers = #tpu.dot_dimension_numbers<[1], [0], [0], [1], [0, 0, 1, 1], [], []>, transpose_lhs_hint = false} : vector<640x128xf32>, vector<128x256xf32>, vector<640x256xf32> -> vector<640x256xf32>
    %add3A_17 = arith.addf %dot_general3A_11, %dot_general3A_16 : vector<640x256xf32>
    %get3A_18 = arith.constant 0 : index
    %get3A_19 = arith.constant 0 : index
    %get3A_20 = vector.load %arg6[%get3A_18, %get3A_19] : memref<1x256xf32, #tpu.memory_space<vmem>>, vector<1x256xf32>
    %add3A_21 = vector.broadcast %get3A_20 : vector<1x256xf32> to vector<640x256xf32>
    %add3A_22 = arith.addf %add3A_17, %add3A_21 : vector<640x256xf32>
    %max3A = arith.constant 0.000000e+00 : f32
    %max3A_23 = vector.broadcast %max3A : f32 to vector<640x256xf32>
    %max3A_24 = arith.maximumf %add3A_22, %max3A_23 : vector<640x256xf32>
    %get3A_25 = arith.constant 0 : index
    %get3A_26 = arith.constant 0 : index
    %get3A_27 = vector.load %arg7[%get3A_25, %get3A_26] : memref<256x128xf32, #tpu.memory_space<vmem>>, vector<256x128xf32>
    %dot_general3A_28 = arith.constant dense<0.000000e+00> : vector<640x128xf32>
    %dot_general3A_29 = tpu.matmul %max3A_24, %get3A_27, %dot_general3A_28 {dimension_numbers = #tpu.dot_dimension_numbers<[1], [0], [0], [1], [0, 0, 1, 1], [], []>, transpose_lhs_hint = false} : vector<640x256xf32>, vector<256x128xf32>, vector<640x128xf32> -> vector<640x128xf32>
    %get3A_30 = arith.constant 0 : index
    %get3A_31 = arith.constant 0 : index
    %get3A_32 = vector.load %arg8[%get3A_30, %get3A_31] : memref<1x128xf32, #tpu.memory_space<vmem>>, vector<1x128xf32>
    %add3A_33 = vector.broadcast %get3A_32 : vector<1x128xf32> to vector<640x128xf32>
    %add3A_34 = arith.addf %dot_general3A_29, %add3A_33 : vector<640x128xf32>
    %max3A_35 = arith.constant 0.000000e+00 : f32
    %max3A_36 = vector.broadcast %max3A_35 : f32 to vector<640x128xf32>
    %max3A_37 = arith.maximumf %add3A_34, %max3A_36 : vector<640x128xf32>
    %mul3A = arith.constant 640 : i32
    %mul3A_38 = arith.muli %arg0, %mul3A : i32
    %iota3A = tpu.iota {dimensions = array<i32: 0>} : vector<640x1xi32>
    %add3A_39 = vector.broadcast %mul3A_38 : i32 to vector<640x1xi32>
    %add3A_40 = arith.addi %add3A_39, %iota3A : vector<640x1xi32>
    %lt3A = arith.constant 100000 : i32
    %lt3A_41 = vector.broadcast %lt3A : i32 to vector<640x1xi32>
    %lt3A_42 = arith.cmpi slt, %add3A_40, %lt3A_41 : vector<640x1xi32>
    %jit3A = arith.constant 0.000000e+00 : f32
    %broadcast_in_dim3A = vector.shape_cast %lt3A_42 : vector<640x1xi1> to vector<640x1xi1>
    %broadcast_in_dim3A_43 = vector.broadcast %broadcast_in_dim3A : vector<640x1xi1> to vector<640x128xi1>
    %broadcast_in_dim3A_44 = vector.broadcast %jit3A : f32 to vector<640x128xf32>
    %select_n3A = arith.select %broadcast_in_dim3A_43, %max3A_37, %broadcast_in_dim3A_44 : vector<640x128xi1>, vector<640x128xf32>
    %get3A_45 = arith.constant 0 : index
    %get3A_46 = arith.constant 0 : index
    %get3A_47 = vector.load %arg16[%get3A_45, %get3A_46] : memref<128x640xf32, #tpu.memory_space<vmem>>, vector<128x640xf32>
    %dot_general3A_48 = arith.constant dense<0.000000e+00> : vector<128x128xf32>
    %dot_general3A_49 = tpu.matmul %get3A_47, %select_n3A, %dot_general3A_48 {dimension_numbers = #tpu.dot_dimension_numbers<[1], [0], [0], [1], [0, 0, 1, 1], [], []>, transpose_lhs_hint = false} : vector<128x640xf32>, vector<640x128xf32>, vector<128x128xf32> -> vector<128x128xf32>
    %get3A_50 = arith.constant 0 : index
    %get3A_51 = arith.constant 0 : index
    %get3A_52 = vector.load %arg10[%get3A_50, %get3A_51] : memref<128x256xf32, #tpu.memory_space<vmem>>, vector<128x256xf32>
    %dot_general3A_53 = arith.constant dense<0.000000e+00> : vector<128x256xf32>
    %dot_general3A_54 = tpu.matmul %dot_general3A_49, %get3A_52, %dot_general3A_53 {dimension_numbers = #tpu.dot_dimension_numbers<[1], [0], [0], [1], [0, 0, 1, 1], [], []>, transpose_lhs_hint = false} : vector<128x128xf32>, vector<128x256xf32>, vector<128x256xf32> -> vector<128x256xf32>
    %get3A_55 = arith.constant 0 : index
    %get3A_56 = arith.constant 0 : index
    %get3A_57 = vector.load %arg16[%get3A_55, %get3A_56] : memref<128x640xf32, #tpu.memory_space<vmem>>, vector<128x640xf32>
    %dot_general3A_58 = arith.constant dense<0.000000e+00> : vector<640x256xf32>
    %dot_general3A_59 = tpu.matmul %get3A_57, %dot_general3A_54, %dot_general3A_58 {dimension_numbers = #tpu.dot_dimension_numbers<[0], [0], [1], [1], [0, 1, 1, 1], [], []>, transpose_lhs_hint = false} : vector<128x640xf32>, vector<128x256xf32>, vector<640x256xf32> -> vector<640x256xf32>
    %get3A_60 = arith.constant 0 : index
    %get3A_61 = arith.constant 0 : index
    %get3A_62 = vector.load %arg9[%get3A_60, %get3A_61] : memref<128x256xf32, #tpu.memory_space<vmem>>, vector<128x256xf32>
    %dot_general3A_63 = arith.constant dense<0.000000e+00> : vector<640x256xf32>
    %dot_general3A_64 = tpu.matmul %select_n3A, %get3A_62, %dot_general3A_63 {dimension_numbers = #tpu.dot_dimension_numbers<[1], [0], [0], [1], [0, 0, 1, 1], [], []>, transpose_lhs_hint = false} : vector<640x128xf32>, vector<128x256xf32>, vector<640x256xf32> -> vector<640x256xf32>
    %add3A_65 = arith.addf %dot_general3A_64, %dot_general3A_59 : vector<640x256xf32>
    %get3A_66 = arith.constant 0 : index
    %get3A_67 = arith.constant 0 : index
    %get3A_68 = vector.load %arg11[%get3A_66, %get3A_67] : memref<1x256xf32, #tpu.memory_space<vmem>>, vector<1x256xf32>
    %add3A_69 = vector.broadcast %get3A_68 : vector<1x256xf32> to vector<640x256xf32>
    %add3A_70 = arith.addf %add3A_65, %add3A_69 : vector<640x256xf32>
    %max3A_71 = arith.constant 0.000000e+00 : f32
    %max3A_72 = vector.broadcast %max3A_71 : f32 to vector<640x256xf32>
    %max3A_73 = arith.maximumf %add3A_70, %max3A_72 : vector<640x256xf32>
    %get3A_74 = arith.constant 0 : index
    %get3A_75 = arith.constant 0 : index
    %get3A_76 = vector.load %arg12[%get3A_74, %get3A_75] : memref<256x256xf32, #tpu.memory_space<vmem>>, vector<256x256xf32>
    %dot_general3A_77 = arith.constant dense<0.000000e+00> : vector<640x256xf32>
    %dot_general3A_78 = tpu.matmul %max3A_73, %get3A_76, %dot_general3A_77 {dimension_numbers = #tpu.dot_dimension_numbers<[1], [0], [0], [1], [0, 0, 1, 1], [], []>, transpose_lhs_hint = false} : vector<640x256xf32>, vector<256x256xf32>, vector<640x256xf32> -> vector<640x256xf32>
    %get3A_79 = arith.constant 0 : index
    %get3A_80 = arith.constant 0 : index
    %get3A_81 = vector.load %arg13[%get3A_79, %get3A_80] : memref<1x256xf32, #tpu.memory_space<vmem>>, vector<1x256xf32>
    %add3A_82 = vector.broadcast %get3A_81 : vector<1x256xf32> to vector<640x256xf32>
    %add3A_83 = arith.addf %dot_general3A_78, %add3A_82 : vector<640x256xf32>
    %max3A_84 = arith.constant 0.000000e+00 : f32
    %max3A_85 = vector.broadcast %max3A_84 : f32 to vector<640x256xf32>
    %max3A_86 = arith.maximumf %add3A_83, %max3A_85 : vector<640x256xf32>
    %get3A_87 = arith.constant 0 : index
    %get3A_88 = arith.constant 0 : index
    %get3A_89 = vector.load %arg14[%get3A_87, %get3A_88] : memref<256x128xf32, #tpu.memory_space<vmem>>, vector<256x128xf32>
    %dot_general3A_90 = arith.constant dense<0.000000e+00> : vector<640x128xf32>
    %dot_general3A_91 = tpu.matmul %max3A_86, %get3A_89, %dot_general3A_90 {dimension_numbers = #tpu.dot_dimension_numbers<[1], [0], [0], [1], [0, 0, 1, 1], [], []>, transpose_lhs_hint = false} : vector<640x256xf32>, vector<256x128xf32>, vector<640x128xf32> -> vector<640x128xf32>
    %get3A_92 = arith.constant 0 : index
    %get3A_93 = arith.constant 0 : index
    %get3A_94 = vector.load %arg15[%get3A_92, %get3A_93] : memref<1x128xf32, #tpu.memory_space<vmem>>, vector<1x128xf32>
    %add3A_95 = vector.broadcast %get3A_94 : vector<1x128xf32> to vector<640x128xf32>
    %add3A_96 = arith.addf %dot_general3A_91, %add3A_95 : vector<640x128xf32>
    %max3A_97 = arith.constant 0.000000e+00 : f32
    %max3A_98 = vector.broadcast %max3A_97 : f32 to vector<640x128xf32>
    %max3A_99 = arith.maximumf %add3A_96, %max3A_98 : vector<640x128xf32>
    %swap3A = arith.constant 0 : index
    %swap3A_100 = arith.constant 0 : index
    %swap3A_101 = vector.load %arg17[%swap3A, %swap3A_100] : memref<640x128xf32, #tpu.memory_space<vmem>>, vector<640x128xf32>
    tpu.vector_store %arg17[%swap3A, %swap3A_100], %max3A_99 {strides = array<i32>} : memref<640x128xf32, #tpu.memory_space<vmem>>, vector<640x128xf32>,
    return
  }
  func.func @transform_0(%arg0: i32) -> (i32, i32) {
    %c0_i32 = arith.constant 0 : i32
    %c0_i32_0 = arith.constant 0 : i32
    return %arg0, %c0_i32 : i32, i32
  }
  func.func @transform_1(%arg0: i32) -> (i32, i32) {
    %c0_i32 = arith.constant 0 : i32
    %c0_i32_0 = arith.constant 0 : i32
    return %arg0, %c0_i32 : i32, i32
  }
  func.func @transform_2(%arg0: i32) -> (i32, i32) {
    %c0_i32 = arith.constant 0 : i32
    %c0_i32_0 = arith.constant 0 : i32
    return %arg0, %c0_i32 : i32, i32
  }
  func.func @transform_3(%arg0: i32) -> (i32, i32) {
    %c0_i32 = arith.constant 0 : i32
    %c0_i32_0 = arith.constant 0 : i32
    %c0_i32_1 = arith.constant 0 : i32
    return %c0_i32, %c0_i32_0 : i32, i32
  }
  func.func @transform_4(%arg0: i32) -> (i32, i32) {
    %c0_i32 = arith.constant 0 : i32
    %c0_i32_0 = arith.constant 0 : i32
    %c0_i32_1 = arith.constant 0 : i32
    return %c0_i32, %c0_i32_0 : i32, i32
  }
  func.func @transform_5(%arg0: i32) -> (i32, i32) {
    %c0_i32 = arith.constant 0 : i32
    %c0_i32_0 = arith.constant 0 : i32
    %c0_i32_1 = arith.constant 0 : i32
    return %c0_i32, %c0_i32_0 : i32, i32
  }
  func.func @transform_6(%arg0: i32) -> (i32, i32) {
    %c0_i32 = arith.constant 0 : i32
    %c0_i32_0 = arith.constant 0 : i32
    %c0_i32_1 = arith.constant 0 : i32
    return %c0_i32, %c0_i32_0 : i32, i32
  }
  func.func @transform_7(%arg0: i32) -> (i32, i32) {
    %c0_i32 = arith.constant 0 : i32
    %c0_i32_0 = arith.constant 0 : i32
    %c0_i32_1 = arith.constant 0 : i32
    return %c0_i32, %c0_i32_0 : i32, i32
  }
  func.func @transform_8(%arg0: i32) -> (i32, i32) {
    %c0_i32 = arith.constant 0 : i32
    %c0_i32_0 = arith.constant 0 : i32
    %c0_i32_1 = arith.constant 0 : i32
    return %c0_i32, %c0_i32_0 : i32, i32
  }
  func.func @transform_9(%arg0: i32) -> (i32, i32) {
    %c0_i32 = arith.constant 0 : i32
    %c0_i32_0 = arith.constant 0 : i32
    %c0_i32_1 = arith.constant 0 : i32
    return %c0_i32, %c0_i32_0 : i32, i32
  }
  func.func @transform_10(%arg0: i32) -> (i32, i32) {
    %c0_i32 = arith.constant 0 : i32
    %c0_i32_0 = arith.constant 0 : i32
    %c0_i32_1 = arith.constant 0 : i32
    return %c0_i32, %c0_i32_0 : i32, i32
  }
  func.func @transform_11(%arg0: i32) -> (i32, i32) {
    %c0_i32 = arith.constant 0 : i32
    %c0_i32_0 = arith.constant 0 : i32
    %c0_i32_1 = arith.constant 0 : i32
    return %c0_i32, %c0_i32_0 : i32, i32
  }
  func.func @transform_12(%arg0: i32) -> (i32, i32) {
    %c0_i32 = arith.constant 0 : i32
    %c0_i32_0 = arith.constant 0 : i32
    %c0_i32_1 = arith.constant 0 : i32
    return %c0_i32, %c0_i32_0 : i32, i32
  }
  func.func @transform_13(%arg0: i32) -> (i32, i32) {
    %c0_i32 = arith.constant 0 : i32
    %c0_i32_0 = arith.constant 0 : i32
    %c0_i32_1 = arith.constant 0 : i32
    return %c0_i32, %c0_i32_0 : i32, i32
  }
  func.func @transform_14(%arg0: i32) -> (i32, i32) {
    %c0_i32 = arith.constant 0 : i32
    %c0_i32_0 = arith.constant 0 : i32
    %c0_i32_1 = arith.constant 0 : i32
    return %c0_i32, %c0_i32_0 : i32, i32
  }
  func.func @transform_15(%arg0: i32) -> (i32, i32) {
    %c0_i32 = arith.constant 0 : i32
    %c0_i32_0 = arith.constant 0 : i32
    %c0_i32_1 = arith.constant 0 : i32
    return %c0_i32, %c0_i32_0 : i32, i32
  }
  func.func @transform_16(%arg0: i32) -> (i32, i32) {
    %c0_i32 = arith.constant 0 : i32
    %c0_i32_0 = arith.constant 0 : i32
    return %arg0, %c0_i32 : i32, i32
  }
}

module attributes {stable_mosaic.version = 14 : i64} {
  func.func @_branch_body(%arg0: i32, %arg1: memref<768x128xf32, #tpu.memory_space<vmem>>, %arg2: memref<768x128xf32, #tpu.memory_space<vmem>>, %arg3: memref<768x128xf32, #tpu.memory_space<vmem>>, %arg4: memref<128x256xf32, #tpu.memory_space<vmem>>, %arg5: memref<128x256xf32, #tpu.memory_space<vmem>>, %arg6: memref<1x256xf32, #tpu.memory_space<vmem>>, %arg7: memref<256x128xf32, #tpu.memory_space<vmem>>, %arg8: memref<1x128xf32, #tpu.memory_space<vmem>>, %arg9: memref<128x256xf32, #tpu.memory_space<vmem>>, %arg10: memref<128x256xf32, #tpu.memory_space<vmem>>, %arg11: memref<1x256xf32, #tpu.memory_space<vmem>>, %arg12: memref<256x256xf32, #tpu.memory_space<vmem>>, %arg13: memref<1x256xf32, #tpu.memory_space<vmem>>, %arg14: memref<256x128xf32, #tpu.memory_space<vmem>>, %arg15: memref<1x128xf32, #tpu.memory_space<vmem>>, %arg16: memref<128x768xf32, #tpu.memory_space<vmem>>, %arg17: memref<768x128xf32, #tpu.memory_space<vmem>>) attributes {dimension_semantics = [#tpu.dimension_semantics<arbitrary>], iteration_bounds = array<i64: 157>, scalar_prefetch = 0 : i64, scratch_operands = 0 : i64, tpu.core_type = #tpu.core_type<tc>, window_params = [{transform_indices = @transform_0, window_bounds = array<i64: 768, 128>}, {transform_indices = @transform_1, window_bounds = array<i64: 768, 128>}, {transform_indices = @transform_2, window_bounds = array<i64: 768, 128>}, {pipeline_mode = #tpu.pipeline_mode<synchronous>, transform_indices = @transform_3, window_bounds = array<i64: 128, 256>}, {pipeline_mode = #tpu.pipeline_mode<synchronous>, transform_indices = @transform_4, window_bounds = array<i64: 128, 256>}, {pipeline_mode = #tpu.pipeline_mode<synchronous>, transform_indices = @transform_5, window_bounds = array<i64: 1, 256>}, {pipeline_mode = #tpu.pipeline_mode<synchronous>, transform_indices = @transform_6, window_bounds = array<i64: 256, 128>}, {pipeline_mode = #tpu.pipeline_mode<synchronous>, transform_indices = @transform_7, window_bounds = array<i64: 1, 128>}, {pipeline_mode = #tpu.pipeline_mode<synchronous>, transform_indices = @transform_8, window_bounds = array<i64: 128, 256>}, {pipeline_mode = #tpu.pipeline_mode<synchronous>, transform_indices = @transform_9, window_bounds = array<i64: 128, 256>}, {pipeline_mode = #tpu.pipeline_mode<synchronous>, transform_indices = @transform_10, window_bounds = array<i64: 1, 256>}, {pipeline_mode = #tpu.pipeline_mode<synchronous>, transform_indices = @transform_11, window_bounds = array<i64: 256, 256>}, {pipeline_mode = #tpu.pipeline_mode<synchronous>, transform_indices = @transform_12, window_bounds = array<i64: 1, 256>}, {pipeline_mode = #tpu.pipeline_mode<synchronous>, transform_indices = @transform_13, window_bounds = array<i64: 256, 128>}, {pipeline_mode = #tpu.pipeline_mode<synchronous>, transform_indices = @transform_14, window_bounds = array<i64: 1, 128>}, {pipeline_mode = #tpu.pipeline_mode<synchronous>, transform_indices = @transform_15, window_bounds = array<i64: 128, 768>}, {transform_indices = @transform_16, window_bounds = array<i64: 768, 128>}]} {
    %get3A = arith.constant 0 : index
    %get3A_0 = arith.constant 0 : index
    %get3A_1 = vector.load %arg2[%get3A, %get3A_0] : memref<768x128xf32, #tpu.memory_space<vmem>>, vector<768x128xf32>
    %get3A_2 = arith.constant 0 : index
    %get3A_3 = arith.constant 0 : index
    %get3A_4 = vector.load %arg3[%get3A_2, %get3A_3] : memref<768x128xf32, #tpu.memory_space<vmem>>, vector<768x128xf32>
    %add3A = arith.addf %get3A_1, %get3A_4 : vector<768x128xf32>
    %get3A_5 = arith.constant 0 : index
    %get3A_6 = arith.constant 0 : index
    %get3A_7 = vector.load %arg1[%get3A_5, %get3A_6] : memref<768x128xf32, #tpu.memory_space<vmem>>, vector<768x128xf32>
    %get3A_8 = arith.constant 0 : index
    %get3A_9 = arith.constant 0 : index
    %get3A_10 = vector.load %arg4[%get3A_8, %get3A_9] : memref<128x256xf32, #tpu.memory_space<vmem>>, vector<128x256xf32>
    %dot_general3A = arith.constant dense<0.000000e+00> : vector<768x256xf32>
    %dot_general3A_11 = tpu.matmul %get3A_7, %get3A_10, %dot_general3A {dimension_numbers = #tpu.dot_dimension_numbers<[1], [0], [0], [1], [0, 0, 1, 1], [], []>, transpose_lhs_hint = false} : vector<768x128xf32>, vector<128x256xf32>, vector<768x256xf32> -> vector<768x256xf32>
    %get3A_12 = arith.constant 0 : index
    %get3A_13 = arith.constant 0 : index
    %get3A_14 = vector.load %arg5[%get3A_12, %get3A_13] : memref<128x256xf32, #tpu.memory_space<vmem>>, vector<128x256xf32>
    %dot_general3A_15 = arith.constant dense<0.000000e+00> : vector<768x256xf32>
    %dot_general3A_16 = tpu.matmul %add3A, %get3A_14, %dot_general3A_15 {dimension_numbers = #tpu.dot_dimension_numbers<[1], [0], [0], [1], [0, 0, 1, 1], [], []>, transpose_lhs_hint = false} : vector<768x128xf32>, vector<128x256xf32>, vector<768x256xf32> -> vector<768x256xf32>
    %add3A_17 = arith.addf %dot_general3A_11, %dot_general3A_16 : vector<768x256xf32>
    %get3A_18 = arith.constant 0 : index
    %get3A_19 = arith.constant 0 : index
    %get3A_20 = vector.load %arg6[%get3A_18, %get3A_19] : memref<1x256xf32, #tpu.memory_space<vmem>>, vector<1x256xf32>
    %add3A_21 = vector.broadcast %get3A_20 : vector<1x256xf32> to vector<768x256xf32>
    %add3A_22 = arith.addf %add3A_17, %add3A_21 : vector<768x256xf32>
    %max3A = arith.constant 0.000000e+00 : f32
    %max3A_23 = vector.broadcast %max3A : f32 to vector<768x256xf32>
    %max3A_24 = arith.maximumf %add3A_22, %max3A_23 : vector<768x256xf32>
    %get3A_25 = arith.constant 0 : index
    %get3A_26 = arith.constant 0 : index
    %get3A_27 = vector.load %arg7[%get3A_25, %get3A_26] : memref<256x128xf32, #tpu.memory_space<vmem>>, vector<256x128xf32>
    %dot_general3A_28 = arith.constant dense<0.000000e+00> : vector<768x128xf32>
    %dot_general3A_29 = tpu.matmul %max3A_24, %get3A_27, %dot_general3A_28 {dimension_numbers = #tpu.dot_dimension_numbers<[1], [0], [0], [1], [0, 0, 1, 1], [], []>, transpose_lhs_hint = false} : vector<768x256xf32>, vector<256x128xf32>, vector<768x128xf32> -> vector<768x128xf32>
    %get3A_30 = arith.constant 0 : index
    %get3A_31 = arith.constant 0 : index
    %get3A_32 = vector.load %arg8[%get3A_30, %get3A_31] : memref<1x128xf32, #tpu.memory_space<vmem>>, vector<1x128xf32>
    %add3A_33 = vector.broadcast %get3A_32 : vector<1x128xf32> to vector<768x128xf32>
    %add3A_34 = arith.addf %dot_general3A_29, %add3A_33 : vector<768x128xf32>
    %max3A_35 = arith.constant 0.000000e+00 : f32
    %max3A_36 = vector.broadcast %max3A_35 : f32 to vector<768x128xf32>
    %max3A_37 = arith.maximumf %add3A_34, %max3A_36 : vector<768x128xf32>
    %mul3A = arith.constant 768 : i32
    %mul3A_38 = arith.muli %arg0, %mul3A : i32
    %iota3A = tpu.iota {dimensions = array<i32: 0>} : vector<768x1xi32>
    %add3A_39 = vector.broadcast %mul3A_38 : i32 to vector<768x1xi32>
    %add3A_40 = arith.addi %add3A_39, %iota3A : vector<768x1xi32>
    %lt3A = arith.constant 120000 : i32
    %lt3A_41 = vector.broadcast %lt3A : i32 to vector<768x1xi32>
    %lt3A_42 = arith.cmpi slt, %add3A_40, %lt3A_41 : vector<768x1xi32>
    %jit3A = arith.constant 0.000000e+00 : f32
    %broadcast_in_dim3A = vector.shape_cast %lt3A_42 : vector<768x1xi1> to vector<768x1xi1>
    %broadcast_in_dim3A_43 = vector.broadcast %broadcast_in_dim3A : vector<768x1xi1> to vector<768x128xi1>
    %broadcast_in_dim3A_44 = vector.broadcast %jit3A : f32 to vector<768x128xf32>
    %select_n3A = arith.select %broadcast_in_dim3A_43, %max3A_37, %broadcast_in_dim3A_44 : vector<768x128xi1>, vector<768x128xf32>
    %get3A_45 = arith.constant 0 : index
    %get3A_46 = arith.constant 0 : index
    %get3A_47 = vector.load %arg16[%get3A_45, %get3A_46] : memref<128x768xf32, #tpu.memory_space<vmem>>, vector<128x768xf32>
    %dot_general3A_48 = arith.constant dense<0.000000e+00> : vector<128x128xf32>
    %dot_general3A_49 = tpu.matmul %get3A_47, %select_n3A, %dot_general3A_48 {dimension_numbers = #tpu.dot_dimension_numbers<[1], [0], [0], [1], [0, 0, 1, 1], [], []>, transpose_lhs_hint = false} : vector<128x768xf32>, vector<768x128xf32>, vector<128x128xf32> -> vector<128x128xf32>
    %get3A_50 = arith.constant 0 : index
    %get3A_51 = arith.constant 0 : index
    %get3A_52 = vector.load %arg10[%get3A_50, %get3A_51] : memref<128x256xf32, #tpu.memory_space<vmem>>, vector<128x256xf32>
    %dot_general3A_53 = arith.constant dense<0.000000e+00> : vector<128x256xf32>
    %dot_general3A_54 = tpu.matmul %dot_general3A_49, %get3A_52, %dot_general3A_53 {dimension_numbers = #tpu.dot_dimension_numbers<[1], [0], [0], [1], [0, 0, 1, 1], [], []>, transpose_lhs_hint = false} : vector<128x128xf32>, vector<128x256xf32>, vector<128x256xf32> -> vector<128x256xf32>
    %get3A_55 = arith.constant 0 : index
    %get3A_56 = arith.constant 0 : index
    %get3A_57 = vector.load %arg16[%get3A_55, %get3A_56] : memref<128x768xf32, #tpu.memory_space<vmem>>, vector<128x768xf32>
    %dot_general3A_58 = arith.constant dense<0.000000e+00> : vector<768x256xf32>
    %dot_general3A_59 = tpu.matmul %get3A_57, %dot_general3A_54, %dot_general3A_58 {dimension_numbers = #tpu.dot_dimension_numbers<[0], [0], [1], [1], [0, 1, 1, 1], [], []>, transpose_lhs_hint = false} : vector<128x768xf32>, vector<128x256xf32>, vector<768x256xf32> -> vector<768x256xf32>
    %get3A_60 = arith.constant 0 : index
    %get3A_61 = arith.constant 0 : index
    %get3A_62 = vector.load %arg9[%get3A_60, %get3A_61] : memref<128x256xf32, #tpu.memory_space<vmem>>, vector<128x256xf32>
    %dot_general3A_63 = arith.constant dense<0.000000e+00> : vector<768x256xf32>
    %dot_general3A_64 = tpu.matmul %select_n3A, %get3A_62, %dot_general3A_63 {dimension_numbers = #tpu.dot_dimension_numbers<[1], [0], [0], [1], [0, 0, 1, 1], [], []>, transpose_lhs_hint = false} : vector<768x128xf32>, vector<128x256xf32>, vector<768x256xf32> -> vector<768x256xf32>
    %add3A_65 = arith.addf %dot_general3A_64, %dot_general3A_59 : vector<768x256xf32>
    %get3A_66 = arith.constant 0 : index
    %get3A_67 = arith.constant 0 : index
    %get3A_68 = vector.load %arg11[%get3A_66, %get3A_67] : memref<1x256xf32, #tpu.memory_space<vmem>>, vector<1x256xf32>
    %add3A_69 = vector.broadcast %get3A_68 : vector<1x256xf32> to vector<768x256xf32>
    %add3A_70 = arith.addf %add3A_65, %add3A_69 : vector<768x256xf32>
    %max3A_71 = arith.constant 0.000000e+00 : f32
    %max3A_72 = vector.broadcast %max3A_71 : f32 to vector<768x256xf32>
    %max3A_73 = arith.maximumf %add3A_70, %max3A_72 : vector<768x256xf32>
    %get3A_74 = arith.constant 0 : index
    %get3A_75 = arith.constant 0 : index
    %get3A_76 = vector.load %arg12[%get3A_74, %get3A_75] : memref<256x256xf32, #tpu.memory_space<vmem>>, vector<256x256xf32>
    %dot_general3A_77 = arith.constant dense<0.000000e+00> : vector<768x256xf32>
    %dot_general3A_78 = tpu.matmul %max3A_73, %get3A_76, %dot_general3A_77 {dimension_numbers = #tpu.dot_dimension_numbers<[1], [0], [0], [1], [0, 0, 1, 1], [], []>, transpose_lhs_hint = false} : vector<768x256xf32>, vector<256x256xf32>, vector<768x256xf32> -> vector<768x256xf32>
    %get3A_79 = arith.constant 0 : index
    %get3A_80 = arith.constant 0 : index
    %get3A_81 = vector.load %arg13[%get3A_79, %get3A_80] : memref<1x256xf32, #tpu.memory_space<vmem>>, vector<1x256xf32>
    %add3A_82 = vector.broadcast %get3A_81 : vector<1x256xf32> to vector<768x256xf32>
    %add3A_83 = arith.addf %dot_general3A_78, %add3A_82 : vector<768x256xf32>
    %max3A_84 = arith.constant 0.000000e+00 : f32
    %max3A_85 = vector.broadcast %max3A_84 : f32 to vector<768x256xf32>
    %max3A_86 = arith.maximumf %add3A_83, %max3A_85 : vector<768x256xf32>
    %get3A_87 = arith.constant 0 : index
    %get3A_88 = arith.constant 0 : index
    %get3A_89 = vector.load %arg14[%get3A_87, %get3A_88] : memref<256x128xf32, #tpu.memory_space<vmem>>, vector<256x128xf32>
    %dot_general3A_90 = arith.constant dense<0.000000e+00> : vector<768x128xf32>
    %dot_general3A_91 = tpu.matmul %max3A_86, %get3A_89, %dot_general3A_90 {dimension_numbers = #tpu.dot_dimension_numbers<[1], [0], [0], [1], [0, 0, 1, 1], [], []>, transpose_lhs_hint = false} : vector<768x256xf32>, vector<256x128xf32>, vector<768x128xf32> -> vector<768x128xf32>
    %get3A_92 = arith.constant 0 : index
    %get3A_93 = arith.constant 0 : index
    %get3A_94 = vector.load %arg15[%get3A_92, %get3A_93] : memref<1x128xf32, #tpu.memory_space<vmem>>, vector<1x128xf32>
    %add3A_95 = vector.broadcast %get3A_94 : vector<1x128xf32> to vector<768x128xf32>
    %add3A_96 = arith.addf %dot_general3A_91, %add3A_95 : vector<768x128xf32>
    %max3A_97 = arith.constant 0.000000e+00 : f32
    %max3A_98 = vector.broadcast %max3A_97 : f32 to vector<768x128xf32>
    %max3A_99 = arith.maximumf %add3A_96, %max3A_98 : vector<768x128xf32>
    %swap3A = arith.constant 0 : index
    %swap3A_100 = arith.constant 0 : index
    %swap3A_101 = vector.load %arg17[%swap3A, %swap3A_100] : memref<768x128xf32, #tpu.memory_space<vmem>>, vector<768x128xf32>
    tpu.vector_store %arg17[%swap3A, %swap3A_100], %max3A_99 {strides = array<i32>} : memref<768x128xf32, #tpu.memory_space<vmem>>, vector<768x128xf32>,
    return
  }
  func.func @transform_0(%arg0: i32) -> (i32, i32) {
    %c0_i32 = arith.constant 0 : i32
    %c0_i32_0 = arith.constant 0 : i32
    return %arg0, %c0_i32 : i32, i32
  }
  func.func @transform_1(%arg0: i32) -> (i32, i32) {
    %c0_i32 = arith.constant 0 : i32
    %c0_i32_0 = arith.constant 0 : i32
    return %arg0, %c0_i32 : i32, i32
  }
  func.func @transform_2(%arg0: i32) -> (i32, i32) {
    %c0_i32 = arith.constant 0 : i32
    %c0_i32_0 = arith.constant 0 : i32
    return %arg0, %c0_i32 : i32, i32
  }
  func.func @transform_3(%arg0: i32) -> (i32, i32) {
    %c0_i32 = arith.constant 0 : i32
    %c0_i32_0 = arith.constant 0 : i32
    %c0_i32_1 = arith.constant 0 : i32
    return %c0_i32, %c0_i32_0 : i32, i32
  }
  func.func @transform_4(%arg0: i32) -> (i32, i32) {
    %c0_i32 = arith.constant 0 : i32
    %c0_i32_0 = arith.constant 0 : i32
    %c0_i32_1 = arith.constant 0 : i32
    return %c0_i32, %c0_i32_0 : i32, i32
  }
  func.func @transform_5(%arg0: i32) -> (i32, i32) {
    %c0_i32 = arith.constant 0 : i32
    %c0_i32_0 = arith.constant 0 : i32
    %c0_i32_1 = arith.constant 0 : i32
    return %c0_i32, %c0_i32_0 : i32, i32
  }
  func.func @transform_6(%arg0: i32) -> (i32, i32) {
    %c0_i32 = arith.constant 0 : i32
    %c0_i32_0 = arith.constant 0 : i32
    %c0_i32_1 = arith.constant 0 : i32
    return %c0_i32, %c0_i32_0 : i32, i32
  }
  func.func @transform_7(%arg0: i32) -> (i32, i32) {
    %c0_i32 = arith.constant 0 : i32
    %c0_i32_0 = arith.constant 0 : i32
    %c0_i32_1 = arith.constant 0 : i32
    return %c0_i32, %c0_i32_0 : i32, i32
  }
  func.func @transform_8(%arg0: i32) -> (i32, i32) {
    %c0_i32 = arith.constant 0 : i32
    %c0_i32_0 = arith.constant 0 : i32
    %c0_i32_1 = arith.constant 0 : i32
    return %c0_i32, %c0_i32_0 : i32, i32
  }
  func.func @transform_9(%arg0: i32) -> (i32, i32) {
    %c0_i32 = arith.constant 0 : i32
    %c0_i32_0 = arith.constant 0 : i32
    %c0_i32_1 = arith.constant 0 : i32
    return %c0_i32, %c0_i32_0 : i32, i32
  }
  func.func @transform_10(%arg0: i32) -> (i32, i32) {
    %c0_i32 = arith.constant 0 : i32
    %c0_i32_0 = arith.constant 0 : i32
    %c0_i32_1 = arith.constant 0 : i32
    return %c0_i32, %c0_i32_0 : i32, i32
  }
  func.func @transform_11(%arg0: i32) -> (i32, i32) {
    %c0_i32 = arith.constant 0 : i32
    %c0_i32_0 = arith.constant 0 : i32
    %c0_i32_1 = arith.constant 0 : i32
    return %c0_i32, %c0_i32_0 : i32, i32
  }
  func.func @transform_12(%arg0: i32) -> (i32, i32) {
    %c0_i32 = arith.constant 0 : i32
    %c0_i32_0 = arith.constant 0 : i32
    %c0_i32_1 = arith.constant 0 : i32
    return %c0_i32, %c0_i32_0 : i32, i32
  }
  func.func @transform_13(%arg0: i32) -> (i32, i32) {
    %c0_i32 = arith.constant 0 : i32
    %c0_i32_0 = arith.constant 0 : i32
    %c0_i32_1 = arith.constant 0 : i32
    return %c0_i32, %c0_i32_0 : i32, i32
  }
  func.func @transform_14(%arg0: i32) -> (i32, i32) {
    %c0_i32 = arith.constant 0 : i32
    %c0_i32_0 = arith.constant 0 : i32
    %c0_i32_1 = arith.constant 0 : i32
    return %c0_i32, %c0_i32_0 : i32, i32
  }
  func.func @transform_15(%arg0: i32) -> (i32, i32) {
    %c0_i32 = arith.constant 0 : i32
    %c0_i32_0 = arith.constant 0 : i32
    %c0_i32_1 = arith.constant 0 : i32
    return %c0_i32, %c0_i32_0 : i32, i32
  }
  func.func @transform_16(%arg0: i32) -> (i32, i32) {
    %c0_i32 = arith.constant 0 : i32
    %c0_i32_0 = arith.constant 0 : i32
    return %arg0, %c0_i32 : i32, i32
  }
}

module attributes {stable_mosaic.version = 14 : i64} {
  func.func @_edge_body(%arg0: i32, %arg1: memref<1024x128xf32, #tpu.memory_space<vmem>>, %arg2: memref<1024x128xf32, #tpu.memory_space<vmem>>, %arg3: memref<128x256xf32, #tpu.memory_space<vmem>>, %arg4: memref<128x256xf32, #tpu.memory_space<vmem>>, %arg5: memref<1x256xf32, #tpu.memory_space<vmem>>, %arg6: memref<256x128xf32, #tpu.memory_space<vmem>>, %arg7: memref<1x128xf32, #tpu.memory_space<vmem>>, %arg8: memref<1024x128xf32, #tpu.memory_space<vmem>>) attributes {dimension_semantics = [#tpu.dimension_semantics<arbitrary>], iteration_bounds = array<i64: 313>, scalar_prefetch = 0 : i64, scratch_operands = 0 : i64, tpu.core_type = #tpu.core_type<tc>, window_params = [{transform_indices = @transform_0, window_bounds = array<i64: 1024, 128>}, {transform_indices = @transform_1, window_bounds = array<i64: 1024, 128>}, {pipeline_mode = #tpu.pipeline_mode<synchronous>, transform_indices = @transform_2, window_bounds = array<i64: 128, 256>}, {pipeline_mode = #tpu.pipeline_mode<synchronous>, transform_indices = @transform_3, window_bounds = array<i64: 128, 256>}, {pipeline_mode = #tpu.pipeline_mode<synchronous>, transform_indices = @transform_4, window_bounds = array<i64: 1, 256>}, {pipeline_mode = #tpu.pipeline_mode<synchronous>, transform_indices = @transform_5, window_bounds = array<i64: 256, 128>}, {pipeline_mode = #tpu.pipeline_mode<synchronous>, transform_indices = @transform_6, window_bounds = array<i64: 1, 128>}, {transform_indices = @transform_7, window_bounds = array<i64: 1024, 128>}]} {
    %get3A = arith.constant 0 : index
    %get3A_0 = arith.constant 0 : index
    %get3A_1 = vector.load %arg1[%get3A, %get3A_0] : memref<1024x128xf32, #tpu.memory_space<vmem>>, vector<1024x128xf32>
    %get3A_2 = arith.constant 0 : index
    %get3A_3 = arith.constant 0 : index
    %get3A_4 = vector.load %arg3[%get3A_2, %get3A_3] : memref<128x256xf32, #tpu.memory_space<vmem>>, vector<128x256xf32>
    %dot_general3A = arith.constant dense<0.000000e+00> : vector<1024x256xf32>
    %dot_general3A_5 = tpu.matmul %get3A_1, %get3A_4, %dot_general3A {dimension_numbers = #tpu.dot_dimension_numbers<[1], [0], [0], [1], [0, 0, 1, 1], [], []>, transpose_lhs_hint = false} : vector<1024x128xf32>, vector<128x256xf32>, vector<1024x256xf32> -> vector<1024x256xf32>
    %get3A_6 = arith.constant 0 : index
    %get3A_7 = arith.constant 0 : index
    %get3A_8 = vector.load %arg2[%get3A_6, %get3A_7] : memref<1024x128xf32, #tpu.memory_space<vmem>>, vector<1024x128xf32>
    %get3A_9 = arith.constant 0 : index
    %get3A_10 = arith.constant 0 : index
    %get3A_11 = vector.load %arg4[%get3A_9, %get3A_10] : memref<128x256xf32, #tpu.memory_space<vmem>>, vector<128x256xf32>
    %dot_general3A_12 = arith.constant dense<0.000000e+00> : vector<1024x256xf32>
    %dot_general3A_13 = tpu.matmul %get3A_8, %get3A_11, %dot_general3A_12 {dimension_numbers = #tpu.dot_dimension_numbers<[1], [0], [0], [1], [0, 0, 1, 1], [], []>, transpose_lhs_hint = false} : vector<1024x128xf32>, vector<128x256xf32>, vector<1024x256xf32> -> vector<1024x256xf32>
    %add3A = arith.addf %dot_general3A_5, %dot_general3A_13 : vector<1024x256xf32>
    %get3A_14 = arith.constant 0 : index
    %get3A_15 = arith.constant 0 : index
    %get3A_16 = vector.load %arg5[%get3A_14, %get3A_15] : memref<1x256xf32, #tpu.memory_space<vmem>>, vector<1x256xf32>
    %add3A_17 = vector.broadcast %get3A_16 : vector<1x256xf32> to vector<1024x256xf32>
    %add3A_18 = arith.addf %add3A, %add3A_17 : vector<1024x256xf32>
    %max3A = arith.constant 0.000000e+00 : f32
    %max3A_19 = vector.broadcast %max3A : f32 to vector<1024x256xf32>
    %max3A_20 = arith.maximumf %add3A_18, %max3A_19 : vector<1024x256xf32>
    %get3A_21 = arith.constant 0 : index
    %get3A_22 = arith.constant 0 : index
    %get3A_23 = vector.load %arg6[%get3A_21, %get3A_22] : memref<256x128xf32, #tpu.memory_space<vmem>>, vector<256x128xf32>
    %dot_general3A_24 = arith.constant dense<0.000000e+00> : vector<1024x128xf32>
    %dot_general3A_25 = tpu.matmul %max3A_20, %get3A_23, %dot_general3A_24 {dimension_numbers = #tpu.dot_dimension_numbers<[1], [0], [0], [1], [0, 0, 1, 1], [], []>, transpose_lhs_hint = false} : vector<1024x256xf32>, vector<256x128xf32>, vector<1024x128xf32> -> vector<1024x128xf32>
    %get3A_26 = arith.constant 0 : index
    %get3A_27 = arith.constant 0 : index
    %get3A_28 = vector.load %arg7[%get3A_26, %get3A_27] : memref<1x128xf32, #tpu.memory_space<vmem>>, vector<1x128xf32>
    %add3A_29 = vector.broadcast %get3A_28 : vector<1x128xf32> to vector<1024x128xf32>
    %add3A_30 = arith.addf %dot_general3A_25, %add3A_29 : vector<1024x128xf32>
    %max3A_31 = arith.constant 0.000000e+00 : f32
    %max3A_32 = vector.broadcast %max3A_31 : f32 to vector<1024x128xf32>
    %max3A_33 = arith.maximumf %add3A_30, %max3A_32 : vector<1024x128xf32>
    %swap3A = arith.constant 0 : index
    %swap3A_34 = arith.constant 0 : index
    %swap3A_35 = vector.load %arg8[%swap3A, %swap3A_34] : memref<1024x128xf32, #tpu.memory_space<vmem>>, vector<1024x128xf32>
    tpu.vector_store %arg8[%swap3A, %swap3A_34], %max3A_33 {strides = array<i32>} : memref<1024x128xf32, #tpu.memory_space<vmem>>, vector<1024x128xf32>,
    return
  }
  func.func @transform_0(%arg0: i32) -> (i32, i32) {
    %c0_i32 = arith.constant 0 : i32
    %c0_i32_0 = arith.constant 0 : i32
    return %arg0, %c0_i32 : i32, i32
  }
  func.func @transform_1(%arg0: i32) -> (i32, i32) {
    %c0_i32 = arith.constant 0 : i32
    %c0_i32_0 = arith.constant 0 : i32
    return %arg0, %c0_i32 : i32, i32
  }
  func.func @transform_2(%arg0: i32) -> (i32, i32) {
    %c0_i32 = arith.constant 0 : i32
    %c0_i32_0 = arith.constant 0 : i32
    %c0_i32_1 = arith.constant 0 : i32
    return %c0_i32, %c0_i32_0 : i32, i32
  }
  func.func @transform_3(%arg0: i32) -> (i32, i32) {
    %c0_i32 = arith.constant 0 : i32
    %c0_i32_0 = arith.constant 0 : i32
    %c0_i32_1 = arith.constant 0 : i32
    return %c0_i32, %c0_i32_0 : i32, i32
  }
  func.func @transform_4(%arg0: i32) -> (i32, i32) {
    %c0_i32 = arith.constant 0 : i32
    %c0_i32_0 = arith.constant 0 : i32
    %c0_i32_1 = arith.constant 0 : i32
    return %c0_i32, %c0_i32_0 : i32, i32
  }
  func.func @transform_5(%arg0: i32) -> (i32, i32) {
    %c0_i32 = arith.constant 0 : i32
    %c0_i32_0 = arith.constant 0 : i32
    %c0_i32_1 = arith.constant 0 : i32
    return %c0_i32, %c0_i32_0 : i32, i32
  }
  func.func @transform_6(%arg0: i32) -> (i32, i32) {
    %c0_i32 = arith.constant 0 : i32
    %c0_i32_0 = arith.constant 0 : i32
    %c0_i32_1 = arith.constant 0 : i32
    return %c0_i32, %c0_i32_0 : i32, i32
  }
  func.func @transform_7(%arg0: i32) -> (i32, i32) {
    %c0_i32 = arith.constant 0 : i32
    %c0_i32_0 = arith.constant 0 : i32
    return %arg0, %c0_i32 : i32, i32
  }
}

</mosaic_0001>

<sc_bundles>
// kernel: gather_offload_async_start
scs
__scs_entry_jumppad:
0x0: {  	(pc) =	sbr.rel $0x88, $3  }
0x1: {  	(tag) =	ssettag $0x0;
	lr =	simm.s32 $0x1  }
0x2: {  	[smem:$0x3F86] =	sst lr;
	_ =	strace $0xD0000000  }
0x3: {  	_ = 	snop  }
0x4: {  	_ = 	snop  }
0x5: {  	_ = 	snop  }
0x6: {  	_ = 	snop  }
0x7: {  	_ = 	snop  }
__scs_overlays_trampoline_lowered:
0x8: {  	[smem:$0x3F95] =	sst s0  }
0x9: {  	[smem:$0x3F96] =	sst s1  }
0xa: {  	[smem:$0x3F97] =	sst s2  }
0xb: {  	[smem:$0x3F98] =	sst s3  }
0xc: {  	[smem:$0x3F99] =	sst s4  }
0xd: {  	[smem:$0x3F9A] =	sst s5  }
0xe: {  	[smem:$0x3F9B] =	sst s6  }
0xf: {  	[smem:$0x3F9C] =	sst s7  }
0x10: {  	[smem:$0x3F9D] =	sst s8  }
0x11: {  	[smem:$0x3F9E] =	sst s9;
	s0 =	simm.s32 @!p0 $0x0  }
0x12: {  	s1 =	sld [smem:$0x3F84];
	s0 =	simm.s32 @p0 $0x1  }
0x13: {  	[smem:$0x3F9F] =	sst s0;
	s0 =	simm.s32 @!p1 $0x0  }
0x14: {  	s2 =	sld [smem:$0x3F83];
	s0 =	simm.s32 @p1 $0x1  }
0x15: {  	[smem:$0x3FA0] =	sst s0;
	s0 =	simm.s32 @!p2 $0x0  }
0x16: {  	s3 =	sld [smem:$0x3FDB];
	s0 =	simm.s32 @p2 $0x1  }
0x17: {  	s4 =	simm.s32 $0x1BF5;
	[smem:$0x3FA2] =	sst s0  }
0x18: {  	s0 =	sld [smem:$0x3F85];
	_ =	swait.ge [sflag:s4], $0x0  }
0x19: {  	s7 =	sld [smem:$0x3F86]  }
0x1a: {  	s8 =	sadd.s32 $0xFFFFE003, lr  }
0x1b: {  	s9 =	sadd.s32 $0xFFFFFEF7, lr;
	s5 =	simm.s32 $0xFFFFFFFF;
	p2 =	slt.u32 s8, $0xFFFFF086  }
0x1c: {  	p1 =	slt.u32 s9, $0xF7A;
	s5 =	simm.s32 @!p2 $0x0  }
0x1d: {  	s5 =	simm.s32 @p1 $0x1;
	p0 =	seq.s32 s7, s2  }
0x1e: {  	s7 =	smul.u32 @!p0 $0xF7A, s2;
	p2 =	seq.s32 @!p0 s5, $0x0  }
0x1f: {  	s9 =	smul.u32 $0xF7A, s1;
	s8 =	simm.s32 @!p0 $0x1BF5;
	p2 =	por !p2, p0  }
0x20: {  	[sflag:s8] =	ssyncset.s32 @!p0 $0xFFFFF086;
	s6 =	sadd.s32 @!p0 s3, s7;
	s7 =	simm.s32 @!p0 $0x108  }
0x21: {  	s3 =	sadd.s32 s3, s9;
	s6 =	sadd.s32 @!p0 $0x88, s6;
	s7 =	simm.s32 @p2 $0x1082  }
0x22: {  	[simem:s7], [sflag:s8] =	dma.local @!p0 [hbm:s6], $0xF7A  }
0x23: {  	s9 =	sor.u32 $0xD0000000, s2;
	s6 =	simm.s32 $0x108;
	_ =	swait.ge @!p0 [sflag:s8], $0x0  }
0x24: {  	s3 =	sadd.s32 $0x88, s3;
	s6 =	simm.s32 @!p1 $0x1082;
	[sflag:s4] =	ssyncset.s32 $0xFFFFF086  }
0x25: {  	[simem:s6], [sflag:s4] =	dma.local [hbm:s3], $0xF7A  }
0x26: {  	[smem:$0x3F86] =	sst s1;
	(tag) =	ssettag s2;
	_ =	strace s9  }
0x27: {  	s1 =	sld [smem:$0x3F96]  }
0x28: {  	s2 =	sld [smem:$0x3F97]  }
0x29: {  	s4 =	sld [smem:$0x3F99]  }
0x2a: {  	p0 =	seq.s32 s5, $0x0;
	s5 =	sld [smem:$0x3F9A]  }
0x2b: {  	s6 =	sld [smem:$0x3F9B]  }
0x2c: {  	s7 =	sld [smem:$0x3F9C]  }
0x2d: {  	s3 =	simm.s32 $0x108;
	s8 =	sld [smem:$0x3F9D]  }
0x2e: {  	s3 =	simm.s32 @!p0 $0x1082;
	s9 =	sld [smem:$0x3F9E]  }
0x2f: {  	lr =	sadd.s32 s0, s3;
	s0 =	sld [smem:$0x3F95]  }
0x30: {  	s3 =	sld [smem:$0x3F98]  }
0x31: {  	[smem:$0x3FA1] =	sst s10  }
0x32: {  	s10 =	sld [smem:$0x3F9F];
	_ =	sdelay $0x3  }
0x33: {  	p0 =	seq.s32 s10, $0x1;
	s10 =	sld [smem:$0x3FA1];
	_ =	sdelay $0x3  }
0x34: {  	[smem:$0x3FA1] =	sst s10  }
0x35: {  	s10 =	sld [smem:$0x3FA0];
	_ =	sdelay $0x3  }
0x36: {  	p1 =	seq.s32 s10, $0x1;
	s10 =	sld [smem:$0x3FA1];
	_ =	sdelay $0x3  }
0x37: {  	[smem:$0x3FA1] =	sst s10  }
0x38: {  	s10 =	sld [smem:$0x3FA2]  }
0x39: {  	_ = 	snop;
	(pc) =	sbr.ind lr, $3  }
0x3a: {  	_ = 	snop  }
0x3b: {  	_ = 	snop  }
0x3c: {  	p2 =	seq.s32 s10, $0x1;
	s10 =	sld [smem:$0x3FA1]  }
0x3d: {  	_ =	shalt  }
0x3e: {  	_ =	shalt  }
0x3f: {  	_ =	shalt  }
0x40: {  	_ =	shalt  }
0x41: {  	_ =	shalt  }
0x42: {  	_ =	shalt  }
0x43: {  	_ =	shalt  }
0x44: {  	_ =	shalt  }
0x45: {  	_ =	shalt  }
0x46: {  	_ =	shalt  }
0x47: {  	_ =	shalt  }
0x48: {  	_ =	shalt  }
0x49: {  	_ =	shalt  }
0x4a: {  	_ =	shalt  }
0x4b: {  	_ =	shalt  }
0x4c: {  	_ =	shalt  }
0x4d: {  	_ =	shalt  }
0x4e: {  	_ =	shalt  }
0x4f: {  	_ =	shalt  }
0x50: {  	_ =	shalt  }
0x51: {  	_ =	shalt  }
0x52: {  	_ =	shalt  }
0x53: {  	_ =	shalt  }
0x54: {  	_ =	shalt  }
0x55: {  	_ =	shalt  }
0x56: {  	_ =	shalt  }
0x57: {  	_ =	shalt  }
0x58: {  	_ =	shalt  }
0x59: {  	_ =	shalt  }
0x5a: {  	_ =	shalt  }
0x5b: {  	_ =	shalt  }
0x5c: {  	_ =	shalt  }
0x5d: {  	_ =	shalt  }
0x5e: {  	_ =	shalt  }
0x5f: {  	_ =	shalt  }
0x60: {  	_ =	shalt  }
0x61: {  	_ =	shalt  }
0x62: {  	_ =	shalt  }
0x63: {  	_ =	shalt  }
0x64: {  	_ =	shalt  }
0x65: {  	_ =	shalt  }
0x66: {  	_ =	shalt  }
0x67: {  	_ =	shalt  }
0x68: {  	_ =	shalt  }
0x69: {  	_ =	shalt  }
0x6a: {  	_ =	shalt  }
0x6b: {  	_ =	shalt  }
0x6c: {  	_ =	shalt  }
0x6d: {  	_ =	shalt  }
0x6e: {  	_ =	shalt  }
0x6f: {  	_ =	shalt  }
0x70: {  	_ =	shalt  }
0x71: {  	_ =	shalt  }
0x72: {  	_ =	shalt  }
0x73: {  	_ =	shalt  }
0x74: {  	_ =	shalt  }
0x75: {  	_ =	shalt  }
0x76: {  	_ =	shalt  }
0x77: {  	_ =	shalt  }
0x78: {  	_ =	shalt  }
0x79: {  	_ =	shalt  }
0x7a: {  	_ =	shalt  }
0x7b: {  	_ =	shalt  }
0x7c: {  	_ =	shalt  }
0x7d: {  	_ =	shalt  }
0x7e: {  	_ =	shalt  }
0x7f: {  	_ =	shalt  }
0x80: {  	_ =	shalt  }
0x81: {  	_ =	shalt  }
0x82: {  	_ =	shalt  }
0x83: {  	_ =	shalt  }
0x84: {  	_ =	shalt  }
0x85: {  	_ =	shalt  }
0x86: {  	_ =	shalt  }
0x87: {  	_ =	shalt  }
.Lfunc_end0:
.L_simem_size_0:
called_computation_lowered:
.L_overlay_start_0:
0x88: {  	s2 =	sld [smem:$0x3FD9]  }
0x89: {  	s3 =	sld [smem:$0x3FFE];
	_ =	sdelay $0x1  }
0x8a: {  	s1 =	srdreg.scid  }
0x8b: {  	s0 =	sand.u32 $0x1, s1  }
0x8c: {  	s14 =	sshll.u32 s0, $0xA;
	s2 =	sadd.s32 s3, s2  }
0x8d: {  	s2 =	sadd.s32 s2, s14  }
0x8e: {  	[smem:$0x3FAD] =	sst s2  }
0x8f: {  	_ = 	snop  }
0x90: {  	s2 =	sld [smem:$0x3FD0];
	_ =	sdelay $0x2  }
0x91: {  	s15 =	simm.s32 $0xC;
	s4 =	simm.s32 $0x10  }
0x92: {  	[smem:s4], [sflag:s15] =	dma.local [hbm:s2], $0x1  }
0x93: {  	_ =	swait.eq [sflag:s15], $0x1  }
0x94: {  	[sflag:s15] =	ssyncset.done $0x0  }
0x95: {  	[sflag:s15] =	ssyncadd.s32 $0xFFFFFFFF  }
0x96: {  	s16 =	sld [smem:$0x11];
	(tm) =	ssettm $0x1  }
0x97: {  	s17 =	sld [smem:$0x3FFB];
	_ =	sdelay $0x3  }
0x98: {  	_ =	strace s17  }
0x99: {  	s3 =	sld [smem:$0x3FFC];
	_ =	sdelay $0x3  }
0x9a: {  	_ =	strace s3  }
0x9b: {  	s3 =	sld [smem:$0x3FFD];
	_ =	sdelay $0x3  }
0x9c: {  	_ =	strace s3  }
0x9d: {  	_ =	strace $0x8FFFFFFF  }
0x9e: {  	s18 =	sld [smem:$0x3FDB];
	_ =	sdelay $0x1  }
0x9f: {  	s19 =	simm.s32 $_scs_section_size  }
0xa0: {  	s5 =	simm.s32 $_size__tile_overlayer_lowered;
	s6 =	simm.s32 $_tile_overlayer_lowered  }
0xa1: {  	s22 =	simm.s32 $0x1BFF;
	s21 =	sshll.u32 s6, $0x1;
	s3 =	sadd.s32 s19, s18  }
0xa2: {  	s7 =	simm.s32 $0x0;
	s20 =	sshll.u32 s5, $0x1;
	s5 =	sadd.s32 s21, s3  }
0xa3: {  	[timem:s7], [sflag:s22] =	dma.local [hbm:s5], s20  }
0xa4: {  	_ =	swait.ge [sflag:s22], s20  }
0xa5: {  	s4 =	ssub.s32 $0x0, s20;
	[sflag:s22] =	ssyncset.done $0x0  }
0xa6: {  	[sflag:s22] =	ssyncadd.s32 s4;
	_ =	sdelay $0x1  }
0xa7: {  	s23 =	simm.s32 $0x1B8B  }
0xa8: {  	_ =	swait.ge [sflag:s23], $0x1  }
0xa9: {  	[sflag:s23] =	ssyncset.done $0x0  }
0xaa: {  	s25 =	simm.s32 $0x1B8E;
	s24 =	sld [smem:$0x3FFE];
	[sflag:s23] =	ssyncadd.s32 $0xFFFFFFFF  }
0xab: {  	s26 =	simm.s32 $execute0_lowered;
	[smem:$0x3FD2] =	sst s25  }
0xac: {  	s5 =	sshll.u32 s26, $0x1;
	_ =	strace $0x80000046;
	[dreg:$0x1] =	wrdreg $0xFFFFFFFF  }
0xad: {  	s28 =	simm.s32 $_size_execute0_lowered;
	s3 =	sadd.s32 s3, s5;
	[dreg:$0x0] =	wrdreg $0x0  }
0xae: {  	s5 =	sshll.u32 s28, $0x1;
	[dreg:$0x2] =	wrdreg s3  }
0xaf: {  	[dreg:$0x3] =	wrdreg s5  }
0xb0: {  	[dreg:$0x4] =	wrdreg $0xC0  }
0xb1: {  	_ =	task [dreg:s7], $0x5FFFF  }
0xb2: {  	[dreg:$0x1] =	wrdreg $0xFFFFFFFF  }
0xb3: {  	[dreg:$0x0] =	wrdreg $0x60  }
0xb4: {  	[dreg:$0x2] =	wrdreg s16  }
0xb5: {  	[dreg:$0x3] =	wrdreg s24  }
0xb6: {  	[dreg:$0x4] =	wrdreg $0x9  }
0xb7: {  	_ =	task.clear_ibuf [dreg:s7], $0x5FFFF;
	_ =	strace $0x90000046  }
0xb8: {  	s29 =	simm.s32 $0x9;
	_ =	strace $0x80000048  }
0xb9: {  	_ =	swait.ge [sflag:s29], $0x1  }
0xba: {  	[sflag:s29] =	ssyncadd.s32 $0xFFFFFFFF  }
0xbb: {  	_ =	strace $0x90000048  }
0xbc: {  	_ =	sfence  }
0xbd: {  	s30 =	sld [smem:$0x0];
	_ =	sdelay $0x2  }
0xbe: {  	s31 =	sshll.u32 s1, $0xD;
	s1 =	sshrl.u32 s1, $0x2  }
0xbf: {  	s3 =	sand.u32 $0x4000, s31;
	s1 =	sadd.s32 s1, s30  }
0xc0: {  	s0 =	sor.u32 s3, s0;
	s1 =	sshll.u32 s1, $0x11  }
0xc1: {  	s0 =	sor.u32 s1, s0  }
0xc2: {  	s0 =	sadd.s32 $0x8F2B, s0  }
0xc3: {  	[sflag:s0] =	ssyncadd.remote.s32 $0x1  }
0xc4: {  	_ =	sfence.sel $0xFFFF  }
0xc5: {  	[dreg:$0x0] =	wrdreg $0xFFFFFFFF;
	(pc) =	sbr.abs _section_cstart, $3  }
0xc6: {  	[dreg:$0x1] =	wrdreg $0xFFFFFFFF  }
0xc7: {  	_ =	task.clear_ibuf [dreg:s7], $0x2FFFF;
	_ =	strace $0x9FFFFFFF  }
0xc8: {  	(tm) =	ssettm $0x7FFFFFFF  }
0xc9: {  	_ =	shalt  }
tec
execute0_lowered:
.L_overlay_start_1:
0x0: {  	(tag) =	ssettag $0x1  }
0x1: {  	s2 =	rddreg [dreg:$0x0];
	s0 =	stileid.u32  }
0x2: {  	s1 =	srdreg.scid;
	s8 =	rddreg [dreg:$0x1]  }
0x3: {  	s5 =	simm.s32 $0x1;
	s9 =	simm.s32 $0x1;
	s10 =	simm.s32 $0x3  }
0x4: {  	s13 =	simm.s32 $0x0;
	s3 =	sand.u32 $0x1, s1;
	s4 =	sshll.u32 s0, $0x1  }
0x5: {  	s12 =	simm.s32 $0x0;
	s1 =	rddreg [dreg:$0x2];
	s6 =	sor.u32 s4, s3  }
0x6: {  	_ =	strace $0x80000047;
	s3 =	sadd.s32 $0x8E00, s8;
	s4 =	smul.u32 $0x1130, s6  }
0x7: {  	[sflag:s5] =	ssyncpa.u1 $0x0;
	p0 =	slt.u32 s6, $0x13;
	s6 =	simm.s32 $0x22600  }
.Ltmp0:
0x8: {  	s6 =	simm.s32 @!p0 $0x0;
	s7 =	ssub.s32 $0x35B60, s4;
	(pc) =	sbr.rel .LBB2_1-.Ltmp0, $4  }
0x9: {  	s9 =	simm.s32 @!p0 $0x0;
	p0 =	sne.s32 s7, s6;
	s7 =	simm.s32 $0x1  }
0xa: {  	s8 =	sadd.s32 $0x16A00, s8;
	s6 =	simm.s32 $0x2;
	s7 =	simm.s32 @!p0 $0x0  }
0xb: {  	s11 =	smov.u32 s4;
	[sflag:s6] =	ssyncpa.u1 $0x0;
	s7 =	sadd.s32 s9, s7  }
0xc: {  	vm0 =	vmmov $0xffff;
	[sflag:s10] =	ssyncpa.u1 $0x0;
	s10 =	simm.s32 $0x0;
	s9 =	sadd.s32 $0x1, s7  }
.LBB2_4:
0xd: {  	v2 =	vnsel vm1, $0x0, v2  }
0xe: {  	vm1 =	vgt.s32 v0, $0x0;
	v2 =	vmin.u32 v2, $0x35B5F  }
0xf: {  	v0 =	vnsel vm1, $0x0, v0  }
0x10: {  	v0 =	vmin.u32 v0, $0x35B5F  }
0x11: {  	[tilespmem:s18], [sflag:$0x1] =	stream.indirect_vreg.gather [hbm4b:s2+s10], $0x1, v1, vm0, $0x4038;
	[tilespmem:$0x44C0] =	vst v63  }
0x12: {  	(ifvalue) =	ssetifvalue $0x7FFFFFFF  }
0x13: {  	[tilespmem:s15], [sflag:$0x1] =	stream.indirect_vreg.gather [hbm4b:s2+s10], $0x1, v2, vm0, $0x4038;
	[tilespmem:$0x44C0] =	vst v63  }
0x14: {  	s29 =	sadd.s32 $0x10, s15;
	(ifvalue) =	ssetifvalue $0x7FFFFFFF  }
0x15: {  	[tilespmem:s29], [sflag:$0x1] =	stream.indirect_vreg.gather [hbm4b:s2+s10], $0x1, v0, vm0, $0x4038;
	[tilespmem:$0x44C0] =	vst v63  }
0x16: {  	_ =	swait.ge [sflag:s5], $0x1130  }
0x17: {  	s30 =	sshrl.u32 s13, $0x3;
	[sflag:s5] =	ssyncset.done $0x0  }
0x18: {  	s31 =	sand.u32 $0x7, s13;
	s15 =	sadd.s32 s8, s30;
	[sflag:s5] =	ssyncadd.s32 $0xFFFFEED0  }
0x19: {  	[hbm4b:s15+s31] =	stream.linear.scatter [tilespmem:s14], [sflag:$0x3], $0x1130, $0x38;
	[tilespmem:$0x44C0] =	vst v63  }
.LBB2_5:
0x1a: {  	s15 =	sadd.s32 $0x22600, s11  }
0x1b: {  	p1 =	sgt.s32 s15, $0x35B5F  }
0x1c: {  	s15 =	smov.u32 @p1 s4;
	p1 =	sne.s32 s12, s9  }
.Ltmp1:
0x1d: {  	p0 =	slt.u32 s12, $0x2;
	(pc) =	sbr.rel @!p1 .LBB2_6-.Ltmp1, $4  }
0x1e: {  	s14 =	simm.s32 @!p0 $0x3  }
0x1f: {  	_ =	swait.ge @!p0 [sflag:s14], $0x1130  }
0x20: {  	s16 =	sadd.s32 $0x1, s12;
	s13 =	smov.u32 s11;
	[sflag:s14] =	ssyncset.done @!p0 $0x0  }
0x21: {  	s12 =	smov.u32 s16;
	s11 =	smov.u32 s15;
	[sflag:s14] =	ssyncadd.s32 @!p0 $0xFFFFEED0  }
.LBB2_1:
0x22: {  	p0 =	sge.u32 s12, s7  }
0x23: {  	s14 =	sxor.u32 @!p0 $0x1, s12  }
0x24: {  	s14 =	smul.u32 @!p0 $0x44C0, s14  }
0x25: {  	s31 =	sadd.s32 $0xFFFFFFFF, s12;
	s15 =	sshrl.u32 @!p0 s11, $0x3  }
0x26: {  	s16 =	sand.u32 @!p0 $0x7, s11;
	s15 =	sadd.s32 @!p0 s3, s15;
	s14 =	sshra.s32 @!p0 s14, $0x2  }
0x27: {  	[tilespmem:s14], [sflag:$0x2] =	stream.linear.gather @!p0 [hbm4b:s15+s16], $0x1130, $0x38;
	[tilespmem:$0x44C0] =	vst v63  }
0x28: {  	p0 =	sge.u32 s31, s7  }
.Ltmp2:
0x29: {  	_ = 	snop;
	(pc) =	sbr.rel @p0 .LBB2_5-.Ltmp2, $1  }
0x2a: {  	_ =	sdelay $0x3  }
0x2b: {  	s14 =	sand.u32 $0x1, s12  }
0x2c: {  	_ =	swait.ge [sflag:s6], $0x1130;
	p0 =	seq.s32 s14, $0x1;
	s14 =	simm.s32 $0x1130  }
0x2d: {  	[sflag:s6] =	ssyncset.done $0x0;
	s14 =	simm.s32 @!p0 $0x0  }
0x2e: {  	[sflag:s6] =	ssyncadd.s32 $0xFFFFEED0;
	(ifvalue) =	ssetifvalue $0x7FFFFFFF;
	v0 =	vld.msk [tilespmem:s14+$0x0 ss:$0x1], $0xffff;
	_ =	sdelay $0x4  }
0x2f: {  	s15 =	sadd.s32 $0x10, s14;
	vm1 =	vgt.s32 v0, $0x0  }
0x30: {  	v2 =	vld.msk [tilespmem:s15+$0x0 ss:$0x1], $0xffff;
	v1 =	vnsel vm1, $0x0, v0  }
0x31: {  	v1 =	vmin.u32 v1, $0x35B5F;
	_ =	sdelay $0x2  }
0x32: {  	s17 =	simm.s32 $0x20;
	s14 =	sadd.s32 $0x2260, s14;
	s16 =	sadd.s32 $0x10, s15  }
0x33: {  	s15 =	sadd.s32 $0x10, s14;
	s18 =	smov.u32 s14;
	v0 =	vld.msk [tilespmem:s16+$0x0 ss:$0x1], $0xffff;
	vm1 =	vgt.s32 v2, $0x0;
	(ifvalue) =	ssetifvalue $0x7FFFFFFF  }
.LBB2_3:
0x34: {  	[tilespmem:s18], [sflag:$0x1] =	stream.indirect_vreg.gather [hbm4b:s2+s10], $0x1, v1, vm0, $0x4038;
	[tilespmem:$0x44C0] =	vst v63  }
0x35: {  	s17 =	sadd.s32 $0x10, s17  }
0x36: {  	v2 =	vnsel vm1, $0x0, v2;
	p0 =	slt.u32 s17, $0x1120  }
.Ltmp3:
0x37: {  	s18 =	smov.u32 s15;
	v1 =	vmin.u32 v2, $0x35B5F;
	(pc) =	sbr.rel @p0 .LBB2_3-.Ltmp3, $3  }
0x38: {  	_ =	sdelay $0x1  }
0x39: {  	s16 =	sadd.s32 $0x10, s16  }
0x3a: {  	vm1 =	vgt.s32 v0, $0x0;
	s15 =	sadd.s32 $0x10, s15;
	v2 =	vmov v0;
	(ifvalue) =	ssetifvalue $0x7FFFFFFF;
	v0 =	vld.msk [tilespmem:s16+$0x0 ss:$0x1], $0xffff  }
.Ltmp4:
0x3b: {  	_ = 	snop;
	(pc) =	sbr.rel .LBB2_4-.Ltmp4, $1  }
0x3c: {  	_ =	sdelay $0x3  }
.LBB2_6:
0x3d: {  	_ =	sfence.sel $0x180000  }
0x3e: {  	s2 =	simm.s32 $0x2;
	[bflag:$0x0] =	sbarrier.arrive $0xFFFF  }
0x3f: {  	s30 =	simm.s32 $0x3;
	[sflag:s2] =	ssyncpa.u1 $0x1  }
0x40: {  	s31 =	simm.s32 $0x1;
	[sflag:s30] =	ssyncpa.u1 $0x1  }
0x41: {  	[sflag:s31] =	ssyncpa.u1 $0x1  }
0x42: {  	p0 =	sne.s32 s0, $0x0;
	_ =	strace $0x90000047  }
0x43: {  	s0 =	sadd.s32 @!p0 $0x100000, s1;
	[bflag:$0x2] =	sbarrier.arrive $0xFFFF  }
0x44: {  	[sflag:s0] =	ssyncadd.tile.s32 @!p0 $0x1;
	_ =	shalt  }
.Lfunc_end2:
_tile_overlayer_lowered:
.L_overlay_start_2:
0x45: {  	(tag) =	ssettag $0x2  }
0x46: {  	s0 =	rddreg [dreg:$0x0];
	s2 =	stileid.u32  }
0x47: {  	s1 =	rddreg [dreg:$0x1];
	p0 =	sne.s32 s2, $0x0  }
0x48: {  	s3 =	rddreg [dreg:$0x2];
	[bflag:$0x3] =	sbarrier.arrive $0xFFFF;
	s2 =	simm.s32 @!p0 $0x1C01  }
0x49: {  	[timem:s3], [sflag:s2] =	dma.local @!p0 [hbm:s0], s1  }
0x4a: {  	s0 =	simm.s32 @!p0 $0x1  }
0x4b: {  	_ =	swait.ge @!p0 [sflag:s0], s1  }
0x4c: {  	s1 =	ssub.s32 @!p0 $0x0, s1;
	[sflag:s0] =	ssyncset.done @!p0 $0x0  }
0x4d: {  	[sflag:s0] =	ssyncadd.s32 @!p0 s1  }
0x4e: {  	[bflag:$0x3] =	sbarrier.arrive $0xFFFF  }
0x4f: {  	_ =	shalt  }

// kernel: kernel.11.cloned.1.call-start
scs
__scs_entry_jumppad:
0x0: {  	(pc) =	sbr.rel $0x88, $3  }
0x1: {  	(tag) =	ssettag $0x0;
	lr =	simm.s32 $0x1  }
0x2: {  	[smem:$0x3F86] =	sst lr;
	_ =	strace $0xD0000000  }
0x3: {  	_ = 	snop  }
0x4: {  	_ = 	snop  }
0x5: {  	_ = 	snop  }
0x6: {  	_ = 	snop  }
0x7: {  	_ = 	snop  }
__scs_overlays_trampoline_lowered:
0x8: {  	[smem:$0x3F95] =	sst s0  }
0x9: {  	[smem:$0x3F96] =	sst s1  }
0xa: {  	[smem:$0x3F97] =	sst s2  }
0xb: {  	[smem:$0x3F98] =	sst s3  }
0xc: {  	[smem:$0x3F99] =	sst s4  }
0xd: {  	[smem:$0x3F9A] =	sst s5  }
0xe: {  	[smem:$0x3F9B] =	sst s6  }
0xf: {  	[smem:$0x3F9C] =	sst s7  }
0x10: {  	[smem:$0x3F9D] =	sst s8  }
0x11: {  	[smem:$0x3F9E] =	sst s9;
	s0 =	simm.s32 @!p0 $0x0  }
0x12: {  	s1 =	sld [smem:$0x3F84];
	s0 =	simm.s32 @p0 $0x1  }
0x13: {  	[smem:$0x3F9F] =	sst s0;
	s0 =	simm.s32 @!p1 $0x0  }
0x14: {  	s2 =	sld [smem:$0x3F83];
	s0 =	simm.s32 @p1 $0x1  }
0x15: {  	[smem:$0x3FA0] =	sst s0;
	s0 =	simm.s32 @!p2 $0x0  }
0x16: {  	s3 =	sld [smem:$0x3FDB];
	s0 =	simm.s32 @p2 $0x1  }
0x17: {  	s4 =	simm.s32 $0x1BF5;
	[smem:$0x3FA2] =	sst s0  }
0x18: {  	s0 =	sld [smem:$0x3F85];
	_ =	swait.ge [sflag:s4], $0x0  }
0x19: {  	s7 =	sld [smem:$0x3F86]  }
0x1a: {  	s8 =	sadd.s32 $0xFFFFE003, lr  }
0x1b: {  	s9 =	sadd.s32 $0xFFFFFEF7, lr;
	s5 =	simm.s32 $0xFFFFFFFF;
	p2 =	slt.u32 s8, $0xFFFFF086  }
0x1c: {  	p1 =	slt.u32 s9, $0xF7A;
	s5 =	simm.s32 @!p2 $0x0  }
0x1d: {  	s5 =	simm.s32 @p1 $0x1;
	p0 =	seq.s32 s7, s2  }
0x1e: {  	s7 =	smul.u32 @!p0 $0xF7A, s2;
	p2 =	seq.s32 @!p0 s5, $0x0  }
0x1f: {  	s9 =	smul.u32 $0xF7A, s1;
	s8 =	simm.s32 @!p0 $0x1BF5;
	p2 =	por !p2, p0  }
0x20: {  	[sflag:s8] =	ssyncset.s32 @!p0 $0xFFFFF086;
	s6 =	sadd.s32 @!p0 s3, s7;
	s7 =	simm.s32 @!p0 $0x108  }
0x21: {  	s3 =	sadd.s32 s3, s9;
	s6 =	sadd.s32 @!p0 $0x88, s6;
	s7 =	simm.s32 @p2 $0x1082  }
0x22: {  	[simem:s7], [sflag:s8] =	dma.local @!p0 [hbm:s6], $0xF7A  }
0x23: {  	s9 =	sor.u32 $0xD0000000, s2;
	s6 =	simm.s32 $0x108;
	_ =	swait.ge @!p0 [sflag:s8], $0x0  }
0x24: {  	s3 =	sadd.s32 $0x88, s3;
	s6 =	simm.s32 @!p1 $0x1082;
	[sflag:s4] =	ssyncset.s32 $0xFFFFF086  }
0x25: {  	[simem:s6], [sflag:s4] =	dma.local [hbm:s3], $0xF7A  }
0x26: {  	[smem:$0x3F86] =	sst s1;
	(tag) =	ssettag s2;
	_ =	strace s9  }
0x27: {  	s1 =	sld [smem:$0x3F96]  }
0x28: {  	s2 =	sld [smem:$0x3F97]  }
0x29: {  	s4 =	sld [smem:$0x3F99]  }
0x2a: {  	p0 =	seq.s32 s5, $0x0;
	s5 =	sld [smem:$0x3F9A]  }
0x2b: {  	s6 =	sld [smem:$0x3F9B]  }
0x2c: {  	s7 =	sld [smem:$0x3F9C]  }
0x2d: {  	s3 =	simm.s32 $0x108;
	s8 =	sld [smem:$0x3F9D]  }
0x2e: {  	s3 =	simm.s32 @!p0 $0x1082;
	s9 =	sld [smem:$0x3F9E]  }
0x2f: {  	lr =	sadd.s32 s0, s3;
	s0 =	sld [smem:$0x3F95]  }
0x30: {  	s3 =	sld [smem:$0x3F98]  }
0x31: {  	[smem:$0x3FA1] =	sst s10  }
0x32: {  	s10 =	sld [smem:$0x3F9F];
	_ =	sdelay $0x3  }
0x33: {  	p0 =	seq.s32 s10, $0x1;
	s10 =	sld [smem:$0x3FA1];
	_ =	sdelay $0x3  }
0x34: {  	[smem:$0x3FA1] =	sst s10  }
0x35: {  	s10 =	sld [smem:$0x3FA0];
	_ =	sdelay $0x3  }
0x36: {  	p1 =	seq.s32 s10, $0x1;
	s10 =	sld [smem:$0x3FA1];
	_ =	sdelay $0x3  }
0x37: {  	[smem:$0x3FA1] =	sst s10  }
0x38: {  	s10 =	sld [smem:$0x3FA2]  }
0x39: {  	_ = 	snop;
	(pc) =	sbr.ind lr, $3  }
0x3a: {  	_ = 	snop  }
0x3b: {  	_ = 	snop  }
0x3c: {  	p2 =	seq.s32 s10, $0x1;
	s10 =	sld [smem:$0x3FA1]  }
0x3d: {  	_ =	shalt  }
0x3e: {  	_ =	shalt  }
0x3f: {  	_ =	shalt  }
0x40: {  	_ =	shalt  }
0x41: {  	_ =	shalt  }
0x42: {  	_ =	shalt  }
0x43: {  	_ =	shalt  }
0x44: {  	_ =	shalt  }
0x45: {  	_ =	shalt  }
0x46: {  	_ =	shalt  }
0x47: {  	_ =	shalt  }
0x48: {  	_ =	shalt  }
0x49: {  	_ =	shalt  }
0x4a: {  	_ =	shalt  }
0x4b: {  	_ =	shalt  }
0x4c: {  	_ =	shalt  }
0x4d: {  	_ =	shalt  }
0x4e: {  	_ =	shalt  }
0x4f: {  	_ =	shalt  }
0x50: {  	_ =	shalt  }
0x51: {  	_ =	shalt  }
0x52: {  	_ =	shalt  }
0x53: {  	_ =	shalt  }
0x54: {  	_ =	shalt  }
0x55: {  	_ =	shalt  }
0x56: {  	_ =	shalt  }
0x57: {  	_ =	shalt  }
0x58: {  	_ =	shalt  }
0x59: {  	_ =	shalt  }
0x5a: {  	_ =	shalt  }
0x5b: {  	_ =	shalt  }
0x5c: {  	_ =	shalt  }
0x5d: {  	_ =	shalt  }
0x5e: {  	_ =	shalt  }
0x5f: {  	_ =	shalt  }
0x60: {  	_ =	shalt  }
0x61: {  	_ =	shalt  }
0x62: {  	_ =	shalt  }
0x63: {  	_ =	shalt  }
0x64: {  	_ =	shalt  }
0x65: {  	_ =	shalt  }
0x66: {  	_ =	shalt  }
0x67: {  	_ =	shalt  }
0x68: {  	_ =	shalt  }
0x69: {  	_ =	shalt  }
0x6a: {  	_ =	shalt  }
0x6b: {  	_ =	shalt  }
0x6c: {  	_ =	shalt  }
0x6d: {  	_ =	shalt  }
0x6e: {  	_ =	shalt  }
0x6f: {  	_ =	shalt  }
0x70: {  	_ =	shalt  }
0x71: {  	_ =	shalt  }
0x72: {  	_ =	shalt  }
0x73: {  	_ =	shalt  }
0x74: {  	_ =	shalt  }
0x75: {  	_ =	shalt  }
0x76: {  	_ =	shalt  }
0x77: {  	_ =	shalt  }
0x78: {  	_ =	shalt  }
0x79: {  	_ =	shalt  }
0x7a: {  	_ =	shalt  }
0x7b: {  	_ =	shalt  }
0x7c: {  	_ =	shalt  }
0x7d: {  	_ =	shalt  }
0x7e: {  	_ =	shalt  }
0x7f: {  	_ =	shalt  }
0x80: {  	_ =	shalt  }
0x81: {  	_ =	shalt  }
0x82: {  	_ =	shalt  }
0x83: {  	_ =	shalt  }
0x84: {  	_ =	shalt  }
0x85: {  	_ =	shalt  }
0x86: {  	_ =	shalt  }
0x87: {  	_ =	shalt  }
.Lfunc_end0:
.L_simem_size_0:
called_computation.2_lowered:
.L_overlay_start_0:
0x88: {  	s2 =	sld [smem:$0x3FD9]  }
0x89: {  	s3 =	sld [smem:$0x3FFE];
	_ =	sdelay $0x1  }
0x8a: {  	s1 =	srdreg.scid  }
0x8b: {  	s0 =	sand.u32 $0x1, s1  }
0x8c: {  	s15 =	sshll.u32 s0, $0xA;
	s2 =	sadd.s32 s3, s2  }
0x8d: {  	s2 =	sadd.s32 s2, s15  }
0x8e: {  	[smem:$0x3FAD] =	sst s2  }
0x8f: {  	_ = 	snop  }
0x90: {  	s16 =	sld [smem:$0x3FD0];
	_ =	sdelay $0x2  }
0x91: {  	s4 =	simm.s32 $0xC;
	s5 =	simm.s32 $0x10;
	s2 =	sld [smem:$0x3FC9]  }
0x92: {  	[smem:s5], [sflag:s4] =	dma.local [hbm:s16], $0x1  }
0x93: {  	_ =	swait.eq [sflag:s4], $0x1  }
0x94: {  	[sflag:s4] =	ssyncset.done $0x0  }
0x95: {  	[sflag:s4] =	ssyncadd.s32 $0xFFFFFFFF  }
0x96: {  	s17 =	sld [smem:$0x10];
	(tm) =	ssettm $0x1  }
0x97: {  	s18 =	sld [smem:$0x3FFB];
	_ =	sdelay $0x3  }
0x98: {  	_ =	strace s18  }
0x99: {  	s3 =	sld [smem:$0x3FFC];
	_ =	sdelay $0x3  }
0x9a: {  	_ =	strace s3  }
0x9b: {  	s3 =	sld [smem:$0x3FFD];
	_ =	sdelay $0x3  }
0x9c: {  	_ =	strace s3  }
0x9d: {  	_ =	strace $0x8FFFFFFF  }
0x9e: {  	s19 =	sld [smem:$0x3FDB];
	_ =	sdelay $0x1  }
0x9f: {  	s20 =	simm.s32 $_scs_section_size  }
0xa0: {  	s6 =	simm.s32 $_size__tile_overlayer_lowered;
	s7 =	simm.s32 $_tile_overlayer_lowered  }
0xa1: {  	s8 =	simm.s32 $0x1BFF;
	s21 =	sshll.u32 s7, $0x1;
	s5 =	sadd.s32 s20, s19  }
0xa2: {  	s22 =	simm.s32 $0x0;
	s6 =	sshll.u32 s6, $0x1;
	s7 =	sadd.s32 s21, s5  }
0xa3: {  	[timem:s22], [sflag:s8] =	dma.local [hbm:s7], s6  }
0xa4: {  	_ =	swait.ge [sflag:s8], s6  }
0xa5: {  	s6 =	ssub.s32 $0x0, s6;
	[sflag:s8] =	ssyncset.done $0x0  }
0xa6: {  	[sflag:s8] =	ssyncadd.s32 s6;
	_ =	sdelay $0x1  }
0xa7: {  	s23 =	simm.s32 $0x1B8B  }
0xa8: {  	_ =	swait.ge [sflag:s23], $0x1  }
0xa9: {  	[sflag:s23] =	ssyncset.done $0x0  }
0xaa: {  	[sflag:s23] =	ssyncadd.s32 $0xFFFFFFFF  }
0xab: {  	s6 =	sld [smem:$0x0]  }
0xac: {  	s7 =	sand.u32 $0xFFFFFFFE, s1  }
0xad: {  	p0 =	sne.s32 s1, s7  }
0xae: {  	s7 =	sshll.u32 @p0 s7, $0xE  }
0xaf: {  	s7 =	sadd.s32 @p0 $0x11B8D, s7;
	s8 =	sshll.u32 @p0 s6, $0x11  }
0xb0: {  	s7 =	sor.u32 @p0 s8, s7  }
0xb1: {  	[sflag:s7] =	ssyncadd.remote.s32 @p0 $0x1;
	_ =	sdelay $0x1  }
0xb2: {  	s7 =	simm.s32 @p0 $0x1B8D  }
0xb3: {  	_ =	swait.eq @p0 [sflag:s7], $0x1  }
0xb4: {  	[sflag:s7] =	ssyncadd.s32 @p0 $0xFFFFFFFF  }
0xb5: {  	s8 =	sshll.u32 @!p0 s1, $0xE  }
0xb6: {  	s8 =	sor.u32 @!p0 $0x4000, s8;
	s7 =	simm.s32 @!p0 $0x1B8D  }
0xb7: {  	s6 =	sshll.u32 @!p0 s6, $0x11;
	s8 =	sadd.s32 @!p0 $0x11B8D, s8;
	_ =	swait.eq @!p0 [sflag:s7], $0x1  }
0xb8: {  	s6 =	sor.u32 @!p0 s6, s8;
	[sflag:s7] =	ssyncadd.s32 @!p0 $0xFFFFFFFF  }
0xb9: {  	s25 =	simm.s32 $0x1B8E;
	s24 =	sld [smem:$0x3FFE];
	[sflag:s6] =	ssyncadd.remote.s32 @!p0 $0x1  }
0xba: {  	s26 =	simm.s32 $execute0_lowered;
	[smem:$0x3FD2] =	sst s25  }
0xbb: {  	s7 =	sshll.u32 s26, $0x1;
	_ =	strace $0x8000004C;
	[dreg:$0x1] =	wrdreg $0xFFFFFFFF  }
0xbc: {  	s28 =	simm.s32 $_size_execute0_lowered;
	s5 =	sadd.s32 s5, s7;
	[dreg:$0x0] =	wrdreg $0x0  }
0xbd: {  	s7 =	sshll.u32 s28, $0x1;
	[dreg:$0x2] =	wrdreg s5  }
0xbe: {  	[dreg:$0x3] =	wrdreg s7  }
0xbf: {  	[dreg:$0x4] =	wrdreg $0xC0  }
0xc0: {  	_ =	task [dreg:s22], $0x5FFFF  }
0xc1: {  	[dreg:$0x1] =	wrdreg $0xFFFFFFFF  }
0xc2: {  	[dreg:$0x0] =	wrdreg $0x60  }
0xc3: {  	[dreg:$0x2] =	wrdreg s2  }
0xc4: {  	[dreg:$0x3] =	wrdreg s24  }
0xc5: {  	[dreg:$0x4] =	wrdreg s17  }
0xc6: {  	[dreg:$0x5] =	wrdreg $0xB  }
0xc7: {  	_ =	task.clear_ibuf [dreg:s22], $0x6FFFF;
	_ =	strace $0x9000004C  }
0xc8: {  	s29 =	simm.s32 $0xB;
	_ =	strace $0x8000004E  }
0xc9: {  	_ =	swait.ge [sflag:s29], $0x1  }
0xca: {  	[sflag:s29] =	ssyncadd.s32 $0xFFFFFFFF  }
0xcb: {  	_ =	strace $0x9000004E  }
0xcc: {  	_ =	sfence  }
0xcd: {  	s30 =	sld [smem:$0x0];
	_ =	sdelay $0x2  }
0xce: {  	s31 =	sshll.u32 s1, $0xD;
	s1 =	sshrl.u32 s1, $0x2  }
0xcf: {  	s4 =	sand.u32 $0x4000, s31;
	s1 =	sadd.s32 s1, s30  }
0xd0: {  	s0 =	sor.u32 s4, s0;
	s1 =	sshll.u32 s1, $0x11  }
0xd1: {  	s0 =	sor.u32 s1, s0  }
0xd2: {  	s0 =	sadd.s32 $0x8F2B, s0  }
0xd3: {  	[sflag:s0] =	ssyncadd.remote.s32 $0x1  }
0xd4: {  	_ =	sfence.sel $0xFFFF  }
0xd5: {  	[dreg:$0x0] =	wrdreg $0xFFFFFFFF;
	(pc) =	sbr.abs _section_cstart, $3  }
0xd6: {  	[dreg:$0x1] =	wrdreg $0xFFFFFFFF  }
0xd7: {  	_ =	task.clear_ibuf [dreg:s22], $0x2FFFF;
	_ =	strace $0x9FFFFFFF  }
0xd8: {  	(tm) =	ssettm $0x7FFFFFFF  }
0xd9: {  	_ =	shalt  }
tec
execute0_lowered:
.L_overlay_start_1:
0x0: {  	(tag) =	ssettag $0x1  }
0x1: {  	s2 =	rddreg [dreg:$0x0];
	s0 =	srdreg.scid  }
0x2: {  	s16 =	rddreg [dreg:$0x1];
	s1 =	stileid.u32  }
0x3: {  	s14 =	rddreg [dreg:$0x2];
	s3 =	sand.u32 $0x1, s0;
	s23 =	sshll.u32 s1, $0xD  }
0x4: {  	[dreg:$0xc] =	wrdreg s3;
	s24 =	sshll.u32 s3, $0xC;
	s3 =	simm.s32 $0x0  }
0x5: {  	s13 =	sadd.s32 $0x1E1600, s16;
	s24 =	sor.u32 s24, s23;
	[smem:$0x7FF] =	sst s3  }
0x6: {  	s15 =	sshrl.u32 s24, $0x3;
	_ =	strace $0x8000004D;
	s17 =	sshll.u32 s24, $0x4  }
0x7: {  	s1 =	sor.u32 $0x200, s24;
	s5 =	sor.u32 $0x400, s24;
	s25 =	sadd.s32 s13, s15  }
0x8: {  	s26 =	sadd.s32 s14, s17;
	s18 =	sshrl.u32 s1, $0x3;
	[dreg:$0x4] =	wrdreg s25  }
0x9: {  	s19 =	sshll.u32 s1, $0x4;
	[dreg:$0x5] =	wrdreg s26;
	s4 =	sadd.s32 s13, s18  }
0xa: {  	s20 =	sshrl.u32 s5, $0x3;
	s6 =	sadd.s32 s14, s19;
	[dreg:$0x6] =	wrdreg s4  }
0xb: {  	s22 =	sshll.u32 s5, $0x4;
	s7 =	sadd.s32 s13, s20;
	[dreg:$0x7] =	wrdreg s6  }
0xc: {  	s9 =	sor.u32 $0x600, s24;
	s8 =	sadd.s32 s14, s22;
	[dreg:$0x8] =	wrdreg s7  }
0xd: {  	s21 =	sshrl.u32 s9, $0x3;
	[dreg:$0x9] =	wrdreg s8  }
0xe: {  	s10 =	sadd.s32 s13, s21;
	s11 =	rddreg [dreg:$0x4]  }
0xf: {  	s4 =	sshll.u32 s9, $0x4;
	[dreg:$0xa] =	wrdreg s10  }
0x10: {  	[dreg:$0xd] =	wrdreg s4;
	s12 =	sadd.s32 s14, s4  }
0x11: {  	[tilespmem:s3], [sflag:$0x2] =	stream.linear.gather [hbm4b:s11+s3], $0x200, $0x38;
	[tilespmem:$0x10200] =	vst v63  }
0x12: {  	s4 =	simm.s32 $0x2;
	[dreg:$0xb] =	wrdreg s12  }
0x13: {  	_ =	swait.ge [sflag:s4], $0x200  }
0x14: {  	[sflag:s4] =	ssyncset.done $0x0  }
0x15: {  	s5 =	simm.s32 $0x200;
	s6 =	simm.s32 $0x1;
	[sflag:s4] =	ssyncadd.s32 $0xFFFFFE00  }
0x16: {  	[tilespmem:s5], [sflag:$0x1] =	stream.indirect.gather [hbm4b:s2+s5], $0x80, s3, s5, $0xb8;
	[tilespmem:$0x10200] =	vst v63  }
0x17: {  	_ =	swait.ge [sflag:s6], $0x10000  }
0x18: {  	[sflag:s6] =	ssyncset.done $0x0  }
0x19: {  	s23 =	rddreg [dreg:$0x5];
	[sflag:s6] =	ssyncadd.s32 $0xFFFF0000  }
0x1a: {  	[hbm4b:s23+s3] =	stream.linear.scatter [tilespmem:s5], [sflag:$0x2], $0x10000, $0x38;
	[tilespmem:$0x10200] =	vst v63  }
0x1b: {  	_ =	swait.ge [sflag:s4], $0x10000  }
0x1c: {  	[sflag:s4] =	ssyncset.done $0x0  }
0x1d: {  	s25 =	rddreg [dreg:$0x6];
	[sflag:s4] =	ssyncadd.s32 $0xFFFF0000  }
0x1e: {  	[tilespmem:s3], [sflag:$0x2] =	stream.linear.gather [hbm4b:s25+s3], $0x200, $0x38;
	[tilespmem:$0x10200] =	vst v63  }
0x1f: {  	_ =	swait.ge [sflag:s4], $0x200  }
0x20: {  	[sflag:s4] =	ssyncset.done $0x0  }
0x21: {  	[sflag:s4] =	ssyncadd.s32 $0xFFFFFE00  }
0x22: {  	[tilespmem:s5], [sflag:$0x1] =	stream.indirect.gather [hbm4b:s2+s5], $0x80, s3, s5, $0xb8;
	[tilespmem:$0x10200] =	vst v63  }
0x23: {  	_ =	swait.ge [sflag:s6], $0x10000  }
0x24: {  	[sflag:s6] =	ssyncset.done $0x0  }
0x25: {  	s26 =	rddreg [dreg:$0x7];
	[sflag:s6] =	ssyncadd.s32 $0xFFFF0000  }
0x26: {  	[hbm4b:s26+s3] =	stream.linear.scatter [tilespmem:s5], [sflag:$0x2], $0x10000, $0x38;
	[tilespmem:$0x10200] =	vst v63  }
0x27: {  	_ =	swait.ge [sflag:s4], $0x10000  }
0x28: {  	[sflag:s4] =	ssyncset.done $0x0  }
0x29: {  	s1 =	rddreg [dreg:$0x8];
	[sflag:s4] =	ssyncadd.s32 $0xFFFF0000  }
0x2a: {  	[tilespmem:s3], [sflag:$0x2] =	stream.linear.gather [hbm4b:s1+s3], $0x200, $0x38;
	[tilespmem:$0x10200] =	vst v63  }
0x2b: {  	_ =	swait.ge [sflag:s4], $0x200  }
0x2c: {  	[sflag:s4] =	ssyncset.done $0x0  }
0x2d: {  	[sflag:s4] =	ssyncadd.s32 $0xFFFFFE00  }
0x2e: {  	[tilespmem:s5], [sflag:$0x1] =	stream.indirect.gather [hbm4b:s2+s5], $0x80, s3, s5, $0xb8;
	[tilespmem:$0x10200] =	vst v63  }
0x2f: {  	_ =	swait.ge [sflag:s6], $0x10000  }
0x30: {  	[sflag:s6] =	ssyncset.done $0x0  }
0x31: {  	s7 =	rddreg [dreg:$0x9];
	[sflag:s6] =	ssyncadd.s32 $0xFFFF0000  }
0x32: {  	[hbm4b:s7+s3] =	stream.linear.scatter [tilespmem:s5], [sflag:$0x2], $0x10000, $0x38;
	[tilespmem:$0x10200] =	vst v63  }
0x33: {  	_ =	swait.ge [sflag:s4], $0x10000  }
0x34: {  	[sflag:s4] =	ssyncset.done $0x0  }
0x35: {  	s8 =	rddreg [dreg:$0xa];
	[sflag:s4] =	ssyncadd.s32 $0xFFFF0000  }
0x36: {  	[tilespmem:s3], [sflag:$0x2] =	stream.linear.gather [hbm4b:s8+s3], $0x200, $0x38;
	[tilespmem:$0x10200] =	vst v63  }
0x37: {  	_ =	swait.ge [sflag:s4], $0x200  }
0x38: {  	[sflag:s4] =	ssyncset.done $0x0  }
0x39: {  	[sflag:s4] =	ssyncadd.s32 $0xFFFFFE00  }
0x3a: {  	[tilespmem:s5], [sflag:$0x1] =	stream.indirect.gather [hbm4b:s2+s5], $0x80, s3, s5, $0xb8;
	[tilespmem:$0x10200] =	vst v63  }
0x3b: {  	_ =	swait.ge [sflag:s6], $0x10000  }
0x3c: {  	[sflag:s6] =	ssyncset.done $0x0  }
0x3d: {  	s9 =	rddreg [dreg:$0xb];
	[sflag:s6] =	ssyncadd.s32 $0xFFFF0000  }
0x3e: {  	[hbm4b:s9+s3] =	stream.linear.scatter [tilespmem:s5], [sflag:$0x2], $0x10000, $0x38;
	[tilespmem:$0x10200] =	vst v63  }
0x3f: {  	s10 =	sor.u32 $0x800, s24;
	_ =	swait.ge [sflag:s4], $0x10000  }
0x40: {  	s23 =	sshrl.u32 s10, $0x3;
	[sflag:s4] =	ssyncset.done $0x0  }
0x41: {  	s7 =	sadd.s32 s13, s23;
	[sflag:s4] =	ssyncadd.s32 $0xFFFF0000  }
0x42: {  	[tilespmem:s3], [sflag:$0x2] =	stream.linear.gather [hbm4b:s7+s3], $0x200, $0x38;
	[tilespmem:$0x10200] =	vst v63  }
0x43: {  	_ =	swait.ge [sflag:s4], $0x200  }
0x44: {  	[sflag:s4] =	ssyncset.done $0x0  }
0x45: {  	[sflag:s4] =	ssyncadd.s32 $0xFFFFFE00  }
0x46: {  	[tilespmem:s5], [sflag:$0x1] =	stream.indirect.gather [hbm4b:s2+s5], $0x80, s3, s5, $0xb8;
	[tilespmem:$0x10200] =	vst v63  }
0x47: {  	_ =	swait.ge [sflag:s6], $0x10000  }
0x48: {  	s26 =	sshll.u32 s10, $0x4;
	[sflag:s6] =	ssyncset.done $0x0  }
0x49: {  	s8 =	sadd.s32 s14, s26;
	[sflag:s6] =	ssyncadd.s32 $0xFFFF0000  }
0x4a: {  	[hbm4b:s8+s3] =	stream.linear.scatter [tilespmem:s5], [sflag:$0x2], $0x10000, $0x38;
	[tilespmem:$0x10200] =	vst v63  }
0x4b: {  	s11 =	sor.u32 $0xA00, s24;
	_ =	swait.ge [sflag:s4], $0x10000  }
0x4c: {  	s25 =	sshrl.u32 s11, $0x3;
	[sflag:s4] =	ssyncset.done $0x0  }
0x4d: {  	s9 =	sadd.s32 s13, s25;
	[sflag:s4] =	ssyncadd.s32 $0xFFFF0000  }
0x4e: {  	[tilespmem:s3], [sflag:$0x2] =	stream.linear.gather [hbm4b:s9+s3], $0x200, $0x38;
	[tilespmem:$0x10200] =	vst v63  }
0x4f: {  	_ =	swait.ge [sflag:s4], $0x200  }
0x50: {  	[sflag:s4] =	ssyncset.done $0x0  }
0x51: {  	[sflag:s4] =	ssyncadd.s32 $0xFFFFFE00  }
0x52: {  	[tilespmem:s5], [sflag:$0x1] =	stream.indirect.gather [hbm4b:s2+s5], $0x80, s3, s5, $0xb8;
	[tilespmem:$0x10200] =	vst v63  }
0x53: {  	_ =	swait.ge [sflag:s6], $0x10000  }
0x54: {  	s29 =	sshll.u32 s11, $0x4;
	[sflag:s6] =	ssyncset.done $0x0  }
0x55: {  	s10 =	sadd.s32 s14, s29;
	[sflag:s6] =	ssyncadd.s32 $0xFFFF0000  }
0x56: {  	[hbm4b:s10+s3] =	stream.linear.scatter [tilespmem:s5], [sflag:$0x2], $0x10000, $0x38;
	[tilespmem:$0x10200] =	vst v63  }
0x57: {  	s12 =	sor.u32 $0xC00, s24;
	_ =	swait.ge [sflag:s4], $0x10000  }
0x58: {  	s28 =	sshrl.u32 s12, $0x3;
	[sflag:s4] =	ssyncset.done $0x0  }
0x59: {  	s11 =	sadd.s32 s13, s28;
	[sflag:s4] =	ssyncadd.s32 $0xFFFF0000  }
0x5a: {  	[tilespmem:s3], [sflag:$0x2] =	stream.linear.gather [hbm4b:s11+s3], $0x200, $0x38;
	[tilespmem:$0x10200] =	vst v63  }
0x5b: {  	_ =	swait.ge [sflag:s4], $0x200  }
0x5c: {  	[sflag:s4] =	ssyncset.done $0x0  }
0x5d: {  	[sflag:s4] =	ssyncadd.s32 $0xFFFFFE00  }
0x5e: {  	[tilespmem:s5], [sflag:$0x1] =	stream.indirect.gather [hbm4b:s2+s5], $0x80, s3, s5, $0xb8;
	[tilespmem:$0x10200] =	vst v63  }
0x5f: {  	_ =	swait.ge [sflag:s6], $0x10000  }
0x60: {  	s31 =	sshll.u32 s12, $0x4;
	[sflag:s6] =	ssyncset.done $0x0  }
0x61: {  	s12 =	sadd.s32 s14, s31;
	[sflag:s6] =	ssyncadd.s32 $0xFFFF0000  }
0x62: {  	[hbm4b:s12+s3] =	stream.linear.scatter [tilespmem:s5], [sflag:$0x2], $0x10000, $0x38;
	[tilespmem:$0x10200] =	vst v63  }
0x63: {  	s1 =	sor.u32 $0xE00, s24;
	_ =	swait.ge [sflag:s4], $0x10000  }
0x64: {  	s30 =	sshrl.u32 s1, $0x3;
	[sflag:s4] =	ssyncset.done $0x0  }
0x65: {  	s13 =	sadd.s32 s13, s30;
	[sflag:s4] =	ssyncadd.s32 $0xFFFF0000  }
0x66: {  	[tilespmem:s3], [sflag:$0x2] =	stream.linear.gather [hbm4b:s13+s3], $0x200, $0x38;
	[tilespmem:$0x10200] =	vst v63  }
0x67: {  	_ =	swait.ge [sflag:s4], $0x200  }
0x68: {  	[sflag:s4] =	ssyncset.done $0x0  }
0x69: {  	[sflag:s4] =	ssyncadd.s32 $0xFFFFFE00  }
0x6a: {  	[tilespmem:s5], [sflag:$0x1] =	stream.indirect.gather [hbm4b:s2+s5], $0x80, s3, s5, $0xb8;
	[tilespmem:$0x10200] =	vst v63  }
0x6b: {  	_ =	swait.ge [sflag:s6], $0x10000  }
0x6c: {  	s0 =	sshll.u32 s1, $0x4;
	[sflag:s6] =	ssyncset.done $0x0  }
0x6d: {  	s14 =	sadd.s32 s14, s0;
	[dreg:$0xe] =	wrdreg s0;
	[sflag:s6] =	ssyncadd.s32 $0xFFFF0000  }
0x6e: {  	[hbm4b:s14+s3] =	stream.linear.scatter [tilespmem:s5], [sflag:$0x2], $0x10000, $0x38;
	[tilespmem:$0x10200] =	vst v63  }
0x6f: {  	_ =	swait.ge [sflag:s4], $0x10000  }
0x70: {  	s0 =	sadd.s32 $0x1DD600, s16;
	[sflag:s4] =	ssyncset.done $0x0  }
0x71: {  	s15 =	sadd.s32 s0, s15;
	[sflag:s4] =	ssyncadd.s32 $0xFFFF0000  }
0x72: {  	[tilespmem:s3], [sflag:$0x2] =	stream.linear.gather [hbm4b:s15+s3], $0x200, $0x38;
	[tilespmem:$0x10200] =	vst v63  }
0x73: {  	_ =	swait.ge [sflag:s4], $0x200  }
0x74: {  	[sflag:s4] =	ssyncset.done $0x0  }
0x75: {  	[sflag:s4] =	ssyncadd.s32 $0xFFFFFE00  }
0x76: {  	[tilespmem:s5], [sflag:$0x1] =	stream.indirect.gather [hbm4b:s2+s5], $0x80, s3, s5, $0xb8;
	[tilespmem:$0x10200] =	vst v63  }
0x77: {  	_ =	swait.ge [sflag:s6], $0x10000  }
0x78: {  	s1 =	sadd.s32 $0x1E5600, s16;
	[sflag:s6] =	ssyncset.done $0x0  }
0x79: {  	s16 =	sadd.s32 s1, s17;
	[sflag:s6] =	ssyncadd.s32 $0xFFFF0000  }
0x7a: {  	[hbm4b:s16+s3] =	stream.linear.scatter [tilespmem:s5], [sflag:$0x2], $0x10000, $0x38;
	[tilespmem:$0x10200] =	vst v63  }
0x7b: {  	_ =	swait.ge [sflag:s4], $0x10000  }
0x7c: {  	[sflag:s4] =	ssyncset.done $0x0  }
0x7d: {  	s17 =	sadd.s32 s0, s18;
	[sflag:s4] =	ssyncadd.s32 $0xFFFF0000  }
0x7e: {  	[tilespmem:s3], [sflag:$0x2] =	stream.linear.gather [hbm4b:s17+s3], $0x200, $0x38;
	[tilespmem:$0x10200] =	vst v63  }
0x7f: {  	_ =	swait.ge [sflag:s4], $0x200  }
0x80: {  	[sflag:s4] =	ssyncset.done $0x0  }
0x81: {  	[sflag:s4] =	ssyncadd.s32 $0xFFFFFE00  }
0x82: {  	[tilespmem:s5], [sflag:$0x1] =	stream.indirect.gather [hbm4b:s2+s5], $0x80, s3, s5, $0xb8;
	[tilespmem:$0x10200] =	vst v63  }
0x83: {  	_ =	swait.ge [sflag:s6], $0x10000  }
0x84: {  	[sflag:s6] =	ssyncset.done $0x0  }
0x85: {  	s18 =	sadd.s32 s1, s19;
	[sflag:s6] =	ssyncadd.s32 $0xFFFF0000  }
0x86: {  	[hbm4b:s18+s3] =	stream.linear.scatter [tilespmem:s5], [sflag:$0x2], $0x10000, $0x38;
	[tilespmem:$0x10200] =	vst v63  }
0x87: {  	_ =	swait.ge [sflag:s4], $0x10000  }
0x88: {  	[sflag:s4] =	ssyncset.done $0x0  }
0x89: {  	s19 =	sadd.s32 s0, s20;
	[sflag:s4] =	ssyncadd.s32 $0xFFFF0000  }
0x8a: {  	[tilespmem:s3], [sflag:$0x2] =	stream.linear.gather [hbm4b:s19+s3], $0x200, $0x38;
	[tilespmem:$0x10200] =	vst v63  }
0x8b: {  	_ =	swait.ge [sflag:s4], $0x200  }
0x8c: {  	[sflag:s4] =	ssyncset.done $0x0  }
0x8d: {  	[sflag:s4] =	ssyncadd.s32 $0xFFFFFE00  }
0x8e: {  	[tilespmem:s5], [sflag:$0x1] =	stream.indirect.gather [hbm4b:s2+s5], $0x80, s3, s5, $0xb8;
	[tilespmem:$0x10200] =	vst v63  }
0x8f: {  	_ =	swait.ge [sflag:s6], $0x10000  }
0x90: {  	[sflag:s6] =	ssyncset.done $0x0  }
0x91: {  	s20 =	sadd.s32 s1, s22;
	[sflag:s6] =	ssyncadd.s32 $0xFFFF0000  }
0x92: {  	[hbm4b:s20+s3] =	stream.linear.scatter [tilespmem:s5], [sflag:$0x2], $0x10000, $0x38;
	[tilespmem:$0x10200] =	vst v63  }
0x93: {  	_ =	swait.ge [sflag:s4], $0x10000  }
0x94: {  	[sflag:s4] =	ssyncset.done $0x0  }
0x95: {  	s21 =	sadd.s32 s0, s21;
	[sflag:s4] =	ssyncadd.s32 $0xFFFF0000  }
0x96: {  	[tilespmem:s3], [sflag:$0x2] =	stream.linear.gather [hbm4b:s21+s3], $0x200, $0x38;
	[tilespmem:$0x10200] =	vst v63  }
0x97: {  	_ =	swait.ge [sflag:s4], $0x200  }
0x98: {  	[sflag:s4] =	ssyncset.done $0x0  }
0x99: {  	[sflag:s4] =	ssyncadd.s32 $0xFFFFFE00  }
0x9a: {  	[tilespmem:s5], [sflag:$0x1] =	stream.indirect.gather [hbm4b:s2+s5], $0x80, s3, s5, $0xb8;
	[tilespmem:$0x10200] =	vst v63  }
0x9b: {  	_ =	swait.ge [sflag:s6], $0x10000  }
0x9c: {  	[sflag:s6] =	ssyncset.done $0x0;
	s24 =	rddreg [dreg:$0xd]  }
0x9d: {  	s22 =	sadd.s32 s1, s24;
	[sflag:s6] =	ssyncadd.s32 $0xFFFF0000  }
0x9e: {  	[hbm4b:s22+s3] =	stream.linear.scatter [tilespmem:s5], [sflag:$0x2], $0x10000, $0x38;
	[tilespmem:$0x10200] =	vst v63  }
0x9f: {  	_ =	swait.ge [sflag:s4], $0x10000  }
0xa0: {  	[sflag:s4] =	ssyncset.done $0x0  }
0xa1: {  	s23 =	sadd.s32 s0, s23;
	[sflag:s4] =	ssyncadd.s32 $0xFFFF0000  }
0xa2: {  	[tilespmem:s3], [sflag:$0x2] =	stream.linear.gather [hbm4b:s23+s3], $0x200, $0x38;
	[tilespmem:$0x10200] =	vst v63  }
0xa3: {  	_ =	swait.ge [sflag:s4], $0x200  }
0xa4: {  	[sflag:s4] =	ssyncset.done $0x0  }
0xa5: {  	[sflag:s4] =	ssyncadd.s32 $0xFFFFFE00  }
0xa6: {  	[tilespmem:s5], [sflag:$0x1] =	stream.indirect.gather [hbm4b:s2+s5], $0x80, s3, s5, $0xb8;
	[tilespmem:$0x10200] =	vst v63  }
0xa7: {  	_ =	swait.ge [sflag:s6], $0x10000  }
0xa8: {  	[sflag:s6] =	ssyncset.done $0x0  }
0xa9: {  	s24 =	sadd.s32 s1, s26;
	[sflag:s6] =	ssyncadd.s32 $0xFFFF0000  }
0xaa: {  	[hbm4b:s24+s3] =	stream.linear.scatter [tilespmem:s5], [sflag:$0x2], $0x10000, $0x38;
	[tilespmem:$0x10200] =	vst v63  }
0xab: {  	_ =	swait.ge [sflag:s4], $0x10000  }
0xac: {  	[sflag:s4] =	ssyncset.done $0x0  }
0xad: {  	s25 =	sadd.s32 s0, s25;
	[sflag:s4] =	ssyncadd.s32 $0xFFFF0000  }
0xae: {  	[tilespmem:s3], [sflag:$0x2] =	stream.linear.gather [hbm4b:s25+s3], $0x200, $0x38;
	[tilespmem:$0x10200] =	vst v63  }
0xaf: {  	_ =	swait.ge [sflag:s4], $0x200  }
0xb0: {  	[sflag:s4] =	ssyncset.done $0x0  }
0xb1: {  	[sflag:s4] =	ssyncadd.s32 $0xFFFFFE00  }
0xb2: {  	[tilespmem:s5], [sflag:$0x1] =	stream.indirect.gather [hbm4b:s2+s5], $0x80, s3, s5, $0xb8;
	[tilespmem:$0x10200] =	vst v63  }
0xb3: {  	_ =	swait.ge [sflag:s6], $0x10000  }
0xb4: {  	[sflag:s6] =	ssyncset.done $0x0  }
0xb5: {  	s26 =	sadd.s32 s1, s29;
	[sflag:s6] =	ssyncadd.s32 $0xFFFF0000  }
0xb6: {  	[hbm4b:s26+s3] =	stream.linear.scatter [tilespmem:s5], [sflag:$0x2], $0x10000, $0x38;
	[tilespmem:$0x10200] =	vst v63  }
0xb7: {  	_ =	swait.ge [sflag:s4], $0x10000  }
0xb8: {  	[sflag:s4] =	ssyncset.done $0x0  }
0xb9: {  	s28 =	sadd.s32 s0, s28;
	[sflag:s4] =	ssyncadd.s32 $0xFFFF0000  }
0xba: {  	[tilespmem:s3], [sflag:$0x2] =	stream.linear.gather [hbm4b:s28+s3], $0x200, $0x38;
	[tilespmem:$0x10200] =	vst v63  }
0xbb: {  	_ =	swait.ge [sflag:s4], $0x200  }
0xbc: {  	[sflag:s4] =	ssyncset.done $0x0  }
0xbd: {  	[sflag:s4] =	ssyncadd.s32 $0xFFFFFE00  }
0xbe: {  	[tilespmem:s5], [sflag:$0x1] =	stream.indirect.gather [hbm4b:s2+s5], $0x80, s3, s5, $0xb8;
	[tilespmem:$0x10200] =	vst v63  }
0xbf: {  	_ =	swait.ge [sflag:s6], $0x10000  }
0xc0: {  	[sflag:s6] =	ssyncset.done $0x0  }
0xc1: {  	s29 =	sadd.s32 s1, s31;
	[sflag:s6] =	ssyncadd.s32 $0xFFFF0000  }
0xc2: {  	[hbm4b:s29+s3] =	stream.linear.scatter [tilespmem:s5], [sflag:$0x2], $0x10000, $0x38;
	[tilespmem:$0x10200] =	vst v63  }
0xc3: {  	_ =	swait.ge [sflag:s4], $0x10000  }
0xc4: {  	[sflag:s4] =	ssyncset.done $0x0  }
0xc5: {  	s30 =	sadd.s32 s0, s30;
	[sflag:s4] =	ssyncadd.s32 $0xFFFF0000  }
0xc6: {  	[tilespmem:s3], [sflag:$0x2] =	stream.linear.gather [hbm4b:s30+s3], $0x200, $0x38;
	[tilespmem:$0x10200] =	vst v63  }
0xc7: {  	_ =	swait.ge [sflag:s4], $0x200  }
0xc8: {  	[sflag:s4] =	ssyncset.done $0x0;
	s0 =	rddreg [dreg:$0xc]  }
0xc9: {  	s0 =	ssub.s32 $0x2, s0;
	[sflag:s4] =	ssyncadd.s32 $0xFFFFFE00  }
0xca: {  	[tilespmem:s5], [sflag:$0x1] =	stream.indirect.gather [hbm4b:s2+s5], $0x80, s3, s5, $0xb8;
	[tilespmem:$0x10200] =	vst v63  }
0xcb: {  	s31 =	sshrl.u32 s0, $0x1  }
0xcc: {  	s0 =	ssub.s32 s0, s31  }
0xcd: {  	s0 =	smax.u32 s0, $0x1  }
0xce: {  	p0 =	sne.s32 s0, $0x1  }
.Ltmp0:
0xcf: {  	_ =	swait.ge [sflag:s6], $0x10000;
	(pc) =	sbr.rel @!p0 .LBB2_2-.Ltmp0, $4  }
0xd0: {  	[sflag:s6] =	ssyncset.done $0x0;
	s31 =	rddreg [dreg:$0xe]  }
0xd1: {  	s31 =	sadd.s32 s1, s31;
	[sflag:s6] =	ssyncadd.s32 $0xFFFF0000  }
0xd2: {  	[hbm4b:s31+s3] =	stream.linear.scatter [tilespmem:s5], [sflag:$0x2], $0x10000, $0x38;
	[tilespmem:$0x10200] =	vst v63  }
0xd3: {  	s1 =	sadd.s32 $0xFFFFFFFF, s0;
	_ =	swait.ge [sflag:s4], $0x10000  }
.LBB2_1:
0xd4: {  	[sflag:s4] =	ssyncset.done $0x0  }
0xd5: {  	s0 =	rddreg [dreg:$0x4];
	[sflag:s4] =	ssyncadd.s32 $0xFFFF0000  }
0xd6: {  	[tilespmem:s3], [sflag:$0x2] =	stream.linear.gather [hbm4b:s0+s3], $0x200, $0x38;
	[tilespmem:$0x10200] =	vst v63  }
0xd7: {  	_ =	swait.ge [sflag:s4], $0x200  }
0xd8: {  	[sflag:s4] =	ssyncset.done $0x0  }
0xd9: {  	[sflag:s4] =	ssyncadd.s32 $0xFFFFFE00  }
0xda: {  	[tilespmem:s5], [sflag:$0x1] =	stream.indirect.gather [hbm4b:s2+s5], $0x80, s3, s5, $0xb8;
	[tilespmem:$0x10200] =	vst v63  }
0xdb: {  	_ =	swait.ge [sflag:s6], $0x10000  }
0xdc: {  	[sflag:s6] =	ssyncset.done $0x0  }
0xdd: {  	s0 =	rddreg [dreg:$0x5];
	[sflag:s6] =	ssyncadd.s32 $0xFFFF0000  }
0xde: {  	[hbm4b:s0+s3] =	stream.linear.scatter [tilespmem:s5], [sflag:$0x2], $0x10000, $0x38;
	[tilespmem:$0x10200] =	vst v63  }
0xdf: {  	_ =	swait.ge [sflag:s4], $0x10000  }
0xe0: {  	[sflag:s4] =	ssyncset.done $0x0  }
0xe1: {  	s0 =	rddreg [dreg:$0x6];
	[sflag:s4] =	ssyncadd.s32 $0xFFFF0000  }
0xe2: {  	[tilespmem:s3], [sflag:$0x2] =	stream.linear.gather [hbm4b:s0+s3], $0x200, $0x38;
	[tilespmem:$0x10200] =	vst v63  }
0xe3: {  	_ =	swait.ge [sflag:s4], $0x200  }
0xe4: {  	[sflag:s4] =	ssyncset.done $0x0  }
0xe5: {  	[sflag:s4] =	ssyncadd.s32 $0xFFFFFE00  }
0xe6: {  	[tilespmem:s5], [sflag:$0x1] =	stream.indirect.gather [hbm4b:s2+s5], $0x80, s3, s5, $0xb8;
	[tilespmem:$0x10200] =	vst v63  }
0xe7: {  	_ =	swait.ge [sflag:s6], $0x10000  }
0xe8: {  	[sflag:s6] =	ssyncset.done $0x0  }
0xe9: {  	s0 =	rddreg [dreg:$0x7];
	[sflag:s6] =	ssyncadd.s32 $0xFFFF0000  }
0xea: {  	[hbm4b:s0+s3] =	stream.linear.scatter [tilespmem:s5], [sflag:$0x2], $0x10000, $0x38;
	[tilespmem:$0x10200] =	vst v63  }
0xeb: {  	_ =	swait.ge [sflag:s4], $0x10000  }
0xec: {  	[sflag:s4] =	ssyncset.done $0x0  }
0xed: {  	s0 =	rddreg [dreg:$0x8];
	[sflag:s4] =	ssyncadd.s32 $0xFFFF0000  }
0xee: {  	[tilespmem:s3], [sflag:$0x2] =	stream.linear.gather [hbm4b:s0+s3], $0x200, $0x38;
	[tilespmem:$0x10200] =	vst v63  }
0xef: {  	_ =	swait.ge [sflag:s4], $0x200  }
0xf0: {  	[sflag:s4] =	ssyncset.done $0x0  }
0xf1: {  	[sflag:s4] =	ssyncadd.s32 $0xFFFFFE00  }
0xf2: {  	[tilespmem:s5], [sflag:$0x1] =	stream.indirect.gather [hbm4b:s2+s5], $0x80, s3, s5, $0xb8;
	[tilespmem:$0x10200] =	vst v63  }
0xf3: {  	_ =	swait.ge [sflag:s6], $0x10000  }
0xf4: {  	[sflag:s6] =	ssyncset.done $0x0  }
0xf5: {  	s0 =	rddreg [dreg:$0x9];
	[sflag:s6] =	ssyncadd.s32 $0xFFFF0000  }
0xf6: {  	[hbm4b:s0+s3] =	stream.linear.scatter [tilespmem:s5], [sflag:$0x2], $0x10000, $0x38;
	[tilespmem:$0x10200] =	vst v63  }
0xf7: {  	_ =	swait.ge [sflag:s4], $0x10000  }
0xf8: {  	[sflag:s4] =	ssyncset.done $0x0  }
0xf9: {  	s0 =	rddreg [dreg:$0xa];
	[sflag:s4] =	ssyncadd.s32 $0xFFFF0000  }
0xfa: {  	[tilespmem:s3], [sflag:$0x2] =	stream.linear.gather [hbm4b:s0+s3], $0x200, $0x38;
	[tilespmem:$0x10200] =	vst v63  }
0xfb: {  	_ =	swait.ge [sflag:s4], $0x200  }
0xfc: {  	[sflag:s4] =	ssyncset.done $0x0  }
0xfd: {  	[sflag:s4] =	ssyncadd.s32 $0xFFFFFE00  }
0xfe: {  	[tilespmem:s5], [sflag:$0x1] =	stream.indirect.gather [hbm4b:s2+s5], $0x80, s3, s5, $0xb8;
	[tilespmem:$0x10200] =	vst v63  }
0xff: {  	_ =	swait.ge [sflag:s6], $0x10000  }
0x100: {  	[sflag:s6] =	ssyncset.done $0x0  }
0x101: {  	s0 =	rddreg [dreg:$0xb];
	[sflag:s6] =	ssyncadd.s32 $0xFFFF0000  }
0x102: {  	[hbm4b:s0+s3] =	stream.linear.scatter [tilespmem:s5], [sflag:$0x2], $0x10000, $0x38;
	[tilespmem:$0x10200] =	vst v63  }
0x103: {  	_ =	swait.ge [sflag:s4], $0x10000  }
0x104: {  	[sflag:s4] =	ssyncset.done $0x0  }
0x105: {  	[sflag:s4] =	ssyncadd.s32 $0xFFFF0000  }
0x106: {  	[tilespmem:s3], [sflag:$0x2] =	stream.linear.gather [hbm4b:s7+s3], $0x200, $0x38;
	[tilespmem:$0x10200] =	vst v63  }
0x107: {  	_ =	swait.ge [sflag:s4], $0x200  }
0x108: {  	[sflag:s4] =	ssyncset.done $0x0  }
0x109: {  	[sflag:s4] =	ssyncadd.s32 $0xFFFFFE00  }
0x10a: {  	[tilespmem:s5], [sflag:$0x1] =	stream.indirect.gather [hbm4b:s2+s5], $0x80, s3, s5, $0xb8;
	[tilespmem:$0x10200] =	vst v63  }
0x10b: {  	_ =	swait.ge [sflag:s6], $0x10000  }
0x10c: {  	[sflag:s6] =	ssyncset.done $0x0  }
0x10d: {  	[sflag:s6] =	ssyncadd.s32 $0xFFFF0000  }
0x10e: {  	[hbm4b:s8+s3] =	stream.linear.scatter [tilespmem:s5], [sflag:$0x2], $0x10000, $0x38;
	[tilespmem:$0x10200] =	vst v63  }
0x10f: {  	_ =	swait.ge [sflag:s4], $0x10000  }
0x110: {  	[sflag:s4] =	ssyncset.done $0x0  }
0x111: {  	[sflag:s4] =	ssyncadd.s32 $0xFFFF0000  }
0x112: {  	[tilespmem:s3], [sflag:$0x2] =	stream.linear.gather [hbm4b:s9+s3], $0x200, $0x38;
	[tilespmem:$0x10200] =	vst v63  }
0x113: {  	_ =	swait.ge [sflag:s4], $0x200  }
0x114: {  	[sflag:s4] =	ssyncset.done $0x0  }
0x115: {  	[sflag:s4] =	ssyncadd.s32 $0xFFFFFE00  }
0x116: {  	[tilespmem:s5], [sflag:$0x1] =	stream.indirect.gather [hbm4b:s2+s5], $0x80, s3, s5, $0xb8;
	[tilespmem:$0x10200] =	vst v63  }
0x117: {  	_ =	swait.ge [sflag:s6], $0x10000  }
0x118: {  	[sflag:s6] =	ssyncset.done $0x0  }
0x119: {  	[sflag:s6] =	ssyncadd.s32 $0xFFFF0000  }
0x11a: {  	[hbm4b:s10+s3] =	stream.linear.scatter [tilespmem:s5], [sflag:$0x2], $0x10000, $0x38;
	[tilespmem:$0x10200] =	vst v63  }
0x11b: {  	_ =	swait.ge [sflag:s4], $0x10000  }
0x11c: {  	[sflag:s4] =	ssyncset.done $0x0  }
0x11d: {  	[sflag:s4] =	ssyncadd.s32 $0xFFFF0000  }
0x11e: {  	[tilespmem:s3], [sflag:$0x2] =	stream.linear.gather [hbm4b:s11+s3], $0x200, $0x38;
	[tilespmem:$0x10200] =	vst v63  }
0x11f: {  	_ =	swait.ge [sflag:s4], $0x200  }
0x120: {  	[sflag:s4] =	ssyncset.done $0x0  }
0x121: {  	[sflag:s4] =	ssyncadd.s32 $0xFFFFFE00  }
0x122: {  	[tilespmem:s5], [sflag:$0x1] =	stream.indirect.gather [hbm4b:s2+s5], $0x80, s3, s5, $0xb8;
	[tilespmem:$0x10200] =	vst v63  }
0x123: {  	_ =	swait.ge [sflag:s6], $0x10000  }
0x124: {  	[sflag:s6] =	ssyncset.done $0x0  }
0x125: {  	[sflag:s6] =	ssyncadd.s32 $0xFFFF0000  }
0x126: {  	[hbm4b:s12+s3] =	stream.linear.scatter [tilespmem:s5], [sflag:$0x2], $0x10000, $0x38;
	[tilespmem:$0x10200] =	vst v63  }
0x127: {  	_ =	swait.ge [sflag:s4], $0x10000  }
0x128: {  	[sflag:s4] =	ssyncset.done $0x0  }
0x129: {  	[sflag:s4] =	ssyncadd.s32 $0xFFFF0000  }
0x12a: {  	[tilespmem:s3], [sflag:$0x2] =	stream.linear.gather [hbm4b:s13+s3], $0x200, $0x38;
	[tilespmem:$0x10200] =	vst v63  }
0x12b: {  	_ =	swait.ge [sflag:s4], $0x200  }
0x12c: {  	[sflag:s4] =	ssyncset.done $0x0  }
0x12d: {  	[sflag:s4] =	ssyncadd.s32 $0xFFFFFE00  }
0x12e: {  	[tilespmem:s5], [sflag:$0x1] =	stream.indirect.gather [hbm4b:s2+s5], $0x80, s3, s5, $0xb8;
	[tilespmem:$0x10200] =	vst v63  }
0x12f: {  	_ =	swait.ge [sflag:s6], $0x10000  }
0x130: {  	[sflag:s6] =	ssyncset.done $0x0  }
0x131: {  	[sflag:s6] =	ssyncadd.s32 $0xFFFF0000  }
0x132: {  	[hbm4b:s14+s3] =	stream.linear.scatter [tilespmem:s5], [sflag:$0x2], $0x10000, $0x38;
	[tilespmem:$0x10200] =	vst v63  }
0x133: {  	_ =	swait.ge [sflag:s4], $0x10000  }
0x134: {  	[sflag:s4] =	ssyncset.done $0x0  }
0x135: {  	[sflag:s4] =	ssyncadd.s32 $0xFFFF0000  }
0x136: {  	[tilespmem:s3], [sflag:$0x2] =	stream.linear.gather [hbm4b:s15+s3], $0x200, $0x38;
	[tilespmem:$0x10200] =	vst v63  }
0x137: {  	_ =	swait.ge [sflag:s4], $0x200  }
0x138: {  	[sflag:s4] =	ssyncset.done $0x0  }
0x139: {  	[sflag:s4] =	ssyncadd.s32 $0xFFFFFE00  }
0x13a: {  	[tilespmem:s5], [sflag:$0x1] =	stream.indirect.gather [hbm4b:s2+s5], $0x80, s3, s5, $0xb8;
	[tilespmem:$0x10200] =	vst v63  }
0x13b: {  	_ =	swait.ge [sflag:s6], $0x10000  }
0x13c: {  	[sflag:s6] =	ssyncset.done $0x0  }
0x13d: {  	[sflag:s6] =	ssyncadd.s32 $0xFFFF0000  }
0x13e: {  	[hbm4b:s16+s3] =	stream.linear.scatter [tilespmem:s5], [sflag:$0x2], $0x10000, $0x38;
	[tilespmem:$0x10200] =	vst v63  }
0x13f: {  	_ =	swait.ge [sflag:s4], $0x10000  }
0x140: {  	[sflag:s4] =	ssyncset.done $0x0  }
0x141: {  	[sflag:s4] =	ssyncadd.s32 $0xFFFF0000  }
0x142: {  	[tilespmem:s3], [sflag:$0x2] =	stream.linear.gather [hbm4b:s17+s3], $0x200, $0x38;
	[tilespmem:$0x10200] =	vst v63  }
0x143: {  	_ =	swait.ge [sflag:s4], $0x200  }
0x144: {  	[sflag:s4] =	ssyncset.done $0x0  }
0x145: {  	[sflag:s4] =	ssyncadd.s32 $0xFFFFFE00  }
0x146: {  	[tilespmem:s5], [sflag:$0x1] =	stream.indirect.gather [hbm4b:s2+s5], $0x80, s3, s5, $0xb8;
	[tilespmem:$0x10200] =	vst v63  }
0x147: {  	_ =	swait.ge [sflag:s6], $0x10000  }
0x148: {  	[sflag:s6] =	ssyncset.done $0x0  }
0x149: {  	[sflag:s6] =	ssyncadd.s32 $0xFFFF0000  }
0x14a: {  	[hbm4b:s18+s3] =	stream.linear.scatter [tilespmem:s5], [sflag:$0x2], $0x10000, $0x38;
	[tilespmem:$0x10200] =	vst v63  }
0x14b: {  	_ =	swait.ge [sflag:s4], $0x10000  }
0x14c: {  	[sflag:s4] =	ssyncset.done $0x0  }
0x14d: {  	[sflag:s4] =	ssyncadd.s32 $0xFFFF0000  }
0x14e: {  	[tilespmem:s3], [sflag:$0x2] =	stream.linear.gather [hbm4b:s19+s3], $0x200, $0x38;
	[tilespmem:$0x10200] =	vst v63  }
0x14f: {  	_ =	swait.ge [sflag:s4], $0x200  }
0x150: {  	[sflag:s4] =	ssyncset.done $0x0  }
0x151: {  	[sflag:s4] =	ssyncadd.s32 $0xFFFFFE00  }
0x152: {  	[tilespmem:s5], [sflag:$0x1] =	stream.indirect.gather [hbm4b:s2+s5], $0x80, s3, s5, $0xb8;
	[tilespmem:$0x10200] =	vst v63  }
0x153: {  	_ =	swait.ge [sflag:s6], $0x10000  }
0x154: {  	[sflag:s6] =	ssyncset.done $0x0  }
0x155: {  	[sflag:s6] =	ssyncadd.s32 $0xFFFF0000  }
0x156: {  	[hbm4b:s20+s3] =	stream.linear.scatter [tilespmem:s5], [sflag:$0x2], $0x10000, $0x38;
	[tilespmem:$0x10200] =	vst v63  }
0x157: {  	_ =	swait.ge [sflag:s4], $0x10000  }
0x158: {  	[sflag:s4] =	ssyncset.done $0x0  }
0x159: {  	[sflag:s4] =	ssyncadd.s32 $0xFFFF0000  }
0x15a: {  	[tilespmem:s3], [sflag:$0x2] =	stream.linear.gather [hbm4b:s21+s3], $0x200, $0x38;
	[tilespmem:$0x10200] =	vst v63  }
0x15b: {  	_ =	swait.ge [sflag:s4], $0x200  }
0x15c: {  	[sflag:s4] =	ssyncset.done $0x0  }
0x15d: {  	[sflag:s4] =	ssyncadd.s32 $0xFFFFFE00  }
0x15e: {  	[tilespmem:s5], [sflag:$0x1] =	stream.indirect.gather [hbm4b:s2+s5], $0x80, s3, s5, $0xb8;
	[tilespmem:$0x10200] =	vst v63  }
0x15f: {  	_ =	swait.ge [sflag:s6], $0x10000  }
0x160: {  	[sflag:s6] =	ssyncset.done $0x0  }
0x161: {  	[sflag:s6] =	ssyncadd.s32 $0xFFFF0000  }
0x162: {  	[hbm4b:s22+s3] =	stream.linear.scatter [tilespmem:s5], [sflag:$0x2], $0x10000, $0x38;
	[tilespmem:$0x10200] =	vst v63  }
0x163: {  	_ =	swait.ge [sflag:s4], $0x10000  }
0x164: {  	[sflag:s4] =	ssyncset.done $0x0  }
0x165: {  	[sflag:s4] =	ssyncadd.s32 $0xFFFF0000  }
0x166: {  	[tilespmem:s3], [sflag:$0x2] =	stream.linear.gather [hbm4b:s23+s3], $0x200, $0x38;
	[tilespmem:$0x10200] =	vst v63  }
0x167: {  	_ =	swait.ge [sflag:s4], $0x200  }
0x168: {  	[sflag:s4] =	ssyncset.done $0x0  }
0x169: {  	[sflag:s4] =	ssyncadd.s32 $0xFFFFFE00  }
0x16a: {  	[tilespmem:s5], [sflag:$0x1] =	stream.indirect.gather [hbm4b:s2+s5], $0x80, s3, s5, $0xb8;
	[tilespmem:$0x10200] =	vst v63  }
0x16b: {  	_ =	swait.ge [sflag:s6], $0x10000  }
0x16c: {  	[sflag:s6] =	ssyncset.done $0x0  }
0x16d: {  	[sflag:s6] =	ssyncadd.s32 $0xFFFF0000  }
0x16e: {  	[hbm4b:s24+s3] =	stream.linear.scatter [tilespmem:s5], [sflag:$0x2], $0x10000, $0x38;
	[tilespmem:$0x10200] =	vst v63  }
0x16f: {  	_ =	swait.ge [sflag:s4], $0x10000  }
0x170: {  	[sflag:s4] =	ssyncset.done $0x0  }
0x171: {  	[sflag:s4] =	ssyncadd.s32 $0xFFFF0000  }
0x172: {  	[tilespmem:s3], [sflag:$0x2] =	stream.linear.gather [hbm4b:s25+s3], $0x200, $0x38;
	[tilespmem:$0x10200] =	vst v63  }
0x173: {  	_ =	swait.ge [sflag:s4], $0x200  }
0x174: {  	[sflag:s4] =	ssyncset.done $0x0  }
0x175: {  	[sflag:s4] =	ssyncadd.s32 $0xFFFFFE00  }
0x176: {  	[tilespmem:s5], [sflag:$0x1] =	stream.indirect.gather [hbm4b:s2+s5], $0x80, s3, s5, $0xb8;
	[tilespmem:$0x10200] =	vst v63  }
0x177: {  	_ =	swait.ge [sflag:s6], $0x10000  }
0x178: {  	[sflag:s6] =	ssyncset.done $0x0  }
0x179: {  	[sflag:s6] =	ssyncadd.s32 $0xFFFF0000  }
0x17a: {  	[hbm4b:s26+s3] =	stream.linear.scatter [tilespmem:s5], [sflag:$0x2], $0x10000, $0x38;
	[tilespmem:$0x10200] =	vst v63  }
0x17b: {  	_ =	swait.ge [sflag:s4], $0x10000  }
0x17c: {  	[sflag:s4] =	ssyncset.done $0x0  }
0x17d: {  	[sflag:s4] =	ssyncadd.s32 $0xFFFF0000  }
0x17e: {  	[tilespmem:s3], [sflag:$0x2] =	stream.linear.gather [hbm4b:s28+s3], $0x200, $0x38;
	[tilespmem:$0x10200] =	vst v63  }
0x17f: {  	_ =	swait.ge [sflag:s4], $0x200  }
0x180: {  	[sflag:s4] =	ssyncset.done $0x0  }
0x181: {  	[sflag:s4] =	ssyncadd.s32 $0xFFFFFE00  }
0x182: {  	[tilespmem:s5], [sflag:$0x1] =	stream.indirect.gather [hbm4b:s2+s5], $0x80, s3, s5, $0xb8;
	[tilespmem:$0x10200] =	vst v63  }
0x183: {  	_ =	swait.ge [sflag:s6], $0x10000  }
0x184: {  	[sflag:s6] =	ssyncset.done $0x0  }
0x185: {  	[sflag:s6] =	ssyncadd.s32 $0xFFFF0000  }
0x186: {  	[hbm4b:s29+s3] =	stream.linear.scatter [tilespmem:s5], [sflag:$0x2], $0x10000, $0x38;
	[tilespmem:$0x10200] =	vst v63  }
0x187: {  	_ =	swait.ge [sflag:s4], $0x10000  }
0x188: {  	[sflag:s4] =	ssyncset.done $0x0  }
0x189: {  	[sflag:s4] =	ssyncadd.s32 $0xFFFF0000  }
0x18a: {  	[tilespmem:s3], [sflag:$0x2] =	stream.linear.gather [hbm4b:s30+s3], $0x200, $0x38;
	[tilespmem:$0x10200] =	vst v63  }
0x18b: {  	_ =	swait.ge [sflag:s4], $0x200  }
0x18c: {  	[sflag:s4] =	ssyncset.done $0x0  }
0x18d: {  	p0 =	sne.s32 s1, $0x1;
	[sflag:s4] =	ssyncadd.s32 $0xFFFFFE00  }
0x18e: {  	[tilespmem:s5], [sflag:$0x1] =	stream.indirect.gather [hbm4b:s2+s5], $0x80, s3, s5, $0xb8;
	[tilespmem:$0x10200] =	vst v63  }
.Ltmp1:
0x18f: {  	_ =	swait.ge [sflag:s6], $0x10000;
	(pc) =	sbr.rel @p0 .LBB2_1-.Ltmp1, $4  }
0x190: {  	[sflag:s6] =	ssyncset.done $0x0  }
0x191: {  	[sflag:s6] =	ssyncadd.s32 $0xFFFF0000  }
0x192: {  	[hbm4b:s31+s3] =	stream.linear.scatter [tilespmem:s5], [sflag:$0x2], $0x10000, $0x38;
	[tilespmem:$0x10200] =	vst v63  }
0x193: {  	s1 =	sadd.s32 $0xFFFFFFFF, s1;
	_ =	swait.ge [sflag:s4], $0x10000  }
.LBB2_2:
0x194: {  	[sflag:s4] =	ssyncset.done $0x0  }
0x195: {  	[sflag:s4] =	ssyncadd.s32 $0xFFFF0000  }
0x196: {  	_ =	sfence.sel $0x180000  }
0x197: {  	[bflag:$0x0] =	sbarrier.arrive $0xFFFF  }
0x198: {  	_ =	strace $0x9000004D  }
0x199: {  	s0 =	stileid.u32;
	[bflag:$0x2] =	sbarrier.arrive $0xFFFF  }
0x19a: {  	p0 =	sne.s32 s0, $0x0;
	s0 =	rddreg [dreg:$0x3]  }
0x19b: {  	s0 =	sadd.s32 @!p0 $0x100000, s0  }
0x19c: {  	[sflag:s0] =	ssyncadd.tile.s32 @!p0 $0x1;
	_ =	shalt  }
.Lfunc_end2:
_tile_overlayer_lowered:
.L_overlay_start_2:
0x19d: {  	(tag) =	ssettag $0x2  }
0x19e: {  	s0 =	rddreg [dreg:$0x0];
	s2 =	stileid.u32  }
0x19f: {  	s1 =	rddreg [dreg:$0x1];
	p0 =	sne.s32 s2, $0x0  }
0x1a0: {  	s3 =	rddreg [dreg:$0x2];
	[bflag:$0x3] =	sbarrier.arrive $0xFFFF;
	s2 =	simm.s32 @!p0 $0x1C02  }
0x1a1: {  	[timem:s3], [sflag:s2] =	dma.local @!p0 [hbm:s0], s1  }
0x1a2: {  	s0 =	simm.s32 @!p0 $0x2  }
0x1a3: {  	_ =	swait.ge @!p0 [sflag:s0], s1  }
0x1a4: {  	s1 =	ssub.s32 @!p0 $0x0, s1;
	[sflag:s0] =	ssyncset.done @!p0 $0x0  }
0x1a5: {  	[sflag:s0] =	ssyncadd.s32 @!p0 s1  }
0x1a6: {  	[bflag:$0x3] =	sbarrier.arrive $0xFFFF  }
0x1a7: {  	_ =	shalt  }

// kernel: kernel.14.cloned.1.call-start
scs
__scs_entry_jumppad:
0x0: {  	(pc) =	sbr.rel $0x88, $3  }
0x1: {  	(tag) =	ssettag $0x0;
	lr =	simm.s32 $0x1  }
0x2: {  	[smem:$0x3F86] =	sst lr;
	_ =	strace $0xD0000000  }
0x3: {  	_ = 	snop  }
0x4: {  	_ = 	snop  }
0x5: {  	_ = 	snop  }
0x6: {  	_ = 	snop  }
0x7: {  	_ = 	snop  }
__scs_overlays_trampoline_lowered:
0x8: {  	[smem:$0x3F95] =	sst s0  }
0x9: {  	[smem:$0x3F96] =	sst s1  }
0xa: {  	[smem:$0x3F97] =	sst s2  }
0xb: {  	[smem:$0x3F98] =	sst s3  }
0xc: {  	[smem:$0x3F99] =	sst s4  }
0xd: {  	[smem:$0x3F9A] =	sst s5  }
0xe: {  	[smem:$0x3F9B] =	sst s6  }
0xf: {  	[smem:$0x3F9C] =	sst s7  }
0x10: {  	[smem:$0x3F9D] =	sst s8  }
0x11: {  	[smem:$0x3F9E] =	sst s9;
	s0 =	simm.s32 @!p0 $0x0  }
0x12: {  	s1 =	sld [smem:$0x3F84];
	s0 =	simm.s32 @p0 $0x1  }
0x13: {  	[smem:$0x3F9F] =	sst s0;
	s0 =	simm.s32 @!p1 $0x0  }
0x14: {  	s2 =	sld [smem:$0x3F83];
	s0 =	simm.s32 @p1 $0x1  }
0x15: {  	[smem:$0x3FA0] =	sst s0;
	s0 =	simm.s32 @!p2 $0x0  }
0x16: {  	s3 =	sld [smem:$0x3FDB];
	s0 =	simm.s32 @p2 $0x1  }
0x17: {  	s4 =	simm.s32 $0x1BF5;
	[smem:$0x3FA2] =	sst s0  }
0x18: {  	s0 =	sld [smem:$0x3F85];
	_ =	swait.ge [sflag:s4], $0x0  }
0x19: {  	s7 =	sld [smem:$0x3F86]  }
0x1a: {  	s8 =	sadd.s32 $0xFFFFE003, lr  }
0x1b: {  	s9 =	sadd.s32 $0xFFFFFEF7, lr;
	s5 =	simm.s32 $0xFFFFFFFF;
	p2 =	slt.u32 s8, $0xFFFFF086  }
0x1c: {  	p1 =	slt.u32 s9, $0xF7A;
	s5 =	simm.s32 @!p2 $0x0  }
0x1d: {  	s5 =	simm.s32 @p1 $0x1;
	p0 =	seq.s32 s7, s2  }
0x1e: {  	s7 =	smul.u32 @!p0 $0xF7A, s2;
	p2 =	seq.s32 @!p0 s5, $0x0  }
0x1f: {  	s9 =	smul.u32 $0xF7A, s1;
	s8 =	simm.s32 @!p0 $0x1BF5;
	p2 =	por !p2, p0  }
0x20: {  	[sflag:s8] =	ssyncset.s32 @!p0 $0xFFFFF086;
	s6 =	sadd.s32 @!p0 s3, s7;
	s7 =	simm.s32 @!p0 $0x108  }
0x21: {  	s3 =	sadd.s32 s3, s9;
	s6 =	sadd.s32 @!p0 $0x88, s6;
	s7 =	simm.s32 @p2 $0x1082  }
0x22: {  	[simem:s7], [sflag:s8] =	dma.local @!p0 [hbm:s6], $0xF7A  }
0x23: {  	s9 =	sor.u32 $0xD0000000, s2;
	s6 =	simm.s32 $0x108;
	_ =	swait.ge @!p0 [sflag:s8], $0x0  }
0x24: {  	s3 =	sadd.s32 $0x88, s3;
	s6 =	simm.s32 @!p1 $0x1082;
	[sflag:s4] =	ssyncset.s32 $0xFFFFF086  }
0x25: {  	[simem:s6], [sflag:s4] =	dma.local [hbm:s3], $0xF7A  }
0x26: {  	[smem:$0x3F86] =	sst s1;
	(tag) =	ssettag s2;
	_ =	strace s9  }
0x27: {  	s1 =	sld [smem:$0x3F96]  }
0x28: {  	s2 =	sld [smem:$0x3F97]  }
0x29: {  	s4 =	sld [smem:$0x3F99]  }
0x2a: {  	p0 =	seq.s32 s5, $0x0;
	s5 =	sld [smem:$0x3F9A]  }
0x2b: {  	s6 =	sld [smem:$0x3F9B]  }
0x2c: {  	s7 =	sld [smem:$0x3F9C]  }
0x2d: {  	s3 =	simm.s32 $0x108;
	s8 =	sld [smem:$0x3F9D]  }
0x2e: {  	s3 =	simm.s32 @!p0 $0x1082;
	s9 =	sld [smem:$0x3F9E]  }
0x2f: {  	lr =	sadd.s32 s0, s3;
	s0 =	sld [smem:$0x3F95]  }
0x30: {  	s3 =	sld [smem:$0x3F98]  }
0x31: {  	[smem:$0x3FA1] =	sst s10  }
0x32: {  	s10 =	sld [smem:$0x3F9F];
	_ =	sdelay $0x3  }
0x33: {  	p0 =	seq.s32 s10, $0x1;
	s10 =	sld [smem:$0x3FA1];
	_ =	sdelay $0x3  }
0x34: {  	[smem:$0x3FA1] =	sst s10  }
0x35: {  	s10 =	sld [smem:$0x3FA0];
	_ =	sdelay $0x3  }
0x36: {  	p1 =	seq.s32 s10, $0x1;
	s10 =	sld [smem:$0x3FA1];
	_ =	sdelay $0x3  }
0x37: {  	[smem:$0x3FA1] =	sst s10  }
0x38: {  	s10 =	sld [smem:$0x3FA2]  }
0x39: {  	_ = 	snop;
	(pc) =	sbr.ind lr, $3  }
0x3a: {  	_ = 	snop  }
0x3b: {  	_ = 	snop  }
0x3c: {  	p2 =	seq.s32 s10, $0x1;
	s10 =	sld [smem:$0x3FA1]  }
0x3d: {  	_ =	shalt  }
0x3e: {  	_ =	shalt  }
0x3f: {  	_ =	shalt  }
0x40: {  	_ =	shalt  }
0x41: {  	_ =	shalt  }
0x42: {  	_ =	shalt  }
0x43: {  	_ =	shalt  }
0x44: {  	_ =	shalt  }
0x45: {  	_ =	shalt  }
0x46: {  	_ =	shalt  }
0x47: {  	_ =	shalt  }
0x48: {  	_ =	shalt  }
0x49: {  	_ =	shalt  }
0x4a: {  	_ =	shalt  }
0x4b: {  	_ =	shalt  }
0x4c: {  	_ =	shalt  }
0x4d: {  	_ =	shalt  }
0x4e: {  	_ =	shalt  }
0x4f: {  	_ =	shalt  }
0x50: {  	_ =	shalt  }
0x51: {  	_ =	shalt  }
0x52: {  	_ =	shalt  }
0x53: {  	_ =	shalt  }
0x54: {  	_ =	shalt  }
0x55: {  	_ =	shalt  }
0x56: {  	_ =	shalt  }
0x57: {  	_ =	shalt  }
0x58: {  	_ =	shalt  }
0x59: {  	_ =	shalt  }
0x5a: {  	_ =	shalt  }
0x5b: {  	_ =	shalt  }
0x5c: {  	_ =	shalt  }
0x5d: {  	_ =	shalt  }
0x5e: {  	_ =	shalt  }
0x5f: {  	_ =	shalt  }
0x60: {  	_ =	shalt  }
0x61: {  	_ =	shalt  }
0x62: {  	_ =	shalt  }
0x63: {  	_ =	shalt  }
0x64: {  	_ =	shalt  }
0x65: {  	_ =	shalt  }
0x66: {  	_ =	shalt  }
0x67: {  	_ =	shalt  }
0x68: {  	_ =	shalt  }
0x69: {  	_ =	shalt  }
0x6a: {  	_ =	shalt  }
0x6b: {  	_ =	shalt  }
0x6c: {  	_ =	shalt  }
0x6d: {  	_ =	shalt  }
0x6e: {  	_ =	shalt  }
0x6f: {  	_ =	shalt  }
0x70: {  	_ =	shalt  }
0x71: {  	_ =	shalt  }
0x72: {  	_ =	shalt  }
0x73: {  	_ =	shalt  }
0x74: {  	_ =	shalt  }
0x75: {  	_ =	shalt  }
0x76: {  	_ =	shalt  }
0x77: {  	_ =	shalt  }
0x78: {  	_ =	shalt  }
0x79: {  	_ =	shalt  }
0x7a: {  	_ =	shalt  }
0x7b: {  	_ =	shalt  }
0x7c: {  	_ =	shalt  }
0x7d: {  	_ =	shalt  }
0x7e: {  	_ =	shalt  }
0x7f: {  	_ =	shalt  }
0x80: {  	_ =	shalt  }
0x81: {  	_ =	shalt  }
0x82: {  	_ =	shalt  }
0x83: {  	_ =	shalt  }
0x84: {  	_ =	shalt  }
0x85: {  	_ =	shalt  }
0x86: {  	_ =	shalt  }
0x87: {  	_ =	shalt  }
.Lfunc_end0:
.L_simem_size_0:
called_computation.3_lowered:
.L_overlay_start_0:
0x88: {  	s2 =	sld [smem:$0x3FD9]  }
0x89: {  	s3 =	sld [smem:$0x3FFE];
	_ =	sdelay $0x1  }
0x8a: {  	s1 =	srdreg.scid  }
0x8b: {  	s0 =	sand.u32 $0x1, s1  }
0x8c: {  	s14 =	sshll.u32 s0, $0xA;
	s2 =	sadd.s32 s3, s2  }
0x8d: {  	s2 =	sadd.s32 s2, s14  }
0x8e: {  	[smem:$0x3FAD] =	sst s2  }
0x8f: {  	_ = 	snop  }
0x90: {  	s2 =	sld [smem:$0x3FD0];
	_ =	sdelay $0x2  }
0x91: {  	s15 =	simm.s32 $0xC;
	s4 =	simm.s32 $0x10  }
0x92: {  	[smem:s4], [sflag:s15] =	dma.local [hbm:s2], $0x1  }
0x93: {  	_ =	swait.eq [sflag:s15], $0x1  }
0x94: {  	s16 =	sld [smem:$0x10];
	[sflag:s15] =	ssyncset.done $0x0  }
0x95: {  	s17 =	sld [smem:$0x11];
	[sflag:s15] =	ssyncadd.s32 $0xFFFFFFFF  }
0x96: {  	s18 =	sld [smem:$0x12];
	(tm) =	ssettm $0x1  }
0x97: {  	s5 =	sld [smem:$0x3FFB];
	_ =	sdelay $0x3  }
0x98: {  	_ =	strace s5  }
0x99: {  	s5 =	sld [smem:$0x3FFC];
	_ =	sdelay $0x3  }
0x9a: {  	_ =	strace s5  }
0x9b: {  	s5 =	sld [smem:$0x3FFD];
	_ =	sdelay $0x3  }
0x9c: {  	_ =	strace s5  }
0x9d: {  	_ =	strace $0x8FFFFFFF  }
0x9e: {  	s19 =	sld [smem:$0x3FDB];
	_ =	sdelay $0x1  }
0x9f: {  	s6 =	simm.s32 $_scs_section_size  }
0xa0: {  	s7 =	simm.s32 $_size__tile_overlayer_lowered;
	s8 =	simm.s32 $_tile_overlayer_lowered  }
0xa1: {  	s22 =	simm.s32 $0x1BFF;
	s21 =	sshll.u32 s8, $0x1;
	s5 =	sadd.s32 s6, s19  }
0xa2: {  	s9 =	simm.s32 $0x0;
	s20 =	sshll.u32 s7, $0x1;
	s7 =	sadd.s32 s21, s5  }
0xa3: {  	[timem:s9], [sflag:s22] =	dma.local [hbm:s7], s20  }
0xa4: {  	_ =	swait.ge [sflag:s22], s20  }
0xa5: {  	s6 =	ssub.s32 $0x0, s20;
	[sflag:s22] =	ssyncset.done $0x0  }
0xa6: {  	[sflag:s22] =	ssyncadd.s32 s6;
	_ =	sdelay $0x1  }
0xa7: {  	s23 =	simm.s32 $0x1B8B  }
0xa8: {  	_ =	swait.ge [sflag:s23], $0x1  }
0xa9: {  	[sflag:s23] =	ssyncset.done $0x0  }
0xaa: {  	s25 =	simm.s32 $0x1B8E;
	s24 =	sld [smem:$0x3FFE];
	[sflag:s23] =	ssyncadd.s32 $0xFFFFFFFF  }
0xab: {  	s26 =	simm.s32 $execute0_lowered;
	[smem:$0x3FD2] =	sst s25  }
0xac: {  	s7 =	sshll.u32 s26, $0x1;
	_ =	strace $0x8000004F;
	[dreg:$0x1] =	wrdreg $0xFFFFFFFF  }
0xad: {  	s28 =	simm.s32 $_size_execute0_lowered;
	s5 =	sadd.s32 s5, s7;
	[dreg:$0x0] =	wrdreg $0x0  }
0xae: {  	s7 =	sshll.u32 s28, $0x1;
	[dreg:$0x2] =	wrdreg s5  }
0xaf: {  	[dreg:$0x3] =	wrdreg s7  }
0xb0: {  	[dreg:$0x4] =	wrdreg $0xC0  }
0xb1: {  	_ =	task [dreg:s9], $0x5FFFF  }
0xb2: {  	[dreg:$0x1] =	wrdreg $0xFFFFFFFF  }
0xb3: {  	[dreg:$0x0] =	wrdreg $0x60  }
0xb4: {  	[dreg:$0x2] =	wrdreg s17  }
0xb5: {  	[dreg:$0x3] =	wrdreg s18  }
0xb6: {  	[dreg:$0x4] =	wrdreg s24  }
0xb7: {  	[dreg:$0x5] =	wrdreg s16  }
0xb8: {  	[dreg:$0x6] =	wrdreg $0x0  }
0xb9: {  	[dreg:$0x7] =	wrdreg $0x9  }
0xba: {  	_ =	task.clear_ibuf [dreg:s9], $0x8FFFF;
	_ =	strace $0x9000004F  }
0xbb: {  	s29 =	simm.s32 $0x9;
	_ =	strace $0x80000051  }
0xbc: {  	_ =	swait.ge [sflag:s29], $0x1  }
0xbd: {  	[sflag:s29] =	ssyncadd.s32 $0xFFFFFFFF  }
0xbe: {  	_ =	strace $0x90000051  }
0xbf: {  	_ =	sfence  }
0xc0: {  	s30 =	sld [smem:$0x0];
	_ =	sdelay $0x2  }
0xc1: {  	s31 =	sshll.u32 s1, $0xD;
	s1 =	sshrl.u32 s1, $0x2  }
0xc2: {  	s3 =	sand.u32 $0x4000, s31;
	s1 =	sadd.s32 s1, s30  }
0xc3: {  	s0 =	sor.u32 s3, s0;
	s1 =	sshll.u32 s1, $0x11  }
0xc4: {  	s0 =	sor.u32 s1, s0  }
0xc5: {  	s0 =	sadd.s32 $0x8F2B, s0  }
0xc6: {  	[sflag:s0] =	ssyncadd.remote.s32 $0x1  }
0xc7: {  	_ =	sfence.sel $0xFFFF  }
0xc8: {  	[dreg:$0x0] =	wrdreg $0xFFFFFFFF;
	(pc) =	sbr.abs _section_cstart, $3  }
0xc9: {  	[dreg:$0x1] =	wrdreg $0xFFFFFFFF  }
0xca: {  	_ =	task.clear_ibuf [dreg:s9], $0x2FFFF;
	_ =	strace $0x9FFFFFFF  }
0xcb: {  	(tm) =	ssettm $0x7FFFFFFF  }
tec
execute0_lowered:
.L_overlay_start_1:
0x0: {  	(tag) =	ssettag $0x1  }
0x1: {  	s1 =	rddreg [dreg:$0x0]  }
0x2: {  	s2 =	rddreg [dreg:$0x1]  }
0x3: {  	s0 =	rddreg [dreg:$0x2]  }
0x4: {  	s4 =	rddreg [dreg:$0x4];
	s6 =	simm.s32 $0x0;
	s5 =	stileid.u32  }
0x5: {  	s11 =	srdreg.scid;
	s28 =	simm.s32 $0x18000;
	s29 =	simm.s32 $0x2  }
0x6: {  	s30 =	simm.s32 $0x1A000;
	s31 =	simm.s32 $0x80;
	[smem:$0x7FF] =	sst s6  }
0x7: {  	s7 =	sadd.s32 $0x2800, s0;
	s3 =	sadd.s32 $0x2600, s0;
	s8 =	smul.u32 $0x60000, s5  }
0x8: {  	s9 =	sadd.s32 $0x2200, s0;
	s12 =	smul.u32 $0x2F80, s5;
	s13 =	sadd.s32 $0x2400, s0  }
0x9: {  	_ =	strace $0x80000050;
	[dreg:$0x6] =	wrdreg s3;
	s8 =	sshrl.u32 s8, $0x2  }
0xa: {  	[dreg:$0x7] =	wrdreg s9;
	s0 =	sadd.s32 s12, s0;
	s12 =	sadd.s32 s8, s4  }
0xb: {  	s10 =	sand.u32 $0x1, s11;
	[dreg:$0x8] =	wrdreg s13;
	s8 =	sadd.s32 $0x2000, s12  }
0xc: {  	s19 =	smul.u32 $0x5F000, s5;
	s16 =	sadd.s32 $0x4000, s12;
	[dreg:$0x9] =	wrdreg s8  }
0xd: {  	s14 =	ssub.s32 $0x2, s10;
	s17 =	sadd.s32 $0x6000, s12;
	[dreg:$0xa] =	wrdreg s16  }
0xe: {  	s9 =	simm.s32 $0x1A100;
	s18 =	sadd.s32 $0x8000, s12;
	[dreg:$0xb] =	wrdreg s17  }
0xf: {  	s13 =	simm.s32 $0x0;
	s20 =	sadd.s32 $0xA000, s12;
	[dreg:$0xc] =	wrdreg s18  }
0x10: {  	s15 =	sshrl.u32 s14, $0x1;
	s21 =	sadd.s32 $0xC000, s12;
	[dreg:$0xd] =	wrdreg s20  }
0x11: {  	s3 =	ssub.s32 s14, s15;
	s22 =	sadd.s32 $0xE000, s12;
	[dreg:$0xe] =	wrdreg s21  }
0x12: {  	v0 =	vlaneseq.u32;
	s23 =	sadd.s32 $0x10000, s12;
	s24 =	sadd.s32 $0x12000, s12;
	[dreg:$0xf] =	wrdreg s22  }
.Ltmp0:
0x13: {  	v1 =	vor.u32 $0x2F80, v0;
	v2 =	vor.u32 $0x2F90, v0;
	v3 =	vor.u32 $0x10, v0;
	s25 =	sadd.s32 $0x14000, s12;
	[dreg:$0x10] =	wrdreg s23;
	(pc) =	sbr.rel .LBB2_1-.Ltmp0, $4  }
0x14: {  	v4 =	vor.u32 $0x2FA0, v0;
	v5 =	vor.u32 $0x20, v0;
	v6 =	vor.u32 $0x2FB0, v0;
	s26 =	smax.u32 s3, $0x1;
	s3 =	simm.s32 $0x1;
	[dreg:$0x11] =	wrdreg s24  }
0x15: {  	v7 =	vor.u32 $0x30, v0;
	v8 =	vor.u32 $0x2FC0, v0;
	v9 =	vor.u32 $0x40, v0;
	s8 =	sshrl.u32 s19, $0x2;
	[dreg:$0x12] =	wrdreg s25;
	s23 =	sadd.s32 $0x9600, s0  }
0x16: {  	v10 =	vor.u32 $0x2FD0, v0;
	v11 =	vor.u32 $0x50, v0;
	v12 =	vor.u32 $0x2FE0, v0;
	[dreg:$0x13] =	wrdreg s26;
	s26 =	sadd.s32 $0x16000, s12;
	s8 =	sadd.s32 s8, s4  }
0x17: {  	v13 =	vor.u32 $0x60, v0;
	v14 =	vor.u32 $0x2FF0, v0;
	v15 =	vor.u32 $0x70, v0;
	s0 =	simm.s32 $0x1A080;
	s25 =	sshrl.u32 s8, $0x3;
	s8 =	simm.s32 $0x1A180  }
.LBB2_21:
0x18: {  	s13 =	rddreg [dreg:$0x14]  }
0x19: {  	s11 =	rddreg [dreg:$0x13];
	s13 =	sadd.s32 $0x1, s13  }
0x1a: {  	p0 =	sne.s32 s13, s11  }
.Ltmp1:
0x1b: {  	_ = 	snop;
	(pc) =	sbr.rel @!p0 .LBB2_22-.Ltmp1, $1  }
0x1c: {  	_ =	sdelay $0x3  }
.LBB2_1:
0x1d: {  	[dreg:$0x14] =	wrdreg s13  }
0x1e: {  	s11 =	rddreg [dreg:$0x3]  }
0x1f: {  	[tilespmem:s28], [sflag:$0x2] =	stream.linear.gather [hbm4b:s11+s6], $0x2000, $0x38;
	[tilespmem:$0x1E300] =	vst v63  }
0x20: {  	_ =	swait.ge [sflag:s29], $0x2000  }
0x21: {  	[sflag:s29] =	ssyncset.done $0x0  }
0x22: {  	s19 =	simm.s32 $0x1E180;
	s18 =	rddreg [dreg:$0x6];
	[sflag:s29] =	ssyncadd.s32 $0xFFFFE000  }
0x23: {  	[tilespmem:s19], [sflag:$0x2] =	stream.linear.gather [hbm4b:s18+s6], $0x80, $0x38;
	[tilespmem:$0x1E300] =	vst v63  }
0x24: {  	_ =	swait.ge [sflag:s29], $0x80  }
0x25: {  	[sflag:s29] =	ssyncset.done $0x0  }
0x26: {  	s21 =	simm.s32 $0x1E200;
	s20 =	rddreg [dreg:$0x7];
	[sflag:s29] =	ssyncadd.s32 $0xFFFFFF80  }
0x27: {  	[tilespmem:s21], [sflag:$0x2] =	stream.linear.gather [hbm4b:s20+s6], $0x80, $0x38;
	[tilespmem:$0x1E300] =	vst v63  }
0x28: {  	_ =	swait.ge [sflag:s29], $0x80  }
0x29: {  	s24 =	simm.s32 $0x1E280;
	[sflag:s29] =	ssyncset.done $0x0  }
.Ltmp2:
0x2a: {  	s22 =	rddreg [dreg:$0x8];
	[sflag:s29] =	ssyncadd.s32 $0xFFFFFF80;
	(pc) =	sbr.rel .LBB2_2-.Ltmp2, $4  }
0x2b: {  	[tilespmem:s24], [sflag:$0x2] =	stream.linear.gather [hbm4b:s22+s6], $0x80, $0x38;
	[tilespmem:$0x1E300] =	vst v63  }
0x2c: {  	_ =	swait.ge [sflag:s29], $0x80  }
0x2d: {  	[sflag:s29] =	ssyncset.done $0x0  }
0x2e: {  	s24 =	simm.s32 $0x0;
	[sflag:s29] =	ssyncadd.s32 $0xFFFFFF80  }
.LBB2_13:
0x2f: {  	v16 =	vimm.s32 $0x0  }
0x30: {  	v16 =	vsel vm14, $0xFFFFFFFF, v16  }
0x31: {  	[tilespmem:$0x1FD10] =	vst v16;
	v16 =	vimm.s32 $0x0  }
0x32: {  	v16 =	vsel vm15, $0xFFFFFFFF, v16  }
0x33: {  	[tilespmem:$0x1FD20] =	vst v16;
	v16 =	vimm.s32 $0x0  }
0x34: {  	v16 =	vsel vm6, $0xFFFFFFFF, v16  }
0x35: {  	[tilespmem:$0x1FD30] =	vst v16;
	v16 =	vimm.s32 $0x0  }
0x36: {  	v16 =	vsel vm9, $0xFFFFFFFF, v16  }
0x37: {  	[tilespmem:$0x1FD40] =	vst v16;
	v16 =	vimm.s32 $0x0  }
0x38: {  	v16 =	vsel vm10, $0xFFFFFFFF, v16  }
0x39: {  	[tilespmem:$0x1FD50] =	vst v16;
	v16 =	vimm.s32 $0x0  }
0x3a: {  	v16 =	vsel vm4, $0xFFFFFFFF, v16  }
0x3b: {  	[tilespmem:$0x1FD60] =	vst v16;
	v16 =	vimm.s32 $0x0  }
0x3c: {  	v16 =	vsel vm5, $0xFFFFFFFF, v16  }
0x3d: {  	[tilespmem:$0x1FD70] =	vst v16;
	v16 =	vimm.s32 $0x0  }
0x3e: {  	v16 =	vsel vm7, $0xFFFFFFFF, v16  }
0x3f: {  	[tilespmem:$0x1FD80] =	vst v16;
	v16 =	vimm.s32 $0x0  }
0x40: {  	v16 =	vsel vm3, $0xFFFFFFFF, v16  }
0x41: {  	[tilespmem:$0x1FD90] =	vst v16;
	v16 =	vimm.s32 $0x0  }
0x42: {  	v16 =	vsel vm2, $0xFFFFFFFF, v16  }
0x43: {  	[tilespmem:$0x1FDA0] =	vst v16;
	v16 =	vimm.s32 $0x0  }
0x44: {  	v16 =	vsel vm8, $0xFFFFFFFF, v16  }
0x45: {  	[tilespmem:$0x1FDB0] =	vst v16;
	v16 =	vimm.s32 $0x0  }
0x46: {  	v16 =	vsel vm1, $0xFFFFFFFF, v16  }
0x47: {  	[tilespmem:$0x1FDC0] =	vst v16  }
.LBB2_18:
0x48: {  	_ =	swait.ge @p0 [sflag:s29], $0x80  }
0x49: {  	[sflag:s29] =	ssyncset.done @p0 $0x0  }
0x4a: {  	[sflag:s29] =	ssyncadd.s32 @p0 $0xFFFFFF80  }
0x4b: {  	v16 =	vld @p0 [tilespmem:$0x1A060];
	_ =	sdelay $0x1  }
0x4c: {  	v17 =	vld @p0 [tilespmem:$0x1A040]  }
0x4d: {  	v18 =	vld @p0 [tilespmem:$0x1A000]  }
0x4e: {  	v19 =	vld @p0 [tilespmem:$0x1A050]  }
0x4f: {  	vm3 =	vmand @p0 vm2, vm3;
	v20 =	vshra.s32 @p0 v16, $0xE  }
0x50: {  	v16 =	vand.u32 @p0 $0x3FFF, v16;
	v20 =	vsel @p0 vm3, v20, v13  }
0x51: {  	vm2 =	vmand @p0 vm13, vm14;
	v22 =	vld @p0 [tilespmem:$0x1A010];
	v16 =	vsel @p0 vm3, v16, v12;
	[tilespmem:$0x1A0E0] =	vst @p0 v20;
	v20 =	vand.u32 @p0 $0x3FFF, v17  }
0x52: {  	v21 =	vld @p0 [tilespmem:$0x1A020];
	vm3 =	vmand @p0 vm4, vm8;
	[tilespmem:$0x1A160] =	vst @p0 v16;
	v16 =	vand.u32 @p0 $0x3FFF, v18;
	v20 =	vsel @p0 vm2, v20, v8  }
0x53: {  	v23 =	vld @p0 [tilespmem:$0x1A070];
	vm4 =	vmand @p0 vm9, vm11;
	v16 =	vsel @p0 vm3, v16, v1;
	[tilespmem:$0x1A140] =	vst @p0 v20;
	v20 =	vand.u32 @p0 $0x3FFF, v19  }
0x54: {  	[tilespmem:$0x1A100] =	vst @p0 v16;
	v16 =	vshra.s32 @p0 v18, $0xE;
	v18 =	vsel @p0 vm4, v20, v10  }
0x55: {  	v19 =	vshra.s32 @p0 v19, $0xE;
	v16 =	vsel @p0 vm3, v16, v0;
	[tilespmem:$0x1A150] =	vst @p0 v18  }
0x56: {  	vm0 =	vmand @p0 vm0, vm1;
	v20 =	vand.u32 @p0 $0x3FFF, v22;
	v18 =	vsel @p0 vm4, v19, v11;
	[tilespmem:$0x1A080] =	vst @p0 v16  }
0x57: {  	vm3 =	vmand @p0 vm12, vm10;
	v16 =	vand.u32 @p0 $0x3FFF, v21;
	v20 =	vsel @p0 vm0, v20, v2;
	[tilespmem:$0x1A0D0] =	vst @p0 v18  }
0x58: {  	vm1 =	vmand @p0 vm6, vm7;
	v19 =	vld @p0 [tilespmem:$0x1A030];
	v16 =	vsel @p0 vm3, v16, v4;
	v18 =	vshra.s32 @p0 v23, $0xE;
	[tilespmem:$0x1A110] =	vst @p0 v20  }
0x59: {  	[tilespmem:$0x1A120] =	vst @p0 v16;
	v16 =	vshra.s32 @p0 v17, $0xE;
	v17 =	vsel @p0 vm1, v18, v15  }
0x5a: {  	v18 =	vshra.s32 @p0 v22, $0xE;
	v16 =	vsel @p0 vm2, v16, v9;
	[tilespmem:$0x1A0F0] =	vst @p0 v17  }
0x5b: {  	v17 =	vsel @p0 vm0, v18, v3;
	v18 =	vshra.s32 @p0 v21, $0xE;
	[tilespmem:$0x1A0C0] =	vst @p0 v16  }
0x5c: {  	v16 =	vsel @p0 vm3, v18, v5;
	[tilespmem:$0x1A090] =	vst @p0 v17;
	v17 =	vand.u32 @p0 $0x3FFF, v23  }
0x5d: {  	vm0 =	vmand @p0 vm15, vm5;
	v18 =	vshra.s32 @p0 v19, $0xE;
	[tilespmem:$0x1A0A0] =	vst @p0 v16;
	v16 =	vsel @p0 vm1, v17, v14  }
0x5e: {  	v17 =	vand.u32 @p0 $0x3FFF, v19;
	v18 =	vsel @p0 vm0, v18, v7;
	[tilespmem:$0x1A170] =	vst @p0 v16  }
0x5f: {  	v17 =	vsel @p0 vm0, v17, v6;
	[tilespmem:$0x1A0B0] =	vst @p0 v18  }
0x60: {  	[tilespmem:$0x1A130] =	vst @p0 v17  }
0x61: {  	[tilespmem:s8], [sflag:$0x1] =	stream.indirect.gather @p0 [hbm4b:s2+s31], $0x80, s0, s31, $0xb8;
	[tilespmem:$0x1E300] =	vst v63  }
0x62: {  	_ =	swait.ge @p0 [sflag:s3], $0x4000  }
0x63: {  	[sflag:s3] =	ssyncset.done @p0 $0x0  }
0x64: {  	[sflag:s3] =	ssyncadd.s32 @p0 $0xFFFFC000  }
0x65: {  	[spmem:s4] =	stream.indirect.scatter.add.f32 @p0 [tilespmem:s8], [sflag:$0x2], $0x80, s9, s31, $0xb8;
	[tilespmem:$0x1E300] =	vst v63  }
0x66: {  	_ =	swait.ge @p0 [sflag:s29], $0x4000  }
0x67: {  	[sflag:s29] =	ssyncset.done @p0 $0x0  }
0x68: {  	s13 =	sadd.s32 s7, s15;
	[sflag:s29] =	ssyncadd.s32 @p0 $0xFFFFC000  }
0x69: {  	[tilespmem:s30], [sflag:$0x2] =	stream.linear.gather [hbm4b:s13+s6], $0x80, $0x38;
	[tilespmem:$0x1E300] =	vst v63  }
0x6a: {  	_ =	swait.ge [sflag:s29], $0x80  }
0x6b: {  	v17 =	vld [tilespmem:$0x1FD30]  }
0x6c: {  	v37 =	vld [tilespmem:$0x1FD70]  }
0x6d: {  	v38 =	vld [tilespmem:$0x1FD50]  }
0x6e: {  	v39 =	vld [tilespmem:$0x1FD40]  }
0x6f: {  	v41 =	vld [tilespmem:$0x1FDF0]  }
0x70: {  	v43 =	vld [tilespmem:$0x1FD80]  }
0x71: {  	v50 =	vld [tilespmem:$0x1FDE0]  }
0x72: {  	vm6 =	vnez.u8 v17;
	v17 =	vld [tilespmem:$0x1FE00]  }
0x73: {  	[sflag:s29] =	ssyncset.done $0x0;
	v55 =	vld [tilespmem:$0x1FDC0]  }
0x74: {  	v60 =	vld [tilespmem:$0x1FD20];
	[sflag:s29] =	ssyncadd.s32 $0xFFFFFF80  }
0x75: {  	v16 =	vld [tilespmem:$0x1A060];
	vm10 =	vnez.u8 v37  }
0x76: {  	v40 =	vld [tilespmem:$0x1A000];
	vm12 =	vnez.u8 v38;
	vm13 =	vnez.u8 v39;
	vm14 =	vnez.u8 v41  }
0x77: {  	vm15 =	vnez.u8 v43;
	vm0 =	vmmov vm6;
	vm7 =	vnez.u8 v17;
	v17 =	vld [tilespmem:$0x1FD60]  }
0x78: {  	v42 =	vld [tilespmem:$0x1A050];
	vm11 =	vmmov vm10;
	vm4 =	vmmov vm13;
	vm3 =	vmmov vm14  }
0x79: {  	v45 =	vld [tilespmem:$0x1FDA0];
	vm10 =	vnez.u8 v50;
	vm13 =	vnez.u8 v55;
	vm14 =	vnez.u8 v60  }
0x7a: {  	v46 =	vld [tilespmem:$0x1FD90];
	v44 =	vand.u32 $0x3FFF, v16;
	v16 =	vshra.s32 v16, $0xE;
	vm1 =	vmmov vm7  }
0x7b: {  	v49 =	vand.u32 $0x3FFF, v40;
	vm0 =	vmand vm0, vm1;
	vm1 =	vmmov vm12  }
0x7c: {  	v24 =	vld [tilespmem:$0x1FDB0];
	vm1 =	vmand vm1, vm4;
	vm4 =	vmmov vm15;
	vm8 =	vnez.u8 v17  }
0x7d: {  	v47 =	vld [tilespmem:$0x1A020];
	v19 =	vshra.s32 v42, $0xE;
	vm3 =	vmand vm3, vm4;
	vm9 =	vmmov vm8  }
0x7e: {  	v52 =	vand.u32 $0x3FFF, v42;
	v17 =	vld [tilespmem:$0x1A040];
	v19 =	vsel vm3, v19, v11;
	vm2 =	vmand vm9, vm11  }
0x7f: {  	v51 =	vld [tilespmem:$0x1A070];
	vm8 =	vnez.u8 v45;
	vm9 =	vnez.u8 v46;
	v20 =	vsel vm2, v44, v12  }
0x80: {  	v53 =	vld [tilespmem:$0x1FDD0];
	[tilespmem:$0x1A0D0] =	vst v19;
	v16 =	vsel vm2, v16, v13;
	vm2 =	vmmov vm8;
	vm4 =	vmmov vm9  }
0x81: {  	v61 =	vld [tilespmem:$0x1FD10];
	v18 =	vshra.s32 v40, $0xE;
	vm11 =	vnez.u8 v24;
	[tilespmem:$0x1A0E0] =	vst v16;
	vm2 =	vmand vm2, vm4  }
0x82: {  	v54 =	vand.u32 $0x3FFF, v47;
	vm5 =	vmmov vm11;
	[tilespmem:$0x1A160] =	vst v20;
	v23 =	vsel vm2, v49, v1  }
0x83: {  	vm4 =	vmmov vm10;
	v48 =	vand.u32 $0x3FFF, v17;
	v18 =	vsel vm2, v18, v0;
	[tilespmem:$0x1A100] =	vst v23  }
0x84: {  	v58 =	vshra.s32 v51, $0xE;
	v16 =	vld [tilespmem:$0x1A010];
	vm4 =	vmand vm4, vm5;
	v22 =	vsel vm1, v48, v8;
	[tilespmem:$0x1A080] =	vst v18  }
0x85: {  	v62 =	vshra.s32 v47, $0xE;
	v17 =	vshra.s32 v17, $0xE;
	v18 =	vsel vm4, v54, v4;
	[tilespmem:$0x1A140] =	vst v22  }
0x86: {  	v56 =	vld [tilespmem:$0x1A030];
	vm12 =	vnez.u8 v53;
	vm15 =	vnez.u8 v61;
	v17 =	vsel vm1, v17, v9;
	[tilespmem:$0x1A120] =	vst v18  }
0x87: {  	vm2 =	vmmov vm12;
	v22 =	vsel vm3, v52, v10;
	vm3 =	vmmov vm13;
	[tilespmem:$0x1A0C0] =	vst v17  }
0x88: {  	vm1 =	vmmov vm15;
	v17 =	vsel vm4, v62, v5;
	[tilespmem:$0x1A150] =	vst v22;
	vm2 =	vmand vm2, vm3  }
0x89: {  	[tilespmem:$0x1A0A0] =	vst v17;
	v57 =	vand.u32 $0x3FFF, v16;
	v59 =	vsel vm2, v58, v15;
	v16 =	vshra.s32 v16, $0xE  }
0x8a: {  	v23 =	vsel vm0, v57, v2;
	v16 =	vsel vm0, v16, v3;
	[tilespmem:$0x1A0F0] =	vst v59;
	vm0 =	vmmov vm14  }
0x8b: {  	v63 =	vshra.s32 v56, $0xE;
	[tilespmem:$0x1A110] =	vst v23;
	vm0 =	vmand vm0, vm1  }
0x8c: {  	[tilespmem:$0x1A090] =	vst v16;
	v16 =	vand.u32 $0x3FFF, v51;
	v18 =	vsel vm0, v63, v7  }
0x8d: {  	v17 =	vand.u32 $0x3FFF, v56;
	v16 =	vsel vm2, v16, v14;
	[tilespmem:$0x1A0B0] =	vst v18  }
0x8e: {  	v17 =	vsel vm0, v17, v6;
	[tilespmem:$0x1A170] =	vst v16  }
0x8f: {  	[tilespmem:$0x1A130] =	vst v17  }
0x90: {  	[tilespmem:s8], [sflag:$0x1] =	stream.indirect.gather [hbm4b:s2+s31], $0x80, s0, s31, $0xb8;
	[tilespmem:$0x1E300] =	vst v63  }
0x91: {  	_ =	swait.ge [sflag:s3], $0x4000  }
0x92: {  	[sflag:s3] =	ssyncset.done $0x0  }
0x93: {  	[sflag:s3] =	ssyncadd.s32 $0xFFFFC000  }
0x94: {  	[spmem:s4] =	stream.indirect.scatter.add.f32 [tilespmem:s8], [sflag:$0x2], $0x80, s9, s31, $0xb8;
	[tilespmem:$0x1E300] =	vst v63  }
0x95: {  	_ =	swait.ge [sflag:s29], $0x4000  }
0x96: {  	[sflag:s29] =	ssyncset.done $0x0  }
0x97: {  	[sflag:s29] =	ssyncadd.s32 $0xFFFFC000  }
.LBB2_19:
0x98: {  	s11 =	smul.u32 $0x2F800, s11  }
0x99: {  	s13 =	sshll.u32 s5, $0x6  }
0x9a: {  	[bflag:$0x0] =	sbarrier.arrive $0xFFFF;
	s13 =	sor.u32 $0x1C02, s13;
	s11 =	sadd.s32 s23, s11  }
0x9b: {  	[hbm:s11], [sflag:s13] =	dma.local [spmem:s25], $0x2F80  }
0x9c: {  	_ =	swait.ge [sflag:s29], $0x2F80  }
0x9d: {  	[sflag:s29] =	ssyncset.done $0x0  }
0x9e: {  	[sflag:s29] =	ssyncadd.s32 $0xFFFFD080  }
0x9f: {  	[bflag:$0x0] =	sbarrier.arrive $0xFFFF  }
.LBB2_20:
0xa0: {  	s24 =	sadd.s32 $0x1, s24  }
0xa1: {  	p0 =	sne.s32 s24, $0xE  }
.Ltmp3:
0xa2: {  	_ = 	snop;
	(pc) =	sbr.rel @!p0 .LBB2_21-.Ltmp3, $1  }
0xa3: {  	_ =	sdelay $0x3  }
.LBB2_2:
0xa4: {  	s11 =	sshll.u32 s24, $0x1  }
0xa5: {  	s11 =	sor.u32 s10, s11  }
0xa6: {  	p0 =	sgt.u32 s11, $0x1A  }
.Ltmp4:
0xa7: {  	_ = 	snop;
	(pc) =	sbr.rel @p0 .LBB2_20-.Ltmp4, $1  }
0xa8: {  	_ =	sdelay $0x3  }
0xa9: {  	[spmem:s12] =	stream.linear.scatter [tilespmem:s28], [sflag:$0x1], $0x2000, $0x38;
	[tilespmem:$0x1E300] =	vst v63  }
0xaa: {  	s13 =	rddreg [dreg:$0x9]  }
0xab: {  	[spmem:s13] =	stream.linear.scatter [tilespmem:s28], [sflag:$0x1], $0x2000, $0x38;
	[tilespmem:$0x1E300] =	vst v63  }
0xac: {  	s14 =	rddreg [dreg:$0xa]  }
0xad: {  	[spmem:s14] =	stream.linear.scatter [tilespmem:s28], [sflag:$0x1], $0x2000, $0x38;
	[tilespmem:$0x1E300] =	vst v63  }
0xae: {  	s15 =	rddreg [dreg:$0xb]  }
0xaf: {  	[spmem:s15] =	stream.linear.scatter [tilespmem:s28], [sflag:$0x1], $0x2000, $0x38;
	[tilespmem:$0x1E300] =	vst v63  }
0xb0: {  	s16 =	rddreg [dreg:$0xc]  }
0xb1: {  	[spmem:s16] =	stream.linear.scatter [tilespmem:s28], [sflag:$0x1], $0x2000, $0x38;
	[tilespmem:$0x1E300] =	vst v63  }
0xb2: {  	s17 =	rddreg [dreg:$0xd]  }
0xb3: {  	[spmem:s17] =	stream.linear.scatter [tilespmem:s28], [sflag:$0x1], $0x2000, $0x38;
	[tilespmem:$0x1E300] =	vst v63  }
0xb4: {  	s18 =	rddreg [dreg:$0xe]  }
0xb5: {  	[spmem:s18] =	stream.linear.scatter [tilespmem:s28], [sflag:$0x1], $0x2000, $0x38;
	[tilespmem:$0x1E300] =	vst v63  }
0xb6: {  	s19 =	rddreg [dreg:$0xf]  }
0xb7: {  	[spmem:s19] =	stream.linear.scatter [tilespmem:s28], [sflag:$0x1], $0x2000, $0x38;
	[tilespmem:$0x1E300] =	vst v63  }
0xb8: {  	s20 =	rddreg [dreg:$0x10]  }
0xb9: {  	[spmem:s20] =	stream.linear.scatter [tilespmem:s28], [sflag:$0x1], $0x2000, $0x38;
	[tilespmem:$0x1E300] =	vst v63  }
0xba: {  	s21 =	rddreg [dreg:$0x11]  }
0xbb: {  	[spmem:s21] =	stream.linear.scatter [tilespmem:s28], [sflag:$0x1], $0x2000, $0x38;
	[tilespmem:$0x1E300] =	vst v63  }
0xbc: {  	s22 =	rddreg [dreg:$0x12]  }
0xbd: {  	[spmem:s22] =	stream.linear.scatter [tilespmem:s28], [sflag:$0x1], $0x2000, $0x38;
	[tilespmem:$0x1E300] =	vst v63  }
0xbe: {  	_ = 	snop  }
0xbf: {  	[spmem:s26] =	stream.linear.scatter [tilespmem:s28], [sflag:$0x1], $0x2000, $0x38;
	[tilespmem:$0x1E300] =	vst v63  }
0xc0: {  	_ =	swait.ge [sflag:s3], $0x2000  }
0xc1: {  	[sflag:s3] =	ssyncset.done $0x0  }
0xc2: {  	[sflag:s3] =	ssyncadd.s32 $0xFFFFE000  }
0xc3: {  	_ =	swait.ge [sflag:s3], $0x2000  }
0xc4: {  	[sflag:s3] =	ssyncset.done $0x0  }
0xc5: {  	[sflag:s3] =	ssyncadd.s32 $0xFFFFE000  }
0xc6: {  	_ =	swait.ge [sflag:s3], $0x2000  }
0xc7: {  	[sflag:s3] =	ssyncset.done $0x0  }
0xc8: {  	[sflag:s3] =	ssyncadd.s32 $0xFFFFE000  }
0xc9: {  	_ =	swait.ge [sflag:s3], $0x2000  }
0xca: {  	[sflag:s3] =	ssyncset.done $0x0  }
0xcb: {  	[sflag:s3] =	ssyncadd.s32 $0xFFFFE000  }
0xcc: {  	_ =	swait.ge [sflag:s3], $0x2000  }
0xcd: {  	[sflag:s3] =	ssyncset.done $0x0  }
0xce: {  	[sflag:s3] =	ssyncadd.s32 $0xFFFFE000  }
0xcf: {  	_ =	swait.ge [sflag:s3], $0x2000  }
0xd0: {  	[sflag:s3] =	ssyncset.done $0x0  }
0xd1: {  	[sflag:s3] =	ssyncadd.s32 $0xFFFFE000  }
0xd2: {  	_ =	swait.ge [sflag:s3], $0x2000  }
0xd3: {  	[sflag:s3] =	ssyncset.done $0x0  }
0xd4: {  	[sflag:s3] =	ssyncadd.s32 $0xFFFFE000  }
0xd5: {  	_ =	swait.ge [sflag:s3], $0x2000  }
0xd6: {  	[sflag:s3] =	ssyncset.done $0x0  }
0xd7: {  	[sflag:s3] =	ssyncadd.s32 $0xFFFFE000  }
0xd8: {  	_ =	swait.ge [sflag:s3], $0x2000  }
0xd9: {  	[sflag:s3] =	ssyncset.done $0x0  }
0xda: {  	[sflag:s3] =	ssyncadd.s32 $0xFFFFE000  }
0xdb: {  	_ =	swait.ge [sflag:s3], $0x2000  }
0xdc: {  	[sflag:s3] =	ssyncset.done $0x0  }
0xdd: {  	[sflag:s3] =	ssyncadd.s32 $0xFFFFE000  }
0xde: {  	_ =	swait.ge [sflag:s3], $0x2000  }
0xdf: {  	[sflag:s3] =	ssyncset.done $0x0  }
0xe0: {  	[sflag:s3] =	ssyncadd.s32 $0xFFFFE000  }
0xe1: {  	_ =	swait.ge [sflag:s3], $0x2000  }
0xe2: {  	[sflag:s3] =	ssyncset.done $0x0  }
0xe3: {  	[sflag:s3] =	ssyncadd.s32 $0xFFFFE000  }
0xe4: {  	s13 =	sshll.u32 s11, $0x1;
	[bflag:$0x0] =	sbarrier.arrive $0xFFFF  }
0xe5: {  	v16 =	vld [tilespmem:s13+$0x1E280];
	_ =	sdelay $0x4  }
0xe6: {  	(v2sf) =	vpush v16, $0x0;
	_ =	sdelay $0xe  }
0xe7: {  	s14 =	spop (v2sf)  }
0xe8: {  	p0 =	slt.s32 s14, $0x1  }
.Ltmp5:
0xe9: {  	_ = 	snop;
	(pc) =	sbr.rel @p0 .LBB2_11-.Ltmp5, $1  }
0xea: {  	_ =	sdelay $0x3  }
0xeb: {  	v17 =	vld [tilespmem:s13+$0x1E180];
	_ =	sdelay $0x4  }
0xec: {  	(v2sf) =	vpush v17, $0x0;
	_ =	sdelay $0xe  }
0xed: {  	s15 =	spop (v2sf)  }
0xee: {  	s16 =	sand.u32 $0x7F, s15;
	s17 =	sshra.s32 s15, $0x1F  }
0xef: {  	p0 =	slt.s32 s15, $0x1;
	p1 =	sne.s32 s16, $0x0;
	s19 =	sshrl.u32 s17, $0x19  }
0xf0: {  	p0 =	por !p0, !p1;
	s15 =	sadd.s32 s19, s15  }
0xf1: {  	s16 =	simm.s32 $0x1;
	p0 =	por !p0, !p0;
	s15 =	sshrl.u32 s15, $0x7  }
0xf2: {  	v16 =	vld.msk [tilespmem:s13+$0x1E200 ss:$0x0], $0xffff;
	s15 =	sadd.s32 s5, s15;
	s16 =	simm.s32 @!p0 $0x0  }
0xf3: {  	s15 =	ssub.s32 s15, s16  }
0xf4: {  	s15 =	sshll.u32 s15, $0x7  }
0xf5: {  	v17 =	vbroadcast v17, $0x0;
	s17 =	sor.u32 $0x70, s15  }
0xf6: {  	s16 =	sadd.s32 $0xFFFFFF90, s17;
	v18 =	vor.u32 s17, v0  }
0xf7: {  	s15 =	sadd.s32 $0xFFFFFFF0, s17;
	s20 =	sadd.s32 $0xFFFFFFD0, s17;
	s21 =	sadd.s32 $0xFFFFFFA0, s17;
	v19 =	vor.u32 s16, v0;
	vm0 =	vge.s32 v18, v17;
	vm1 =	vlt.s32 v18, v16  }
0xf8: {  	s18 =	sadd.s32 $0xFFFFFFE0, s17;
	v18 =	vor.u32 s15, v0;
	v20 =	vor.u32 s21, v0;
	v21 =	vor.u32 s20, v0  }
0xf9: {  	s19 =	sadd.s32 $0xFFFFFFB0, s17;
	vm2 =	vge.s32 v19, v17;
	vm3 =	vlt.s32 v19, v16;
	v19 =	vor.u32 s18, v0  }
0xfa: {  	vm4 =	vge.s32 v18, v17;
	vm5 =	vlt.s32 v18, v16;
	v18 =	vor.u32 s19, v0  }
0xfb: {  	s22 =	sadd.s32 $0xFFFFFFC0, s17;
	vm10 =	vge.s32 v21, v17;
	vm11 =	vlt.s32 v21, v16;
	vm0 =	vmmov vm0  }
0xfc: {  	vm6 =	vge.s32 v18, v17;
	vm9 =	vlt.s32 v18, v16;
	v18 =	vor.u32 s22, v0  }
0xfd: {  	vm15 =	vge.s32 v18, v17;
	vm14 =	vlt.s32 v18, v16;
	v18 =	vimm.s32 $0x0  }
0xfe: {  	vm12 =	vge.s32 v20, v17;
	vm13 =	vlt.s32 v20, v16;
	v18 =	vsel vm0, $0xFFFFFFFF, v18  }
0xff: {  	vm1 =	vmmov vm1;
	vm0 =	vmmov vm6;
	[tilespmem:$0x1FFC0] =	vst v18;
	v18 =	vimm.s32 $0x0  }
0x100: {  	p1 =	sne.s32 s14, $0x1;
	vm7 =	vge.s32 v19, v17;
	vm8 =	vlt.s32 v19, v16;
	v18 =	vsel vm0, $0xFFFFFFFF, v18  }
.Ltmp6:
0x101: {  	vm2 =	vmmov vm2;
	vm0 =	vmmov vm7;
	[tilespmem:$0x1FFD0] =	vst v18;
	v18 =	vimm.s32 $0x0;
	(pc) =	sbr.rel @!p1 .LBB2_5-.Ltmp6, $4  }
0x102: {  	vm3 =	vmmov vm3;
	vm4 =	vmmov vm4;
	v18 =	vsel vm0, $0xFFFFFFFF, v18  }
0x103: {  	vm5 =	vmmov vm5;
	vm0 =	vmmov vm13;
	[tilespmem:$0x1FFE0] =	vst v18;
	v18 =	vimm.s32 $0x0  }
0x104: {  	vm10 =	vmmov vm10;
	vm6 =	vmmov vm12;
	v18 =	vsel vm0, $0xFFFFFFFF, v18  }
0x105: {  	p0 =	por $0x0, $0x0;
	s15 =	sadd.s32 $0xFFFFFFFF, s14;
	s16 =	sshrl.u32 s16, $0x3;
	vm7 =	vmmov vm8;
	vm8 =	vmmov vm9;
	vm9 =	vmmov vm11;
	[tilespmem:$0x1FFF0] =	vst v18  }
0x106: {  	v26 =	vld [tilespmem:$0x1FFC0];
	_ =	sdelay $0x3  }
0x107: {  	vm0 =	vmmov vm14;
	v18 =	vimm.s32 $0x0  }
0x108: {  	s14 =	sadd.s32 $0x800, s17;
	v18 =	vsel vm0, $0xFFFFFFFF, v18;
	vm0 =	vnez.u8 v26  }
0x109: {  	v61 =	vimm.s32 $0x0;
	[tilespmem:$0x1FEA0] =	vst v18;
	v18 =	vor.u32 s14, v0;
	vm0 =	vmmov vm0  }
0x10a: {  	v26 =	vsel vm0, $0xFFFFFFFF, v61;
	vm0 =	vge.s32 v18, v17  }
0x10b: {  	v62 =	vimm.s32 $0x0;
	vm0 =	vmmov vm0  }
0x10c: {  	v63 =	vimm.s32 $0x0;
	[tilespmem:$0x1FEB0] =	vst v26;
	v26 =	vsel vm0, $0xFFFFFFFF, v62;
	vm0 =	vmmov vm1  }
0x10d: {  	[tilespmem:$0x1FFC0] =	vst v26;
	v26 =	vsel vm0, $0xFFFFFFFF, v63;
	vm0 =	vlt.s32 v18, v16  }
0x10e: {  	v18 =	vimm.s32 $0x0;
	vm0 =	vmmov vm0  }
0x10f: {  	s17 =	sadd.s32 $0xFFFFFF90, s14;
	v18 =	vsel vm0, $0xFFFFFFFF, v18  }
0x110: {  	v19 =	vor.u32 s17, v0;
	vm0 =	vmmov vm2;
	[tilespmem:$0x1FFB0] =	vst v18;
	v18 =	vimm.s32 $0x0  }
0x111: {  	v18 =	vsel vm0, $0xFFFFFFFF, v18;
	vm0 =	vge.s32 v19, v17  }
0x112: {  	[tilespmem:$0x1FED0] =	vst v18;
	vm0 =	vmmov vm0;
	v18 =	vimm.s32 $0x0  }
0x113: {  	v18 =	vsel vm0, $0xFFFFFFFF, v18;
	vm0 =	vlt.s32 v19, v16  }
0x114: {  	[tilespmem:$0x1FF90] =	vst v18;
	vm0 =	vmmov vm0;
	v18 =	vimm.s32 $0x0  }
0x115: {  	s18 =	sadd.s32 $0xFFFFFFF0, s14;
	v18 =	vsel vm0, $0xFFFFFFFF, v18  }
0x116: {  	v20 =	vor.u32 s18, v0;
	vm0 =	vmmov vm4;
	[tilespmem:$0x1FF80] =	vst v18;
	v18 =	vimm.s32 $0x0  }
0x117: {  	v18 =	vsel vm0, $0xFFFFFFFF, v18;
	vm0 =	vge.s32 v20, v17  }
0x118: {  	[tilespmem:$0x1FEE0] =	vst v18;
	vm0 =	vmmov vm0;
	v18 =	vimm.s32 $0x0  }
0x119: {  	v18 =	vsel vm0, $0xFFFFFFFF, v18  }
0x11a: {  	vm0 =	vmmov vm5;
	[tilespmem:$0x1FF50] =	vst v18;
	v18 =	vimm.s32 $0x0  }
0x11b: {  	v18 =	vsel vm0, $0xFFFFFFFF, v18;
	vm0 =	vlt.s32 v20, v16  }
0x11c: {  	[tilespmem:$0x1FEF0] =	vst v18;
	vm0 =	vmmov vm0;
	v18 =	vimm.s32 $0x0  }
0x11d: {  	v18 =	vsel vm0, $0xFFFFFFFF, v18  }
0x11e: {  	[tilespmem:$0x1FF60] =	vst v18;
	v18 =	vld [tilespmem:$0x1FFD0];
	_ =	sdelay $0x3  }
0x11f: {  	s20 =	sadd.s32 $0xFFFFFFB0, s14  }
0x120: {  	v23 =	vor.u32 s20, v0;
	vm0 =	vnez.u8 v18  }
0x121: {  	vm12 =	vmmov vm0;
	vm0 =	vge.s32 v23, v17  }
0x122: {  	v18 =	vimm.s32 $0x0;
	vm0 =	vmmov vm0  }
0x123: {  	v18 =	vsel vm0, $0xFFFFFFFF, v18  }
0x124: {  	[tilespmem:$0x1FFD0] =	vst v18;
	v18 =	vld [tilespmem:$0x1FFE0];
	_ =	sdelay $0x3  }
0x125: {  	s19 =	sadd.s32 $0xFFFFFFE0, s14  }
0x126: {  	v21 =	vor.u32 s19, v0;
	vm0 =	vnez.u8 v18  }
0x127: {  	vm2 =	vmmov vm9;
	vm9 =	vmmov vm0;
	vm0 =	vge.s32 v21, v17  }
0x128: {  	v18 =	vimm.s32 $0x0;
	vm0 =	vmmov vm0  }
0x129: {  	v18 =	vsel vm0, $0xFFFFFFFF, v18;
	vm0 =	vlt.s32 v21, v16  }
0x12a: {  	[tilespmem:$0x1FFE0] =	vst v18;
	vm0 =	vmmov vm0;
	v18 =	vimm.s32 $0x0  }
0x12b: {  	s21 =	sadd.s32 $0xFFFFFFD0, s14;
	v18 =	vsel vm0, $0xFFFFFFFF, v18;
	vm0 =	vlt.s32 v23, v16  }
0x12c: {  	v24 =	vor.u32 s21, v0;
	[tilespmem:$0x1FF70] =	vst v18;
	vm0 =	vmmov vm0;
	v18 =	vimm.s32 $0x0  }
0x12d: {  	v18 =	vsel vm0, $0xFFFFFFFF, v18;
	vm0 =	vge.s32 v24, v17  }
0x12e: {  	[tilespmem:$0x1FFA0] =	vst v18;
	vm0 =	vmmov vm0;
	v18 =	vimm.s32 $0x0  }
0x12f: {  	s18 =	sadd.s32 $0xFFFFFFA0, s14;
	v18 =	vsel vm0, $0xFFFFFFFF, v18  }
0x130: {  	vm15 =	vmmov vm15;
	v22 =	vor.u32 s18, v0;
	[tilespmem:$0x1FF40] =	vst v18;
	v18 =	vld [tilespmem:$0x1FFF0]  }
0x131: {  	vm1 =	vmmov vm8;
	vm8 =	vmmov vm3;
	vm3 =	vmmov vm10  }
0x132: {  	p1 =	sne.s32 s15, $0x1;
	vm10 =	vmmov vm1;
	vm13 =	vmmov vm3;
	vm1 =	vge.s32 v22, v17  }
.Ltmp7:
0x133: {  	vm14 =	vmmov vm2;
	vm2 =	vlt.s32 v22, v16;
	vm0 =	vlt.s32 v24, v16;
	(pc) =	sbr.rel @!p1 .LBB2_7-.Ltmp7, $4  }
0x134: {  	s16 =	sadd.s32 s7, s16;
	s22 =	sadd.s32 $0xFFFFFFC0, s14;
	vm2 =	vmmov vm2;
	vm3 =	vmmov vm0;
	vm0 =	vmmov vm6  }
0x135: {  	[tilespmem:s30], [sflag:$0x2] =	stream.linear.gather [hbm4b:s16+s6], $0x80, $0x38;
	vm6 =	vmmov vm1;
	vm1 =	vnez.u8 v18;
	v18 =	vimm.s32 $0x0;
	[tilespmem:$0x1E300] =	vst v63  }
0x136: {  	vm11 =	vmmov vm7;
	v25 =	vor.u32 s22, v0;
	[tilespmem:$0x1FEC0] =	vst v26;
	v18 =	vsel vm2, $0xFFFFFFFF, v18  }
0x137: {  	s15 =	sadd.s32 $0xFFFFFFFF, s15;
	p0 =	por $0x1, $0x1;
	s16 =	sshrl.u32 s17, $0x3;
	vm4 =	vge.s32 v25, v17;
	vm5 =	vlt.s32 v25, v16;
	vm1 =	vmmov vm1;
	[tilespmem:$0x1FFF0] =	vst v18  }
.LBB2_8:
0x138: {  	v18 =	vimm.s32 $0x0  }
0x139: {  	v18 =	vsel vm3, $0xFFFFFFFF, v18  }
0x13a: {  	[tilespmem:$0x1FF30] =	vst v18  }
0x13b: {  	_ =	swait.ge [sflag:s29], $0x80  }
0x13c: {  	v18 =	vld [tilespmem:$0x1FEA0];
	_ =	sdelay $0x4  }
0x13d: {  	vm7 =	vmmov vm6;
	vm2 =	vnez.u8 v18  }
0x13e: {  	v18 =	vimm.s32 $0x0;
	vm6 =	vmand vm15, vm2;
	vm2 =	vmmov vm4  }
0x13f: {  	v18 =	vsel vm2, $0xFFFFFFFF, v18  }
0x140: {  	vm2 =	vmmov vm5;
	[tilespmem:$0x1FE90] =	vst v18;
	v18 =	vimm.s32 $0x0  }
0x141: {  	s14 =	sadd.s32 $0x800, s14;
	v18 =	vsel vm2, $0xFFFFFFFF, v18  }
0x142: {  	[tilespmem:$0x1FEA0] =	vst v18;
	v18 =	vor.u32 s14, v0  }
0x143: {  	v20 =	vimm.s32 $0x0;
	vm2 =	vge.s32 v18, v17  }
0x144: {  	s18 =	sadd.s32 $0xFFFFFF90, s14;
	v20 =	vsel vm2, $0xFFFFFFFF, v20;
	vm2 =	vlt.s32 v18, v16;
	v18 =	vimm.s32 $0x0  }
0x145: {  	v19 =	vor.u32 s18, v0;
	v18 =	vsel vm2, $0xFFFFFFFF, v18  }
0x146: {  	vm2 =	vge.s32 v19, v17;
	[tilespmem:$0x1FE20] =	vst v18;
	v18 =	vimm.s32 $0x0  }
0x147: {  	v18 =	vsel vm2, $0xFFFFFFFF, v18  }
0x148: {  	vm0 =	vmand vm0, vm1;
	v49 =	vld [tilespmem:$0x1FEB0];
	vm2 =	vlt.s32 v19, v16;
	[tilespmem:$0x1FE30] =	vst v18;
	v18 =	vimm.s32 $0x0  }
0x149: {  	vm1 =	vmand vm13, vm14;
	v25 =	vimm.s32 $0x0;
	s22 =	sadd.s32 $0xFFFFFFF0, s14;
	s21 =	sadd.s32 $0xFFFFFFE0, s14;
	v50 =	vld [tilespmem:$0x1FEC0];
	v18 =	vsel vm2, $0xFFFFFFFF, v18  }
0x14a: {  	v45 =	vimm.s32 $0x0;
	v44 =	vor.u32 s21, v0;
	[sflag:s29] =	ssyncset.done $0x0;
	v26 =	vld [tilespmem:$0x1FEE0];
	[tilespmem:$0x1FE40] =	vst v18;
	v18 =	vor.u32 s22, v0  }
0x14b: {  	v52 =	vld [tilespmem:$0x1FEF0];
	[sflag:s29] =	ssyncadd.s32 $0xFFFFFF80;
	vm14 =	vge.s32 v18, v17;
	vm2 =	vlt.s32 v18, v16;
	v18 =	vimm.s32 $0x0  }
0x14c: {  	v47 =	vimm.s32 $0x0;
	s19 =	sadd.s32 $0xFFFFFFB0, s14;
	v19 =	vld [tilespmem:$0x1A060];
	v18 =	vsel vm2, $0xFFFFFFFF, v18;
	vm2 =	vge.s32 v44, v17  }
0x14d: {  	v22 =	vor.u32 s19, v0;
	v27 =	vld [tilespmem:$0x1FED0];
	[tilespmem:$0x1FE10] =	vst v20;
	v25 =	vsel vm2, $0xFFFFFFFF, v25;
	vm2 =	vlt.s32 v44, v16  }
0x14e: {  	vm13 =	vge.s32 v22, v17;
	[tilespmem:$0x1FE50] =	vst v18;
	v18 =	vld [tilespmem:$0x1A000];
	v20 =	vsel vm2, $0xFFFFFFFF, v45;
	vm2 =	vlt.s32 v22, v16  }
0x14f: {  	vm4 =	vnez.u8 v50;
	v22 =	vsel vm2, $0xFFFFFFFF, v47;
	vm2 =	vnez.u8 v49  }
0x150: {  	v46 =	vld [tilespmem:$0x1A020];
	vm3 =	vnez.u8 v26;
	vm2 =	vmand vm2, vm4;
	vm4 =	vnez.u8 v52  }
0x151: {  	v53 =	vand.u32 $0x3FFF, v19;
	v19 =	vshra.s32 v19, $0xE;
	vm3 =	vmand vm3, vm4  }
0x152: {  	vm4 =	vnez.u8 v27;
	v19 =	vsel vm3, v19, v13  }
0x153: {  	vm4 =	vmand vm4, vm8;
	[tilespmem:$0x1A0E0] =	vst v19;
	v19 =	vand.u32 $0x3FFF, v18;
	v18 =	vshra.s32 v18, $0xE  }
0x154: {  	v48 =	vld [tilespmem:$0x1A050];
	[tilespmem:$0x1FE60] =	vst v25;
	v18 =	vsel vm4, v18, v0  }
0x155: {  	v51 =	vld [tilespmem:$0x1A010];
	v26 =	vsel vm3, v53, v12;
	vm3 =	vmand vm12, vm10;
	[tilespmem:$0x1A080] =	vst v18;
	v18 =	vand.u32 $0x3FFF, v46  }
0x156: {  	v58 =	vld [tilespmem:$0x1A030];
	[tilespmem:$0x1FE70] =	vst v20;
	v20 =	vshra.s32 v46, $0xE;
	v18 =	vsel vm3, v18, v4  }
0x157: {  	[tilespmem:$0x1A120] =	vst v18;
	v18 =	vsel vm3, v20, v5  }
0x158: {  	[tilespmem:$0x1A0A0] =	vst v18;
	v18 =	vld [tilespmem:$0x1FFC0]  }
0x159: {  	vm9 =	vmand vm9, vm11;
	v55 =	vand.u32 $0x3FFF, v48;
	[tilespmem:$0x1FE80] =	vst v22;
	v19 =	vsel vm4, v19, v1  }
0x15a: {  	v22 =	vshra.s32 v48, $0xE;
	[tilespmem:$0x1A100] =	vst v19;
	v19 =	vsel vm9, v55, v10  }
0x15b: {  	v59 =	vand.u32 $0x3FFF, v51;
	v61 =	vand.u32 $0x3FFF, v58;
	[tilespmem:$0x1A150] =	vst v19;
	v19 =	vsel vm9, v22, v11  }
0x15c: {  	v62 =	vshra.s32 v58, $0xE;
	v25 =	vshra.s32 v51, $0xE;
	[tilespmem:$0x1A0D0] =	vst v19;
	v19 =	vsel vm0, v59, v2  }
0x15d: {  	v63 =	vsel vm6, v62, v7;
	[tilespmem:$0x1A110] =	vst v19;
	v19 =	vsel vm0, v25, v3;
	vm0 =	vnez.u8 v18  }
0x15e: {  	[tilespmem:$0x1A090] =	vst v19;
	v19 =	vsel vm6, v61, v6;
	v18 =	vimm.s32 $0x0;
	vm6 =	vmmov vm0  }
0x15f: {  	v18 =	vsel vm6, $0xFFFFFFFF, v18  }
0x160: {  	[tilespmem:$0x1FEB0] =	vst v18;
	v18 =	vld [tilespmem:$0x1FE10];
	_ =	sdelay $0x4  }
0x161: {  	vm6 =	vnez.u8 v18  }
0x162: {  	v18 =	vimm.s32 $0x0;
	vm0 =	vmmov vm6  }
0x163: {  	v18 =	vsel vm0, $0xFFFFFFFF, v18  }
0x164: {  	[tilespmem:$0x1FFC0] =	vst v18;
	v18 =	vld [tilespmem:$0x1FFB0];
	_ =	sdelay $0x4  }
0x165: {  	vm0 =	vnez.u8 v18  }
0x166: {  	v18 =	vimm.s32 $0x0;
	vm6 =	vmmov vm0  }
0x167: {  	v18 =	vsel vm6, $0xFFFFFFFF, v18  }
0x168: {  	[tilespmem:$0x1FEC0] =	vst v18;
	v18 =	vld [tilespmem:$0x1FE20];
	_ =	sdelay $0x4  }
0x169: {  	vm6 =	vnez.u8 v18  }
0x16a: {  	v18 =	vimm.s32 $0x0;
	vm0 =	vmmov vm6  }
0x16b: {  	v18 =	vsel vm0, $0xFFFFFFFF, v18  }
0x16c: {  	[tilespmem:$0x1FFB0] =	vst v18;
	v18 =	vld [tilespmem:$0x1FF90];
	_ =	sdelay $0x4  }
0x16d: {  	vm0 =	vnez.u8 v18  }
0x16e: {  	v18 =	vimm.s32 $0x0;
	vm6 =	vmmov vm0  }
0x16f: {  	v18 =	vsel vm6, $0xFFFFFFFF, v18  }
0x170: {  	[tilespmem:$0x1FED0] =	vst v18;
	v18 =	vld [tilespmem:$0x1FE30];
	_ =	sdelay $0x4  }
0x171: {  	vm6 =	vnez.u8 v18  }
0x172: {  	v18 =	vimm.s32 $0x0;
	vm0 =	vmmov vm6  }
0x173: {  	v18 =	vsel vm0, $0xFFFFFFFF, v18  }
0x174: {  	[tilespmem:$0x1FF90] =	vst v18;
	v18 =	vld [tilespmem:$0x1FF80];
	_ =	sdelay $0x4  }
0x175: {  	vm0 =	vnez.u8 v18;
	v18 =	vld [tilespmem:$0x1FE40];
	_ =	sdelay $0x4  }
0x176: {  	vm6 =	vnez.u8 v18  }
0x177: {  	vm8 =	vmmov vm0;
	v18 =	vimm.s32 $0x0;
	vm0 =	vmmov vm6  }
0x178: {  	v18 =	vsel vm0, $0xFFFFFFFF, v18  }
0x179: {  	[tilespmem:$0x1FF80] =	vst v18;
	v18 =	vld [tilespmem:$0x1FF50];
	_ =	sdelay $0x4  }
0x17a: {  	vm0 =	vnez.u8 v18  }
0x17b: {  	v18 =	vimm.s32 $0x0;
	vm6 =	vmmov vm0  }
0x17c: {  	v18 =	vsel vm6, $0xFFFFFFFF, v18  }
0x17d: {  	vm0 =	vmmov vm14;
	[tilespmem:$0x1FEE0] =	vst v18;
	v18 =	vimm.s32 $0x0  }
0x17e: {  	v18 =	vsel vm0, $0xFFFFFFFF, v18  }
0x17f: {  	[tilespmem:$0x1FF50] =	vst v18;
	v18 =	vld [tilespmem:$0x1FF60];
	_ =	sdelay $0x4  }
0x180: {  	vm0 =	vnez.u8 v18  }
0x181: {  	v18 =	vimm.s32 $0x0;
	vm6 =	vmmov vm0  }
0x182: {  	v18 =	vsel vm6, $0xFFFFFFFF, v18  }
0x183: {  	[tilespmem:$0x1FEF0] =	vst v18;
	v18 =	vld [tilespmem:$0x1FE50];
	_ =	sdelay $0x3  }
0x184: {  	v24 =	vld [tilespmem:$0x1A040]  }
0x185: {  	vm6 =	vnez.u8 v18  }
0x186: {  	v18 =	vimm.s32 $0x0;
	vm0 =	vmmov vm6  }
0x187: {  	v54 =	vld [tilespmem:$0x1A070];
	v18 =	vsel vm0, $0xFFFFFFFF, v18  }
0x188: {  	[tilespmem:$0x1FF60] =	vst v18;
	v18 =	vld [tilespmem:$0x1FFD0]  }
0x189: {  	v28 =	vand.u32 $0x3FFF, v24  }
0x18a: {  	v24 =	vshra.s32 v24, $0xE;
	v28 =	vsel vm1, v28, v8  }
0x18b: {  	v24 =	vsel vm1, v24, v9;
	[tilespmem:$0x1A140] =	vst v28  }
0x18c: {  	v57 =	vshra.s32 v54, $0xE;
	[tilespmem:$0x1A0C0] =	vst v24  }
0x18d: {  	[tilespmem:$0x1A160] =	vst v26;
	v26 =	vsel vm2, v57, v15;
	vm0 =	vnez.u8 v18  }
0x18e: {  	[tilespmem:$0x1A0B0] =	vst v63;
	v18 =	vimm.s32 $0x0;
	vm12 =	vmmov vm0;
	vm0 =	vmmov vm13  }
0x18f: {  	v56 =	vand.u32 $0x3FFF, v54;
	[tilespmem:$0x1A0F0] =	vst v26;
	v18 =	vsel vm0, $0xFFFFFFFF, v18  }
0x190: {  	v22 =	vsel vm2, v56, v14;
	[tilespmem:$0x1FFD0] =	vst v18;
	v18 =	vld [tilespmem:$0x1FFE0]  }
0x191: {  	[tilespmem:$0x1A170] =	vst v22  }
0x192: {  	[tilespmem:$0x1A130] =	vst v19  }
0x193: {  	[tilespmem:s8], [sflag:$0x1] =	stream.indirect.gather [hbm4b:s1+s31], $0x80, s0, s31, $0xb8;
	[tilespmem:$0x1E300] =	vst v63  }
0x194: {  	_ =	swait.ge [sflag:s3], $0x4000  }
0x195: {  	vm0 =	vnez.u8 v18;
	v18 =	vld [tilespmem:$0x1FE60];
	_ =	sdelay $0x4  }
0x196: {  	vm6 =	vnez.u8 v18  }
0x197: {  	vm9 =	vmmov vm0;
	v18 =	vimm.s32 $0x0;
	vm0 =	vmmov vm6  }
0x198: {  	v18 =	vsel vm0, $0xFFFFFFFF, v18  }
0x199: {  	[tilespmem:$0x1FFE0] =	vst v18;
	v18 =	vld [tilespmem:$0x1FF70];
	_ =	sdelay $0x4  }
0x19a: {  	vm0 =	vnez.u8 v18;
	v18 =	vld [tilespmem:$0x1FE70];
	_ =	sdelay $0x4  }
0x19b: {  	vm6 =	vnez.u8 v18  }
0x19c: {  	vm11 =	vmmov vm0;
	v18 =	vimm.s32 $0x0;
	vm0 =	vmmov vm6  }
0x19d: {  	v18 =	vsel vm0, $0xFFFFFFFF, v18  }
0x19e: {  	[tilespmem:$0x1FF70] =	vst v18;
	v18 =	vld [tilespmem:$0x1FFA0];
	_ =	sdelay $0x4  }
0x19f: {  	vm0 =	vnez.u8 v18;
	v18 =	vld [tilespmem:$0x1FE80];
	_ =	sdelay $0x4  }
0x1a0: {  	vm6 =	vnez.u8 v18  }
0x1a1: {  	vm10 =	vmmov vm0;
	v18 =	vimm.s32 $0x0;
	vm0 =	vmmov vm6  }
0x1a2: {  	v18 =	vsel vm0, $0xFFFFFFFF, v18  }
0x1a3: {  	[tilespmem:$0x1FFA0] =	vst v18;
	v18 =	vld [tilespmem:$0x1FF40];
	_ =	sdelay $0x2  }
0x1a4: {  	s20 =	sadd.s32 $0xFFFFFFD0, s14  }
0x1a5: {  	v23 =	vor.u32 s20, v0  }
0x1a6: {  	vm3 =	vge.s32 v23, v17;
	vm0 =	vnez.u8 v18  }
0x1a7: {  	v18 =	vimm.s32 $0x0;
	vm13 =	vmmov vm0;
	vm0 =	vmmov vm3  }
0x1a8: {  	v18 =	vsel vm0, $0xFFFFFFFF, v18  }
0x1a9: {  	[tilespmem:$0x1FF40] =	vst v18;
	v18 =	vld [tilespmem:$0x1FF30];
	_ =	sdelay $0x4  }
0x1aa: {  	vm0 =	vnez.u8 v18;
	v18 =	vld [tilespmem:$0x1FE90]  }
0x1ab: {  	[sflag:s3] =	ssyncset.done $0x0  }
0x1ac: {  	[sflag:s3] =	ssyncadd.s32 $0xFFFFC000  }
0x1ad: {  	[spmem:s4] =	stream.indirect.scatter.add.f32 [tilespmem:s8], [sflag:$0x2], $0x80, s9, s31, $0xb8;
	[tilespmem:$0x1E300] =	vst v63  }
0x1ae: {  	vm15 =	vlt.s32 v23, v16;
	_ =	swait.ge [sflag:s29], $0x4000  }
0x1af: {  	vm3 =	vmmov vm15;
	vm15 =	vnez.u8 v18;
	v18 =	vld [tilespmem:$0x1FFF0]  }
0x1b0: {  	s22 =	sadd.s32 $0xFFFFFFA0, s14  }
0x1b1: {  	v21 =	vor.u32 s22, v0  }
0x1b2: {  	p1 =	sne.s32 s15, $0x1;
	vm1 =	vge.s32 v21, v17  }
.Ltmp8:
0x1b3: {  	vm2 =	vlt.s32 v21, v16;
	vm6 =	vmmov vm1;
	(pc) =	sbr.rel @p1 .LBB2_8-.Ltmp8, $4  }
0x1b4: {  	s17 =	sshrl.u32 s18, $0x3;
	vm14 =	vmmov vm0;
	vm0 =	vmmov vm7;
	[sflag:s29] =	ssyncset.done $0x0;
	vm7 =	vnez.u8 v18  }
0x1b5: {  	s18 =	sadd.s32 $0xFFFFFFC0, s14;
	s22 =	sadd.s32 s7, s16;
	[sflag:s29] =	ssyncadd.s32 $0xFFFFC000;
	v18 =	vimm.s32 $0x0;
	vm1 =	vmmov vm7;
	vm7 =	vmmov vm2  }
0x1b6: {  	v60 =	vor.u32 s18, v0;
	[tilespmem:s30], [sflag:$0x2] =	stream.linear.gather [hbm4b:s22+s6], $0x80, $0x38;
	v18 =	vsel vm7, $0xFFFFFFFF, v18;
	[tilespmem:$0x1E300] =	vst v63  }
0x1b7: {  	s15 =	sadd.s32 $0xFFFFFFFF, s15;
	vm5 =	vlt.s32 v60, v16;
	s16 =	smov.u32 s17;
	vm4 =	vge.s32 v60, v17;
	[tilespmem:$0x1FFF0] =	vst v18  }
0x1b8: {  	v16 =	vimm.s32 $0x0  }
0x1b9: {  	v16 =	vsel vm5, $0xFFFFFFFF, v16  }
0x1ba: {  	[tilespmem:$0x1FF00] =	vst v16;
	v16 =	vimm.s32 $0x0  }
0x1bb: {  	v16 =	vsel vm4, $0xFFFFFFFF, v16  }
0x1bc: {  	[tilespmem:$0x1FF10] =	vst v16;
	v16 =	vld [tilespmem:$0x1FEA0];
	_ =	sdelay $0x4  }
0x1bd: {  	vm5 =	vnez.u8 v16;
	v16 =	vimm.s32 $0x0  }
0x1be: {  	v16 =	vsel vm6, $0xFFFFFFFF, v16  }
0x1bf: {  	[tilespmem:$0x1FF20] =	vst v16;
	v16 =	vimm.s32 $0x0  }
0x1c0: {  	v16 =	vsel vm3, $0xFFFFFFFF, v16  }
0x1c1: {  	[tilespmem:$0x1FF30] =	vst v16;
	v16 =	vld [tilespmem:$0x1FEB0];
	_ =	sdelay $0x4  }
0x1c2: {  	vm6 =	vnez.u8 v16;
	v16 =	vld [tilespmem:$0x1FEC0];
	_ =	sdelay $0x4  }
0x1c3: {  	vm7 =	vnez.u8 v16;
	v16 =	vld [tilespmem:$0x1FED0];
	_ =	sdelay $0x4  }
0x1c4: {  	vm4 =	vnez.u8 v16;
	v16 =	vld [tilespmem:$0x1FEE0];
	_ =	sdelay $0x4  }
0x1c5: {  	vm2 =	vnez.u8 v16;
	v16 =	vld [tilespmem:$0x1FEF0];
	_ =	sdelay $0x4  }
0x1c6: {  	vm3 =	vnez.u8 v16  }
.LBB2_10:
0x1c7: {  	_ =	swait.ge @p0 [sflag:s29], $0x80  }
0x1c8: {  	[sflag:s29] =	ssyncset.done @p0 $0x0  }
0x1c9: {  	[sflag:s29] =	ssyncadd.s32 @p0 $0xFFFFFF80  }
0x1ca: {  	v16 =	vld @p0 [tilespmem:$0x1A060];
	_ =	sdelay $0x1  }
0x1cb: {  	v17 =	vld @p0 [tilespmem:$0x1A040]  }
0x1cc: {  	v18 =	vld @p0 [tilespmem:$0x1A000]  }
0x1cd: {  	v19 =	vld @p0 [tilespmem:$0x1A050]  }
0x1ce: {  	vm3 =	vmand @p0 vm2, vm3;
	v20 =	vshra.s32 @p0 v16, $0xE  }
0x1cf: {  	v16 =	vand.u32 @p0 $0x3FFF, v16;
	v20 =	vsel @p0 vm3, v20, v13  }
0x1d0: {  	vm2 =	vmand @p0 vm13, vm14;
	v22 =	vld @p0 [tilespmem:$0x1A010];
	v16 =	vsel @p0 vm3, v16, v12;
	[tilespmem:$0x1A0E0] =	vst @p0 v20;
	v20 =	vand.u32 @p0 $0x3FFF, v17  }
0x1d1: {  	v21 =	vld @p0 [tilespmem:$0x1A020];
	vm3 =	vmand @p0 vm4, vm8;
	[tilespmem:$0x1A160] =	vst @p0 v16;
	v16 =	vand.u32 @p0 $0x3FFF, v18;
	v20 =	vsel @p0 vm2, v20, v8  }
0x1d2: {  	v23 =	vld @p0 [tilespmem:$0x1A070];
	vm4 =	vmand @p0 vm9, vm11;
	v16 =	vsel @p0 vm3, v16, v1;
	[tilespmem:$0x1A140] =	vst @p0 v20;
	v20 =	vand.u32 @p0 $0x3FFF, v19  }
0x1d3: {  	[tilespmem:$0x1A100] =	vst @p0 v16;
	v16 =	vshra.s32 @p0 v18, $0xE;
	v18 =	vsel @p0 vm4, v20, v10  }
0x1d4: {  	v19 =	vshra.s32 @p0 v19, $0xE;
	v16 =	vsel @p0 vm3, v16, v0;
	[tilespmem:$0x1A150] =	vst @p0 v18  }
0x1d5: {  	vm0 =	vmand @p0 vm0, vm1;
	v20 =	vand.u32 @p0 $0x3FFF, v22;
	v18 =	vsel @p0 vm4, v19, v11;
	[tilespmem:$0x1A080] =	vst @p0 v16  }
0x1d6: {  	vm3 =	vmand @p0 vm12, vm10;
	v16 =	vand.u32 @p0 $0x3FFF, v21;
	v20 =	vsel @p0 vm0, v20, v2;
	[tilespmem:$0x1A0D0] =	vst @p0 v18  }
0x1d7: {  	vm1 =	vmand @p0 vm6, vm7;
	v19 =	vld @p0 [tilespmem:$0x1A030];
	v16 =	vsel @p0 vm3, v16, v4;
	v18 =	vshra.s32 @p0 v23, $0xE;
	[tilespmem:$0x1A110] =	vst @p0 v20  }
0x1d8: {  	[tilespmem:$0x1A120] =	vst @p0 v16;
	v16 =	vshra.s32 @p0 v17, $0xE;
	v17 =	vsel @p0 vm1, v18, v15  }
0x1d9: {  	v18 =	vshra.s32 @p0 v22, $0xE;
	v16 =	vsel @p0 vm2, v16, v9;
	[tilespmem:$0x1A0F0] =	vst @p0 v17  }
0x1da: {  	v17 =	vsel @p0 vm0, v18, v3;
	v18 =	vshra.s32 @p0 v21, $0xE;
	[tilespmem:$0x1A0C0] =	vst @p0 v16  }
0x1db: {  	v16 =	vsel @p0 vm3, v18, v5;
	[tilespmem:$0x1A090] =	vst @p0 v17;
	v17 =	vand.u32 @p0 $0x3FFF, v23  }
0x1dc: {  	vm0 =	vmand @p0 vm15, vm5;
	v18 =	vshra.s32 @p0 v19, $0xE;
	[tilespmem:$0x1A0A0] =	vst @p0 v16;
	v16 =	vsel @p0 vm1, v17, v14  }
0x1dd: {  	v17 =	vand.u32 @p0 $0x3FFF, v19;
	v18 =	vsel @p0 vm0, v18, v7;
	[tilespmem:$0x1A170] =	vst @p0 v16  }
0x1de: {  	v17 =	vsel @p0 vm0, v17, v6;
	[tilespmem:$0x1A0B0] =	vst @p0 v18  }
0x1df: {  	[tilespmem:$0x1A130] =	vst @p0 v17  }
0x1e0: {  	[tilespmem:s8], [sflag:$0x1] =	stream.indirect.gather @p0 [hbm4b:s1+s31], $0x80, s0, s31, $0xb8;
	[tilespmem:$0x1E300] =	vst v63  }
0x1e1: {  	_ =	swait.ge @p0 [sflag:s3], $0x4000  }
0x1e2: {  	[sflag:s3] =	ssyncset.done @p0 $0x0  }
0x1e3: {  	[sflag:s3] =	ssyncadd.s32 @p0 $0xFFFFC000  }
0x1e4: {  	[spmem:s4] =	stream.indirect.scatter.add.f32 @p0 [tilespmem:s8], [sflag:$0x2], $0x80, s9, s31, $0xb8;
	[tilespmem:$0x1E300] =	vst v63  }
0x1e5: {  	_ =	swait.ge @p0 [sflag:s29], $0x4000  }
0x1e6: {  	[sflag:s29] =	ssyncset.done @p0 $0x0  }
0x1e7: {  	s14 =	sadd.s32 s7, s16;
	[sflag:s29] =	ssyncadd.s32 @p0 $0xFFFFC000  }
0x1e8: {  	[tilespmem:s30], [sflag:$0x2] =	stream.linear.gather [hbm4b:s14+s6], $0x80, $0x38;
	[tilespmem:$0x1E300] =	vst v63  }
0x1e9: {  	_ =	swait.ge [sflag:s29], $0x80  }
0x1ea: {  	v17 =	vld [tilespmem:$0x1FF20]  }
0x1eb: {  	v37 =	vld [tilespmem:$0x1FF60]  }
0x1ec: {  	v38 =	vld [tilespmem:$0x1FF40]  }
0x1ed: {  	v39 =	vld [tilespmem:$0x1FF30]  }
0x1ee: {  	v41 =	vld [tilespmem:$0x1FFE0]  }
0x1ef: {  	v43 =	vld [tilespmem:$0x1FF70]  }
0x1f0: {  	v50 =	vld [tilespmem:$0x1FFD0]  }
0x1f1: {  	vm6 =	vnez.u8 v17;
	v17 =	vld [tilespmem:$0x1FFF0]  }
0x1f2: {  	[sflag:s29] =	ssyncset.done $0x0;
	v55 =	vld [tilespmem:$0x1FFB0]  }
0x1f3: {  	v60 =	vld [tilespmem:$0x1FF10];
	[sflag:s29] =	ssyncadd.s32 $0xFFFFFF80  }
0x1f4: {  	v16 =	vld [tilespmem:$0x1A060];
	vm10 =	vnez.u8 v37  }
0x1f5: {  	v40 =	vld [tilespmem:$0x1A000];
	vm12 =	vnez.u8 v38;
	vm13 =	vnez.u8 v39;
	vm14 =	vnez.u8 v41  }
0x1f6: {  	vm15 =	vnez.u8 v43;
	vm0 =	vmmov vm6;
	vm7 =	vnez.u8 v17;
	v17 =	vld [tilespmem:$0x1FF50]  }
0x1f7: {  	v42 =	vld [tilespmem:$0x1A050];
	vm11 =	vmmov vm10;
	vm4 =	vmmov vm13;
	vm3 =	vmmov vm14  }
0x1f8: {  	v45 =	vld [tilespmem:$0x1FF90];
	vm10 =	vnez.u8 v50;
	vm13 =	vnez.u8 v55;
	vm14 =	vnez.u8 v60  }
0x1f9: {  	v46 =	vld [tilespmem:$0x1FF80];
	v44 =	vand.u32 $0x3FFF, v16;
	v16 =	vshra.s32 v16, $0xE;
	vm1 =	vmmov vm7  }
0x1fa: {  	v49 =	vand.u32 $0x3FFF, v40;
	vm0 =	vmand vm0, vm1;
	vm1 =	vmmov vm12  }
0x1fb: {  	v24 =	vld [tilespmem:$0x1FFA0];
	vm1 =	vmand vm1, vm4;
	vm4 =	vmmov vm15;
	vm8 =	vnez.u8 v17  }
0x1fc: {  	v47 =	vld [tilespmem:$0x1A020];
	v19 =	vshra.s32 v42, $0xE;
	vm3 =	vmand vm3, vm4;
	vm9 =	vmmov vm8  }
0x1fd: {  	v52 =	vand.u32 $0x3FFF, v42;
	v17 =	vld [tilespmem:$0x1A040];
	v19 =	vsel vm3, v19, v11;
	vm2 =	vmand vm9, vm11  }
0x1fe: {  	v51 =	vld [tilespmem:$0x1A070];
	vm8 =	vnez.u8 v45;
	vm9 =	vnez.u8 v46;
	v20 =	vsel vm2, v44, v12  }
0x1ff: {  	v53 =	vld [tilespmem:$0x1FFC0];
	[tilespmem:$0x1A0D0] =	vst v19;
	v16 =	vsel vm2, v16, v13;
	vm2 =	vmmov vm8;
	vm4 =	vmmov vm9  }
0x200: {  	v61 =	vld [tilespmem:$0x1FF00];
	v18 =	vshra.s32 v40, $0xE;
	vm11 =	vnez.u8 v24;
	[tilespmem:$0x1A0E0] =	vst v16;
	vm2 =	vmand vm2, vm4  }
0x201: {  	v54 =	vand.u32 $0x3FFF, v47;
	vm5 =	vmmov vm11;
	[tilespmem:$0x1A160] =	vst v20;
	v23 =	vsel vm2, v49, v1  }
0x202: {  	vm4 =	vmmov vm10;
	v48 =	vand.u32 $0x3FFF, v17;
	v18 =	vsel vm2, v18, v0;
	[tilespmem:$0x1A100] =	vst v23  }
0x203: {  	v58 =	vshra.s32 v51, $0xE;
	v16 =	vld [tilespmem:$0x1A010];
	vm4 =	vmand vm4, vm5;
	v22 =	vsel vm1, v48, v8;
	[tilespmem:$0x1A080] =	vst v18  }
0x204: {  	v62 =	vshra.s32 v47, $0xE;
	v17 =	vshra.s32 v17, $0xE;
	v18 =	vsel vm4, v54, v4;
	[tilespmem:$0x1A140] =	vst v22  }
0x205: {  	v56 =	vld [tilespmem:$0x1A030];
	vm12 =	vnez.u8 v53;
	vm15 =	vnez.u8 v61;
	v17 =	vsel vm1, v17, v9;
	[tilespmem:$0x1A120] =	vst v18  }
0x206: {  	vm2 =	vmmov vm12;
	v22 =	vsel vm3, v52, v10;
	vm3 =	vmmov vm13;
	[tilespmem:$0x1A0C0] =	vst v17  }
0x207: {  	vm1 =	vmmov vm15;
	v17 =	vsel vm4, v62, v5;
	[tilespmem:$0x1A150] =	vst v22;
	vm2 =	vmand vm2, vm3  }
0x208: {  	[tilespmem:$0x1A0A0] =	vst v17;
	v57 =	vand.u32 $0x3FFF, v16;
	v59 =	vsel vm2, v58, v15;
	v16 =	vshra.s32 v16, $0xE  }
0x209: {  	v23 =	vsel vm0, v57, v2;
	v16 =	vsel vm0, v16, v3;
	[tilespmem:$0x1A0F0] =	vst v59;
	vm0 =	vmmov vm14  }
0x20a: {  	v63 =	vshra.s32 v56, $0xE;
	[tilespmem:$0x1A110] =	vst v23;
	vm0 =	vmand vm0, vm1  }
0x20b: {  	[tilespmem:$0x1A090] =	vst v16;
	v16 =	vand.u32 $0x3FFF, v51;
	v18 =	vsel vm0, v63, v7  }
0x20c: {  	v17 =	vand.u32 $0x3FFF, v56;
	v16 =	vsel vm2, v16, v14;
	[tilespmem:$0x1A0B0] =	vst v18  }
0x20d: {  	v17 =	vsel vm0, v17, v6;
	[tilespmem:$0x1A170] =	vst v16  }
0x20e: {  	[tilespmem:$0x1A130] =	vst v17  }
0x20f: {  	[tilespmem:s8], [sflag:$0x1] =	stream.indirect.gather [hbm4b:s1+s31], $0x80, s0, s31, $0xb8;
	[tilespmem:$0x1E300] =	vst v63  }
0x210: {  	_ =	swait.ge [sflag:s3], $0x4000  }
0x211: {  	[sflag:s3] =	ssyncset.done $0x0  }
0x212: {  	[sflag:s3] =	ssyncadd.s32 $0xFFFFC000  }
0x213: {  	[spmem:s4] =	stream.indirect.scatter.add.f32 [tilespmem:s8], [sflag:$0x2], $0x80, s9, s31, $0xb8;
	[tilespmem:$0x1E300] =	vst v63  }
0x214: {  	_ =	swait.ge [sflag:s29], $0x4000  }
0x215: {  	[sflag:s29] =	ssyncset.done $0x0  }
0x216: {  	[sflag:s29] =	ssyncadd.s32 $0xFFFFC000  }
.LBB2_11:
0x217: {  	v16 =	vld [tilespmem:s13+$0x1E281];
	_ =	sdelay $0x4  }
0x218: {  	(v2sf) =	vpush v16, $0x0;
	_ =	sdelay $0xe  }
0x219: {  	s14 =	spop (v2sf)  }
0x21a: {  	p0 =	slt.s32 s14, $0x1  }
.Ltmp9:
0x21b: {  	_ = 	snop;
	(pc) =	sbr.rel @p0 .LBB2_19-.Ltmp9, $1  }
0x21c: {  	_ =	sdelay $0x3  }
0x21d: {  	s13 =	sor.u32 $0x1, s13  }
0x21e: {  	v17 =	vld [tilespmem:s13+$0x1E180];
	_ =	sdelay $0x4  }
0x21f: {  	(v2sf) =	vpush v17, $0x0;
	_ =	sdelay $0xe  }
0x220: {  	s15 =	spop (v2sf)  }
0x221: {  	s16 =	sand.u32 $0x7F, s15;
	s17 =	sshra.s32 s15, $0x1F  }
0x222: {  	p0 =	slt.s32 s15, $0x1;
	p1 =	sne.s32 s16, $0x0;
	s22 =	sshrl.u32 s17, $0x19  }
0x223: {  	p0 =	por !p0, !p1;
	s15 =	sadd.s32 s22, s15  }
0x224: {  	s16 =	simm.s32 $0x1;
	p0 =	por !p0, !p0;
	s15 =	sshrl.u32 s15, $0x7  }
0x225: {  	v16 =	vld.msk [tilespmem:s13+$0x1E200 ss:$0x0], $0xffff;
	s15 =	sadd.s32 s5, s15;
	s16 =	simm.s32 @!p0 $0x0  }
0x226: {  	s15 =	ssub.s32 s15, s16  }
0x227: {  	s16 =	sshll.u32 s15, $0x7  }
0x228: {  	v17 =	vbroadcast v17, $0x0;
	s13 =	sor.u32 $0x70, s16  }
0x229: {  	s15 =	sadd.s32 $0xFFFFFF90, s13;
	v18 =	vor.u32 s13, v0  }
0x22a: {  	s17 =	sadd.s32 $0xFFFFFFF0, s13;
	s20 =	sadd.s32 $0xFFFFFFD0, s13;
	s21 =	sadd.s32 $0xFFFFFFA0, s13;
	v19 =	vor.u32 s15, v0;
	vm0 =	vge.s32 v18, v17;
	vm1 =	vlt.s32 v18, v16  }
0x22b: {  	s19 =	sadd.s32 $0xFFFFFFE0, s13;
	v18 =	vor.u32 s17, v0;
	v20 =	vor.u32 s21, v0;
	v21 =	vor.u32 s20, v0  }
0x22c: {  	s18 =	sadd.s32 $0xFFFFFFB0, s13;
	vm2 =	vge.s32 v19, v17;
	vm3 =	vlt.s32 v19, v16;
	v19 =	vor.u32 s19, v0  }
0x22d: {  	vm4 =	vge.s32 v18, v17;
	vm5 =	vlt.s32 v18, v16;
	v18 =	vor.u32 s18, v0  }
0x22e: {  	s22 =	sadd.s32 $0xFFFFFFC0, s13;
	vm10 =	vge.s32 v21, v17;
	vm11 =	vlt.s32 v21, v16;
	vm0 =	vmmov vm0  }
0x22f: {  	vm6 =	vge.s32 v18, v17;
	vm9 =	vlt.s32 v18, v16;
	v18 =	vor.u32 s22, v0  }
0x230: {  	vm15 =	vge.s32 v18, v17;
	vm14 =	vlt.s32 v18, v16;
	v18 =	vimm.s32 $0x0  }
0x231: {  	vm12 =	vge.s32 v20, v17;
	vm13 =	vlt.s32 v20, v16;
	v18 =	vsel vm0, $0xFFFFFFFF, v18  }
0x232: {  	vm1 =	vmmov vm1;
	vm0 =	vmmov vm6;
	[tilespmem:$0x1FDD0] =	vst v18;
	v18 =	vimm.s32 $0x0  }
0x233: {  	p1 =	sne.s32 s14, $0x1;
	vm7 =	vge.s32 v19, v17;
	vm8 =	vlt.s32 v19, v16;
	v18 =	vsel vm0, $0xFFFFFFFF, v18  }
.Ltmp10:
0x234: {  	vm2 =	vmmov vm2;
	vm0 =	vmmov vm7;
	[tilespmem:$0x1FDE0] =	vst v18;
	v18 =	vimm.s32 $0x0;
	(pc) =	sbr.rel @!p1 .LBB2_13-.Ltmp10, $4  }
0x235: {  	vm3 =	vmmov vm3;
	vm4 =	vmmov vm4;
	v18 =	vsel vm0, $0xFFFFFFFF, v18  }
0x236: {  	vm5 =	vmmov vm5;
	vm0 =	vmmov vm13;
	[tilespmem:$0x1FDF0] =	vst v18;
	v18 =	vimm.s32 $0x0  }
0x237: {  	vm10 =	vmmov vm10;
	vm6 =	vmmov vm12;
	v18 =	vsel vm0, $0xFFFFFFFF, v18  }
0x238: {  	s14 =	sadd.s32 $0xFFFFFFFF, s14;
	p0 =	por $0x0, $0x0;
	s15 =	sshrl.u32 s15, $0x3;
	vm7 =	vmmov vm8;
	vm8 =	vmmov vm9;
	vm9 =	vmmov vm11;
	[tilespmem:$0x1FE00] =	vst v18  }
0x239: {  	v26 =	vld [tilespmem:$0x1FDD0];
	_ =	sdelay $0x3  }
0x23a: {  	vm0 =	vmmov vm14;
	v18 =	vimm.s32 $0x0  }
0x23b: {  	s13 =	sadd.s32 $0x800, s13;
	v18 =	vsel vm0, $0xFFFFFFFF, v18;
	vm0 =	vnez.u8 v26  }
0x23c: {  	v61 =	vimm.s32 $0x0;
	[tilespmem:$0x1FCB0] =	vst v18;
	v18 =	vor.u32 s13, v0;
	vm0 =	vmmov vm0  }
0x23d: {  	v26 =	vsel vm0, $0xFFFFFFFF, v61;
	vm0 =	vge.s32 v18, v17  }
0x23e: {  	v62 =	vimm.s32 $0x0;
	vm0 =	vmmov vm0  }
0x23f: {  	v63 =	vimm.s32 $0x0;
	[tilespmem:$0x1FCC0] =	vst v26;
	v26 =	vsel vm0, $0xFFFFFFFF, v62;
	vm0 =	vmmov vm1  }
0x240: {  	[tilespmem:$0x1FDD0] =	vst v26;
	v26 =	vsel vm0, $0xFFFFFFFF, v63;
	vm0 =	vlt.s32 v18, v16  }
0x241: {  	v18 =	vimm.s32 $0x0;
	vm0 =	vmmov vm0  }
0x242: {  	s16 =	sadd.s32 $0xFFFFFF90, s13;
	v18 =	vsel vm0, $0xFFFFFFFF, v18  }
0x243: {  	v19 =	vor.u32 s16, v0;
	vm0 =	vmmov vm2;
	[tilespmem:$0x1FDC0] =	vst v18;
	v18 =	vimm.s32 $0x0  }
0x244: {  	v18 =	vsel vm0, $0xFFFFFFFF, v18;
	vm0 =	vge.s32 v19, v17  }
0x245: {  	[tilespmem:$0x1FCE0] =	vst v18;
	vm0 =	vmmov vm0;
	v18 =	vimm.s32 $0x0  }
0x246: {  	v18 =	vsel vm0, $0xFFFFFFFF, v18;
	vm0 =	vlt.s32 v19, v16  }
0x247: {  	[tilespmem:$0x1FDA0] =	vst v18;
	vm0 =	vmmov vm0;
	v18 =	vimm.s32 $0x0  }
0x248: {  	s17 =	sadd.s32 $0xFFFFFFF0, s13;
	v18 =	vsel vm0, $0xFFFFFFFF, v18  }
0x249: {  	v20 =	vor.u32 s17, v0;
	vm0 =	vmmov vm4;
	[tilespmem:$0x1FD90] =	vst v18;
	v18 =	vimm.s32 $0x0  }
0x24a: {  	v18 =	vsel vm0, $0xFFFFFFFF, v18;
	vm0 =	vge.s32 v20, v17  }
0x24b: {  	[tilespmem:$0x1FCF0] =	vst v18;
	vm0 =	vmmov vm0;
	v18 =	vimm.s32 $0x0  }
0x24c: {  	v18 =	vsel vm0, $0xFFFFFFFF, v18  }
0x24d: {  	vm0 =	vmmov vm5;
	[tilespmem:$0x1FD60] =	vst v18;
	v18 =	vimm.s32 $0x0  }
0x24e: {  	v18 =	vsel vm0, $0xFFFFFFFF, v18;
	vm0 =	vlt.s32 v20, v16  }
0x24f: {  	[tilespmem:$0x1FD00] =	vst v18;
	vm0 =	vmmov vm0;
	v18 =	vimm.s32 $0x0  }
0x250: {  	v18 =	vsel vm0, $0xFFFFFFFF, v18  }
0x251: {  	[tilespmem:$0x1FD70] =	vst v18;
	v18 =	vld [tilespmem:$0x1FDE0];
	_ =	sdelay $0x3  }
0x252: {  	s19 =	sadd.s32 $0xFFFFFFB0, s13  }
0x253: {  	v23 =	vor.u32 s19, v0;
	vm0 =	vnez.u8 v18  }
0x254: {  	vm12 =	vmmov vm0;
	vm0 =	vge.s32 v23, v17  }
0x255: {  	v18 =	vimm.s32 $0x0;
	vm0 =	vmmov vm0  }
0x256: {  	v18 =	vsel vm0, $0xFFFFFFFF, v18  }
0x257: {  	[tilespmem:$0x1FDE0] =	vst v18;
	v18 =	vld [tilespmem:$0x1FDF0];
	_ =	sdelay $0x3  }
0x258: {  	s18 =	sadd.s32 $0xFFFFFFE0, s13  }
0x259: {  	v21 =	vor.u32 s18, v0;
	vm0 =	vnez.u8 v18  }
0x25a: {  	vm2 =	vmmov vm9;
	vm9 =	vmmov vm0;
	vm0 =	vge.s32 v21, v17  }
0x25b: {  	v18 =	vimm.s32 $0x0;
	vm0 =	vmmov vm0  }
0x25c: {  	v18 =	vsel vm0, $0xFFFFFFFF, v18;
	vm0 =	vlt.s32 v21, v16  }
0x25d: {  	[tilespmem:$0x1FDF0] =	vst v18;
	vm0 =	vmmov vm0;
	v18 =	vimm.s32 $0x0  }
0x25e: {  	s20 =	sadd.s32 $0xFFFFFFD0, s13;
	v18 =	vsel vm0, $0xFFFFFFFF, v18;
	vm0 =	vlt.s32 v23, v16  }
0x25f: {  	v24 =	vor.u32 s20, v0;
	[tilespmem:$0x1FD80] =	vst v18;
	vm0 =	vmmov vm0;
	v18 =	vimm.s32 $0x0  }
0x260: {  	v18 =	vsel vm0, $0xFFFFFFFF, v18;
	vm0 =	vge.s32 v24, v17  }
0x261: {  	[tilespmem:$0x1FDB0] =	vst v18;
	vm0 =	vmmov vm0;
	v18 =	vimm.s32 $0x0  }
0x262: {  	s21 =	sadd.s32 $0xFFFFFFA0, s13;
	v18 =	vsel vm0, $0xFFFFFFFF, v18  }
0x263: {  	vm15 =	vmmov vm15;
	v22 =	vor.u32 s21, v0;
	[tilespmem:$0x1FD50] =	vst v18;
	v18 =	vld [tilespmem:$0x1FE00]  }
0x264: {  	vm1 =	vmmov vm8;
	vm8 =	vmmov vm3;
	vm3 =	vmmov vm10  }
0x265: {  	p1 =	sne.s32 s14, $0x1;
	vm10 =	vmmov vm1;
	vm13 =	vmmov vm3;
	vm1 =	vge.s32 v22, v17  }
.Ltmp11:
0x266: {  	vm14 =	vmmov vm2;
	vm2 =	vlt.s32 v22, v16;
	vm0 =	vlt.s32 v24, v16;
	(pc) =	sbr.rel @!p1 .LBB2_15-.Ltmp11, $4  }
0x267: {  	s15 =	sadd.s32 s7, s15;
	s22 =	sadd.s32 $0xFFFFFFC0, s13;
	vm2 =	vmmov vm2;
	vm3 =	vmmov vm0;
	vm0 =	vmmov vm6  }
0x268: {  	[tilespmem:s30], [sflag:$0x2] =	stream.linear.gather [hbm4b:s15+s6], $0x80, $0x38;
	vm6 =	vmmov vm1;
	vm1 =	vnez.u8 v18;
	v18 =	vimm.s32 $0x0;
	[tilespmem:$0x1E300] =	vst v63  }
0x269: {  	vm11 =	vmmov vm7;
	v25 =	vor.u32 s22, v0;
	[tilespmem:$0x1FCD0] =	vst v26;
	v18 =	vsel vm2, $0xFFFFFFFF, v18  }
0x26a: {  	s14 =	sadd.s32 $0xFFFFFFFF, s14;
	p0 =	por $0x1, $0x1;
	s15 =	sshrl.u32 s16, $0x3;
	vm4 =	vge.s32 v25, v17;
	vm5 =	vlt.s32 v25, v16;
	vm1 =	vmmov vm1;
	[tilespmem:$0x1FE00] =	vst v18  }
.LBB2_16:
0x26b: {  	v18 =	vimm.s32 $0x0  }
0x26c: {  	v18 =	vsel vm3, $0xFFFFFFFF, v18  }
0x26d: {  	[tilespmem:$0x1FD40] =	vst v18  }
0x26e: {  	_ =	swait.ge [sflag:s29], $0x80  }
0x26f: {  	v18 =	vld [tilespmem:$0x1FCB0];
	_ =	sdelay $0x4  }
0x270: {  	vm7 =	vmmov vm6;
	vm2 =	vnez.u8 v18  }
0x271: {  	v18 =	vimm.s32 $0x0;
	vm6 =	vmand vm15, vm2;
	vm2 =	vmmov vm4  }
0x272: {  	v18 =	vsel vm2, $0xFFFFFFFF, v18  }
0x273: {  	vm2 =	vmmov vm5;
	[tilespmem:$0x1FCA0] =	vst v18;
	v18 =	vimm.s32 $0x0  }
0x274: {  	s13 =	sadd.s32 $0x800, s13;
	v18 =	vsel vm2, $0xFFFFFFFF, v18  }
0x275: {  	[tilespmem:$0x1FCB0] =	vst v18;
	v18 =	vor.u32 s13, v0  }
0x276: {  	v20 =	vimm.s32 $0x0;
	vm2 =	vge.s32 v18, v17  }
0x277: {  	s17 =	sadd.s32 $0xFFFFFF90, s13;
	v20 =	vsel vm2, $0xFFFFFFFF, v20;
	vm2 =	vlt.s32 v18, v16;
	v18 =	vimm.s32 $0x0  }
0x278: {  	v19 =	vor.u32 s17, v0;
	v18 =	vsel vm2, $0xFFFFFFFF, v18  }
0x279: {  	vm2 =	vge.s32 v19, v17;
	[tilespmem:$0x1FC30] =	vst v18;
	v18 =	vimm.s32 $0x0  }
0x27a: {  	v18 =	vsel vm2, $0xFFFFFFFF, v18  }
0x27b: {  	vm0 =	vmand vm0, vm1;
	v49 =	vld [tilespmem:$0x1FCC0];
	vm2 =	vlt.s32 v19, v16;
	[tilespmem:$0x1FC40] =	vst v18;
	v18 =	vimm.s32 $0x0  }
0x27c: {  	vm1 =	vmand vm13, vm14;
	v25 =	vimm.s32 $0x0;
	s21 =	sadd.s32 $0xFFFFFFF0, s13;
	s20 =	sadd.s32 $0xFFFFFFE0, s13;
	v50 =	vld [tilespmem:$0x1FCD0];
	v18 =	vsel vm2, $0xFFFFFFFF, v18  }
0x27d: {  	v45 =	vimm.s32 $0x0;
	v44 =	vor.u32 s20, v0;
	[sflag:s29] =	ssyncset.done $0x0;
	v26 =	vld [tilespmem:$0x1FCF0];
	[tilespmem:$0x1FC50] =	vst v18;
	v18 =	vor.u32 s21, v0  }
0x27e: {  	v52 =	vld [tilespmem:$0x1FD00];
	[sflag:s29] =	ssyncadd.s32 $0xFFFFFF80;
	vm14 =	vge.s32 v18, v17;
	vm2 =	vlt.s32 v18, v16;
	v18 =	vimm.s32 $0x0  }
0x27f: {  	v47 =	vimm.s32 $0x0;
	s18 =	sadd.s32 $0xFFFFFFB0, s13;
	v19 =	vld [tilespmem:$0x1A060];
	v18 =	vsel vm2, $0xFFFFFFFF, v18;
	vm2 =	vge.s32 v44, v17  }
0x280: {  	v22 =	vor.u32 s18, v0;
	v27 =	vld [tilespmem:$0x1FCE0];
	[tilespmem:$0x1FC20] =	vst v20;
	v25 =	vsel vm2, $0xFFFFFFFF, v25;
	vm2 =	vlt.s32 v44, v16  }
0x281: {  	vm13 =	vge.s32 v22, v17;
	[tilespmem:$0x1FC60] =	vst v18;
	v18 =	vld [tilespmem:$0x1A000];
	v20 =	vsel vm2, $0xFFFFFFFF, v45;
	vm2 =	vlt.s32 v22, v16  }
0x282: {  	vm4 =	vnez.u8 v50;
	v22 =	vsel vm2, $0xFFFFFFFF, v47;
	vm2 =	vnez.u8 v49  }
0x283: {  	v46 =	vld [tilespmem:$0x1A020];
	vm3 =	vnez.u8 v26;
	vm2 =	vmand vm2, vm4;
	vm4 =	vnez.u8 v52  }
0x284: {  	v53 =	vand.u32 $0x3FFF, v19;
	v19 =	vshra.s32 v19, $0xE;
	vm3 =	vmand vm3, vm4  }
0x285: {  	vm4 =	vnez.u8 v27;
	v19 =	vsel vm3, v19, v13  }
0x286: {  	vm4 =	vmand vm4, vm8;
	[tilespmem:$0x1A0E0] =	vst v19;
	v19 =	vand.u32 $0x3FFF, v18;
	v18 =	vshra.s32 v18, $0xE  }
0x287: {  	v48 =	vld [tilespmem:$0x1A050];
	[tilespmem:$0x1FC70] =	vst v25;
	v18 =	vsel vm4, v18, v0  }
0x288: {  	v51 =	vld [tilespmem:$0x1A010];
	v26 =	vsel vm3, v53, v12;
	vm3 =	vmand vm12, vm10;
	[tilespmem:$0x1A080] =	vst v18;
	v18 =	vand.u32 $0x3FFF, v46  }
0x289: {  	v58 =	vld [tilespmem:$0x1A030];
	[tilespmem:$0x1FC80] =	vst v20;
	v20 =	vshra.s32 v46, $0xE;
	v18 =	vsel vm3, v18, v4  }
0x28a: {  	[tilespmem:$0x1A120] =	vst v18;
	v18 =	vsel vm3, v20, v5  }
0x28b: {  	[tilespmem:$0x1A0A0] =	vst v18;
	v18 =	vld [tilespmem:$0x1FDD0]  }
0x28c: {  	vm9 =	vmand vm9, vm11;
	v55 =	vand.u32 $0x3FFF, v48;
	[tilespmem:$0x1FC90] =	vst v22;
	v19 =	vsel vm4, v19, v1  }
0x28d: {  	v22 =	vshra.s32 v48, $0xE;
	[tilespmem:$0x1A100] =	vst v19;
	v19 =	vsel vm9, v55, v10  }
0x28e: {  	v59 =	vand.u32 $0x3FFF, v51;
	v61 =	vand.u32 $0x3FFF, v58;
	[tilespmem:$0x1A150] =	vst v19;
	v19 =	vsel vm9, v22, v11  }
0x28f: {  	v62 =	vshra.s32 v58, $0xE;
	v25 =	vshra.s32 v51, $0xE;
	[tilespmem:$0x1A0D0] =	vst v19;
	v19 =	vsel vm0, v59, v2  }
0x290: {  	v63 =	vsel vm6, v62, v7;
	[tilespmem:$0x1A110] =	vst v19;
	v19 =	vsel vm0, v25, v3;
	vm0 =	vnez.u8 v18  }
0x291: {  	[tilespmem:$0x1A090] =	vst v19;
	v19 =	vsel vm6, v61, v6;
	v18 =	vimm.s32 $0x0;
	vm6 =	vmmov vm0  }
0x292: {  	v18 =	vsel vm6, $0xFFFFFFFF, v18  }
0x293: {  	[tilespmem:$0x1FCC0] =	vst v18;
	v18 =	vld [tilespmem:$0x1FC20];
	_ =	sdelay $0x4  }
0x294: {  	vm6 =	vnez.u8 v18  }
0x295: {  	v18 =	vimm.s32 $0x0;
	vm0 =	vmmov vm6  }
0x296: {  	v18 =	vsel vm0, $0xFFFFFFFF, v18  }
0x297: {  	[tilespmem:$0x1FDD0] =	vst v18;
	v18 =	vld [tilespmem:$0x1FDC0];
	_ =	sdelay $0x4  }
0x298: {  	vm0 =	vnez.u8 v18  }
0x299: {  	v18 =	vimm.s32 $0x0;
	vm6 =	vmmov vm0  }
0x29a: {  	v18 =	vsel vm6, $0xFFFFFFFF, v18  }
0x29b: {  	[tilespmem:$0x1FCD0] =	vst v18;
	v18 =	vld [tilespmem:$0x1FC30];
	_ =	sdelay $0x4  }
0x29c: {  	vm6 =	vnez.u8 v18  }
0x29d: {  	v18 =	vimm.s32 $0x0;
	vm0 =	vmmov vm6  }
0x29e: {  	v18 =	vsel vm0, $0xFFFFFFFF, v18  }
0x29f: {  	[tilespmem:$0x1FDC0] =	vst v18;
	v18 =	vld [tilespmem:$0x1FDA0];
	_ =	sdelay $0x4  }
0x2a0: {  	vm0 =	vnez.u8 v18  }
0x2a1: {  	v18 =	vimm.s32 $0x0;
	vm6 =	vmmov vm0  }
0x2a2: {  	v18 =	vsel vm6, $0xFFFFFFFF, v18  }
0x2a3: {  	[tilespmem:$0x1FCE0] =	vst v18;
	v18 =	vld [tilespmem:$0x1FC40];
	_ =	sdelay $0x4  }
0x2a4: {  	vm6 =	vnez.u8 v18  }
0x2a5: {  	v18 =	vimm.s32 $0x0;
	vm0 =	vmmov vm6  }
0x2a6: {  	v18 =	vsel vm0, $0xFFFFFFFF, v18  }
0x2a7: {  	[tilespmem:$0x1FDA0] =	vst v18;
	v18 =	vld [tilespmem:$0x1FD90];
	_ =	sdelay $0x4  }
0x2a8: {  	vm0 =	vnez.u8 v18;
	v18 =	vld [tilespmem:$0x1FC50];
	_ =	sdelay $0x4  }
0x2a9: {  	vm6 =	vnez.u8 v18  }
0x2aa: {  	vm8 =	vmmov vm0;
	v18 =	vimm.s32 $0x0;
	vm0 =	vmmov vm6  }
0x2ab: {  	v18 =	vsel vm0, $0xFFFFFFFF, v18  }
0x2ac: {  	[tilespmem:$0x1FD90] =	vst v18;
	v18 =	vld [tilespmem:$0x1FD60];
	_ =	sdelay $0x4  }
0x2ad: {  	vm0 =	vnez.u8 v18  }
0x2ae: {  	v18 =	vimm.s32 $0x0;
	vm6 =	vmmov vm0  }
0x2af: {  	v18 =	vsel vm6, $0xFFFFFFFF, v18  }
0x2b0: {  	vm0 =	vmmov vm14;
	[tilespmem:$0x1FCF0] =	vst v18;
	v18 =	vimm.s32 $0x0  }
0x2b1: {  	v18 =	vsel vm0, $0xFFFFFFFF, v18  }
0x2b2: {  	[tilespmem:$0x1FD60] =	vst v18;
	v18 =	vld [tilespmem:$0x1FD70];
	_ =	sdelay $0x4  }
0x2b3: {  	vm0 =	vnez.u8 v18  }
0x2b4: {  	v18 =	vimm.s32 $0x0;
	vm6 =	vmmov vm0  }
0x2b5: {  	v18 =	vsel vm6, $0xFFFFFFFF, v18  }
0x2b6: {  	[tilespmem:$0x1FD00] =	vst v18;
	v18 =	vld [tilespmem:$0x1FC60];
	_ =	sdelay $0x3  }
0x2b7: {  	v24 =	vld [tilespmem:$0x1A040]  }
0x2b8: {  	vm6 =	vnez.u8 v18  }
0x2b9: {  	v18 =	vimm.s32 $0x0;
	vm0 =	vmmov vm6  }
0x2ba: {  	v54 =	vld [tilespmem:$0x1A070];
	v18 =	vsel vm0, $0xFFFFFFFF, v18  }
0x2bb: {  	[tilespmem:$0x1FD70] =	vst v18;
	v18 =	vld [tilespmem:$0x1FDE0]  }
0x2bc: {  	v28 =	vand.u32 $0x3FFF, v24  }
0x2bd: {  	v24 =	vshra.s32 v24, $0xE;
	v28 =	vsel vm1, v28, v8  }
0x2be: {  	v24 =	vsel vm1, v24, v9;
	[tilespmem:$0x1A140] =	vst v28  }
0x2bf: {  	v57 =	vshra.s32 v54, $0xE;
	[tilespmem:$0x1A0C0] =	vst v24  }
0x2c0: {  	[tilespmem:$0x1A160] =	vst v26;
	v26 =	vsel vm2, v57, v15;
	vm0 =	vnez.u8 v18  }
0x2c1: {  	[tilespmem:$0x1A0B0] =	vst v63;
	v18 =	vimm.s32 $0x0;
	vm12 =	vmmov vm0;
	vm0 =	vmmov vm13  }
0x2c2: {  	v56 =	vand.u32 $0x3FFF, v54;
	[tilespmem:$0x1A0F0] =	vst v26;
	v18 =	vsel vm0, $0xFFFFFFFF, v18  }
0x2c3: {  	v22 =	vsel vm2, v56, v14;
	[tilespmem:$0x1FDE0] =	vst v18;
	v18 =	vld [tilespmem:$0x1FDF0]  }
0x2c4: {  	[tilespmem:$0x1A170] =	vst v22  }
0x2c5: {  	[tilespmem:$0x1A130] =	vst v19  }
0x2c6: {  	[tilespmem:s8], [sflag:$0x1] =	stream.indirect.gather [hbm4b:s2+s31], $0x80, s0, s31, $0xb8;
	[tilespmem:$0x1E300] =	vst v63  }
0x2c7: {  	_ =	swait.ge [sflag:s3], $0x4000  }
0x2c8: {  	vm0 =	vnez.u8 v18;
	v18 =	vld [tilespmem:$0x1FC70];
	_ =	sdelay $0x4  }
0x2c9: {  	vm6 =	vnez.u8 v18  }
0x2ca: {  	vm9 =	vmmov vm0;
	v18 =	vimm.s32 $0x0;
	vm0 =	vmmov vm6  }
0x2cb: {  	v18 =	vsel vm0, $0xFFFFFFFF, v18  }
0x2cc: {  	[tilespmem:$0x1FDF0] =	vst v18;
	v18 =	vld [tilespmem:$0x1FD80];
	_ =	sdelay $0x4  }
0x2cd: {  	vm0 =	vnez.u8 v18;
	v18 =	vld [tilespmem:$0x1FC80];
	_ =	sdelay $0x4  }
0x2ce: {  	vm6 =	vnez.u8 v18  }
0x2cf: {  	vm11 =	vmmov vm0;
	v18 =	vimm.s32 $0x0;
	vm0 =	vmmov vm6  }
0x2d0: {  	v18 =	vsel vm0, $0xFFFFFFFF, v18  }
0x2d1: {  	[tilespmem:$0x1FD80] =	vst v18;
	v18 =	vld [tilespmem:$0x1FDB0];
	_ =	sdelay $0x4  }
0x2d2: {  	vm0 =	vnez.u8 v18;
	v18 =	vld [tilespmem:$0x1FC90];
	_ =	sdelay $0x4  }
0x2d3: {  	vm6 =	vnez.u8 v18  }
0x2d4: {  	vm10 =	vmmov vm0;
	v18 =	vimm.s32 $0x0;
	vm0 =	vmmov vm6  }
0x2d5: {  	v18 =	vsel vm0, $0xFFFFFFFF, v18  }
0x2d6: {  	[tilespmem:$0x1FDB0] =	vst v18;
	v18 =	vld [tilespmem:$0x1FD50];
	_ =	sdelay $0x2  }
0x2d7: {  	s19 =	sadd.s32 $0xFFFFFFD0, s13  }
0x2d8: {  	v23 =	vor.u32 s19, v0  }
0x2d9: {  	vm3 =	vge.s32 v23, v17;
	vm0 =	vnez.u8 v18  }
0x2da: {  	v18 =	vimm.s32 $0x0;
	vm13 =	vmmov vm0;
	vm0 =	vmmov vm3  }
0x2db: {  	v18 =	vsel vm0, $0xFFFFFFFF, v18  }
0x2dc: {  	[tilespmem:$0x1FD50] =	vst v18;
	v18 =	vld [tilespmem:$0x1FD40];
	_ =	sdelay $0x4  }
0x2dd: {  	vm0 =	vnez.u8 v18;
	v18 =	vld [tilespmem:$0x1FCA0]  }
0x2de: {  	[sflag:s3] =	ssyncset.done $0x0  }
0x2df: {  	[sflag:s3] =	ssyncadd.s32 $0xFFFFC000  }
0x2e0: {  	[spmem:s4] =	stream.indirect.scatter.add.f32 [tilespmem:s8], [sflag:$0x2], $0x80, s9, s31, $0xb8;
	[tilespmem:$0x1E300] =	vst v63  }
0x2e1: {  	vm15 =	vlt.s32 v23, v16;
	_ =	swait.ge [sflag:s29], $0x4000  }
0x2e2: {  	vm3 =	vmmov vm15;
	vm15 =	vnez.u8 v18;
	v18 =	vld [tilespmem:$0x1FE00]  }
0x2e3: {  	s21 =	sadd.s32 $0xFFFFFFA0, s13  }
0x2e4: {  	v21 =	vor.u32 s21, v0  }
0x2e5: {  	p1 =	sne.s32 s14, $0x1;
	s22 =	sadd.s32 $0xFFFFFFC0, s13;
	vm1 =	vge.s32 v21, v17  }
.Ltmp12:
0x2e6: {  	v60 =	vor.u32 s22, v0;
	vm2 =	vlt.s32 v21, v16;
	vm6 =	vmmov vm1;
	(pc) =	sbr.rel @p1 .LBB2_16-.Ltmp12, $4  }
0x2e7: {  	vm14 =	vmmov vm0;
	vm0 =	vmmov vm7;
	[sflag:s29] =	ssyncset.done $0x0;
	vm7 =	vnez.u8 v18  }
0x2e8: {  	s16 =	sshrl.u32 s17, $0x3;
	s22 =	sadd.s32 s7, s15;
	[sflag:s29] =	ssyncadd.s32 $0xFFFFC000;
	v18 =	vimm.s32 $0x0;
	vm1 =	vmmov vm7;
	vm7 =	vmmov vm2  }
0x2e9: {  	[tilespmem:s30], [sflag:$0x2] =	stream.linear.gather [hbm4b:s22+s6], $0x80, $0x38;
	v18 =	vsel vm7, $0xFFFFFFFF, v18;
	[tilespmem:$0x1E300] =	vst v63  }
0x2ea: {  	s14 =	sadd.s32 $0xFFFFFFFF, s14;
	s15 =	smov.u32 s16;
	vm5 =	vlt.s32 v60, v16;
	vm4 =	vge.s32 v60, v17;
	[tilespmem:$0x1FE00] =	vst v18  }
0x2eb: {  	v16 =	vimm.s32 $0x0  }
0x2ec: {  	v16 =	vsel vm5, $0xFFFFFFFF, v16  }
0x2ed: {  	[tilespmem:$0x1FD10] =	vst v16;
	v16 =	vimm.s32 $0x0  }
0x2ee: {  	v16 =	vsel vm4, $0xFFFFFFFF, v16  }
0x2ef: {  	[tilespmem:$0x1FD20] =	vst v16;
	v16 =	vld [tilespmem:$0x1FCB0];
	_ =	sdelay $0x4  }
0x2f0: {  	vm5 =	vnez.u8 v16;
	v16 =	vimm.s32 $0x0  }
0x2f1: {  	v16 =	vsel vm6, $0xFFFFFFFF, v16  }
0x2f2: {  	[tilespmem:$0x1FD30] =	vst v16;
	v16 =	vimm.s32 $0x0  }
0x2f3: {  	v16 =	vsel vm3, $0xFFFFFFFF, v16  }
0x2f4: {  	[tilespmem:$0x1FD40] =	vst v16;
	v16 =	vld [tilespmem:$0x1FCC0];
	_ =	sdelay $0x4  }
0x2f5: {  	vm6 =	vnez.u8 v16;
	v16 =	vld [tilespmem:$0x1FCD0];
	_ =	sdelay $0x4  }
0x2f6: {  	vm7 =	vnez.u8 v16;
	v16 =	vld [tilespmem:$0x1FCE0];
	_ =	sdelay $0x4  }
0x2f7: {  	vm4 =	vnez.u8 v16;
	v16 =	vld [tilespmem:$0x1FCF0];
	_ =	sdelay $0x4  }
0x2f8: {  	vm2 =	vnez.u8 v16;
	v16 =	vld [tilespmem:$0x1FD00]  }
.Ltmp13:
0x2f9: {  	_ = 	snop;
	(pc) =	sbr.rel .LBB2_18-.Ltmp13, $2  }
0x2fa: {  	_ =	sdelay $0x2  }
0x2fb: {  	vm3 =	vnez.u8 v16  }
.LBB2_5:
0x2fc: {  	v16 =	vimm.s32 $0x0  }
0x2fd: {  	v16 =	vsel vm14, $0xFFFFFFFF, v16  }
0x2fe: {  	[tilespmem:$0x1FF00] =	vst v16;
	v16 =	vimm.s32 $0x0  }
0x2ff: {  	v16 =	vsel vm15, $0xFFFFFFFF, v16  }
0x300: {  	[tilespmem:$0x1FF10] =	vst v16;
	v16 =	vimm.s32 $0x0  }
0x301: {  	v16 =	vsel vm6, $0xFFFFFFFF, v16  }
0x302: {  	[tilespmem:$0x1FF20] =	vst v16;
	v16 =	vimm.s32 $0x0  }
0x303: {  	v16 =	vsel vm9, $0xFFFFFFFF, v16  }
0x304: {  	[tilespmem:$0x1FF30] =	vst v16;
	v16 =	vimm.s32 $0x0  }
0x305: {  	v16 =	vsel vm10, $0xFFFFFFFF, v16  }
0x306: {  	[tilespmem:$0x1FF40] =	vst v16;
	v16 =	vimm.s32 $0x0  }
0x307: {  	v16 =	vsel vm4, $0xFFFFFFFF, v16  }
0x308: {  	[tilespmem:$0x1FF50] =	vst v16;
	v16 =	vimm.s32 $0x0  }
0x309: {  	v16 =	vsel vm5, $0xFFFFFFFF, v16  }
0x30a: {  	[tilespmem:$0x1FF60] =	vst v16;
	v16 =	vimm.s32 $0x0  }
0x30b: {  	v16 =	vsel vm7, $0xFFFFFFFF, v16  }
0x30c: {  	[tilespmem:$0x1FF70] =	vst v16;
	v16 =	vimm.s32 $0x0  }
0x30d: {  	v16 =	vsel vm3, $0xFFFFFFFF, v16  }
0x30e: {  	[tilespmem:$0x1FF80] =	vst v16;
	v16 =	vimm.s32 $0x0  }
0x30f: {  	v16 =	vsel vm2, $0xFFFFFFFF, v16  }
.Ltmp14:
0x310: {  	[tilespmem:$0x1FF90] =	vst v16;
	v16 =	vimm.s32 $0x0;
	(pc) =	sbr.rel .LBB2_10-.Ltmp14, $4  }
0x311: {  	v16 =	vsel vm8, $0xFFFFFFFF, v16  }
0x312: {  	[tilespmem:$0x1FFA0] =	vst v16;
	v16 =	vimm.s32 $0x0  }
0x313: {  	v16 =	vsel vm1, $0xFFFFFFFF, v16  }
0x314: {  	[tilespmem:$0x1FFB0] =	vst v16  }
.LBB2_7:
0x315: {  	v16 =	vimm.s32 $0x0  }
0x316: {  	v16 =	vsel vm5, $0xFFFFFFFF, v16  }
0x317: {  	[tilespmem:$0x1FF00] =	vst v16;
	v16 =	vimm.s32 $0x0  }
0x318: {  	v16 =	vsel vm4, $0xFFFFFFFF, v16  }
0x319: {  	[tilespmem:$0x1FF10] =	vst v16;
	v16 =	vld [tilespmem:$0x1FEA0];
	_ =	sdelay $0x4  }
0x31a: {  	vm5 =	vnez.u8 v16;
	v16 =	vimm.s32 $0x0  }
0x31b: {  	v16 =	vsel vm6, $0xFFFFFFFF, v16  }
0x31c: {  	[tilespmem:$0x1FF20] =	vst v16;
	v16 =	vimm.s32 $0x0  }
0x31d: {  	v16 =	vsel vm3, $0xFFFFFFFF, v16  }
0x31e: {  	[tilespmem:$0x1FF30] =	vst v16;
	v16 =	vld [tilespmem:$0x1FEB0];
	_ =	sdelay $0x4  }
0x31f: {  	vm6 =	vnez.u8 v16;
	v16 =	vld [tilespmem:$0x1FEC0];
	_ =	sdelay $0x4  }
0x320: {  	vm7 =	vnez.u8 v16;
	v16 =	vld [tilespmem:$0x1FED0];
	_ =	sdelay $0x4  }
0x321: {  	vm4 =	vnez.u8 v16;
	v16 =	vld [tilespmem:$0x1FEE0];
	_ =	sdelay $0x4  }
0x322: {  	vm2 =	vnez.u8 v16;
	v16 =	vld [tilespmem:$0x1FEF0]  }
.Ltmp15:
0x323: {  	_ = 	snop;
	(pc) =	sbr.rel .LBB2_10-.Ltmp15, $2  }
0x324: {  	_ =	sdelay $0x2  }
0x325: {  	vm3 =	vnez.u8 v16  }
.LBB2_15:
0x326: {  	v16 =	vimm.s32 $0x0  }
0x327: {  	v16 =	vsel vm5, $0xFFFFFFFF, v16  }
0x328: {  	[tilespmem:$0x1FD10] =	vst v16;
	v16 =	vimm.s32 $0x0  }
0x329: {  	v16 =	vsel vm4, $0xFFFFFFFF, v16  }
0x32a: {  	[tilespmem:$0x1FD20] =	vst v16;
	v16 =	vld [tilespmem:$0x1FCB0];
	_ =	sdelay $0x4  }
0x32b: {  	vm5 =	vnez.u8 v16;
	v16 =	vimm.s32 $0x0  }
0x32c: {  	v16 =	vsel vm6, $0xFFFFFFFF, v16  }
0x32d: {  	[tilespmem:$0x1FD30] =	vst v16;
	v16 =	vimm.s32 $0x0  }
0x32e: {  	v16 =	vsel vm3, $0xFFFFFFFF, v16  }
0x32f: {  	[tilespmem:$0x1FD40] =	vst v16;
	v16 =	vld [tilespmem:$0x1FCC0];
	_ =	sdelay $0x4  }
0x330: {  	vm6 =	vnez.u8 v16;
	v16 =	vld [tilespmem:$0x1FCD0];
	_ =	sdelay $0x4  }
0x331: {  	vm7 =	vnez.u8 v16;
	v16 =	vld [tilespmem:$0x1FCE0];
	_ =	sdelay $0x4  }
0x332: {  	vm4 =	vnez.u8 v16;
	v16 =	vld [tilespmem:$0x1FCF0];
	_ =	sdelay $0x4  }
0x333: {  	vm2 =	vnez.u8 v16;
	v16 =	vld [tilespmem:$0x1FD00]  }
.Ltmp16:
0x334: {  	_ = 	snop;
	(pc) =	sbr.rel .LBB2_18-.Ltmp16, $2  }
0x335: {  	_ =	sdelay $0x2  }
0x336: {  	vm3 =	vnez.u8 v16  }
.LBB2_22:
0x337: {  	_ =	sfence.sel $0x180000  }
0x338: {  	[bflag:$0x0] =	sbarrier.arrive $0xFFFF  }
0x339: {  	_ =	strace $0x90000050  }
0x33a: {  	[bflag:$0x2] =	sbarrier.arrive $0xFFFF  }
0x33b: {  	p0 =	sne.s32 s5, $0x0;
	s0 =	rddreg [dreg:$0x5]  }
0x33c: {  	s0 =	sadd.s32 @!p0 $0x100000, s0  }
0x33d: {  	[sflag:s0] =	ssyncadd.tile.s32 @!p0 $0x1;
	_ =	shalt  }
.Lfunc_end2:
_tile_overlayer_lowered:
.L_overlay_start_2:
0x33e: {  	(tag) =	ssettag $0x2  }
0x33f: {  	s0 =	rddreg [dreg:$0x0];
	s2 =	stileid.u32  }
0x340: {  	s1 =	rddreg [dreg:$0x1];
	p0 =	sne.s32 s2, $0x0  }
0x341: {  	s3 =	rddreg [dreg:$0x2];
	[bflag:$0x3] =	sbarrier.arrive $0xFFFF;
	s2 =	simm.s32 @!p0 $0x1C02  }
0x342: {  	[timem:s3], [sflag:s2] =	dma.local @!p0 [hbm:s0], s1  }
0x343: {  	s0 =	simm.s32 @!p0 $0x2  }
0x344: {  	_ =	swait.ge @!p0 [sflag:s0], s1  }
0x345: {  	s1 =	ssub.s32 @!p0 $0x0, s1;
	[sflag:s0] =	ssyncset.done @!p0 $0x0  }
0x346: {  	[sflag:s0] =	ssyncadd.s32 @!p0 s1  }
0x347: {  	[bflag:$0x3] =	sbarrier.arrive $0xFFFF  }
0x348: {  	_ =	shalt  }

// kernel: kernel.8.cloned.1.call-start
scs
__scs_entry_jumppad:
0x0: {  	(pc) =	sbr.rel $0x88, $3  }
0x1: {  	(tag) =	ssettag $0x0;
	lr =	simm.s32 $0x1  }
0x2: {  	[smem:$0x3F86] =	sst lr;
	_ =	strace $0xD0000000  }
0x3: {  	_ = 	snop  }
0x4: {  	_ = 	snop  }
0x5: {  	_ = 	snop  }
0x6: {  	_ = 	snop  }
0x7: {  	_ = 	snop  }
__scs_overlays_trampoline_lowered:
0x8: {  	[smem:$0x3F95] =	sst s0  }
0x9: {  	[smem:$0x3F96] =	sst s1  }
0xa: {  	[smem:$0x3F97] =	sst s2  }
0xb: {  	[smem:$0x3F98] =	sst s3  }
0xc: {  	[smem:$0x3F99] =	sst s4  }
0xd: {  	[smem:$0x3F9A] =	sst s5  }
0xe: {  	[smem:$0x3F9B] =	sst s6  }
0xf: {  	[smem:$0x3F9C] =	sst s7  }
0x10: {  	[smem:$0x3F9D] =	sst s8  }
0x11: {  	[smem:$0x3F9E] =	sst s9;
	s0 =	simm.s32 @!p0 $0x0  }
0x12: {  	s1 =	sld [smem:$0x3F84];
	s0 =	simm.s32 @p0 $0x1  }
0x13: {  	[smem:$0x3F9F] =	sst s0;
	s0 =	simm.s32 @!p1 $0x0  }
0x14: {  	s2 =	sld [smem:$0x3F83];
	s0 =	simm.s32 @p1 $0x1  }
0x15: {  	[smem:$0x3FA0] =	sst s0;
	s0 =	simm.s32 @!p2 $0x0  }
0x16: {  	s3 =	sld [smem:$0x3FDB];
	s0 =	simm.s32 @p2 $0x1  }
0x17: {  	s4 =	simm.s32 $0x1BF5;
	[smem:$0x3FA2] =	sst s0  }
0x18: {  	s0 =	sld [smem:$0x3F85];
	_ =	swait.ge [sflag:s4], $0x0  }
0x19: {  	s7 =	sld [smem:$0x3F86]  }
0x1a: {  	s8 =	sadd.s32 $0xFFFFE003, lr  }
0x1b: {  	s9 =	sadd.s32 $0xFFFFFEF7, lr;
	s5 =	simm.s32 $0xFFFFFFFF;
	p2 =	slt.u32 s8, $0xFFFFF086  }
0x1c: {  	p1 =	slt.u32 s9, $0xF7A;
	s5 =	simm.s32 @!p2 $0x0  }
0x1d: {  	s5 =	simm.s32 @p1 $0x1;
	p0 =	seq.s32 s7, s2  }
0x1e: {  	s7 =	smul.u32 @!p0 $0xF7A, s2;
	p2 =	seq.s32 @!p0 s5, $0x0  }
0x1f: {  	s9 =	smul.u32 $0xF7A, s1;
	s8 =	simm.s32 @!p0 $0x1BF5;
	p2 =	por !p2, p0  }
0x20: {  	[sflag:s8] =	ssyncset.s32 @!p0 $0xFFFFF086;
	s6 =	sadd.s32 @!p0 s3, s7;
	s7 =	simm.s32 @!p0 $0x108  }
0x21: {  	s3 =	sadd.s32 s3, s9;
	s6 =	sadd.s32 @!p0 $0x88, s6;
	s7 =	simm.s32 @p2 $0x1082  }
0x22: {  	[simem:s7], [sflag:s8] =	dma.local @!p0 [hbm:s6], $0xF7A  }
0x23: {  	s9 =	sor.u32 $0xD0000000, s2;
	s6 =	simm.s32 $0x108;
	_ =	swait.ge @!p0 [sflag:s8], $0x0  }
0x24: {  	s3 =	sadd.s32 $0x88, s3;
	s6 =	simm.s32 @!p1 $0x1082;
	[sflag:s4] =	ssyncset.s32 $0xFFFFF086  }
0x25: {  	[simem:s6], [sflag:s4] =	dma.local [hbm:s3], $0xF7A  }
0x26: {  	[smem:$0x3F86] =	sst s1;
	(tag) =	ssettag s2;
	_ =	strace s9  }
0x27: {  	s1 =	sld [smem:$0x3F96]  }
0x28: {  	s2 =	sld [smem:$0x3F97]  }
0x29: {  	s4 =	sld [smem:$0x3F99]  }
0x2a: {  	p0 =	seq.s32 s5, $0x0;
	s5 =	sld [smem:$0x3F9A]  }
0x2b: {  	s6 =	sld [smem:$0x3F9B]  }
0x2c: {  	s7 =	sld [smem:$0x3F9C]  }
0x2d: {  	s3 =	simm.s32 $0x108;
	s8 =	sld [smem:$0x3F9D]  }
0x2e: {  	s3 =	simm.s32 @!p0 $0x1082;
	s9 =	sld [smem:$0x3F9E]  }
0x2f: {  	lr =	sadd.s32 s0, s3;
	s0 =	sld [smem:$0x3F95]  }
0x30: {  	s3 =	sld [smem:$0x3F98]  }
0x31: {  	[smem:$0x3FA1] =	sst s10  }
0x32: {  	s10 =	sld [smem:$0x3F9F];
	_ =	sdelay $0x3  }
0x33: {  	p0 =	seq.s32 s10, $0x1;
	s10 =	sld [smem:$0x3FA1];
	_ =	sdelay $0x3  }
0x34: {  	[smem:$0x3FA1] =	sst s10  }
0x35: {  	s10 =	sld [smem:$0x3FA0];
	_ =	sdelay $0x3  }
0x36: {  	p1 =	seq.s32 s10, $0x1;
	s10 =	sld [smem:$0x3FA1];
	_ =	sdelay $0x3  }
0x37: {  	[smem:$0x3FA1] =	sst s10  }
0x38: {  	s10 =	sld [smem:$0x3FA2]  }
0x39: {  	_ = 	snop;
	(pc) =	sbr.ind lr, $3  }
0x3a: {  	_ = 	snop  }
0x3b: {  	_ = 	snop  }
0x3c: {  	p2 =	seq.s32 s10, $0x1;
	s10 =	sld [smem:$0x3FA1]  }
0x3d: {  	_ =	shalt  }
0x3e: {  	_ =	shalt  }
0x3f: {  	_ =	shalt  }
0x40: {  	_ =	shalt  }
0x41: {  	_ =	shalt  }
0x42: {  	_ =	shalt  }
0x43: {  	_ =	shalt  }
0x44: {  	_ =	shalt  }
0x45: {  	_ =	shalt  }
0x46: {  	_ =	shalt  }
0x47: {  	_ =	shalt  }
0x48: {  	_ =	shalt  }
0x49: {  	_ =	shalt  }
0x4a: {  	_ =	shalt  }
0x4b: {  	_ =	shalt  }
0x4c: {  	_ =	shalt  }
0x4d: {  	_ =	shalt  }
0x4e: {  	_ =	shalt  }
0x4f: {  	_ =	shalt  }
0x50: {  	_ =	shalt  }
0x51: {  	_ =	shalt  }
0x52: {  	_ =	shalt  }
0x53: {  	_ =	shalt  }
0x54: {  	_ =	shalt  }
0x55: {  	_ =	shalt  }
0x56: {  	_ =	shalt  }
0x57: {  	_ =	shalt  }
0x58: {  	_ =	shalt  }
0x59: {  	_ =	shalt  }
0x5a: {  	_ =	shalt  }
0x5b: {  	_ =	shalt  }
0x5c: {  	_ =	shalt  }
0x5d: {  	_ =	shalt  }
0x5e: {  	_ =	shalt  }
0x5f: {  	_ =	shalt  }
0x60: {  	_ =	shalt  }
0x61: {  	_ =	shalt  }
0x62: {  	_ =	shalt  }
0x63: {  	_ =	shalt  }
0x64: {  	_ =	shalt  }
0x65: {  	_ =	shalt  }
0x66: {  	_ =	shalt  }
0x67: {  	_ =	shalt  }
0x68: {  	_ =	shalt  }
0x69: {  	_ =	shalt  }
0x6a: {  	_ =	shalt  }
0x6b: {  	_ =	shalt  }
0x6c: {  	_ =	shalt  }
0x6d: {  	_ =	shalt  }
0x6e: {  	_ =	shalt  }
0x6f: {  	_ =	shalt  }
0x70: {  	_ =	shalt  }
0x71: {  	_ =	shalt  }
0x72: {  	_ =	shalt  }
0x73: {  	_ =	shalt  }
0x74: {  	_ =	shalt  }
0x75: {  	_ =	shalt  }
0x76: {  	_ =	shalt  }
0x77: {  	_ =	shalt  }
0x78: {  	_ =	shalt  }
0x79: {  	_ =	shalt  }
0x7a: {  	_ =	shalt  }
0x7b: {  	_ =	shalt  }
0x7c: {  	_ =	shalt  }
0x7d: {  	_ =	shalt  }
0x7e: {  	_ =	shalt  }
0x7f: {  	_ =	shalt  }
0x80: {  	_ =	shalt  }
0x81: {  	_ =	shalt  }
0x82: {  	_ =	shalt  }
0x83: {  	_ =	shalt  }
0x84: {  	_ =	shalt  }
0x85: {  	_ =	shalt  }
0x86: {  	_ =	shalt  }
0x87: {  	_ =	shalt  }
.Lfunc_end0:
.L_simem_size_0:
called_computation.1_lowered:
.L_overlay_start_0:
0x88: {  	s2 =	sld [smem:$0x3FD9]  }
0x89: {  	s3 =	sld [smem:$0x3FFE];
	_ =	sdelay $0x1  }
0x8a: {  	s1 =	srdreg.scid  }
0x8b: {  	s0 =	sand.u32 $0x1, s1  }
0x8c: {  	s15 =	sshll.u32 s0, $0xA;
	s2 =	sadd.s32 s3, s2  }
0x8d: {  	s2 =	sadd.s32 s2, s15  }
0x8e: {  	[smem:$0x3FAD] =	sst s2  }
0x8f: {  	_ = 	snop  }
0x90: {  	s16 =	sld [smem:$0x3FD0];
	_ =	sdelay $0x2  }
0x91: {  	s4 =	simm.s32 $0xC;
	s5 =	simm.s32 $0x10;
	s2 =	sld [smem:$0x3FC9]  }
0x92: {  	[smem:s5], [sflag:s4] =	dma.local [hbm:s16], $0x1  }
0x93: {  	_ =	swait.eq [sflag:s4], $0x1  }
0x94: {  	[sflag:s4] =	ssyncset.done $0x0  }
0x95: {  	[sflag:s4] =	ssyncadd.s32 $0xFFFFFFFF  }
0x96: {  	s17 =	sld [smem:$0x12];
	(tm) =	ssettm $0x1  }
0x97: {  	s18 =	sld [smem:$0x3FFB];
	_ =	sdelay $0x3  }
0x98: {  	_ =	strace s18  }
0x99: {  	s3 =	sld [smem:$0x3FFC];
	_ =	sdelay $0x3  }
0x9a: {  	_ =	strace s3  }
0x9b: {  	s3 =	sld [smem:$0x3FFD];
	_ =	sdelay $0x3  }
0x9c: {  	_ =	strace s3  }
0x9d: {  	_ =	strace $0x8FFFFFFF  }
0x9e: {  	s19 =	sld [smem:$0x3FDB];
	_ =	sdelay $0x1  }
0x9f: {  	s20 =	simm.s32 $_scs_section_size  }
0xa0: {  	s6 =	simm.s32 $_size__tile_overlayer_lowered;
	s7 =	simm.s32 $_tile_overlayer_lowered  }
0xa1: {  	s8 =	simm.s32 $0x1BFF;
	s21 =	sshll.u32 s7, $0x1;
	s5 =	sadd.s32 s20, s19  }
0xa2: {  	s22 =	simm.s32 $0x0;
	s6 =	sshll.u32 s6, $0x1;
	s7 =	sadd.s32 s21, s5  }
0xa3: {  	[timem:s22], [sflag:s8] =	dma.local [hbm:s7], s6  }
0xa4: {  	_ =	swait.ge [sflag:s8], s6  }
0xa5: {  	s6 =	ssub.s32 $0x0, s6;
	[sflag:s8] =	ssyncset.done $0x0  }
0xa6: {  	[sflag:s8] =	ssyncadd.s32 s6;
	_ =	sdelay $0x1  }
0xa7: {  	s23 =	simm.s32 $0x1B8B  }
0xa8: {  	_ =	swait.ge [sflag:s23], $0x1  }
0xa9: {  	[sflag:s23] =	ssyncset.done $0x0  }
0xaa: {  	[sflag:s23] =	ssyncadd.s32 $0xFFFFFFFF  }
0xab: {  	s6 =	sld [smem:$0x0]  }
0xac: {  	s7 =	sand.u32 $0xFFFFFFFE, s1  }
0xad: {  	p0 =	sne.s32 s1, s7  }
0xae: {  	s7 =	sshll.u32 @p0 s7, $0xE  }
0xaf: {  	s7 =	sadd.s32 @p0 $0x11B8D, s7;
	s8 =	sshll.u32 @p0 s6, $0x11  }
0xb0: {  	s7 =	sor.u32 @p0 s8, s7  }
0xb1: {  	[sflag:s7] =	ssyncadd.remote.s32 @p0 $0x1;
	_ =	sdelay $0x1  }
0xb2: {  	s7 =	simm.s32 @p0 $0x1B8D  }
0xb3: {  	_ =	swait.eq @p0 [sflag:s7], $0x1  }
0xb4: {  	[sflag:s7] =	ssyncadd.s32 @p0 $0xFFFFFFFF  }
0xb5: {  	s8 =	sshll.u32 @!p0 s1, $0xE  }
0xb6: {  	s8 =	sor.u32 @!p0 $0x4000, s8;
	s7 =	simm.s32 @!p0 $0x1B8D  }
0xb7: {  	s6 =	sshll.u32 @!p0 s6, $0x11;
	s8 =	sadd.s32 @!p0 $0x11B8D, s8;
	_ =	swait.eq @!p0 [sflag:s7], $0x1  }
0xb8: {  	s6 =	sor.u32 @!p0 s6, s8;
	[sflag:s7] =	ssyncadd.s32 @!p0 $0xFFFFFFFF  }
0xb9: {  	s25 =	simm.s32 $0x1B8E;
	s24 =	sld [smem:$0x3FFE];
	[sflag:s6] =	ssyncadd.remote.s32 @!p0 $0x1  }
0xba: {  	s26 =	simm.s32 $execute0_lowered;
	[smem:$0x3FD2] =	sst s25  }
0xbb: {  	s7 =	sshll.u32 s26, $0x1;
	_ =	strace $0x80000049;
	[dreg:$0x1] =	wrdreg $0xFFFFFFFF  }
0xbc: {  	s28 =	simm.s32 $_size_execute0_lowered;
	s5 =	sadd.s32 s5, s7;
	[dreg:$0x0] =	wrdreg $0x0  }
0xbd: {  	s7 =	sshll.u32 s28, $0x1;
	[dreg:$0x2] =	wrdreg s5  }
0xbe: {  	[dreg:$0x3] =	wrdreg s7  }
0xbf: {  	[dreg:$0x4] =	wrdreg $0xC0  }
0xc0: {  	_ =	task [dreg:s22], $0x5FFFF  }
0xc1: {  	[dreg:$0x1] =	wrdreg $0xFFFFFFFF  }
0xc2: {  	[dreg:$0x0] =	wrdreg $0x60  }
0xc3: {  	[dreg:$0x2] =	wrdreg s2  }
0xc4: {  	[dreg:$0x3] =	wrdreg s24  }
0xc5: {  	[dreg:$0x4] =	wrdreg s17  }
0xc6: {  	[dreg:$0x5] =	wrdreg $0xA  }
0xc7: {  	_ =	task.clear_ibuf [dreg:s22], $0x6FFFF;
	_ =	strace $0x90000049  }
0xc8: {  	s29 =	simm.s32 $0xA;
	_ =	strace $0x8000004B  }
0xc9: {  	_ =	swait.ge [sflag:s29], $0x1  }
0xca: {  	[sflag:s29] =	ssyncadd.s32 $0xFFFFFFFF  }
0xcb: {  	_ =	strace $0x9000004B  }
0xcc: {  	_ =	sfence  }
0xcd: {  	s30 =	sld [smem:$0x0];
	_ =	sdelay $0x2  }
0xce: {  	s31 =	sshll.u32 s1, $0xD;
	s1 =	sshrl.u32 s1, $0x2  }
0xcf: {  	s4 =	sand.u32 $0x4000, s31;
	s1 =	sadd.s32 s1, s30  }
0xd0: {  	s0 =	sor.u32 s4, s0;
	s1 =	sshll.u32 s1, $0x11  }
0xd1: {  	s0 =	sor.u32 s1, s0  }
0xd2: {  	s0 =	sadd.s32 $0x8F2B, s0  }
0xd3: {  	[sflag:s0] =	ssyncadd.remote.s32 $0x1  }
0xd4: {  	_ =	sfence.sel $0xFFFF  }
0xd5: {  	[dreg:$0x0] =	wrdreg $0xFFFFFFFF;
	(pc) =	sbr.abs _section_cstart, $3  }
0xd6: {  	[dreg:$0x1] =	wrdreg $0xFFFFFFFF  }
0xd7: {  	_ =	task.clear_ibuf [dreg:s22], $0x2FFFF;
	_ =	strace $0x9FFFFFFF  }
0xd8: {  	(tm) =	ssettm $0x7FFFFFFF  }
0xd9: {  	_ =	shalt  }
tec
execute0_lowered:
.L_overlay_start_1:
0x0: {  	(tag) =	ssettag $0x1  }
0x1: {  	s0 =	srdreg.scid;
	s3 =	stileid.u32  }
0x2: {  	s2 =	rddreg [dreg:$0x0];
	s4 =	sand.u32 $0x1, s0;
	s25 =	sshll.u32 s3, $0x1  }
0x3: {  	s1 =	rddreg [dreg:$0x1];
	s0 =	sor.u32 s4, s25  }
0x4: {  	s16 =	rddreg [dreg:$0x2];
	s24 =	smul.u32 $0xE00, s0  }
0x5: {  	s3 =	simm.s32 $0x0;
	[dreg:$0x8] =	wrdreg s4;
	s18 =	smul.u32 $0xE000, s0  }
0x6: {  	s15 =	sadd.s32 $0x13200, s1;
	[smem:$0x7FF] =	sst s3  }
0x7: {  	_ =	strace $0x8000004A;
	s17 =	sshrl.u32 s24, $0x3;
	s4 =	sadd.s32 s16, s18  }
0x8: {  	s5 =	sadd.s32 $0x200, s24;
	s26 =	sadd.s32 s15, s17;
	[dreg:$0x5] =	wrdreg s4  }
0x9: {  	s19 =	sshrl.u32 s5, $0x3;
	[dreg:$0x4] =	wrdreg s26  }
0xa: {  	s20 =	sshll.u32 s5, $0x4;
	s6 =	sadd.s32 s15, s19;
	s5 =	rddreg [dreg:$0x4]  }
0xb: {  	s7 =	sadd.s32 s16, s20;
	[dreg:$0x6] =	wrdreg s6  }
0xc: {  	s4 =	simm.s32 $0x2;
	[dreg:$0x7] =	wrdreg s7  }
0xd: {  	[tilespmem:s3], [sflag:$0x2] =	stream.linear.gather [hbm4b:s5+s3], $0x200, $0x38;
	[tilespmem:$0x10200] =	vst v63  }
0xe: {  	_ =	swait.ge [sflag:s4], $0x200  }
0xf: {  	[sflag:s4] =	ssyncset.done $0x0  }
0x10: {  	s6 =	simm.s32 $0x1;
	s5 =	simm.s32 $0x200;
	[sflag:s4] =	ssyncadd.s32 $0xFFFFFE00  }
0x11: {  	[tilespmem:s5], [sflag:$0x1] =	stream.indirect.gather [hbm4b:s2+s5], $0x80, s3, s5, $0xb8;
	[tilespmem:$0x10200] =	vst v63  }
0x12: {  	_ =	swait.ge [sflag:s6], $0x10000  }
0x13: {  	[sflag:s6] =	ssyncset.done $0x0  }
0x14: {  	s8 =	rddreg [dreg:$0x5];
	[sflag:s6] =	ssyncadd.s32 $0xFFFF0000  }
0x15: {  	[hbm4b:s8+s3] =	stream.linear.scatter [tilespmem:s5], [sflag:$0x2], $0x10000, $0x38;
	[tilespmem:$0x10200] =	vst v63  }
0x16: {  	_ =	swait.ge [sflag:s4], $0x10000  }
0x17: {  	[sflag:s4] =	ssyncset.done $0x0  }
0x18: {  	s9 =	rddreg [dreg:$0x6];
	[sflag:s4] =	ssyncadd.s32 $0xFFFF0000  }
0x19: {  	[tilespmem:s3], [sflag:$0x2] =	stream.linear.gather [hbm4b:s9+s3], $0x200, $0x38;
	[tilespmem:$0x10200] =	vst v63  }
0x1a: {  	_ =	swait.ge [sflag:s4], $0x200  }
0x1b: {  	[sflag:s4] =	ssyncset.done $0x0  }
0x1c: {  	[sflag:s4] =	ssyncadd.s32 $0xFFFFFE00  }
0x1d: {  	[tilespmem:s5], [sflag:$0x1] =	stream.indirect.gather [hbm4b:s2+s5], $0x80, s3, s5, $0xb8;
	[tilespmem:$0x10200] =	vst v63  }
0x1e: {  	_ =	swait.ge [sflag:s6], $0x10000  }
0x1f: {  	[sflag:s6] =	ssyncset.done $0x0  }
0x20: {  	s10 =	rddreg [dreg:$0x7];
	[sflag:s6] =	ssyncadd.s32 $0xFFFF0000  }
0x21: {  	[hbm4b:s10+s3] =	stream.linear.scatter [tilespmem:s5], [sflag:$0x2], $0x10000, $0x38;
	[tilespmem:$0x10200] =	vst v63  }
0x22: {  	s11 =	sadd.s32 $0x400, s24;
	_ =	swait.ge [sflag:s4], $0x10000  }
0x23: {  	s21 =	sshrl.u32 s11, $0x3;
	[sflag:s4] =	ssyncset.done $0x0  }
0x24: {  	s7 =	sadd.s32 s15, s21;
	[sflag:s4] =	ssyncadd.s32 $0xFFFF0000  }
0x25: {  	[tilespmem:s3], [sflag:$0x2] =	stream.linear.gather [hbm4b:s7+s3], $0x200, $0x38;
	[tilespmem:$0x10200] =	vst v63  }
0x26: {  	_ =	swait.ge [sflag:s4], $0x200  }
0x27: {  	[sflag:s4] =	ssyncset.done $0x0  }
0x28: {  	[sflag:s4] =	ssyncadd.s32 $0xFFFFFE00  }
0x29: {  	[tilespmem:s5], [sflag:$0x1] =	stream.indirect.gather [hbm4b:s2+s5], $0x80, s3, s5, $0xb8;
	[tilespmem:$0x10200] =	vst v63  }
0x2a: {  	_ =	swait.ge [sflag:s6], $0x10000  }
0x2b: {  	s22 =	sshll.u32 s11, $0x4;
	[sflag:s6] =	ssyncset.done $0x0  }
0x2c: {  	s8 =	sadd.s32 s16, s22;
	[sflag:s6] =	ssyncadd.s32 $0xFFFF0000  }
0x2d: {  	[hbm4b:s8+s3] =	stream.linear.scatter [tilespmem:s5], [sflag:$0x2], $0x10000, $0x38;
	[tilespmem:$0x10200] =	vst v63  }
0x2e: {  	s12 =	sadd.s32 $0x600, s24;
	_ =	swait.ge [sflag:s4], $0x10000  }
0x2f: {  	s23 =	sshrl.u32 s12, $0x3;
	[sflag:s4] =	ssyncset.done $0x0  }
0x30: {  	s9 =	sadd.s32 s15, s23;
	[sflag:s4] =	ssyncadd.s32 $0xFFFF0000  }
0x31: {  	[tilespmem:s3], [sflag:$0x2] =	stream.linear.gather [hbm4b:s9+s3], $0x200, $0x38;
	[tilespmem:$0x10200] =	vst v63  }
0x32: {  	_ =	swait.ge [sflag:s4], $0x200  }
0x33: {  	[sflag:s4] =	ssyncset.done $0x0  }
0x34: {  	[sflag:s4] =	ssyncadd.s32 $0xFFFFFE00  }
0x35: {  	[tilespmem:s5], [sflag:$0x1] =	stream.indirect.gather [hbm4b:s2+s5], $0x80, s3, s5, $0xb8;
	[tilespmem:$0x10200] =	vst v63  }
0x36: {  	_ =	swait.ge [sflag:s6], $0x10000  }
0x37: {  	s26 =	sshll.u32 s12, $0x4;
	[sflag:s6] =	ssyncset.done $0x0  }
0x38: {  	s10 =	sadd.s32 s16, s26;
	[sflag:s6] =	ssyncadd.s32 $0xFFFF0000  }
0x39: {  	[hbm4b:s10+s3] =	stream.linear.scatter [tilespmem:s5], [sflag:$0x2], $0x10000, $0x38;
	[tilespmem:$0x10200] =	vst v63  }
0x3a: {  	s13 =	sadd.s32 $0x800, s24;
	_ =	swait.ge [sflag:s4], $0x10000  }
0x3b: {  	s25 =	sshrl.u32 s13, $0x3;
	[sflag:s4] =	ssyncset.done $0x0  }
0x3c: {  	s11 =	sadd.s32 s15, s25;
	[sflag:s4] =	ssyncadd.s32 $0xFFFF0000  }
0x3d: {  	[tilespmem:s3], [sflag:$0x2] =	stream.linear.gather [hbm4b:s11+s3], $0x200, $0x38;
	[tilespmem:$0x10200] =	vst v63  }
0x3e: {  	_ =	swait.ge [sflag:s4], $0x200  }
0x3f: {  	[sflag:s4] =	ssyncset.done $0x0  }
0x40: {  	[sflag:s4] =	ssyncadd.s32 $0xFFFFFE00  }
0x41: {  	[tilespmem:s5], [sflag:$0x1] =	stream.indirect.gather [hbm4b:s2+s5], $0x80, s3, s5, $0xb8;
	[tilespmem:$0x10200] =	vst v63  }
0x42: {  	_ =	swait.ge [sflag:s6], $0x10000  }
0x43: {  	s29 =	sshll.u32 s13, $0x4;
	[sflag:s6] =	ssyncset.done $0x0  }
0x44: {  	s12 =	sadd.s32 s16, s29;
	[sflag:s6] =	ssyncadd.s32 $0xFFFF0000  }
0x45: {  	[hbm4b:s12+s3] =	stream.linear.scatter [tilespmem:s5], [sflag:$0x2], $0x10000, $0x38;
	[tilespmem:$0x10200] =	vst v63  }
0x46: {  	s14 =	sadd.s32 $0xA00, s24;
	_ =	swait.ge [sflag:s4], $0x10000  }
0x47: {  	s28 =	sshrl.u32 s14, $0x3;
	[sflag:s4] =	ssyncset.done $0x0  }
0x48: {  	s13 =	sadd.s32 s15, s28;
	[sflag:s4] =	ssyncadd.s32 $0xFFFF0000  }
0x49: {  	[tilespmem:s3], [sflag:$0x2] =	stream.linear.gather [hbm4b:s13+s3], $0x200, $0x38;
	[tilespmem:$0x10200] =	vst v63  }
0x4a: {  	_ =	swait.ge [sflag:s4], $0x200  }
0x4b: {  	[sflag:s4] =	ssyncset.done $0x0  }
0x4c: {  	[sflag:s4] =	ssyncadd.s32 $0xFFFFFE00  }
0x4d: {  	[tilespmem:s5], [sflag:$0x1] =	stream.indirect.gather [hbm4b:s2+s5], $0x80, s3, s5, $0xb8;
	[tilespmem:$0x10200] =	vst v63  }
0x4e: {  	_ =	swait.ge [sflag:s6], $0x10000  }
0x4f: {  	s31 =	sshll.u32 s14, $0x4;
	[sflag:s6] =	ssyncset.done $0x0  }
0x50: {  	s14 =	sadd.s32 s16, s31;
	[sflag:s6] =	ssyncadd.s32 $0xFFFF0000  }
0x51: {  	[hbm4b:s14+s3] =	stream.linear.scatter [tilespmem:s5], [sflag:$0x2], $0x10000, $0x38;
	[tilespmem:$0x10200] =	vst v63  }
0x52: {  	s24 =	sadd.s32 $0xC00, s24;
	_ =	swait.ge [sflag:s4], $0x10000  }
0x53: {  	s30 =	sshrl.u32 s24, $0x3;
	[sflag:s4] =	ssyncset.done $0x0  }
0x54: {  	s15 =	sadd.s32 s15, s30;
	[sflag:s4] =	ssyncadd.s32 $0xFFFF0000  }
0x55: {  	[tilespmem:s3], [sflag:$0x2] =	stream.linear.gather [hbm4b:s15+s3], $0x200, $0x38;
	[tilespmem:$0x10200] =	vst v63  }
0x56: {  	_ =	swait.ge [sflag:s4], $0x200  }
0x57: {  	[sflag:s4] =	ssyncset.done $0x0  }
0x58: {  	[sflag:s4] =	ssyncadd.s32 $0xFFFFFE00  }
0x59: {  	[tilespmem:s5], [sflag:$0x1] =	stream.indirect.gather [hbm4b:s2+s5], $0x80, s3, s5, $0xb8;
	[tilespmem:$0x10200] =	vst v63  }
0x5a: {  	_ =	swait.ge [sflag:s6], $0x10000  }
0x5b: {  	s0 =	sshll.u32 s24, $0x4;
	[sflag:s6] =	ssyncset.done $0x0  }
0x5c: {  	s16 =	sadd.s32 s16, s0;
	[dreg:$0x9] =	wrdreg s0;
	[sflag:s6] =	ssyncadd.s32 $0xFFFF0000  }
0x5d: {  	[hbm4b:s16+s3] =	stream.linear.scatter [tilespmem:s5], [sflag:$0x2], $0x10000, $0x38;
	[tilespmem:$0x10200] =	vst v63  }
0x5e: {  	_ =	swait.ge [sflag:s4], $0x10000  }
0x5f: {  	s0 =	sadd.s32 $0xFA00, s1;
	[sflag:s4] =	ssyncset.done $0x0  }
0x60: {  	s17 =	sadd.s32 s0, s17;
	[sflag:s4] =	ssyncadd.s32 $0xFFFF0000  }
0x61: {  	[tilespmem:s3], [sflag:$0x2] =	stream.linear.gather [hbm4b:s17+s3], $0x200, $0x38;
	[tilespmem:$0x10200] =	vst v63  }
0x62: {  	_ =	swait.ge [sflag:s4], $0x200  }
0x63: {  	[sflag:s4] =	ssyncset.done $0x0  }
0x64: {  	[sflag:s4] =	ssyncadd.s32 $0xFFFFFE00  }
0x65: {  	[tilespmem:s5], [sflag:$0x1] =	stream.indirect.gather [hbm4b:s2+s5], $0x80, s3, s5, $0xb8;
	[tilespmem:$0x10200] =	vst v63  }
0x66: {  	_ =	swait.ge [sflag:s6], $0x10000  }
0x67: {  	s1 =	sadd.s32 $0x1D600, s1;
	[sflag:s6] =	ssyncset.done $0x0  }
0x68: {  	s18 =	sadd.s32 s1, s18;
	[sflag:s6] =	ssyncadd.s32 $0xFFFF0000  }
0x69: {  	[hbm4b:s18+s3] =	stream.linear.scatter [tilespmem:s5], [sflag:$0x2], $0x10000, $0x38;
	[tilespmem:$0x10200] =	vst v63  }
0x6a: {  	_ =	swait.ge [sflag:s4], $0x10000  }
0x6b: {  	[sflag:s4] =	ssyncset.done $0x0  }
0x6c: {  	s19 =	sadd.s32 s0, s19;
	[sflag:s4] =	ssyncadd.s32 $0xFFFF0000  }
0x6d: {  	[tilespmem:s3], [sflag:$0x2] =	stream.linear.gather [hbm4b:s19+s3], $0x200, $0x38;
	[tilespmem:$0x10200] =	vst v63  }
0x6e: {  	_ =	swait.ge [sflag:s4], $0x200  }
0x6f: {  	[sflag:s4] =	ssyncset.done $0x0  }
0x70: {  	[sflag:s4] =	ssyncadd.s32 $0xFFFFFE00  }
0x71: {  	[tilespmem:s5], [sflag:$0x1] =	stream.indirect.gather [hbm4b:s2+s5], $0x80, s3, s5, $0xb8;
	[tilespmem:$0x10200] =	vst v63  }
0x72: {  	_ =	swait.ge [sflag:s6], $0x10000  }
0x73: {  	[sflag:s6] =	ssyncset.done $0x0  }
0x74: {  	s20 =	sadd.s32 s1, s20;
	[sflag:s6] =	ssyncadd.s32 $0xFFFF0000  }
0x75: {  	[hbm4b:s20+s3] =	stream.linear.scatter [tilespmem:s5], [sflag:$0x2], $0x10000, $0x38;
	[tilespmem:$0x10200] =	vst v63  }
0x76: {  	_ =	swait.ge [sflag:s4], $0x10000  }
0x77: {  	[sflag:s4] =	ssyncset.done $0x0  }
0x78: {  	s21 =	sadd.s32 s0, s21;
	[sflag:s4] =	ssyncadd.s32 $0xFFFF0000  }
0x79: {  	[tilespmem:s3], [sflag:$0x2] =	stream.linear.gather [hbm4b:s21+s3], $0x200, $0x38;
	[tilespmem:$0x10200] =	vst v63  }
0x7a: {  	_ =	swait.ge [sflag:s4], $0x200  }
0x7b: {  	[sflag:s4] =	ssyncset.done $0x0  }
0x7c: {  	[sflag:s4] =	ssyncadd.s32 $0xFFFFFE00  }
0x7d: {  	[tilespmem:s5], [sflag:$0x1] =	stream.indirect.gather [hbm4b:s2+s5], $0x80, s3, s5, $0xb8;
	[tilespmem:$0x10200] =	vst v63  }
0x7e: {  	_ =	swait.ge [sflag:s6], $0x10000  }
0x7f: {  	[sflag:s6] =	ssyncset.done $0x0  }
0x80: {  	s22 =	sadd.s32 s1, s22;
	[sflag:s6] =	ssyncadd.s32 $0xFFFF0000  }
0x81: {  	[hbm4b:s22+s3] =	stream.linear.scatter [tilespmem:s5], [sflag:$0x2], $0x10000, $0x38;
	[tilespmem:$0x10200] =	vst v63  }
0x82: {  	_ =	swait.ge [sflag:s4], $0x10000  }
0x83: {  	[sflag:s4] =	ssyncset.done $0x0  }
0x84: {  	s23 =	sadd.s32 s0, s23;
	[sflag:s4] =	ssyncadd.s32 $0xFFFF0000  }
0x85: {  	[tilespmem:s3], [sflag:$0x2] =	stream.linear.gather [hbm4b:s23+s3], $0x200, $0x38;
	[tilespmem:$0x10200] =	vst v63  }
0x86: {  	_ =	swait.ge [sflag:s4], $0x200  }
0x87: {  	[sflag:s4] =	ssyncset.done $0x0  }
0x88: {  	[sflag:s4] =	ssyncadd.s32 $0xFFFFFE00  }
0x89: {  	[tilespmem:s5], [sflag:$0x1] =	stream.indirect.gather [hbm4b:s2+s5], $0x80, s3, s5, $0xb8;
	[tilespmem:$0x10200] =	vst v63  }
0x8a: {  	_ =	swait.ge [sflag:s6], $0x10000  }
0x8b: {  	[sflag:s6] =	ssyncset.done $0x0  }
0x8c: {  	s24 =	sadd.s32 s1, s26;
	[sflag:s6] =	ssyncadd.s32 $0xFFFF0000  }
0x8d: {  	[hbm4b:s24+s3] =	stream.linear.scatter [tilespmem:s5], [sflag:$0x2], $0x10000, $0x38;
	[tilespmem:$0x10200] =	vst v63  }
0x8e: {  	_ =	swait.ge [sflag:s4], $0x10000  }
0x8f: {  	[sflag:s4] =	ssyncset.done $0x0  }
0x90: {  	s25 =	sadd.s32 s0, s25;
	[sflag:s4] =	ssyncadd.s32 $0xFFFF0000  }
0x91: {  	[tilespmem:s3], [sflag:$0x2] =	stream.linear.gather [hbm4b:s25+s3], $0x200, $0x38;
	[tilespmem:$0x10200] =	vst v63  }
0x92: {  	_ =	swait.ge [sflag:s4], $0x200  }
0x93: {  	[sflag:s4] =	ssyncset.done $0x0  }
0x94: {  	[sflag:s4] =	ssyncadd.s32 $0xFFFFFE00  }
0x95: {  	[tilespmem:s5], [sflag:$0x1] =	stream.indirect.gather [hbm4b:s2+s5], $0x80, s3, s5, $0xb8;
	[tilespmem:$0x10200] =	vst v63  }
0x96: {  	_ =	swait.ge [sflag:s6], $0x10000  }
0x97: {  	[sflag:s6] =	ssyncset.done $0x0  }
0x98: {  	s26 =	sadd.s32 s1, s29;
	[sflag:s6] =	ssyncadd.s32 $0xFFFF0000  }
0x99: {  	[hbm4b:s26+s3] =	stream.linear.scatter [tilespmem:s5], [sflag:$0x2], $0x10000, $0x38;
	[tilespmem:$0x10200] =	vst v63  }
0x9a: {  	_ =	swait.ge [sflag:s4], $0x10000  }
0x9b: {  	[sflag:s4] =	ssyncset.done $0x0  }
0x9c: {  	s28 =	sadd.s32 s0, s28;
	[sflag:s4] =	ssyncadd.s32 $0xFFFF0000  }
0x9d: {  	[tilespmem:s3], [sflag:$0x2] =	stream.linear.gather [hbm4b:s28+s3], $0x200, $0x38;
	[tilespmem:$0x10200] =	vst v63  }
0x9e: {  	_ =	swait.ge [sflag:s4], $0x200  }
0x9f: {  	[sflag:s4] =	ssyncset.done $0x0  }
0xa0: {  	[sflag:s4] =	ssyncadd.s32 $0xFFFFFE00  }
0xa1: {  	[tilespmem:s5], [sflag:$0x1] =	stream.indirect.gather [hbm4b:s2+s5], $0x80, s3, s5, $0xb8;
	[tilespmem:$0x10200] =	vst v63  }
0xa2: {  	_ =	swait.ge [sflag:s6], $0x10000  }
0xa3: {  	[sflag:s6] =	ssyncset.done $0x0  }
0xa4: {  	s29 =	sadd.s32 s1, s31;
	[sflag:s6] =	ssyncadd.s32 $0xFFFF0000  }
0xa5: {  	[hbm4b:s29+s3] =	stream.linear.scatter [tilespmem:s5], [sflag:$0x2], $0x10000, $0x38;
	[tilespmem:$0x10200] =	vst v63  }
0xa6: {  	_ =	swait.ge [sflag:s4], $0x10000  }
0xa7: {  	[sflag:s4] =	ssyncset.done $0x0  }
0xa8: {  	s30 =	sadd.s32 s0, s30;
	[sflag:s4] =	ssyncadd.s32 $0xFFFF0000  }
0xa9: {  	[tilespmem:s3], [sflag:$0x2] =	stream.linear.gather [hbm4b:s30+s3], $0x200, $0x38;
	[tilespmem:$0x10200] =	vst v63  }
0xaa: {  	_ =	swait.ge [sflag:s4], $0x200  }
0xab: {  	[sflag:s4] =	ssyncset.done $0x0;
	s0 =	rddreg [dreg:$0x8]  }
0xac: {  	s0 =	ssub.s32 $0x2, s0;
	[sflag:s4] =	ssyncadd.s32 $0xFFFFFE00  }
0xad: {  	[tilespmem:s5], [sflag:$0x1] =	stream.indirect.gather [hbm4b:s2+s5], $0x80, s3, s5, $0xb8;
	[tilespmem:$0x10200] =	vst v63  }
0xae: {  	s31 =	sshrl.u32 s0, $0x1  }
0xaf: {  	s0 =	ssub.s32 s0, s31  }
0xb0: {  	s0 =	smax.u32 s0, $0x1  }
0xb1: {  	p0 =	sne.s32 s0, $0x1  }
.Ltmp0:
0xb2: {  	_ =	swait.ge [sflag:s6], $0x10000;
	(pc) =	sbr.rel @!p0 .LBB2_2-.Ltmp0, $4  }
0xb3: {  	[sflag:s6] =	ssyncset.done $0x0;
	s31 =	rddreg [dreg:$0x9]  }
0xb4: {  	s31 =	sadd.s32 s1, s31;
	[sflag:s6] =	ssyncadd.s32 $0xFFFF0000  }
0xb5: {  	[hbm4b:s31+s3] =	stream.linear.scatter [tilespmem:s5], [sflag:$0x2], $0x10000, $0x38;
	[tilespmem:$0x10200] =	vst v63  }
0xb6: {  	s1 =	sadd.s32 $0xFFFFFFFF, s0;
	_ =	swait.ge [sflag:s4], $0x10000  }
.LBB2_1:
0xb7: {  	[sflag:s4] =	ssyncset.done $0x0  }
0xb8: {  	s0 =	rddreg [dreg:$0x4];
	[sflag:s4] =	ssyncadd.s32 $0xFFFF0000  }
0xb9: {  	[tilespmem:s3], [sflag:$0x2] =	stream.linear.gather [hbm4b:s0+s3], $0x200, $0x38;
	[tilespmem:$0x10200] =	vst v63  }
0xba: {  	_ =	swait.ge [sflag:s4], $0x200  }
0xbb: {  	[sflag:s4] =	ssyncset.done $0x0  }
0xbc: {  	[sflag:s4] =	ssyncadd.s32 $0xFFFFFE00  }
0xbd: {  	[tilespmem:s5], [sflag:$0x1] =	stream.indirect.gather [hbm4b:s2+s5], $0x80, s3, s5, $0xb8;
	[tilespmem:$0x10200] =	vst v63  }
0xbe: {  	_ =	swait.ge [sflag:s6], $0x10000  }
0xbf: {  	[sflag:s6] =	ssyncset.done $0x0  }
0xc0: {  	s0 =	rddreg [dreg:$0x5];
	[sflag:s6] =	ssyncadd.s32 $0xFFFF0000  }
0xc1: {  	[hbm4b:s0+s3] =	stream.linear.scatter [tilespmem:s5], [sflag:$0x2], $0x10000, $0x38;
	[tilespmem:$0x10200] =	vst v63  }
0xc2: {  	_ =	swait.ge [sflag:s4], $0x10000  }
0xc3: {  	[sflag:s4] =	ssyncset.done $0x0  }
0xc4: {  	s0 =	rddreg [dreg:$0x6];
	[sflag:s4] =	ssyncadd.s32 $0xFFFF0000  }
0xc5: {  	[tilespmem:s3], [sflag:$0x2] =	stream.linear.gather [hbm4b:s0+s3], $0x200, $0x38;
	[tilespmem:$0x10200] =	vst v63  }
0xc6: {  	_ =	swait.ge [sflag:s4], $0x200  }
0xc7: {  	[sflag:s4] =	ssyncset.done $0x0  }
0xc8: {  	[sflag:s4] =	ssyncadd.s32 $0xFFFFFE00  }
0xc9: {  	[tilespmem:s5], [sflag:$0x1] =	stream.indirect.gather [hbm4b:s2+s5], $0x80, s3, s5, $0xb8;
	[tilespmem:$0x10200] =	vst v63  }
0xca: {  	_ =	swait.ge [sflag:s6], $0x10000  }
0xcb: {  	[sflag:s6] =	ssyncset.done $0x0  }
0xcc: {  	s0 =	rddreg [dreg:$0x7];
	[sflag:s6] =	ssyncadd.s32 $0xFFFF0000  }
0xcd: {  	[hbm4b:s0+s3] =	stream.linear.scatter [tilespmem:s5], [sflag:$0x2], $0x10000, $0x38;
	[tilespmem:$0x10200] =	vst v63  }
0xce: {  	_ =	swait.ge [sflag:s4], $0x10000  }
0xcf: {  	[sflag:s4] =	ssyncset.done $0x0  }
0xd0: {  	[sflag:s4] =	ssyncadd.s32 $0xFFFF0000  }
0xd1: {  	[tilespmem:s3], [sflag:$0x2] =	stream.linear.gather [hbm4b:s7+s3], $0x200, $0x38;
	[tilespmem:$0x10200] =	vst v63  }
0xd2: {  	_ =	swait.ge [sflag:s4], $0x200  }
0xd3: {  	[sflag:s4] =	ssyncset.done $0x0  }
0xd4: {  	[sflag:s4] =	ssyncadd.s32 $0xFFFFFE00  }
0xd5: {  	[tilespmem:s5], [sflag:$0x1] =	stream.indirect.gather [hbm4b:s2+s5], $0x80, s3, s5, $0xb8;
	[tilespmem:$0x10200] =	vst v63  }
0xd6: {  	_ =	swait.ge [sflag:s6], $0x10000  }
0xd7: {  	[sflag:s6] =	ssyncset.done $0x0  }
0xd8: {  	[sflag:s6] =	ssyncadd.s32 $0xFFFF0000  }
0xd9: {  	[hbm4b:s8+s3] =	stream.linear.scatter [tilespmem:s5], [sflag:$0x2], $0x10000, $0x38;
	[tilespmem:$0x10200] =	vst v63  }
0xda: {  	_ =	swait.ge [sflag:s4], $0x10000  }
0xdb: {  	[sflag:s4] =	ssyncset.done $0x0  }
0xdc: {  	[sflag:s4] =	ssyncadd.s32 $0xFFFF0000  }
0xdd: {  	[tilespmem:s3], [sflag:$0x2] =	stream.linear.gather [hbm4b:s9+s3], $0x200, $0x38;
	[tilespmem:$0x10200] =	vst v63  }
0xde: {  	_ =	swait.ge [sflag:s4], $0x200  }
0xdf: {  	[sflag:s4] =	ssyncset.done $0x0  }
0xe0: {  	[sflag:s4] =	ssyncadd.s32 $0xFFFFFE00  }
0xe1: {  	[tilespmem:s5], [sflag:$0x1] =	stream.indirect.gather [hbm4b:s2+s5], $0x80, s3, s5, $0xb8;
	[tilespmem:$0x10200] =	vst v63  }
0xe2: {  	_ =	swait.ge [sflag:s6], $0x10000  }
0xe3: {  	[sflag:s6] =	ssyncset.done $0x0  }
0xe4: {  	[sflag:s6] =	ssyncadd.s32 $0xFFFF0000  }
0xe5: {  	[hbm4b:s10+s3] =	stream.linear.scatter [tilespmem:s5], [sflag:$0x2], $0x10000, $0x38;
	[tilespmem:$0x10200] =	vst v63  }
0xe6: {  	_ =	swait.ge [sflag:s4], $0x10000  }
0xe7: {  	[sflag:s4] =	ssyncset.done $0x0  }
0xe8: {  	[sflag:s4] =	ssyncadd.s32 $0xFFFF0000  }
0xe9: {  	[tilespmem:s3], [sflag:$0x2] =	stream.linear.gather [hbm4b:s11+s3], $0x200, $0x38;
	[tilespmem:$0x10200] =	vst v63  }
0xea: {  	_ =	swait.ge [sflag:s4], $0x200  }
0xeb: {  	[sflag:s4] =	ssyncset.done $0x0  }
0xec: {  	[sflag:s4] =	ssyncadd.s32 $0xFFFFFE00  }
0xed: {  	[tilespmem:s5], [sflag:$0x1] =	stream.indirect.gather [hbm4b:s2+s5], $0x80, s3, s5, $0xb8;
	[tilespmem:$0x10200] =	vst v63  }
0xee: {  	_ =	swait.ge [sflag:s6], $0x10000  }
0xef: {  	[sflag:s6] =	ssyncset.done $0x0  }
0xf0: {  	[sflag:s6] =	ssyncadd.s32 $0xFFFF0000  }
0xf1: {  	[hbm4b:s12+s3] =	stream.linear.scatter [tilespmem:s5], [sflag:$0x2], $0x10000, $0x38;
	[tilespmem:$0x10200] =	vst v63  }
0xf2: {  	_ =	swait.ge [sflag:s4], $0x10000  }
0xf3: {  	[sflag:s4] =	ssyncset.done $0x0  }
0xf4: {  	[sflag:s4] =	ssyncadd.s32 $0xFFFF0000  }
0xf5: {  	[tilespmem:s3], [sflag:$0x2] =	stream.linear.gather [hbm4b:s13+s3], $0x200, $0x38;
	[tilespmem:$0x10200] =	vst v63  }
0xf6: {  	_ =	swait.ge [sflag:s4], $0x200  }
0xf7: {  	[sflag:s4] =	ssyncset.done $0x0  }
0xf8: {  	[sflag:s4] =	ssyncadd.s32 $0xFFFFFE00  }
0xf9: {  	[tilespmem:s5], [sflag:$0x1] =	stream.indirect.gather [hbm4b:s2+s5], $0x80, s3, s5, $0xb8;
	[tilespmem:$0x10200] =	vst v63  }
0xfa: {  	_ =	swait.ge [sflag:s6], $0x10000  }
0xfb: {  	[sflag:s6] =	ssyncset.done $0x0  }
0xfc: {  	[sflag:s6] =	ssyncadd.s32 $0xFFFF0000  }
0xfd: {  	[hbm4b:s14+s3] =	stream.linear.scatter [tilespmem:s5], [sflag:$0x2], $0x10000, $0x38;
	[tilespmem:$0x10200] =	vst v63  }
0xfe: {  	_ =	swait.ge [sflag:s4], $0x10000  }
0xff: {  	[sflag:s4] =	ssyncset.done $0x0  }
0x100: {  	[sflag:s4] =	ssyncadd.s32 $0xFFFF0000  }
0x101: {  	[tilespmem:s3], [sflag:$0x2] =	stream.linear.gather [hbm4b:s15+s3], $0x200, $0x38;
	[tilespmem:$0x10200] =	vst v63  }
0x102: {  	_ =	swait.ge [sflag:s4], $0x200  }
0x103: {  	[sflag:s4] =	ssyncset.done $0x0  }
0x104: {  	[sflag:s4] =	ssyncadd.s32 $0xFFFFFE00  }
0x105: {  	[tilespmem:s5], [sflag:$0x1] =	stream.indirect.gather [hbm4b:s2+s5], $0x80, s3, s5, $0xb8;
	[tilespmem:$0x10200] =	vst v63  }
0x106: {  	_ =	swait.ge [sflag:s6], $0x10000  }
0x107: {  	[sflag:s6] =	ssyncset.done $0x0  }
0x108: {  	[sflag:s6] =	ssyncadd.s32 $0xFFFF0000  }
0x109: {  	[hbm4b:s16+s3] =	stream.linear.scatter [tilespmem:s5], [sflag:$0x2], $0x10000, $0x38;
	[tilespmem:$0x10200] =	vst v63  }
0x10a: {  	_ =	swait.ge [sflag:s4], $0x10000  }
0x10b: {  	[sflag:s4] =	ssyncset.done $0x0  }
0x10c: {  	[sflag:s4] =	ssyncadd.s32 $0xFFFF0000  }
0x10d: {  	[tilespmem:s3], [sflag:$0x2] =	stream.linear.gather [hbm4b:s17+s3], $0x200, $0x38;
	[tilespmem:$0x10200] =	vst v63  }
0x10e: {  	_ =	swait.ge [sflag:s4], $0x200  }
0x10f: {  	[sflag:s4] =	ssyncset.done $0x0  }
0x110: {  	[sflag:s4] =	ssyncadd.s32 $0xFFFFFE00  }
0x111: {  	[tilespmem:s5], [sflag:$0x1] =	stream.indirect.gather [hbm4b:s2+s5], $0x80, s3, s5, $0xb8;
	[tilespmem:$0x10200] =	vst v63  }
0x112: {  	_ =	swait.ge [sflag:s6], $0x10000  }
0x113: {  	[sflag:s6] =	ssyncset.done $0x0  }
0x114: {  	[sflag:s6] =	ssyncadd.s32 $0xFFFF0000  }
0x115: {  	[hbm4b:s18+s3] =	stream.linear.scatter [tilespmem:s5], [sflag:$0x2], $0x10000, $0x38;
	[tilespmem:$0x10200] =	vst v63  }
0x116: {  	_ =	swait.ge [sflag:s4], $0x10000  }
0x117: {  	[sflag:s4] =	ssyncset.done $0x0  }
0x118: {  	[sflag:s4] =	ssyncadd.s32 $0xFFFF0000  }
0x119: {  	[tilespmem:s3], [sflag:$0x2] =	stream.linear.gather [hbm4b:s19+s3], $0x200, $0x38;
	[tilespmem:$0x10200] =	vst v63  }
0x11a: {  	_ =	swait.ge [sflag:s4], $0x200  }
0x11b: {  	[sflag:s4] =	ssyncset.done $0x0  }
0x11c: {  	[sflag:s4] =	ssyncadd.s32 $0xFFFFFE00  }
0x11d: {  	[tilespmem:s5], [sflag:$0x1] =	stream.indirect.gather [hbm4b:s2+s5], $0x80, s3, s5, $0xb8;
	[tilespmem:$0x10200] =	vst v63  }
0x11e: {  	_ =	swait.ge [sflag:s6], $0x10000  }
0x11f: {  	[sflag:s6] =	ssyncset.done $0x0  }
0x120: {  	[sflag:s6] =	ssyncadd.s32 $0xFFFF0000  }
0x121: {  	[hbm4b:s20+s3] =	stream.linear.scatter [tilespmem:s5], [sflag:$0x2], $0x10000, $0x38;
	[tilespmem:$0x10200] =	vst v63  }
0x122: {  	_ =	swait.ge [sflag:s4], $0x10000  }
0x123: {  	[sflag:s4] =	ssyncset.done $0x0  }
0x124: {  	[sflag:s4] =	ssyncadd.s32 $0xFFFF0000  }
0x125: {  	[tilespmem:s3], [sflag:$0x2] =	stream.linear.gather [hbm4b:s21+s3], $0x200, $0x38;
	[tilespmem:$0x10200] =	vst v63  }
0x126: {  	_ =	swait.ge [sflag:s4], $0x200  }
0x127: {  	[sflag:s4] =	ssyncset.done $0x0  }
0x128: {  	[sflag:s4] =	ssyncadd.s32 $0xFFFFFE00  }
0x129: {  	[tilespmem:s5], [sflag:$0x1] =	stream.indirect.gather [hbm4b:s2+s5], $0x80, s3, s5, $0xb8;
	[tilespmem:$0x10200] =	vst v63  }
0x12a: {  	_ =	swait.ge [sflag:s6], $0x10000  }
0x12b: {  	[sflag:s6] =	ssyncset.done $0x0  }
0x12c: {  	[sflag:s6] =	ssyncadd.s32 $0xFFFF0000  }
0x12d: {  	[hbm4b:s22+s3] =	stream.linear.scatter [tilespmem:s5], [sflag:$0x2], $0x10000, $0x38;
	[tilespmem:$0x10200] =	vst v63  }
0x12e: {  	_ =	swait.ge [sflag:s4], $0x10000  }
0x12f: {  	[sflag:s4] =	ssyncset.done $0x0  }
0x130: {  	[sflag:s4] =	ssyncadd.s32 $0xFFFF0000  }
0x131: {  	[tilespmem:s3], [sflag:$0x2] =	stream.linear.gather [hbm4b:s23+s3], $0x200, $0x38;
	[tilespmem:$0x10200] =	vst v63  }
0x132: {  	_ =	swait.ge [sflag:s4], $0x200  }
0x133: {  	[sflag:s4] =	ssyncset.done $0x0  }
0x134: {  	[sflag:s4] =	ssyncadd.s32 $0xFFFFFE00  }
0x135: {  	[tilespmem:s5], [sflag:$0x1] =	stream.indirect.gather [hbm4b:s2+s5], $0x80, s3, s5, $0xb8;
	[tilespmem:$0x10200] =	vst v63  }
0x136: {  	_ =	swait.ge [sflag:s6], $0x10000  }
0x137: {  	[sflag:s6] =	ssyncset.done $0x0  }
0x138: {  	[sflag:s6] =	ssyncadd.s32 $0xFFFF0000  }
0x139: {  	[hbm4b:s24+s3] =	stream.linear.scatter [tilespmem:s5], [sflag:$0x2], $0x10000, $0x38;
	[tilespmem:$0x10200] =	vst v63  }
0x13a: {  	_ =	swait.ge [sflag:s4], $0x10000  }
0x13b: {  	[sflag:s4] =	ssyncset.done $0x0  }
0x13c: {  	[sflag:s4] =	ssyncadd.s32 $0xFFFF0000  }
0x13d: {  	[tilespmem:s3], [sflag:$0x2] =	stream.linear.gather [hbm4b:s25+s3], $0x200, $0x38;
	[tilespmem:$0x10200] =	vst v63  }
0x13e: {  	_ =	swait.ge [sflag:s4], $0x200  }
0x13f: {  	[sflag:s4] =	ssyncset.done $0x0  }
0x140: {  	[sflag:s4] =	ssyncadd.s32 $0xFFFFFE00  }
0x141: {  	[tilespmem:s5], [sflag:$0x1] =	stream.indirect.gather [hbm4b:s2+s5], $0x80, s3, s5, $0xb8;
	[tilespmem:$0x10200] =	vst v63  }
0x142: {  	_ =	swait.ge [sflag:s6], $0x10000  }
0x143: {  	[sflag:s6] =	ssyncset.done $0x0  }
0x144: {  	[sflag:s6] =	ssyncadd.s32 $0xFFFF0000  }
0x145: {  	[hbm4b:s26+s3] =	stream.linear.scatter [tilespmem:s5], [sflag:$0x2], $0x10000, $0x38;
	[tilespmem:$0x10200] =	vst v63  }
0x146: {  	_ =	swait.ge [sflag:s4], $0x10000  }
0x147: {  	[sflag:s4] =	ssyncset.done $0x0  }
0x148: {  	[sflag:s4] =	ssyncadd.s32 $0xFFFF0000  }
0x149: {  	[tilespmem:s3], [sflag:$0x2] =	stream.linear.gather [hbm4b:s28+s3], $0x200, $0x38;
	[tilespmem:$0x10200] =	vst v63  }
0x14a: {  	_ =	swait.ge [sflag:s4], $0x200  }
0x14b: {  	[sflag:s4] =	ssyncset.done $0x0  }
0x14c: {  	[sflag:s4] =	ssyncadd.s32 $0xFFFFFE00  }
0x14d: {  	[tilespmem:s5], [sflag:$0x1] =	stream.indirect.gather [hbm4b:s2+s5], $0x80, s3, s5, $0xb8;
	[tilespmem:$0x10200] =	vst v63  }
0x14e: {  	_ =	swait.ge [sflag:s6], $0x10000  }
0x14f: {  	[sflag:s6] =	ssyncset.done $0x0  }
0x150: {  	[sflag:s6] =	ssyncadd.s32 $0xFFFF0000  }
0x151: {  	[hbm4b:s29+s3] =	stream.linear.scatter [tilespmem:s5], [sflag:$0x2], $0x10000, $0x38;
	[tilespmem:$0x10200] =	vst v63  }
0x152: {  	_ =	swait.ge [sflag:s4], $0x10000  }
0x153: {  	[sflag:s4] =	ssyncset.done $0x0  }
0x154: {  	[sflag:s4] =	ssyncadd.s32 $0xFFFF0000  }
0x155: {  	[tilespmem:s3], [sflag:$0x2] =	stream.linear.gather [hbm4b:s30+s3], $0x200, $0x38;
	[tilespmem:$0x10200] =	vst v63  }
0x156: {  	_ =	swait.ge [sflag:s4], $0x200  }
0x157: {  	[sflag:s4] =	ssyncset.done $0x0  }
0x158: {  	p0 =	sne.s32 s1, $0x1;
	[sflag:s4] =	ssyncadd.s32 $0xFFFFFE00  }
0x159: {  	[tilespmem:s5], [sflag:$0x1] =	stream.indirect.gather [hbm4b:s2+s5], $0x80, s3, s5, $0xb8;
	[tilespmem:$0x10200] =	vst v63  }
.Ltmp1:
0x15a: {  	_ =	swait.ge [sflag:s6], $0x10000;
	(pc) =	sbr.rel @p0 .LBB2_1-.Ltmp1, $4  }
0x15b: {  	[sflag:s6] =	ssyncset.done $0x0  }
0x15c: {  	[sflag:s6] =	ssyncadd.s32 $0xFFFF0000  }
0x15d: {  	[hbm4b:s31+s3] =	stream.linear.scatter [tilespmem:s5], [sflag:$0x2], $0x10000, $0x38;
	[tilespmem:$0x10200] =	vst v63  }
0x15e: {  	s1 =	sadd.s32 $0xFFFFFFFF, s1;
	_ =	swait.ge [sflag:s4], $0x10000  }
.LBB2_2:
0x15f: {  	[sflag:s4] =	ssyncset.done $0x0  }
0x160: {  	[sflag:s4] =	ssyncadd.s32 $0xFFFF0000  }
0x161: {  	_ =	sfence.sel $0x180000  }
0x162: {  	[bflag:$0x0] =	sbarrier.arrive $0xFFFF  }
0x163: {  	_ =	strace $0x9000004A  }
0x164: {  	s0 =	stileid.u32;
	[bflag:$0x2] =	sbarrier.arrive $0xFFFF  }
0x165: {  	p0 =	sne.s32 s0, $0x0;
	s0 =	rddreg [dreg:$0x3]  }
0x166: {  	s0 =	sadd.s32 @!p0 $0x100000, s0  }
0x167: {  	[sflag:s0] =	ssyncadd.tile.s32 @!p0 $0x1;
	_ =	shalt  }
.Lfunc_end2:
_tile_overlayer_lowered:
.L_overlay_start_2:
0x168: {  	(tag) =	ssettag $0x2  }
0x169: {  	s0 =	rddreg [dreg:$0x0];
	s2 =	stileid.u32  }
0x16a: {  	s1 =	rddreg [dreg:$0x1];
	p0 =	sne.s32 s2, $0x0  }
0x16b: {  	s3 =	rddreg [dreg:$0x2];
	[bflag:$0x3] =	sbarrier.arrive $0xFFFF;
	s2 =	simm.s32 @!p0 $0x1C02  }
0x16c: {  	[timem:s3], [sflag:s2] =	dma.local @!p0 [hbm:s0], s1  }
0x16d: {  	s0 =	simm.s32 @!p0 $0x2  }
0x16e: {  	_ =	swait.ge @!p0 [sflag:s0], s1  }
0x16f: {  	s1 =	ssub.s32 @!p0 $0x0, s1;
	[sflag:s0] =	ssyncset.done @!p0 $0x0  }
0x170: {  	[sflag:s0] =	ssyncadd.s32 @!p0 s1  }
0x171: {  	[bflag:$0x3] =	sbarrier.arrive $0xFFFF  }
0x172: {  	_ =	shalt  }

</sc_bundles>
